<compile_context>
chip_gen: v7x
topology: tpu7x:2x2x1
jax: 0.10.2.dev20260603
libtpu: 0.0.44.dev20260713+nightly
codegen_flags: <defaults>
</compile_context>

<pallas_src>
import functools

import jax
import jax.numpy as jnp
from jax import lax
from jax.experimental import pallas as pl
from jax.experimental.pallas import tpu as pltpu
from jax.experimental.pallas import tpu_sc as plsc

_EPS = 1e-5
_NC, _NS = 2, 16
_NW = _NC * _NS
_CW = 128


def _sc_mesh():
    return plsc.VectorSubcoreMesh(core_axis_name="c", subcore_axis_name="s")


def _row_split(N):
    rows_a = (N // _NS) & ~7
    tail = N - _NS * rows_a
    return rows_a, tail


def _make_deg1_kernel(N, n_pw):
    rows_a, tail = _row_split(N)
    Np = N + 8
    n_half = n_pw // 2

    @functools.partial(
        pl.kernel,
        out_type=jax.ShapeDtypeStruct((_NC * N,), jnp.float32),
        mesh=_sc_mesh(),
        scratch_types=[
            pltpu.VMEM((n_half, _CW), jnp.int32),
            pltpu.VMEM((_CW,), jnp.float32),
            pltpu.VMEM((rows_a + tail + 8,), jnp.float32),
            pltpu.VMEM_SHARED((Np,), jnp.float32),
            pltpu.SemaphoreType.DMA,
            pltpu.SemaphoreType.DMA,
        ],
    )
    def deg_kernel(ones_hbm, dst_hbm, zeros_hbm, out_hbm,
                   dst_v, ones_v, stage_v, acc_sh, ss0, ss1):
        c = lax.axis_index("c")
        s = lax.axis_index("s")
        w = s * _NC + c
        t0 = s * rows_a
        pltpu.sync_copy(zeros_hbm.at[pl.ds(0, rows_a + tail + 8)], stage_v)
        pltpu.sync_copy(stage_v.at[pl.ds(0, rows_a)],
                        acc_sh.at[pl.ds(t0, rows_a)])

        @pl.when(s == _NS - 1)
        def _():
            pltpu.sync_copy(stage_v.at[pl.ds(rows_a, tail + 8)],
                            acc_sh.at[pl.ds(_NS * rows_a, tail + 8)])

        pltpu.sync_copy(ones_hbm, ones_v)
        plsc.subcore_barrier()
        sems = (ss0, ss1)

        def issue(i, b):
            pltpu.async_copy(ones_v, acc_sh.at[dst_v.at[i]], sems[b], add=True)

        def wait(i, b):
            pltpu.make_async_copy(ones_v, acc_sh.at[dst_v.at[i]],
                                  sems[b]).wait()

        def run_half(half):
            row_base = w * n_pw + half * n_half
            pltpu.sync_copy(dst_hbm.at[pl.ds(row_base, n_half)], dst_v)
            issue(0, 0)
            issue(1, 1)

            def body(p, carry):
                for q in range(2):
                    i = 2 * p + q + 2
                    wait(i - 2, q)
                    issue(i, q)
                return carry

            lax.fori_loop(0, (n_half - 2) // 2, body, 0)
            for i in range(2 + 2 * ((n_half - 2) // 2), n_half):
                wait(i - 2, i % 2)
                issue(i, i % 2)
            for i in range(n_half - 2, n_half):
                wait(i, i % 2)

        run_half(0)
        run_half(1)
        plsc.subcore_barrier()
        pltpu.sync_copy(acc_sh.at[pl.ds(t0, rows_a)],
                        stage_v.at[pl.ds(0, rows_a)])
        pltpu.sync_copy(stage_v.at[pl.ds(0, rows_a)],
                        out_hbm.at[pl.ds(c * N + t0, rows_a)])

        @pl.when(s == _NS - 1)
        def _():
            pltpu.sync_copy(acc_sh.at[pl.ds(_NS * rows_a, tail)],
                            stage_v.at[pl.ds(0, tail)])
            pltpu.sync_copy(stage_v.at[pl.ds(0, tail)],
                            out_hbm.at[pl.ds(c * N + _NS * rows_a, tail)])

    return deg_kernel


def _split_pass(n):
    p0 = ((n // 2) + 7) & ~7
    return p0, n - p0


def _make_scatter_kernel(N, n_pw, H, n_c0=None):
    rows_a, tail = _row_split(N)
    Np = N + 8
    if n_c0 is None:
        n_c0 = n_pw
    n_c1 = 2 * n_pw - n_c0
    passes0 = _split_pass(n_c0)
    passes1 = _split_pass(n_c1)
    max_pass = max(passes0 + passes1)

    scratch = [
        pltpu.VMEM((max_pass, _CW), jnp.int32),
        pltpu.VMEM((max_pass, _CW), jnp.int32),
        pltpu.VMEM((_CW, H), jnp.float32),
        pltpu.VMEM((_CW, H), jnp.float32),
        pltpu.VMEM_SHARED((Np, H), jnp.float32),
        pltpu.SemaphoreType.DMA,
        pltpu.SemaphoreType.DMA,
        pltpu.SemaphoreType.DMA,
        pltpu.SemaphoreType.DMA,
    ]

    @functools.partial(
        pl.kernel,
        out_type=jax.ShapeDtypeStruct((_NC, N, H), jnp.float32),
        mesh=_sc_mesh(),
        scratch_types=scratch,
    )
    def scatter_kernel(hp_hbm, src_hbm, dst_hbm, zeros_hbm, out_hbm,
                       src_v, dst_v, r0b, r1b, acc_sh, sg0, sg1, ss0, ss1):
        c = lax.axis_index("c")
        s = lax.axis_index("s")
        t0 = s * rows_a
        pltpu.sync_copy(zeros_hbm.at[pl.ds(t0, rows_a)],
                        acc_sh.at[pl.ds(t0, rows_a)])

        @pl.when(s == _NS - 1)
        def _():
            pltpu.sync_copy(zeros_hbm.at[pl.ds(_NS * rows_a, tail)],
                            acc_sh.at[pl.ds(_NS * rows_a, tail)])

        plsc.subcore_barrier()

        gbufs = ((r0b, sg0, ss0), (r1b, sg1, ss1))

        def start_gather(i, b):
            rows_v, sg, _ = gbufs[b]
            pltpu.async_copy(hp_hbm.at[src_v.at[i]], rows_v, sg)

        def wait_gather(i, b):
            rows_v, sg, _ = gbufs[b]
            pltpu.make_async_copy(hp_hbm.at[src_v.at[i]], rows_v, sg).wait()

        def issue_scatter(i, b):
            rows_v, _, ss = gbufs[b]
            pltpu.async_copy(rows_v, acc_sh.at[dst_v.at[i]], ss, add=True)

        def wait_scatter(i, b):
            rows_v, _, ss = gbufs[b]
            pltpu.make_async_copy(rows_v, acc_sh.at[dst_v.at[i]], ss).wait()

        def run_pass(row_base, n_pass):
            if n_pass == 0:
                return
            pltpu.sync_copy(dst_hbm.at[pl.ds(row_base, n_pass)],
                            dst_v.at[pl.ds(0, n_pass)])
            pltpu.sync_copy(src_hbm.at[pl.ds(row_base, n_pass)],
                            src_v.at[pl.ds(0, n_pass)])

            start_gather(0, 0)
            wait_gather(0, 0)
            issue_scatter(0, 0)
            if n_pass == 1:
                wait_scatter(0, 0)
                return
            start_gather(1, 1)

            def mid(i, b):
                bp = b ^ 1
                wait_gather(i, b)
                issue_scatter(i, b)
                wait_scatter(i - 1, bp)

                @pl.when(i + 1 < n_pass)
                def _():
                    start_gather(i + 1, bp)

            def body(p, carry):
                mid(2 * p + 1, 1)
                mid(2 * p + 2, 0)
                return carry

            lax.fori_loop(0, (n_pass - 1) // 2, body, 0)
            for i in range(1 + 2 * ((n_pass - 1) // 2), n_pass):
                mid(i, i % 2)
            wait_scatter(n_pass - 1, (n_pass - 1) % 2)

        def run_core(n_core, passes):
            base = s * (n_c0 + n_c1) + jnp.where(c == 0, 0, n_c0)
            run_pass(base, passes[0])
            run_pass(base + passes[0], passes[1])

        if passes0 == passes1:
            run_core(n_c0, passes0)
        else:
            @pl.when(c == 0)
            def _():
                run_core(n_c0, passes0)

            @pl.when(c == 1)
            def _():
                run_core(n_c1, passes1)

        plsc.subcore_barrier()
        pltpu.sync_copy(acc_sh.at[pl.ds(t0, rows_a)],
                        out_hbm.at[c, pl.ds(t0, rows_a)])

        @pl.when(s == _NS - 1)
        def _():
            pltpu.sync_copy(acc_sh.at[pl.ds(_NS * rows_a, tail)],
                            out_hbm.at[c, pl.ds(_NS * rows_a, tail)])

    return scatter_kernel



def _tc0_body(x_ref, w_ref, d0_ref, d1_ref, hp_ref, dinv_ref):
    N = x_ref.shape[0]
    deg = d0_ref[:, 0:1] + d1_ref[:, 0:1] + 1.0
    dinv = lax.rsqrt(deg)
    dinv_ref[...] = dinv
    pre = jnp.dot(x_ref[...], w_ref[...], preferred_element_type=jnp.float32)
    hp_ref[pl.ds(0, N), :] = pre * dinv
    hp_ref[pl.ds(N, 8), :] = jnp.zeros((8, hp_ref.shape[1]), jnp.float32)


def _tc_mid_body(s0_ref, s1_ref, hp_ref, dinv_ref, b_ref, g_ref, be_ref,
                 w_ref, hn_ref, hnp_ref):
    N = s0_ref.shape[0]
    dinv = dinv_ref[...]
    z = dinv * (s0_ref[...] + s1_ref[...] + hp_ref[pl.ds(0, N), :]) + b_ref[...]
    mu = jnp.mean(z, axis=0, keepdims=True)
    var = jnp.mean((z - mu) ** 2, axis=0, keepdims=True)
    hn = jnp.maximum((z - mu) * lax.rsqrt(var + _EPS) * g_ref[...] + be_ref[...],
                     0.0)
    hn_ref[...] = hn
    hnp_ref[pl.ds(0, N), :] = jnp.dot(hn, w_ref[...],
                                      preferred_element_type=jnp.float32) * dinv
    hnp_ref[pl.ds(N, 8), :] = jnp.zeros((8, hnp_ref.shape[1]), jnp.float32)


def _tc_final_body(s0_ref, s1_ref, hp_ref, dinv_ref, b_ref, g_ref, be_ref,
                   res_ref, wfc_ref, bfc_ref, out_ref):
    N = s0_ref.shape[0]
    dinv = dinv_ref[...]
    z = dinv * (s0_ref[...] + s1_ref[...] + hp_ref[pl.ds(0, N), :]) + b_ref[...]
    mu = jnp.mean(z, axis=0, keepdims=True)
    var = jnp.mean((z - mu) ** 2, axis=0, keepdims=True)
    h = jnp.maximum((z - mu) * lax.rsqrt(var + _EPS) * g_ref[...] + be_ref[...],
                    0.0)
    h = h + res_ref[...]
    logits = jnp.dot(h, wfc_ref[...], preferred_element_type=jnp.float32)
    out_ref[...] = jax.nn.sigmoid(logits + bfc_ref[...]) * 10.0


def _tc_call(body, out_shapes, *args):
    return pl.pallas_call(body, out_shape=out_shapes)(*args)



def kernel(x, edge_index, W1, b1, g1, be1, W2, b2, g2, be2, W3, b3, g3, be3,
           Wfc, bfc):
    N, D = x.shape
    H = W1.shape[1]
    E = edge_index.shape[1]

    grain = _NW * _CW * 8
    E_pad = -(-E // grain) * grain
    pad = E_pad - E
    pad_src = N + (jnp.arange(pad, dtype=jnp.int32) % 8)
    pad_dst = (jnp.arange(pad, dtype=jnp.int32) * 997) % N
    src_m = jnp.concatenate([edge_index[0], pad_src]).reshape(E_pad // _CW, _CW)
    dst_m = jnp.concatenate([edge_index[1], pad_dst]).reshape(E_pad // _CW, _CW)
    dst_deg = jnp.concatenate(
        [edge_index[1], pad_src]).reshape(E_pad // _CW, _CW)
    n_pw = E_pad // _CW // _NW

    zerosNH = jnp.zeros((N, H), jnp.float32)
    zeros1 = jnp.zeros((N + 8,), jnp.float32)
    ones1 = jnp.ones((_CW,), jnp.float32)

    b1r, g1r, be1r = b1.reshape(1, H), g1.reshape(1, H), be1.reshape(1, H)
    b2r, g2r, be2r = b2.reshape(1, H), g2.reshape(1, H), be2.reshape(1, H)
    b3r, g3r, be3r = b3.reshape(1, H), g3.reshape(1, H), be3.reshape(1, H)
    bfcr = bfc.reshape(1, 1)

    deg_k = _make_deg1_kernel(N, n_pw)
    scat_k = _make_scatter_kernel(N, n_pw, H, n_c0=88)

    degp = deg_k(ones1, dst_deg, zeros1).reshape(_NC, N, 1)

    h1p, dinv = _tc_call(
        _tc0_body,
        (jax.ShapeDtypeStruct((N + 8, H), jnp.float32),
         jax.ShapeDtypeStruct((N, 1), jnp.float32)),
        x, W1, degp[0], degp[1])

    S1 = scat_k(h1p, src_m, dst_m, zerosNH)
    h1, h2p = _tc_call(
        _tc_mid_body,
        (jax.ShapeDtypeStruct((N, H), jnp.float32),
         jax.ShapeDtypeStruct((N + 8, H), jnp.float32)),
        S1[0], S1[1], h1p, dinv, b1r, g1r, be1r, W2)

    S2 = scat_k(h2p, src_m, dst_m, zerosNH)
    _, h3p = _tc_call(
        _tc_mid_body,
        (jax.ShapeDtypeStruct((N, H), jnp.float32),
         jax.ShapeDtypeStruct((N + 8, H), jnp.float32)),
        S2[0], S2[1], h2p, dinv, b2r, g2r, be2r, W3)

    S3 = scat_k(h3p, src_m, dst_m, zerosNH)
    out = _tc_call(
        _tc_final_body,
        jax.ShapeDtypeStruct((N, 1), jnp.float32),
        S3[0], S3[1], h3p, dinv, b3r, g3r, be3r, h1, Wfc, bfcr)

    return out

# --- scband reference (transcript-rebuilt; emitter-appended) ---
"""Pipeline reference for scband-timing-gnn-50757923504323 (READ-ONLY COPY).

The authoritative reference and input builder live on the scoring server;
editing this copy changes nothing except your own understanding.
"""

import jax, jax.numpy as jnp
import numpy as np

N = 10000
E = 320000
D = 128
H = 128
O = 1


def setup_inputs(seed: int = 0) -> dict:
    key = jax.random.key(seed)
    ks = jax.random.split(key, 12)
    x = jax.random.normal(ks[0], (N, D), dtype=jnp.float32)
    edge_index = jax.random.randint(ks[1], (2, E), 0, N, dtype=jnp.int32)
    s = 1.0 / np.sqrt(D)
    sh = 1.0 / np.sqrt(H)
    W1 = jax.random.normal(ks[2], (D, H), dtype=jnp.float32) * s
    b1 = jnp.zeros((H,), dtype=jnp.float32)
    g1 = jnp.ones((H,), dtype=jnp.float32)
    be1 = jnp.zeros((H,), dtype=jnp.float32)
    W2 = jax.random.normal(ks[3], (H, H), dtype=jnp.float32) * sh
    b2 = jnp.zeros((H,), dtype=jnp.float32)
    g2 = jnp.ones((H,), dtype=jnp.float32)
    be2 = jnp.zeros((H,), dtype=jnp.float32)
    W3 = jax.random.normal(ks[4], (H, H), dtype=jnp.float32) * sh
    b3 = jnp.zeros((H,), dtype=jnp.float32)
    g3 = jnp.ones((H,), dtype=jnp.float32)
    be3 = jnp.zeros((H,), dtype=jnp.float32)
    Wfc = jax.random.normal(ks[5], (H, O), dtype=jnp.float32) * sh
    bfc = jnp.zeros((O,), dtype=jnp.float32)
    return {"x": x, "edge_index": edge_index, "W1": W1, "b1": b1, "g1": g1, "be1": be1,
            "W2": W2, "b2": b2, "g2": g2, "be2": be2, "W3": W3, "b3": b3, "g3": g3, "be3": be3,
            "Wfc": Wfc, "bfc": bfc}


def _gcn_conv(x, edge_index, W, b):
    # GCNConv: add self-loops, symmetric normalization, linear transform, scatter-add aggregate
    loop = jnp.arange(N, dtype=edge_index.dtype)
    src = jnp.concatenate([edge_index[0], loop])
    dst = jnp.concatenate([edge_index[1], loop])
    deg = jnp.zeros((N,), dtype=jnp.float32).at[dst].add(1.0)
    dinv = jnp.where(deg > 0, jax.lax.rsqrt(jnp.maximum(deg, 1.0)), 0.0)
    norm = dinv[src] * dinv[dst]
    h = x @ W
    msg = h[src] * norm[:, None]
    agg = jnp.zeros((N, W.shape[1]), dtype=jnp.float32).at[dst].add(msg)
    return agg + b


def _batch_norm(x, gamma, beta, eps=1e-5):
    mu = jnp.mean(x, axis=0)
    var = jnp.mean((x - mu) ** 2, axis=0)
    return (x - mu) * jax.lax.rsqrt(var + eps) * gamma + beta


def reference(x, edge_index, W1, b1, g1, be1, W2, b2, g2, be2, W3, b3, g3, be3, Wfc, bfc):
    # dropout is identity in eval-style reference
    h = _gcn_conv(x, edge_index, W1, b1)
    h = jax.nn.relu(_batch_norm(h, g1, be1))
    residual = h
    h = _gcn_conv(h, edge_index, W2, b2)
    h = jax.nn.relu(_batch_norm(h, g2, be2))
    h = _gcn_conv(h, edge_index, W3, b3)
    h = jax.nn.relu(_batch_norm(h, g3, be3))
    h = h + residual
    out = jax.nn.sigmoid(h @ Wfc + bfc) * 10.0
    return out

if __name__ == "__main__":
    import jax
    _d = setup_inputs()
    print(jax.jit(kernel)(*tuple(_d.values())))

</pallas_src>

<mosaic_0001>
#map = affine_map<(d0, d1) -> (0)>
#map1 = affine_map<(d0, d1) -> (0, 0)>
module attributes {stable_mosaic.version = 14 : i64} {
  func.func @deg_kernel(%arg0: i32, %arg1: i32, %arg2: memref<128xf32, #tpu.memory_space<hbm>>, %arg3: memref<2560x128xi32, #tpu.memory_space<hbm>>, %arg4: memref<10008xf32, #tpu.memory_space<hbm>>, %arg5: memref<20000xf32, #tpu.memory_space<hbm>>, %arg6: memref<40x128xi32, #tpu.memory_space<vmem>>, %arg7: memref<128xf32, #tpu.memory_space<vmem>>, %arg8: memref<648xf32, #tpu.memory_space<vmem>>, %arg9: memref<10008xf32, #tpu.memory_space<vmem_shared>>, %arg10: memref<!tpu.dma_semaphore, #tpu.memory_space<semaphore_mem>>, %arg11: memref<!tpu.dma_semaphore, #tpu.memory_space<semaphore_mem>>) attributes {dimension_semantics = [#tpu.dimension_semantics<core_parallel>, #tpu.dimension_semantics<subcore_parallel>], iteration_bounds = array<i64: 2, 16>, scalar_prefetch = 0 : i64, scratch_operands = 6 : i64, tpu.core_type = #tpu.core_type<sc_vector_subcore>, window_params = [{transform_indices = #map}, {transform_indices = #map1}, {transform_indices = #map}, {transform_indices = #map}]} {
    %mul3A = arith.constant 2 : i32
    %mul3A_0 = arith.muli %arg1, %mul3A : i32
    %add3A = arith.addi %mul3A_0, %arg0 : i32
    %mul3A_1 = arith.constant 624 : i32
    %mul3A_2 = arith.muli %arg1, %mul3A_1 : i32
    "tpu.region"() ({
      %run_scoped3A = tpu.sem_alloc : memref<!tpu.dma_semaphore, #tpu.memory_space<semaphore_mem>>
      %dma_start3A_79 = arith.constant 0 : i32
      %dma_start3A_80 = tpu.memref_slice %arg4[%dma_start3A_79] : memref<10008xf32, #tpu.memory_space<hbm>> -> memref<648xf32, #tpu.memory_space<hbm>>
      %dma_start3A_81 = arith.constant 0 : i32
      %dma_start3A_82 = tpu.memref_slice %arg4[%dma_start3A_81] : memref<10008xf32, #tpu.memory_space<hbm>> -> memref<648xf32, #tpu.memory_space<hbm>>
      tpu.enqueue_dma source(%dma_start3A_82 : memref<648xf32, #tpu.memory_space<hbm>>) target(%arg8 : memref<648xf32, #tpu.memory_space<vmem>>) target_semaphore(%run_scoped3A : memref<!tpu.dma_semaphore, #tpu.memory_space<semaphore_mem>>)
      %dma_wait3A_83 = arith.constant 0 : i32
      %dma_wait3A_84 = tpu.memref_slice %arg4[%dma_wait3A_83] : memref<10008xf32, #tpu.memory_space<hbm>> -> memref<648xf32, #tpu.memory_space<hbm>>
      %dma_wait3A_85 = arith.constant 0 : i32
      %dma_wait3A_86 = tpu.memref_slice %arg4[%dma_wait3A_85] : memref<10008xf32, #tpu.memory_space<hbm>> -> memref<648xf32, #tpu.memory_space<hbm>>
      tpu.wait_dma2 semaphore(%run_scoped3A : memref<!tpu.dma_semaphore, #tpu.memory_space<semaphore_mem>>) src(%dma_wait3A_86 : memref<648xf32, #tpu.memory_space<hbm>>) dst(%arg8 : memref<648xf32, #tpu.memory_space<vmem>>)
      tpu.yield
    }) : () -> ()
    "tpu.region"() ({
      %run_scoped3A = tpu.sem_alloc : memref<!tpu.dma_semaphore, #tpu.memory_space<semaphore_mem>>
      %dma_start3A_79 = arith.constant 0 : i32
      %dma_start3A_80 = tpu.memref_slice %arg8[%dma_start3A_79] : memref<648xf32, #tpu.memory_space<vmem>> -> memref<624xf32, #tpu.memory_space<vmem>>
      %dma_start3A_81 = tpu.memref_slice %arg9[%mul3A_2] : memref<10008xf32, #tpu.memory_space<vmem_shared>> -> memref<624xf32, #tpu.memory_space<vmem_shared>>
      %dma_start3A_82 = tpu.memref_slice %arg9[%mul3A_2] : memref<10008xf32, #tpu.memory_space<vmem_shared>> -> memref<624xf32, #tpu.memory_space<vmem_shared>>
      %dma_start3A_83 = arith.constant 0 : i32
      %dma_start3A_84 = tpu.memref_slice %arg8[%dma_start3A_83] : memref<648xf32, #tpu.memory_space<vmem>> -> memref<624xf32, #tpu.memory_space<vmem>>
      tpu.enqueue_dma source(%dma_start3A_84 : memref<624xf32, #tpu.memory_space<vmem>>) target(%dma_start3A_82 : memref<624xf32, #tpu.memory_space<vmem_shared>>) target_semaphore(%run_scoped3A : memref<!tpu.dma_semaphore, #tpu.memory_space<semaphore_mem>>)
      %dma_wait3A_85 = arith.constant 0 : i32
      %dma_wait3A_86 = tpu.memref_slice %arg8[%dma_wait3A_85] : memref<648xf32, #tpu.memory_space<vmem>> -> memref<624xf32, #tpu.memory_space<vmem>>
      %dma_wait3A_87 = tpu.memref_slice %arg9[%mul3A_2] : memref<10008xf32, #tpu.memory_space<vmem_shared>> -> memref<624xf32, #tpu.memory_space<vmem_shared>>
      %dma_wait3A_88 = tpu.memref_slice %arg9[%mul3A_2] : memref<10008xf32, #tpu.memory_space<vmem_shared>> -> memref<624xf32, #tpu.memory_space<vmem_shared>>
      %dma_wait3A_89 = arith.constant 0 : i32
      %dma_wait3A_90 = tpu.memref_slice %arg8[%dma_wait3A_89] : memref<648xf32, #tpu.memory_space<vmem>> -> memref<624xf32, #tpu.memory_space<vmem>>
      tpu.wait_dma2 semaphore(%run_scoped3A : memref<!tpu.dma_semaphore, #tpu.memory_space<semaphore_mem>>) src(%dma_wait3A_90 : memref<624xf32, #tpu.memory_space<vmem>>) dst(%dma_wait3A_88 : memref<624xf32, #tpu.memory_space<vmem_shared>>)
      tpu.yield
    }) : () -> ()
    %eq3A = arith.constant 15 : i32
    %eq3A_3 = arith.cmpi eq, %arg1, %eq3A : i32
    %convert_element_type3A = arith.extui %eq3A_3 : i1 to i32
    %cond3A = arith.constant 0 : i32
    %cond3A_4 = arith.cmpi ne, %convert_element_type3A, %cond3A : i32
    scf.if %cond3A_4 {
      "tpu.region"() ({
        %run_scoped3A = tpu.sem_alloc : memref<!tpu.dma_semaphore, #tpu.memory_space<semaphore_mem>>
        %dma_start3A_79 = arith.constant 624 : i32
        %dma_start3A_80 = tpu.memref_slice %arg8[%dma_start3A_79] : memref<648xf32, #tpu.memory_space<vmem>> -> memref<24xf32, #tpu.memory_space<vmem>>
        %dma_start3A_81 = arith.constant 9984 : i32
        %dma_start3A_82 = tpu.memref_slice %arg9[%dma_start3A_81] : memref<10008xf32, #tpu.memory_space<vmem_shared>> -> memref<24xf32, #tpu.memory_space<vmem_shared>>
        %dma_start3A_83 = arith.constant 9984 : i32
        %dma_start3A_84 = tpu.memref_slice %arg9[%dma_start3A_83] : memref<10008xf32, #tpu.memory_space<vmem_shared>> -> memref<24xf32, #tpu.memory_space<vmem_shared>>
        %dma_start3A_85 = arith.constant 624 : i32
        %dma_start3A_86 = tpu.memref_slice %arg8[%dma_start3A_85] : memref<648xf32, #tpu.memory_space<vmem>> -> memref<24xf32, #tpu.memory_space<vmem>>
        tpu.enqueue_dma source(%dma_start3A_86 : memref<24xf32, #tpu.memory_space<vmem>>) target(%dma_start3A_84 : memref<24xf32, #tpu.memory_space<vmem_shared>>) target_semaphore(%run_scoped3A : memref<!tpu.dma_semaphore, #tpu.memory_space<semaphore_mem>>)
        %dma_wait3A_87 = arith.constant 624 : i32
        %dma_wait3A_88 = tpu.memref_slice %arg8[%dma_wait3A_87] : memref<648xf32, #tpu.memory_space<vmem>> -> memref<24xf32, #tpu.memory_space<vmem>>
        %dma_wait3A_89 = arith.constant 9984 : i32
        %dma_wait3A_90 = tpu.memref_slice %arg9[%dma_wait3A_89] : memref<10008xf32, #tpu.memory_space<vmem_shared>> -> memref<24xf32, #tpu.memory_space<vmem_shared>>
        %dma_wait3A_91 = arith.constant 9984 : i32
        %dma_wait3A_92 = tpu.memref_slice %arg9[%dma_wait3A_91] : memref<10008xf32, #tpu.memory_space<vmem_shared>> -> memref<24xf32, #tpu.memory_space<vmem_shared>>
        %dma_wait3A_93 = arith.constant 624 : i32
        %dma_wait3A_94 = tpu.memref_slice %arg8[%dma_wait3A_93] : memref<648xf32, #tpu.memory_space<vmem>> -> memref<24xf32, #tpu.memory_space<vmem>>
        tpu.wait_dma2 semaphore(%run_scoped3A : memref<!tpu.dma_semaphore, #tpu.memory_space<semaphore_mem>>) src(%dma_wait3A_94 : memref<24xf32, #tpu.memory_space<vmem>>) dst(%dma_wait3A_92 : memref<24xf32, #tpu.memory_space<vmem_shared>>)
        tpu.yield
      }) : () -> ()
    } else {
    }
    "tpu.region"() ({
      %run_scoped3A = tpu.sem_alloc : memref<!tpu.dma_semaphore, #tpu.memory_space<semaphore_mem>>
      tpu.enqueue_dma source(%arg2 : memref<128xf32, #tpu.memory_space<hbm>>) target(%arg7 : memref<128xf32, #tpu.memory_space<vmem>>) target_semaphore(%run_scoped3A : memref<!tpu.dma_semaphore, #tpu.memory_space<semaphore_mem>>)
      tpu.wait_dma2 semaphore(%run_scoped3A : memref<!tpu.dma_semaphore, #tpu.memory_space<semaphore_mem>>) src(%arg2 : memref<128xf32, #tpu.memory_space<hbm>>) dst(%arg7 : memref<128xf32, #tpu.memory_space<vmem>>)
      tpu.yield
    }) : () -> ()
    %barrier3A = arith.constant 0 : index
    tpu.barrier barrier_id(%barrier3A)
    %mul3A_5 = arith.constant 80 : i32
    %mul3A_6 = arith.muli %add3A, %mul3A_5 : i32
    %add3A_7 = arith.constant 0 : i32
    %add3A_8 = arith.addi %mul3A_6, %add3A_7 : i32
    "tpu.region"() ({
      %run_scoped3A = tpu.sem_alloc : memref<!tpu.dma_semaphore, #tpu.memory_space<semaphore_mem>>
      %dma_start3A_79 = arith.constant 0 : i32
      %dma_start3A_80 = tpu.memref_slice %arg3[%add3A_8, %dma_start3A_79] : memref<2560x128xi32, #tpu.memory_space<hbm>> -> memref<40x128xi32, #tpu.memory_space<hbm>>
      %dma_start3A_81 = arith.constant 0 : i32
      %dma_start3A_82 = tpu.memref_slice %arg3[%add3A_8, %dma_start3A_81] : memref<2560x128xi32, #tpu.memory_space<hbm>> -> memref<40x128xi32, #tpu.memory_space<hbm>>
      tpu.enqueue_dma source(%dma_start3A_82 : memref<40x128xi32, #tpu.memory_space<hbm>>) target(%arg6 : memref<40x128xi32, #tpu.memory_space<vmem>>) target_semaphore(%run_scoped3A : memref<!tpu.dma_semaphore, #tpu.memory_space<semaphore_mem>>)
      %dma_wait3A_83 = arith.constant 0 : i32
      %dma_wait3A_84 = tpu.memref_slice %arg3[%add3A_8, %dma_wait3A_83] : memref<2560x128xi32, #tpu.memory_space<hbm>> -> memref<40x128xi32, #tpu.memory_space<hbm>>
      %dma_wait3A_85 = arith.constant 0 : i32
      %dma_wait3A_86 = tpu.memref_slice %arg3[%add3A_8, %dma_wait3A_85] : memref<2560x128xi32, #tpu.memory_space<hbm>> -> memref<40x128xi32, #tpu.memory_space<hbm>>
      tpu.wait_dma2 semaphore(%run_scoped3A : memref<!tpu.dma_semaphore, #tpu.memory_space<semaphore_mem>>) src(%dma_wait3A_86 : memref<40x128xi32, #tpu.memory_space<hbm>>) dst(%arg6 : memref<40x128xi32, #tpu.memory_space<vmem>>)
      tpu.yield
    }) : () -> ()
    %dma_start3A = arith.constant 0 : i32
    %dma_start3A_9 = arith.constant 0 : i32
    %dma_start3A_10 = tpu.memref_slice %arg6[%dma_start3A, %dma_start3A_9] : memref<40x128xi32, #tpu.memory_space<vmem>> -> memref<1x128xi32, #tpu.memory_space<vmem>>
    %dma_start3A_11 = tpu.memref_squeeze %dma_start3A_10 : memref<1x128xi32, #tpu.memory_space<vmem>> -> memref<128xi32, #tpu.memory_space<vmem>>
    %dma_start3A_12 = arith.constant 0 : i32
    %dma_start3A_13 = tpu.memref_slice %arg9[%dma_start3A_12] : memref<10008xf32, #tpu.memory_space<vmem_shared>> -> memref<10008xf32, #tpu.memory_space<vmem_shared>>
    tpu.enqueue_indirect_dma source(%arg7 : memref<128xf32, #tpu.memory_space<vmem>>) target(%dma_start3A_13 : memref<10008xf32, #tpu.memory_space<vmem_shared>>) offsets(%dma_start3A_11 : memref<128xi32, #tpu.memory_space<vmem>>) semaphore(%arg10 : memref<!tpu.dma_semaphore, #tpu.memory_space<semaphore_mem>>) {add = true}
    %dma_start3A_14 = arith.constant 1 : i32
    %dma_start3A_15 = arith.constant 0 : i32
    %dma_start3A_16 = tpu.memref_slice %arg6[%dma_start3A_14, %dma_start3A_15] : memref<40x128xi32, #tpu.memory_space<vmem>> -> memref<1x128xi32, #tpu.memory_space<vmem>>
    %dma_start3A_17 = tpu.memref_squeeze %dma_start3A_16 : memref<1x128xi32, #tpu.memory_space<vmem>> -> memref<128xi32, #tpu.memory_space<vmem>>
    %dma_start3A_18 = arith.constant 0 : i32
    %dma_start3A_19 = tpu.memref_slice %arg9[%dma_start3A_18] : memref<10008xf32, #tpu.memory_space<vmem_shared>> -> memref<10008xf32, #tpu.memory_space<vmem_shared>>
    tpu.enqueue_indirect_dma source(%arg7 : memref<128xf32, #tpu.memory_space<vmem>>) target(%dma_start3A_19 : memref<10008xf32, #tpu.memory_space<vmem_shared>>) offsets(%dma_start3A_17 : memref<128xi32, #tpu.memory_space<vmem>>) semaphore(%arg11 : memref<!tpu.dma_semaphore, #tpu.memory_space<semaphore_mem>>) {add = true}
    %scan3A = arith.constant 0 : i32
    %scan3A_20 = arith.constant 0 : i32
    %scan3A_21 = arith.constant 19 : i32
    %scan3A_22 = arith.addi %scan3A_20, %scan3A_21 : i32
    %scan3A_23 = arith.constant 1 : i32
    scf.for %scan3A_79 = %scan3A_20 to %scan3A_22 step %scan3A_23  : i32 {
      %mul3A_80 = arith.constant 2 : i32
      %mul3A_81 = arith.muli %mul3A_80, %scan3A_79 : i32
      %add3A_82 = arith.constant 0 : i32
      %add3A_83 = arith.addi %mul3A_81, %add3A_82 : i32
      %add3A_84 = arith.constant 2 : i32
      %add3A_85 = arith.addi %add3A_83, %add3A_84 : i32
      %sub3A = arith.constant 2 : i32
      %sub3A_86 = arith.subi %add3A_85, %sub3A : i32
      %dma_wait3A_87 = arith.constant 0 : i32
      %dma_wait3A_88 = tpu.memref_slice %arg6[%sub3A_86, %dma_wait3A_87] : memref<40x128xi32, #tpu.memory_space<vmem>> -> memref<1x128xi32, #tpu.memory_space<vmem>>
      %dma_wait3A_89 = tpu.memref_squeeze %dma_wait3A_88 : memref<1x128xi32, #tpu.memory_space<vmem>> -> memref<128xi32, #tpu.memory_space<vmem>>
      %dma_wait3A_90 = arith.constant 0 : i32
      %dma_wait3A_91 = tpu.memref_slice %arg9[%dma_wait3A_90] : memref<10008xf32, #tpu.memory_space<vmem_shared>> -> memref<10008xf32, #tpu.memory_space<vmem_shared>>
      tpu.wait_indirect_dma semaphore(%arg10 : memref<!tpu.dma_semaphore, #tpu.memory_space<semaphore_mem>>) src(%arg7 : memref<128xf32, #tpu.memory_space<vmem>>) dst(%dma_wait3A_91 : memref<10008xf32, #tpu.memory_space<vmem_shared>>)
      %dma_start3A_92 = arith.constant 0 : i32
      %dma_start3A_93 = tpu.memref_slice %arg6[%add3A_85, %dma_start3A_92] : memref<40x128xi32, #tpu.memory_space<vmem>> -> memref<1x128xi32, #tpu.memory_space<vmem>>
      %dma_start3A_94 = tpu.memref_squeeze %dma_start3A_93 : memref<1x128xi32, #tpu.memory_space<vmem>> -> memref<128xi32, #tpu.memory_space<vmem>>
      %dma_start3A_95 = arith.constant 0 : i32
      %dma_start3A_96 = tpu.memref_slice %arg9[%dma_start3A_95] : memref<10008xf32, #tpu.memory_space<vmem_shared>> -> memref<10008xf32, #tpu.memory_space<vmem_shared>>
      tpu.enqueue_indirect_dma source(%arg7 : memref<128xf32, #tpu.memory_space<vmem>>) target(%dma_start3A_96 : memref<10008xf32, #tpu.memory_space<vmem_shared>>) offsets(%dma_start3A_94 : memref<128xi32, #tpu.memory_space<vmem>>) semaphore(%arg10 : memref<!tpu.dma_semaphore, #tpu.memory_space<semaphore_mem>>) {add = true}
      %mul3A_97 = arith.constant 2 : i32
      %mul3A_98 = arith.muli %mul3A_97, %scan3A_79 : i32
      %add3A_99 = arith.constant 1 : i32
      %add3A_100 = arith.addi %mul3A_98, %add3A_99 : i32
      %add3A_101 = arith.constant 2 : i32
      %add3A_102 = arith.addi %add3A_100, %add3A_101 : i32
      %sub3A_103 = arith.constant 2 : i32
      %sub3A_104 = arith.subi %add3A_102, %sub3A_103 : i32
      %dma_wait3A_105 = arith.constant 0 : i32
      %dma_wait3A_106 = tpu.memref_slice %arg6[%sub3A_104, %dma_wait3A_105] : memref<40x128xi32, #tpu.memory_space<vmem>> -> memref<1x128xi32, #tpu.memory_space<vmem>>
      %dma_wait3A_107 = tpu.memref_squeeze %dma_wait3A_106 : memref<1x128xi32, #tpu.memory_space<vmem>> -> memref<128xi32, #tpu.memory_space<vmem>>
      %dma_wait3A_108 = arith.constant 0 : i32
      %dma_wait3A_109 = tpu.memref_slice %arg9[%dma_wait3A_108] : memref<10008xf32, #tpu.memory_space<vmem_shared>> -> memref<10008xf32, #tpu.memory_space<vmem_shared>>
      tpu.wait_indirect_dma semaphore(%arg11 : memref<!tpu.dma_semaphore, #tpu.memory_space<semaphore_mem>>) src(%arg7 : memref<128xf32, #tpu.memory_space<vmem>>) dst(%dma_wait3A_109 : memref<10008xf32, #tpu.memory_space<vmem_shared>>)
      %dma_start3A_110 = arith.constant 0 : i32
      %dma_start3A_111 = tpu.memref_slice %arg6[%add3A_102, %dma_start3A_110] : memref<40x128xi32, #tpu.memory_space<vmem>> -> memref<1x128xi32, #tpu.memory_space<vmem>>
      %dma_start3A_112 = tpu.memref_squeeze %dma_start3A_111 : memref<1x128xi32, #tpu.memory_space<vmem>> -> memref<128xi32, #tpu.memory_space<vmem>>
      %dma_start3A_113 = arith.constant 0 : i32
      %dma_start3A_114 = tpu.memref_slice %arg9[%dma_start3A_113] : memref<10008xf32, #tpu.memory_space<vmem_shared>> -> memref<10008xf32, #tpu.memory_space<vmem_shared>>
      tpu.enqueue_indirect_dma source(%arg7 : memref<128xf32, #tpu.memory_space<vmem>>) target(%dma_start3A_114 : memref<10008xf32, #tpu.memory_space<vmem_shared>>) offsets(%dma_start3A_112 : memref<128xi32, #tpu.memory_space<vmem>>) semaphore(%arg11 : memref<!tpu.dma_semaphore, #tpu.memory_space<semaphore_mem>>) {add = true}
    }
    %scan3A_24 = arith.constant 19 : i32
    %dma_wait3A = arith.constant 38 : i32
    %dma_wait3A_25 = arith.constant 0 : i32
    %dma_wait3A_26 = tpu.memref_slice %arg6[%dma_wait3A, %dma_wait3A_25] : memref<40x128xi32, #tpu.memory_space<vmem>> -> memref<1x128xi32, #tpu.memory_space<vmem>>
    %dma_wait3A_27 = tpu.memref_squeeze %dma_wait3A_26 : memref<1x128xi32, #tpu.memory_space<vmem>> -> memref<128xi32, #tpu.memory_space<vmem>>
    %dma_wait3A_28 = arith.constant 0 : i32
    %dma_wait3A_29 = tpu.memref_slice %arg9[%dma_wait3A_28] : memref<10008xf32, #tpu.memory_space<vmem_shared>> -> memref<10008xf32, #tpu.memory_space<vmem_shared>>
    tpu.wait_indirect_dma semaphore(%arg10 : memref<!tpu.dma_semaphore, #tpu.memory_space<semaphore_mem>>) src(%arg7 : memref<128xf32, #tpu.memory_space<vmem>>) dst(%dma_wait3A_29 : memref<10008xf32, #tpu.memory_space<vmem_shared>>)
    %dma_wait3A_30 = arith.constant 39 : i32
    %dma_wait3A_31 = arith.constant 0 : i32
    %dma_wait3A_32 = tpu.memref_slice %arg6[%dma_wait3A_30, %dma_wait3A_31] : memref<40x128xi32, #tpu.memory_space<vmem>> -> memref<1x128xi32, #tpu.memory_space<vmem>>
    %dma_wait3A_33 = tpu.memref_squeeze %dma_wait3A_32 : memref<1x128xi32, #tpu.memory_space<vmem>> -> memref<128xi32, #tpu.memory_space<vmem>>
    %dma_wait3A_34 = arith.constant 0 : i32
    %dma_wait3A_35 = tpu.memref_slice %arg9[%dma_wait3A_34] : memref<10008xf32, #tpu.memory_space<vmem_shared>> -> memref<10008xf32, #tpu.memory_space<vmem_shared>>
    tpu.wait_indirect_dma semaphore(%arg11 : memref<!tpu.dma_semaphore, #tpu.memory_space<semaphore_mem>>) src(%arg7 : memref<128xf32, #tpu.memory_space<vmem>>) dst(%dma_wait3A_35 : memref<10008xf32, #tpu.memory_space<vmem_shared>>)
    %mul3A_36 = arith.constant 80 : i32
    %mul3A_37 = arith.muli %add3A, %mul3A_36 : i32
    %add3A_38 = arith.constant 40 : i32
    %add3A_39 = arith.addi %mul3A_37, %add3A_38 : i32
    "tpu.region"() ({
      %run_scoped3A = tpu.sem_alloc : memref<!tpu.dma_semaphore, #tpu.memory_space<semaphore_mem>>
      %dma_start3A_79 = arith.constant 0 : i32
      %dma_start3A_80 = tpu.memref_slice %arg3[%add3A_39, %dma_start3A_79] : memref<2560x128xi32, #tpu.memory_space<hbm>> -> memref<40x128xi32, #tpu.memory_space<hbm>>
      %dma_start3A_81 = arith.constant 0 : i32
      %dma_start3A_82 = tpu.memref_slice %arg3[%add3A_39, %dma_start3A_81] : memref<2560x128xi32, #tpu.memory_space<hbm>> -> memref<40x128xi32, #tpu.memory_space<hbm>>
      tpu.enqueue_dma source(%dma_start3A_82 : memref<40x128xi32, #tpu.memory_space<hbm>>) target(%arg6 : memref<40x128xi32, #tpu.memory_space<vmem>>) target_semaphore(%run_scoped3A : memref<!tpu.dma_semaphore, #tpu.memory_space<semaphore_mem>>)
      %dma_wait3A_83 = arith.constant 0 : i32
      %dma_wait3A_84 = tpu.memref_slice %arg3[%add3A_39, %dma_wait3A_83] : memref<2560x128xi32, #tpu.memory_space<hbm>> -> memref<40x128xi32, #tpu.memory_space<hbm>>
      %dma_wait3A_85 = arith.constant 0 : i32
      %dma_wait3A_86 = tpu.memref_slice %arg3[%add3A_39, %dma_wait3A_85] : memref<2560x128xi32, #tpu.memory_space<hbm>> -> memref<40x128xi32, #tpu.memory_space<hbm>>
      tpu.wait_dma2 semaphore(%run_scoped3A : memref<!tpu.dma_semaphore, #tpu.memory_space<semaphore_mem>>) src(%dma_wait3A_86 : memref<40x128xi32, #tpu.memory_space<hbm>>) dst(%arg6 : memref<40x128xi32, #tpu.memory_space<vmem>>)
      tpu.yield
    }) : () -> ()
    %dma_start3A_40 = arith.constant 0 : i32
    %dma_start3A_41 = arith.constant 0 : i32
    %dma_start3A_42 = tpu.memref_slice %arg6[%dma_start3A_40, %dma_start3A_41] : memref<40x128xi32, #tpu.memory_space<vmem>> -> memref<1x128xi32, #tpu.memory_space<vmem>>
    %dma_start3A_43 = tpu.memref_squeeze %dma_start3A_42 : memref<1x128xi32, #tpu.memory_space<vmem>> -> memref<128xi32, #tpu.memory_space<vmem>>
    %dma_start3A_44 = arith.constant 0 : i32
    %dma_start3A_45 = tpu.memref_slice %arg9[%dma_start3A_44] : memref<10008xf32, #tpu.memory_space<vmem_shared>> -> memref<10008xf32, #tpu.memory_space<vmem_shared>>
    tpu.enqueue_indirect_dma source(%arg7 : memref<128xf32, #tpu.memory_space<vmem>>) target(%dma_start3A_45 : memref<10008xf32, #tpu.memory_space<vmem_shared>>) offsets(%dma_start3A_43 : memref<128xi32, #tpu.memory_space<vmem>>) semaphore(%arg10 : memref<!tpu.dma_semaphore, #tpu.memory_space<semaphore_mem>>) {add = true}
    %dma_start3A_46 = arith.constant 1 : i32
    %dma_start3A_47 = arith.constant 0 : i32
    %dma_start3A_48 = tpu.memref_slice %arg6[%dma_start3A_46, %dma_start3A_47] : memref<40x128xi32, #tpu.memory_space<vmem>> -> memref<1x128xi32, #tpu.memory_space<vmem>>
    %dma_start3A_49 = tpu.memref_squeeze %dma_start3A_48 : memref<1x128xi32, #tpu.memory_space<vmem>> -> memref<128xi32, #tpu.memory_space<vmem>>
    %dma_start3A_50 = arith.constant 0 : i32
    %dma_start3A_51 = tpu.memref_slice %arg9[%dma_start3A_50] : memref<10008xf32, #tpu.memory_space<vmem_shared>> -> memref<10008xf32, #tpu.memory_space<vmem_shared>>
    tpu.enqueue_indirect_dma source(%arg7 : memref<128xf32, #tpu.memory_space<vmem>>) target(%dma_start3A_51 : memref<10008xf32, #tpu.memory_space<vmem_shared>>) offsets(%dma_start3A_49 : memref<128xi32, #tpu.memory_space<vmem>>) semaphore(%arg11 : memref<!tpu.dma_semaphore, #tpu.memory_space<semaphore_mem>>) {add = true}
    %scan3A_52 = arith.constant 0 : i32
    %scan3A_53 = arith.constant 0 : i32
    %scan3A_54 = arith.constant 19 : i32
    %scan3A_55 = arith.addi %scan3A_53, %scan3A_54 : i32
    %scan3A_56 = arith.constant 1 : i32
    scf.for %scan3A_79 = %scan3A_53 to %scan3A_55 step %scan3A_56  : i32 {
      %mul3A_80 = arith.constant 2 : i32
      %mul3A_81 = arith.muli %mul3A_80, %scan3A_79 : i32
      %add3A_82 = arith.constant 0 : i32
      %add3A_83 = arith.addi %mul3A_81, %add3A_82 : i32
      %add3A_84 = arith.constant 2 : i32
      %add3A_85 = arith.addi %add3A_83, %add3A_84 : i32
      %sub3A = arith.constant 2 : i32
      %sub3A_86 = arith.subi %add3A_85, %sub3A : i32
      %dma_wait3A_87 = arith.constant 0 : i32
      %dma_wait3A_88 = tpu.memref_slice %arg6[%sub3A_86, %dma_wait3A_87] : memref<40x128xi32, #tpu.memory_space<vmem>> -> memref<1x128xi32, #tpu.memory_space<vmem>>
      %dma_wait3A_89 = tpu.memref_squeeze %dma_wait3A_88 : memref<1x128xi32, #tpu.memory_space<vmem>> -> memref<128xi32, #tpu.memory_space<vmem>>
      %dma_wait3A_90 = arith.constant 0 : i32
      %dma_wait3A_91 = tpu.memref_slice %arg9[%dma_wait3A_90] : memref<10008xf32, #tpu.memory_space<vmem_shared>> -> memref<10008xf32, #tpu.memory_space<vmem_shared>>
      tpu.wait_indirect_dma semaphore(%arg10 : memref<!tpu.dma_semaphore, #tpu.memory_space<semaphore_mem>>) src(%arg7 : memref<128xf32, #tpu.memory_space<vmem>>) dst(%dma_wait3A_91 : memref<10008xf32, #tpu.memory_space<vmem_shared>>)
      %dma_start3A_92 = arith.constant 0 : i32
      %dma_start3A_93 = tpu.memref_slice %arg6[%add3A_85, %dma_start3A_92] : memref<40x128xi32, #tpu.memory_space<vmem>> -> memref<1x128xi32, #tpu.memory_space<vmem>>
      %dma_start3A_94 = tpu.memref_squeeze %dma_start3A_93 : memref<1x128xi32, #tpu.memory_space<vmem>> -> memref<128xi32, #tpu.memory_space<vmem>>
      %dma_start3A_95 = arith.constant 0 : i32
      %dma_start3A_96 = tpu.memref_slice %arg9[%dma_start3A_95] : memref<10008xf32, #tpu.memory_space<vmem_shared>> -> memref<10008xf32, #tpu.memory_space<vmem_shared>>
      tpu.enqueue_indirect_dma source(%arg7 : memref<128xf32, #tpu.memory_space<vmem>>) target(%dma_start3A_96 : memref<10008xf32, #tpu.memory_space<vmem_shared>>) offsets(%dma_start3A_94 : memref<128xi32, #tpu.memory_space<vmem>>) semaphore(%arg10 : memref<!tpu.dma_semaphore, #tpu.memory_space<semaphore_mem>>) {add = true}
      %mul3A_97 = arith.constant 2 : i32
      %mul3A_98 = arith.muli %mul3A_97, %scan3A_79 : i32
      %add3A_99 = arith.constant 1 : i32
      %add3A_100 = arith.addi %mul3A_98, %add3A_99 : i32
      %add3A_101 = arith.constant 2 : i32
      %add3A_102 = arith.addi %add3A_100, %add3A_101 : i32
      %sub3A_103 = arith.constant 2 : i32
      %sub3A_104 = arith.subi %add3A_102, %sub3A_103 : i32
      %dma_wait3A_105 = arith.constant 0 : i32
      %dma_wait3A_106 = tpu.memref_slice %arg6[%sub3A_104, %dma_wait3A_105] : memref<40x128xi32, #tpu.memory_space<vmem>> -> memref<1x128xi32, #tpu.memory_space<vmem>>
      %dma_wait3A_107 = tpu.memref_squeeze %dma_wait3A_106 : memref<1x128xi32, #tpu.memory_space<vmem>> -> memref<128xi32, #tpu.memory_space<vmem>>
      %dma_wait3A_108 = arith.constant 0 : i32
      %dma_wait3A_109 = tpu.memref_slice %arg9[%dma_wait3A_108] : memref<10008xf32, #tpu.memory_space<vmem_shared>> -> memref<10008xf32, #tpu.memory_space<vmem_shared>>
      tpu.wait_indirect_dma semaphore(%arg11 : memref<!tpu.dma_semaphore, #tpu.memory_space<semaphore_mem>>) src(%arg7 : memref<128xf32, #tpu.memory_space<vmem>>) dst(%dma_wait3A_109 : memref<10008xf32, #tpu.memory_space<vmem_shared>>)
      %dma_start3A_110 = arith.constant 0 : i32
      %dma_start3A_111 = tpu.memref_slice %arg6[%add3A_102, %dma_start3A_110] : memref<40x128xi32, #tpu.memory_space<vmem>> -> memref<1x128xi32, #tpu.memory_space<vmem>>
      %dma_start3A_112 = tpu.memref_squeeze %dma_start3A_111 : memref<1x128xi32, #tpu.memory_space<vmem>> -> memref<128xi32, #tpu.memory_space<vmem>>
      %dma_start3A_113 = arith.constant 0 : i32
      %dma_start3A_114 = tpu.memref_slice %arg9[%dma_start3A_113] : memref<10008xf32, #tpu.memory_space<vmem_shared>> -> memref<10008xf32, #tpu.memory_space<vmem_shared>>
      tpu.enqueue_indirect_dma source(%arg7 : memref<128xf32, #tpu.memory_space<vmem>>) target(%dma_start3A_114 : memref<10008xf32, #tpu.memory_space<vmem_shared>>) offsets(%dma_start3A_112 : memref<128xi32, #tpu.memory_space<vmem>>) semaphore(%arg11 : memref<!tpu.dma_semaphore, #tpu.memory_space<semaphore_mem>>) {add = true}
    }
    %scan3A_57 = arith.constant 19 : i32
    %dma_wait3A_58 = arith.constant 38 : i32
    %dma_wait3A_59 = arith.constant 0 : i32
    %dma_wait3A_60 = tpu.memref_slice %arg6[%dma_wait3A_58, %dma_wait3A_59] : memref<40x128xi32, #tpu.memory_space<vmem>> -> memref<1x128xi32, #tpu.memory_space<vmem>>
    %dma_wait3A_61 = tpu.memref_squeeze %dma_wait3A_60 : memref<1x128xi32, #tpu.memory_space<vmem>> -> memref<128xi32, #tpu.memory_space<vmem>>
    %dma_wait3A_62 = arith.constant 0 : i32
    %dma_wait3A_63 = tpu.memref_slice %arg9[%dma_wait3A_62] : memref<10008xf32, #tpu.memory_space<vmem_shared>> -> memref<10008xf32, #tpu.memory_space<vmem_shared>>
    tpu.wait_indirect_dma semaphore(%arg10 : memref<!tpu.dma_semaphore, #tpu.memory_space<semaphore_mem>>) src(%arg7 : memref<128xf32, #tpu.memory_space<vmem>>) dst(%dma_wait3A_63 : memref<10008xf32, #tpu.memory_space<vmem_shared>>)
    %dma_wait3A_64 = arith.constant 39 : i32
    %dma_wait3A_65 = arith.constant 0 : i32
    %dma_wait3A_66 = tpu.memref_slice %arg6[%dma_wait3A_64, %dma_wait3A_65] : memref<40x128xi32, #tpu.memory_space<vmem>> -> memref<1x128xi32, #tpu.memory_space<vmem>>
    %dma_wait3A_67 = tpu.memref_squeeze %dma_wait3A_66 : memref<1x128xi32, #tpu.memory_space<vmem>> -> memref<128xi32, #tpu.memory_space<vmem>>
    %dma_wait3A_68 = arith.constant 0 : i32
    %dma_wait3A_69 = tpu.memref_slice %arg9[%dma_wait3A_68] : memref<10008xf32, #tpu.memory_space<vmem_shared>> -> memref<10008xf32, #tpu.memory_space<vmem_shared>>
    tpu.wait_indirect_dma semaphore(%arg11 : memref<!tpu.dma_semaphore, #tpu.memory_space<semaphore_mem>>) src(%arg7 : memref<128xf32, #tpu.memory_space<vmem>>) dst(%dma_wait3A_69 : memref<10008xf32, #tpu.memory_space<vmem_shared>>)
    %barrier3A_70 = arith.constant 0 : index
    tpu.barrier barrier_id(%barrier3A_70)
    "tpu.region"() ({
      %run_scoped3A = tpu.sem_alloc : memref<!tpu.dma_semaphore, #tpu.memory_space<semaphore_mem>>
      %dma_start3A_79 = arith.constant 0 : i32
      %dma_start3A_80 = tpu.memref_slice %arg8[%dma_start3A_79] : memref<648xf32, #tpu.memory_space<vmem>> -> memref<624xf32, #tpu.memory_space<vmem>>
      %dma_start3A_81 = tpu.memref_slice %arg9[%mul3A_2] : memref<10008xf32, #tpu.memory_space<vmem_shared>> -> memref<624xf32, #tpu.memory_space<vmem_shared>>
      %dma_start3A_82 = arith.constant 0 : i32
      %dma_start3A_83 = tpu.memref_slice %arg8[%dma_start3A_82] : memref<648xf32, #tpu.memory_space<vmem>> -> memref<624xf32, #tpu.memory_space<vmem>>
      %dma_start3A_84 = tpu.memref_slice %arg9[%mul3A_2] : memref<10008xf32, #tpu.memory_space<vmem_shared>> -> memref<624xf32, #tpu.memory_space<vmem_shared>>
      tpu.enqueue_dma source(%dma_start3A_84 : memref<624xf32, #tpu.memory_space<vmem_shared>>) target(%dma_start3A_83 : memref<624xf32, #tpu.memory_space<vmem>>) target_semaphore(%run_scoped3A : memref<!tpu.dma_semaphore, #tpu.memory_space<semaphore_mem>>)
      %dma_wait3A_85 = arith.constant 0 : i32
      %dma_wait3A_86 = tpu.memref_slice %arg8[%dma_wait3A_85] : memref<648xf32, #tpu.memory_space<vmem>> -> memref<624xf32, #tpu.memory_space<vmem>>
      %dma_wait3A_87 = tpu.memref_slice %arg9[%mul3A_2] : memref<10008xf32, #tpu.memory_space<vmem_shared>> -> memref<624xf32, #tpu.memory_space<vmem_shared>>
      %dma_wait3A_88 = arith.constant 0 : i32
      %dma_wait3A_89 = tpu.memref_slice %arg8[%dma_wait3A_88] : memref<648xf32, #tpu.memory_space<vmem>> -> memref<624xf32, #tpu.memory_space<vmem>>
      %dma_wait3A_90 = tpu.memref_slice %arg9[%mul3A_2] : memref<10008xf32, #tpu.memory_space<vmem_shared>> -> memref<624xf32, #tpu.memory_space<vmem_shared>>
      tpu.wait_dma2 semaphore(%run_scoped3A : memref<!tpu.dma_semaphore, #tpu.memory_space<semaphore_mem>>) src(%dma_wait3A_90 : memref<624xf32, #tpu.memory_space<vmem_shared>>) dst(%dma_wait3A_89 : memref<624xf32, #tpu.memory_space<vmem>>)
      tpu.yield
    }) : () -> ()
    %mul3A_71 = arith.constant 10000 : i32
    %mul3A_72 = arith.muli %arg0, %mul3A_71 : i32
    %add3A_73 = arith.addi %mul3A_72, %mul3A_2 : i32
    "tpu.region"() ({
      %run_scoped3A = tpu.sem_alloc : memref<!tpu.dma_semaphore, #tpu.memory_space<semaphore_mem>>
      %dma_start3A_79 = arith.constant 0 : i32
      %dma_start3A_80 = tpu.memref_slice %arg8[%dma_start3A_79] : memref<648xf32, #tpu.memory_space<vmem>> -> memref<624xf32, #tpu.memory_space<vmem>>
      %dma_start3A_81 = tpu.memref_slice %arg5[%add3A_73] : memref<20000xf32, #tpu.memory_space<hbm>> -> memref<624xf32, #tpu.memory_space<hbm>>
      %dma_start3A_82 = tpu.memref_slice %arg5[%add3A_73] : memref<20000xf32, #tpu.memory_space<hbm>> -> memref<624xf32, #tpu.memory_space<hbm>>
      %dma_start3A_83 = arith.constant 0 : i32
      %dma_start3A_84 = tpu.memref_slice %arg8[%dma_start3A_83] : memref<648xf32, #tpu.memory_space<vmem>> -> memref<624xf32, #tpu.memory_space<vmem>>
      tpu.enqueue_dma source(%dma_start3A_84 : memref<624xf32, #tpu.memory_space<vmem>>) target(%dma_start3A_82 : memref<624xf32, #tpu.memory_space<hbm>>) target_semaphore(%run_scoped3A : memref<!tpu.dma_semaphore, #tpu.memory_space<semaphore_mem>>)
      %dma_wait3A_85 = arith.constant 0 : i32
      %dma_wait3A_86 = tpu.memref_slice %arg8[%dma_wait3A_85] : memref<648xf32, #tpu.memory_space<vmem>> -> memref<624xf32, #tpu.memory_space<vmem>>
      %dma_wait3A_87 = tpu.memref_slice %arg5[%add3A_73] : memref<20000xf32, #tpu.memory_space<hbm>> -> memref<624xf32, #tpu.memory_space<hbm>>
      %dma_wait3A_88 = tpu.memref_slice %arg5[%add3A_73] : memref<20000xf32, #tpu.memory_space<hbm>> -> memref<624xf32, #tpu.memory_space<hbm>>
      %dma_wait3A_89 = arith.constant 0 : i32
      %dma_wait3A_90 = tpu.memref_slice %arg8[%dma_wait3A_89] : memref<648xf32, #tpu.memory_space<vmem>> -> memref<624xf32, #tpu.memory_space<vmem>>
      tpu.wait_dma2 semaphore(%run_scoped3A : memref<!tpu.dma_semaphore, #tpu.memory_space<semaphore_mem>>) src(%dma_wait3A_90 : memref<624xf32, #tpu.memory_space<vmem>>) dst(%dma_wait3A_88 : memref<624xf32, #tpu.memory_space<hbm>>)
      tpu.yield
    }) : () -> ()
    %eq3A_74 = arith.constant 15 : i32
    %eq3A_75 = arith.cmpi eq, %arg1, %eq3A_74 : i32
    %convert_element_type3A_76 = arith.extui %eq3A_75 : i1 to i32
    %cond3A_77 = arith.constant 0 : i32
    %cond3A_78 = arith.cmpi ne, %convert_element_type3A_76, %cond3A_77 : i32
    scf.if %cond3A_78 {
      "tpu.region"() ({
        %run_scoped3A = tpu.sem_alloc : memref<!tpu.dma_semaphore, #tpu.memory_space<semaphore_mem>>
        %dma_start3A_83 = arith.constant 0 : i32
        %dma_start3A_84 = tpu.memref_slice %arg8[%dma_start3A_83] : memref<648xf32, #tpu.memory_space<vmem>> -> memref<16xf32, #tpu.memory_space<vmem>>
        %dma_start3A_85 = arith.constant 9984 : i32
        %dma_start3A_86 = tpu.memref_slice %arg9[%dma_start3A_85] : memref<10008xf32, #tpu.memory_space<vmem_shared>> -> memref<16xf32, #tpu.memory_space<vmem_shared>>
        %dma_start3A_87 = arith.constant 0 : i32
        %dma_start3A_88 = tpu.memref_slice %arg8[%dma_start3A_87] : memref<648xf32, #tpu.memory_space<vmem>> -> memref<16xf32, #tpu.memory_space<vmem>>
        %dma_start3A_89 = arith.constant 9984 : i32
        %dma_start3A_90 = tpu.memref_slice %arg9[%dma_start3A_89] : memref<10008xf32, #tpu.memory_space<vmem_shared>> -> memref<16xf32, #tpu.memory_space<vmem_shared>>
        tpu.enqueue_dma source(%dma_start3A_90 : memref<16xf32, #tpu.memory_space<vmem_shared>>) target(%dma_start3A_88 : memref<16xf32, #tpu.memory_space<vmem>>) target_semaphore(%run_scoped3A : memref<!tpu.dma_semaphore, #tpu.memory_space<semaphore_mem>>)
        %dma_wait3A_91 = arith.constant 0 : i32
        %dma_wait3A_92 = tpu.memref_slice %arg8[%dma_wait3A_91] : memref<648xf32, #tpu.memory_space<vmem>> -> memref<16xf32, #tpu.memory_space<vmem>>
        %dma_wait3A_93 = arith.constant 9984 : i32
        %dma_wait3A_94 = tpu.memref_slice %arg9[%dma_wait3A_93] : memref<10008xf32, #tpu.memory_space<vmem_shared>> -> memref<16xf32, #tpu.memory_space<vmem_shared>>
        %dma_wait3A_95 = arith.constant 0 : i32
        %dma_wait3A_96 = tpu.memref_slice %arg8[%dma_wait3A_95] : memref<648xf32, #tpu.memory_space<vmem>> -> memref<16xf32, #tpu.memory_space<vmem>>
        %dma_wait3A_97 = arith.constant 9984 : i32
        %dma_wait3A_98 = tpu.memref_slice %arg9[%dma_wait3A_97] : memref<10008xf32, #tpu.memory_space<vmem_shared>> -> memref<16xf32, #tpu.memory_space<vmem_shared>>
        tpu.wait_dma2 semaphore(%run_scoped3A : memref<!tpu.dma_semaphore, #tpu.memory_space<semaphore_mem>>) src(%dma_wait3A_98 : memref<16xf32, #tpu.memory_space<vmem_shared>>) dst(%dma_wait3A_96 : memref<16xf32, #tpu.memory_space<vmem>>)
        tpu.yield
      }) : () -> ()
      %mul3A_79 = arith.constant 10000 : i32
      %mul3A_80 = arith.muli %arg0, %mul3A_79 : i32
      %add3A_81 = arith.constant 9984 : i32
      %add3A_82 = arith.addi %mul3A_80, %add3A_81 : i32
      "tpu.region"() ({
        %run_scoped3A = tpu.sem_alloc : memref<!tpu.dma_semaphore, #tpu.memory_space<semaphore_mem>>
        %dma_start3A_83 = arith.constant 0 : i32
        %dma_start3A_84 = tpu.memref_slice %arg8[%dma_start3A_83] : memref<648xf32, #tpu.memory_space<vmem>> -> memref<16xf32, #tpu.memory_space<vmem>>
        %dma_start3A_85 = tpu.memref_slice %arg5[%add3A_82] : memref<20000xf32, #tpu.memory_space<hbm>> -> memref<16xf32, #tpu.memory_space<hbm>>
        %dma_start3A_86 = tpu.memref_slice %arg5[%add3A_82] : memref<20000xf32, #tpu.memory_space<hbm>> -> memref<16xf32, #tpu.memory_space<hbm>>
        %dma_start3A_87 = arith.constant 0 : i32
        %dma_start3A_88 = tpu.memref_slice %arg8[%dma_start3A_87] : memref<648xf32, #tpu.memory_space<vmem>> -> memref<16xf32, #tpu.memory_space<vmem>>
        tpu.enqueue_dma source(%dma_start3A_88 : memref<16xf32, #tpu.memory_space<vmem>>) target(%dma_start3A_86 : memref<16xf32, #tpu.memory_space<hbm>>) target_semaphore(%run_scoped3A : memref<!tpu.dma_semaphore, #tpu.memory_space<semaphore_mem>>)
        %dma_wait3A_89 = arith.constant 0 : i32
        %dma_wait3A_90 = tpu.memref_slice %arg8[%dma_wait3A_89] : memref<648xf32, #tpu.memory_space<vmem>> -> memref<16xf32, #tpu.memory_space<vmem>>
        %dma_wait3A_91 = tpu.memref_slice %arg5[%add3A_82] : memref<20000xf32, #tpu.memory_space<hbm>> -> memref<16xf32, #tpu.memory_space<hbm>>
        %dma_wait3A_92 = tpu.memref_slice %arg5[%add3A_82] : memref<20000xf32, #tpu.memory_space<hbm>> -> memref<16xf32, #tpu.memory_space<hbm>>
        %dma_wait3A_93 = arith.constant 0 : i32
        %dma_wait3A_94 = tpu.memref_slice %arg8[%dma_wait3A_93] : memref<648xf32, #tpu.memory_space<vmem>> -> memref<16xf32, #tpu.memory_space<vmem>>
        tpu.wait_dma2 semaphore(%run_scoped3A : memref<!tpu.dma_semaphore, #tpu.memory_space<semaphore_mem>>) src(%dma_wait3A_94 : memref<16xf32, #tpu.memory_space<vmem>>) dst(%dma_wait3A_92 : memref<16xf32, #tpu.memory_space<hbm>>)
        tpu.yield
      }) : () -> ()
    } else {
    }
    return
  }
}

#map = affine_map<(d0, d1) -> (0, 0)>
#map1 = affine_map<(d0, d1) -> (0, 0, 0)>
module attributes {stable_mosaic.version = 14 : i64} {
  func.func @scatter_kernel(%arg0: i32, %arg1: i32, %arg2: memref<10008x128xf32, #tpu.memory_space<hbm>>, %arg3: memref<2560x128xi32, #tpu.memory_space<hbm>>, %arg4: memref<2560x128xi32, #tpu.memory_space<hbm>>, %arg5: memref<10000x128xf32, #tpu.memory_space<hbm>>, %arg6: memref<2x10000x128xf32, #tpu.memory_space<hbm>>, %arg7: memref<48x128xi32, #tpu.memory_space<vmem>>, %arg8: memref<48x128xi32, #tpu.memory_space<vmem>>, %arg9: memref<128x128xf32, #tpu.memory_space<vmem>>, %arg10: memref<128x128xf32, #tpu.memory_space<vmem>>, %arg11: memref<10008x128xf32, #tpu.memory_space<vmem_shared>>, %arg12: memref<!tpu.dma_semaphore, #tpu.memory_space<semaphore_mem>>, %arg13: memref<!tpu.dma_semaphore, #tpu.memory_space<semaphore_mem>>, %arg14: memref<!tpu.dma_semaphore, #tpu.memory_space<semaphore_mem>>, %arg15: memref<!tpu.dma_semaphore, #tpu.memory_space<semaphore_mem>>) attributes {dimension_semantics = [#tpu.dimension_semantics<core_parallel>, #tpu.dimension_semantics<subcore_parallel>], iteration_bounds = array<i64: 2, 16>, scalar_prefetch = 0 : i64, scratch_operands = 9 : i64, tpu.core_type = #tpu.core_type<sc_vector_subcore>, window_params = [{transform_indices = #map}, {transform_indices = #map}, {transform_indices = #map}, {transform_indices = #map}, {transform_indices = #map1}]} {
    %mul3A = arith.constant 624 : i32
    %mul3A_0 = arith.muli %arg1, %mul3A : i32
    "tpu.region"() ({
      %run_scoped3A = tpu.sem_alloc : memref<!tpu.dma_semaphore, #tpu.memory_space<semaphore_mem>>
      %dma_start3A = arith.constant 0 : i32
      %dma_start3A_19 = tpu.memref_slice %arg11[%mul3A_0, %dma_start3A] : memref<10008x128xf32, #tpu.memory_space<vmem_shared>> -> memref<624x128xf32, #tpu.memory_space<vmem_shared>>
      %dma_start3A_20 = arith.constant 0 : i32
      %dma_start3A_21 = tpu.memref_slice %arg5[%mul3A_0, %dma_start3A_20] : memref<10000x128xf32, #tpu.memory_space<hbm>> -> memref<624x128xf32, #tpu.memory_space<hbm>>
      tpu.enqueue_dma source(%dma_start3A_21 : memref<624x128xf32, #tpu.memory_space<hbm>>) target(%dma_start3A_19 : memref<624x128xf32, #tpu.memory_space<vmem_shared>>) target_semaphore(%run_scoped3A : memref<!tpu.dma_semaphore, #tpu.memory_space<semaphore_mem>>)
      %dma_wait3A = arith.constant 0 : i32
      %dma_wait3A_22 = tpu.memref_slice %arg11[%mul3A_0, %dma_wait3A] : memref<10008x128xf32, #tpu.memory_space<vmem_shared>> -> memref<624x128xf32, #tpu.memory_space<vmem_shared>>
      %dma_wait3A_23 = arith.constant 0 : i32
      %dma_wait3A_24 = tpu.memref_slice %arg5[%mul3A_0, %dma_wait3A_23] : memref<10000x128xf32, #tpu.memory_space<hbm>> -> memref<624x128xf32, #tpu.memory_space<hbm>>
      tpu.wait_dma2 semaphore(%run_scoped3A : memref<!tpu.dma_semaphore, #tpu.memory_space<semaphore_mem>>) src(%dma_wait3A_24 : memref<624x128xf32, #tpu.memory_space<hbm>>) dst(%dma_wait3A_22 : memref<624x128xf32, #tpu.memory_space<vmem_shared>>)
      tpu.yield
    }) : () -> ()
    %eq3A = arith.constant 15 : i32
    %eq3A_1 = arith.cmpi eq, %arg1, %eq3A : i32
    %convert_element_type3A = arith.extui %eq3A_1 : i1 to i32
    %cond3A = arith.constant 0 : i32
    %cond3A_2 = arith.cmpi ne, %convert_element_type3A, %cond3A : i32
    scf.if %cond3A_2 {
      "tpu.region"() ({
        %run_scoped3A = tpu.sem_alloc : memref<!tpu.dma_semaphore, #tpu.memory_space<semaphore_mem>>
        %dma_start3A = arith.constant 9984 : i32
        %dma_start3A_19 = arith.constant 0 : i32
        %dma_start3A_20 = tpu.memref_slice %arg11[%dma_start3A, %dma_start3A_19] : memref<10008x128xf32, #tpu.memory_space<vmem_shared>> -> memref<16x128xf32, #tpu.memory_space<vmem_shared>>
        %dma_start3A_21 = arith.constant 9984 : i32
        %dma_start3A_22 = arith.constant 0 : i32
        %dma_start3A_23 = tpu.memref_slice %arg5[%dma_start3A_21, %dma_start3A_22] : memref<10000x128xf32, #tpu.memory_space<hbm>> -> memref<16x128xf32, #tpu.memory_space<hbm>>
        tpu.enqueue_dma source(%dma_start3A_23 : memref<16x128xf32, #tpu.memory_space<hbm>>) target(%dma_start3A_20 : memref<16x128xf32, #tpu.memory_space<vmem_shared>>) target_semaphore(%run_scoped3A : memref<!tpu.dma_semaphore, #tpu.memory_space<semaphore_mem>>)
        %dma_wait3A = arith.constant 9984 : i32
        %dma_wait3A_24 = arith.constant 0 : i32
        %dma_wait3A_25 = tpu.memref_slice %arg11[%dma_wait3A, %dma_wait3A_24] : memref<10008x128xf32, #tpu.memory_space<vmem_shared>> -> memref<16x128xf32, #tpu.memory_space<vmem_shared>>
        %dma_wait3A_26 = arith.constant 9984 : i32
        %dma_wait3A_27 = arith.constant 0 : i32
        %dma_wait3A_28 = tpu.memref_slice %arg5[%dma_wait3A_26, %dma_wait3A_27] : memref<10000x128xf32, #tpu.memory_space<hbm>> -> memref<16x128xf32, #tpu.memory_space<hbm>>
        tpu.wait_dma2 semaphore(%run_scoped3A : memref<!tpu.dma_semaphore, #tpu.memory_space<semaphore_mem>>) src(%dma_wait3A_28 : memref<16x128xf32, #tpu.memory_space<hbm>>) dst(%dma_wait3A_25 : memref<16x128xf32, #tpu.memory_space<vmem_shared>>)
        tpu.yield
      }) : () -> ()
    } else {
    }
    %barrier3A = arith.constant 0 : index
    tpu.barrier barrier_id(%barrier3A)
    %eq3A_3 = arith.constant 0 : i32
    %eq3A_4 = arith.cmpi eq, %arg0, %eq3A_3 : i32
    %convert_element_type3A_5 = arith.extui %eq3A_4 : i1 to i32
    %cond3A_6 = arith.constant 0 : i32
    %cond3A_7 = arith.cmpi ne, %convert_element_type3A_5, %cond3A_6 : i32
    scf.if %cond3A_7 {
      %mul3A_19 = arith.constant 160 : i32
      %mul3A_20 = arith.muli %arg1, %mul3A_19 : i32
      %eq3A_21 = arith.constant 0 : i32
      %eq3A_22 = arith.cmpi eq, %arg0, %eq3A_21 : i32
      %jit3A = arith.constant 0 : i32
      %jit3A_23 = arith.constant 88 : i32
      %select_n3A = arith.select %eq3A_22, %jit3A, %jit3A_23 : i32
      %add3A = arith.addi %mul3A_20, %select_n3A : i32
      "tpu.region"() ({
        %run_scoped3A = tpu.sem_alloc : memref<!tpu.dma_semaphore, #tpu.memory_space<semaphore_mem>>
        %dma_start3A_147 = arith.constant 0 : i32
        %dma_start3A_148 = arith.constant 0 : i32
        %dma_start3A_149 = tpu.memref_slice %arg8[%dma_start3A_147, %dma_start3A_148] : memref<48x128xi32, #tpu.memory_space<vmem>> -> memref<48x128xi32, #tpu.memory_space<vmem>>
        %dma_start3A_150 = arith.constant 0 : i32
        %dma_start3A_151 = tpu.memref_slice %arg4[%add3A, %dma_start3A_150] : memref<2560x128xi32, #tpu.memory_space<hbm>> -> memref<48x128xi32, #tpu.memory_space<hbm>>
        %dma_start3A_152 = arith.constant 0 : i32
        %dma_start3A_153 = arith.constant 0 : i32
        %dma_start3A_154 = tpu.memref_slice %arg8[%dma_start3A_152, %dma_start3A_153] : memref<48x128xi32, #tpu.memory_space<vmem>> -> memref<48x128xi32, #tpu.memory_space<vmem>>
        %dma_start3A_155 = arith.constant 0 : i32
        %dma_start3A_156 = tpu.memref_slice %arg4[%add3A, %dma_start3A_155] : memref<2560x128xi32, #tpu.memory_space<hbm>> -> memref<48x128xi32, #tpu.memory_space<hbm>>
        tpu.enqueue_dma source(%dma_start3A_156 : memref<48x128xi32, #tpu.memory_space<hbm>>) target(%dma_start3A_154 : memref<48x128xi32, #tpu.memory_space<vmem>>) target_semaphore(%run_scoped3A : memref<!tpu.dma_semaphore, #tpu.memory_space<semaphore_mem>>)
        %dma_wait3A_157 = arith.constant 0 : i32
        %dma_wait3A_158 = arith.constant 0 : i32
        %dma_wait3A_159 = tpu.memref_slice %arg8[%dma_wait3A_157, %dma_wait3A_158] : memref<48x128xi32, #tpu.memory_space<vmem>> -> memref<48x128xi32, #tpu.memory_space<vmem>>
        %dma_wait3A_160 = arith.constant 0 : i32
        %dma_wait3A_161 = tpu.memref_slice %arg4[%add3A, %dma_wait3A_160] : memref<2560x128xi32, #tpu.memory_space<hbm>> -> memref<48x128xi32, #tpu.memory_space<hbm>>
        %dma_wait3A_162 = arith.constant 0 : i32
        %dma_wait3A_163 = arith.constant 0 : i32
        %dma_wait3A_164 = tpu.memref_slice %arg8[%dma_wait3A_162, %dma_wait3A_163] : memref<48x128xi32, #tpu.memory_space<vmem>> -> memref<48x128xi32, #tpu.memory_space<vmem>>
        %dma_wait3A_165 = arith.constant 0 : i32
        %dma_wait3A_166 = tpu.memref_slice %arg4[%add3A, %dma_wait3A_165] : memref<2560x128xi32, #tpu.memory_space<hbm>> -> memref<48x128xi32, #tpu.memory_space<hbm>>
        tpu.wait_dma2 semaphore(%run_scoped3A : memref<!tpu.dma_semaphore, #tpu.memory_space<semaphore_mem>>) src(%dma_wait3A_166 : memref<48x128xi32, #tpu.memory_space<hbm>>) dst(%dma_wait3A_164 : memref<48x128xi32, #tpu.memory_space<vmem>>)
        tpu.yield
      }) : () -> ()
      "tpu.region"() ({
        %run_scoped3A = tpu.sem_alloc : memref<!tpu.dma_semaphore, #tpu.memory_space<semaphore_mem>>
        %dma_start3A_147 = arith.constant 0 : i32
        %dma_start3A_148 = arith.constant 0 : i32
        %dma_start3A_149 = tpu.memref_slice %arg7[%dma_start3A_147, %dma_start3A_148] : memref<48x128xi32, #tpu.memory_space<vmem>> -> memref<48x128xi32, #tpu.memory_space<vmem>>
        %dma_start3A_150 = arith.constant 0 : i32
        %dma_start3A_151 = tpu.memref_slice %arg3[%add3A, %dma_start3A_150] : memref<2560x128xi32, #tpu.memory_space<hbm>> -> memref<48x128xi32, #tpu.memory_space<hbm>>
        %dma_start3A_152 = arith.constant 0 : i32
        %dma_start3A_153 = arith.constant 0 : i32
        %dma_start3A_154 = tpu.memref_slice %arg7[%dma_start3A_152, %dma_start3A_153] : memref<48x128xi32, #tpu.memory_space<vmem>> -> memref<48x128xi32, #tpu.memory_space<vmem>>
        %dma_start3A_155 = arith.constant 0 : i32
        %dma_start3A_156 = tpu.memref_slice %arg3[%add3A, %dma_start3A_155] : memref<2560x128xi32, #tpu.memory_space<hbm>> -> memref<48x128xi32, #tpu.memory_space<hbm>>
        tpu.enqueue_dma source(%dma_start3A_156 : memref<48x128xi32, #tpu.memory_space<hbm>>) target(%dma_start3A_154 : memref<48x128xi32, #tpu.memory_space<vmem>>) target_semaphore(%run_scoped3A : memref<!tpu.dma_semaphore, #tpu.memory_space<semaphore_mem>>)
        %dma_wait3A_157 = arith.constant 0 : i32
        %dma_wait3A_158 = arith.constant 0 : i32
        %dma_wait3A_159 = tpu.memref_slice %arg7[%dma_wait3A_157, %dma_wait3A_158] : memref<48x128xi32, #tpu.memory_space<vmem>> -> memref<48x128xi32, #tpu.memory_space<vmem>>
        %dma_wait3A_160 = arith.constant 0 : i32
        %dma_wait3A_161 = tpu.memref_slice %arg3[%add3A, %dma_wait3A_160] : memref<2560x128xi32, #tpu.memory_space<hbm>> -> memref<48x128xi32, #tpu.memory_space<hbm>>
        %dma_wait3A_162 = arith.constant 0 : i32
        %dma_wait3A_163 = arith.constant 0 : i32
        %dma_wait3A_164 = tpu.memref_slice %arg7[%dma_wait3A_162, %dma_wait3A_163] : memref<48x128xi32, #tpu.memory_space<vmem>> -> memref<48x128xi32, #tpu.memory_space<vmem>>
        %dma_wait3A_165 = arith.constant 0 : i32
        %dma_wait3A_166 = tpu.memref_slice %arg3[%add3A, %dma_wait3A_165] : memref<2560x128xi32, #tpu.memory_space<hbm>> -> memref<48x128xi32, #tpu.memory_space<hbm>>
        tpu.wait_dma2 semaphore(%run_scoped3A : memref<!tpu.dma_semaphore, #tpu.memory_space<semaphore_mem>>) src(%dma_wait3A_166 : memref<48x128xi32, #tpu.memory_space<hbm>>) dst(%dma_wait3A_164 : memref<48x128xi32, #tpu.memory_space<vmem>>)
        tpu.yield
      }) : () -> ()
      %dma_start3A = arith.constant 0 : i32
      %dma_start3A_24 = arith.constant 0 : i32
      %dma_start3A_25 = tpu.memref_slice %arg7[%dma_start3A, %dma_start3A_24] : memref<48x128xi32, #tpu.memory_space<vmem>> -> memref<1x128xi32, #tpu.memory_space<vmem>>
      %dma_start3A_26 = tpu.memref_squeeze %dma_start3A_25 : memref<1x128xi32, #tpu.memory_space<vmem>> -> memref<128xi32, #tpu.memory_space<vmem>>
      %dma_start3A_27 = arith.constant 0 : i32
      %dma_start3A_28 = arith.constant 0 : i32
      %dma_start3A_29 = tpu.memref_slice %arg2[%dma_start3A_27, %dma_start3A_28] : memref<10008x128xf32, #tpu.memory_space<hbm>> -> memref<10008x128xf32, #tpu.memory_space<hbm>>
      tpu.enqueue_indirect_dma source(%dma_start3A_29 : memref<10008x128xf32, #tpu.memory_space<hbm>>) target(%arg9 : memref<128x128xf32, #tpu.memory_space<vmem>>) offsets(%dma_start3A_26 : memref<128xi32, #tpu.memory_space<vmem>>) semaphore(%arg12 : memref<!tpu.dma_semaphore, #tpu.memory_space<semaphore_mem>>)
      %dma_wait3A = arith.constant 0 : i32
      %dma_wait3A_30 = arith.constant 0 : i32
      %dma_wait3A_31 = tpu.memref_slice %arg7[%dma_wait3A, %dma_wait3A_30] : memref<48x128xi32, #tpu.memory_space<vmem>> -> memref<1x128xi32, #tpu.memory_space<vmem>>
      %dma_wait3A_32 = tpu.memref_squeeze %dma_wait3A_31 : memref<1x128xi32, #tpu.memory_space<vmem>> -> memref<128xi32, #tpu.memory_space<vmem>>
      %dma_wait3A_33 = arith.constant 0 : i32
      %dma_wait3A_34 = arith.constant 0 : i32
      %dma_wait3A_35 = tpu.memref_slice %arg2[%dma_wait3A_33, %dma_wait3A_34] : memref<10008x128xf32, #tpu.memory_space<hbm>> -> memref<10008x128xf32, #tpu.memory_space<hbm>>
      tpu.wait_indirect_dma semaphore(%arg12 : memref<!tpu.dma_semaphore, #tpu.memory_space<semaphore_mem>>) src(%dma_wait3A_35 : memref<10008x128xf32, #tpu.memory_space<hbm>>) dst(%arg9 : memref<128x128xf32, #tpu.memory_space<vmem>>)
      %dma_start3A_36 = arith.constant 0 : i32
      %dma_start3A_37 = arith.constant 0 : i32
      %dma_start3A_38 = tpu.memref_slice %arg8[%dma_start3A_36, %dma_start3A_37] : memref<48x128xi32, #tpu.memory_space<vmem>> -> memref<1x128xi32, #tpu.memory_space<vmem>>
      %dma_start3A_39 = tpu.memref_squeeze %dma_start3A_38 : memref<1x128xi32, #tpu.memory_space<vmem>> -> memref<128xi32, #tpu.memory_space<vmem>>
      %dma_start3A_40 = arith.constant 0 : i32
      %dma_start3A_41 = arith.constant 0 : i32
      %dma_start3A_42 = tpu.memref_slice %arg11[%dma_start3A_40, %dma_start3A_41] : memref<10008x128xf32, #tpu.memory_space<vmem_shared>> -> memref<10008x128xf32, #tpu.memory_space<vmem_shared>>
      tpu.enqueue_indirect_dma source(%arg9 : memref<128x128xf32, #tpu.memory_space<vmem>>) target(%dma_start3A_42 : memref<10008x128xf32, #tpu.memory_space<vmem_shared>>) offsets(%dma_start3A_39 : memref<128xi32, #tpu.memory_space<vmem>>) semaphore(%arg14 : memref<!tpu.dma_semaphore, #tpu.memory_space<semaphore_mem>>) {add = true}
      %dma_start3A_43 = arith.constant 1 : i32
      %dma_start3A_44 = arith.constant 0 : i32
      %dma_start3A_45 = tpu.memref_slice %arg7[%dma_start3A_43, %dma_start3A_44] : memref<48x128xi32, #tpu.memory_space<vmem>> -> memref<1x128xi32, #tpu.memory_space<vmem>>
      %dma_start3A_46 = tpu.memref_squeeze %dma_start3A_45 : memref<1x128xi32, #tpu.memory_space<vmem>> -> memref<128xi32, #tpu.memory_space<vmem>>
      %dma_start3A_47 = arith.constant 0 : i32
      %dma_start3A_48 = arith.constant 0 : i32
      %dma_start3A_49 = tpu.memref_slice %arg2[%dma_start3A_47, %dma_start3A_48] : memref<10008x128xf32, #tpu.memory_space<hbm>> -> memref<10008x128xf32, #tpu.memory_space<hbm>>
      tpu.enqueue_indirect_dma source(%dma_start3A_49 : memref<10008x128xf32, #tpu.memory_space<hbm>>) target(%arg10 : memref<128x128xf32, #tpu.memory_space<vmem>>) offsets(%dma_start3A_46 : memref<128xi32, #tpu.memory_space<vmem>>) semaphore(%arg13 : memref<!tpu.dma_semaphore, #tpu.memory_space<semaphore_mem>>)
      %scan3A = arith.constant 0 : i32
      %scan3A_50 = arith.constant 0 : i32
      %scan3A_51 = arith.constant 23 : i32
      %scan3A_52 = arith.addi %scan3A_50, %scan3A_51 : i32
      %scan3A_53 = arith.constant 1 : i32
      scf.for %scan3A_147 = %scan3A_50 to %scan3A_52 step %scan3A_53  : i32 {
        %mul3A_148 = arith.constant 2 : i32
        %mul3A_149 = arith.muli %mul3A_148, %scan3A_147 : i32
        %add3A_150 = arith.constant 1 : i32
        %add3A_151 = arith.addi %mul3A_149, %add3A_150 : i32
        %dma_wait3A_152 = arith.constant 0 : i32
        %dma_wait3A_153 = tpu.memref_slice %arg7[%add3A_151, %dma_wait3A_152] : memref<48x128xi32, #tpu.memory_space<vmem>> -> memref<1x128xi32, #tpu.memory_space<vmem>>
        %dma_wait3A_154 = tpu.memref_squeeze %dma_wait3A_153 : memref<1x128xi32, #tpu.memory_space<vmem>> -> memref<128xi32, #tpu.memory_space<vmem>>
        %dma_wait3A_155 = arith.constant 0 : i32
        %dma_wait3A_156 = arith.constant 0 : i32
        %dma_wait3A_157 = tpu.memref_slice %arg2[%dma_wait3A_155, %dma_wait3A_156] : memref<10008x128xf32, #tpu.memory_space<hbm>> -> memref<10008x128xf32, #tpu.memory_space<hbm>>
        tpu.wait_indirect_dma semaphore(%arg13 : memref<!tpu.dma_semaphore, #tpu.memory_space<semaphore_mem>>) src(%dma_wait3A_157 : memref<10008x128xf32, #tpu.memory_space<hbm>>) dst(%arg10 : memref<128x128xf32, #tpu.memory_space<vmem>>)
        %dma_start3A_158 = arith.constant 0 : i32
        %dma_start3A_159 = tpu.memref_slice %arg8[%add3A_151, %dma_start3A_158] : memref<48x128xi32, #tpu.memory_space<vmem>> -> memref<1x128xi32, #tpu.memory_space<vmem>>
        %dma_start3A_160 = tpu.memref_squeeze %dma_start3A_159 : memref<1x128xi32, #tpu.memory_space<vmem>> -> memref<128xi32, #tpu.memory_space<vmem>>
        %dma_start3A_161 = arith.constant 0 : i32
        %dma_start3A_162 = arith.constant 0 : i32
        %dma_start3A_163 = tpu.memref_slice %arg11[%dma_start3A_161, %dma_start3A_162] : memref<10008x128xf32, #tpu.memory_space<vmem_shared>> -> memref<10008x128xf32, #tpu.memory_space<vmem_shared>>
        tpu.enqueue_indirect_dma source(%arg10 : memref<128x128xf32, #tpu.memory_space<vmem>>) target(%dma_start3A_163 : memref<10008x128xf32, #tpu.memory_space<vmem_shared>>) offsets(%dma_start3A_160 : memref<128xi32, #tpu.memory_space<vmem>>) semaphore(%arg15 : memref<!tpu.dma_semaphore, #tpu.memory_space<semaphore_mem>>) {add = true}
        %sub3A = arith.constant 1 : i32
        %sub3A_164 = arith.subi %add3A_151, %sub3A : i32
        %dma_wait3A_165 = arith.constant 0 : i32
        %dma_wait3A_166 = tpu.memref_slice %arg8[%sub3A_164, %dma_wait3A_165] : memref<48x128xi32, #tpu.memory_space<vmem>> -> memref<1x128xi32, #tpu.memory_space<vmem>>
        %dma_wait3A_167 = tpu.memref_squeeze %dma_wait3A_166 : memref<1x128xi32, #tpu.memory_space<vmem>> -> memref<128xi32, #tpu.memory_space<vmem>>
        %dma_wait3A_168 = arith.constant 0 : i32
        %dma_wait3A_169 = arith.constant 0 : i32
        %dma_wait3A_170 = tpu.memref_slice %arg11[%dma_wait3A_168, %dma_wait3A_169] : memref<10008x128xf32, #tpu.memory_space<vmem_shared>> -> memref<10008x128xf32, #tpu.memory_space<vmem_shared>>
        tpu.wait_indirect_dma semaphore(%arg14 : memref<!tpu.dma_semaphore, #tpu.memory_space<semaphore_mem>>) src(%arg9 : memref<128x128xf32, #tpu.memory_space<vmem>>) dst(%dma_wait3A_170 : memref<10008x128xf32, #tpu.memory_space<vmem_shared>>)
        %add3A_171 = arith.constant 1 : i32
        %add3A_172 = arith.addi %add3A_151, %add3A_171 : i32
        %lt3A = arith.constant 48 : i32
        %lt3A_173 = arith.cmpi slt, %add3A_172, %lt3A : i32
        %convert_element_type3A_174 = arith.extui %lt3A_173 : i1 to i32
        %cond3A_175 = arith.constant 0 : i32
        %cond3A_176 = arith.cmpi ne, %convert_element_type3A_174, %cond3A_175 : i32
        scf.if %cond3A_176 {
          %add3A_208 = arith.constant 1 : i32
          %add3A_209 = arith.addi %add3A_151, %add3A_208 : i32
          %dma_start3A_210 = arith.constant 0 : i32
          %dma_start3A_211 = tpu.memref_slice %arg7[%add3A_209, %dma_start3A_210] : memref<48x128xi32, #tpu.memory_space<vmem>> -> memref<1x128xi32, #tpu.memory_space<vmem>>
          %dma_start3A_212 = tpu.memref_squeeze %dma_start3A_211 : memref<1x128xi32, #tpu.memory_space<vmem>> -> memref<128xi32, #tpu.memory_space<vmem>>
          %dma_start3A_213 = arith.constant 0 : i32
          %dma_start3A_214 = arith.constant 0 : i32
          %dma_start3A_215 = tpu.memref_slice %arg2[%dma_start3A_213, %dma_start3A_214] : memref<10008x128xf32, #tpu.memory_space<hbm>> -> memref<10008x128xf32, #tpu.memory_space<hbm>>
          tpu.enqueue_indirect_dma source(%dma_start3A_215 : memref<10008x128xf32, #tpu.memory_space<hbm>>) target(%arg9 : memref<128x128xf32, #tpu.memory_space<vmem>>) offsets(%dma_start3A_212 : memref<128xi32, #tpu.memory_space<vmem>>) semaphore(%arg12 : memref<!tpu.dma_semaphore, #tpu.memory_space<semaphore_mem>>)
        } else {
        }
        %mul3A_177 = arith.constant 2 : i32
        %mul3A_178 = arith.muli %mul3A_177, %scan3A_147 : i32
        %add3A_179 = arith.constant 2 : i32
        %add3A_180 = arith.addi %mul3A_178, %add3A_179 : i32
        %dma_wait3A_181 = arith.constant 0 : i32
        %dma_wait3A_182 = tpu.memref_slice %arg7[%add3A_180, %dma_wait3A_181] : memref<48x128xi32, #tpu.memory_space<vmem>> -> memref<1x128xi32, #tpu.memory_space<vmem>>
        %dma_wait3A_183 = tpu.memref_squeeze %dma_wait3A_182 : memref<1x128xi32, #tpu.memory_space<vmem>> -> memref<128xi32, #tpu.memory_space<vmem>>
        %dma_wait3A_184 = arith.constant 0 : i32
        %dma_wait3A_185 = arith.constant 0 : i32
        %dma_wait3A_186 = tpu.memref_slice %arg2[%dma_wait3A_184, %dma_wait3A_185] : memref<10008x128xf32, #tpu.memory_space<hbm>> -> memref<10008x128xf32, #tpu.memory_space<hbm>>
        tpu.wait_indirect_dma semaphore(%arg12 : memref<!tpu.dma_semaphore, #tpu.memory_space<semaphore_mem>>) src(%dma_wait3A_186 : memref<10008x128xf32, #tpu.memory_space<hbm>>) dst(%arg9 : memref<128x128xf32, #tpu.memory_space<vmem>>)
        %dma_start3A_187 = arith.constant 0 : i32
        %dma_start3A_188 = tpu.memref_slice %arg8[%add3A_180, %dma_start3A_187] : memref<48x128xi32, #tpu.memory_space<vmem>> -> memref<1x128xi32, #tpu.memory_space<vmem>>
        %dma_start3A_189 = tpu.memref_squeeze %dma_start3A_188 : memref<1x128xi32, #tpu.memory_space<vmem>> -> memref<128xi32, #tpu.memory_space<vmem>>
        %dma_start3A_190 = arith.constant 0 : i32
        %dma_start3A_191 = arith.constant 0 : i32
        %dma_start3A_192 = tpu.memref_slice %arg11[%dma_start3A_190, %dma_start3A_191] : memref<10008x128xf32, #tpu.memory_space<vmem_shared>> -> memref<10008x128xf32, #tpu.memory_space<vmem_shared>>
        tpu.enqueue_indirect_dma source(%arg9 : memref<128x128xf32, #tpu.memory_space<vmem>>) target(%dma_start3A_192 : memref<10008x128xf32, #tpu.memory_space<vmem_shared>>) offsets(%dma_start3A_189 : memref<128xi32, #tpu.memory_space<vmem>>) semaphore(%arg14 : memref<!tpu.dma_semaphore, #tpu.memory_space<semaphore_mem>>) {add = true}
        %sub3A_193 = arith.constant 1 : i32
        %sub3A_194 = arith.subi %add3A_180, %sub3A_193 : i32
        %dma_wait3A_195 = arith.constant 0 : i32
        %dma_wait3A_196 = tpu.memref_slice %arg8[%sub3A_194, %dma_wait3A_195] : memref<48x128xi32, #tpu.memory_space<vmem>> -> memref<1x128xi32, #tpu.memory_space<vmem>>
        %dma_wait3A_197 = tpu.memref_squeeze %dma_wait3A_196 : memref<1x128xi32, #tpu.memory_space<vmem>> -> memref<128xi32, #tpu.memory_space<vmem>>
        %dma_wait3A_198 = arith.constant 0 : i32
        %dma_wait3A_199 = arith.constant 0 : i32
        %dma_wait3A_200 = tpu.memref_slice %arg11[%dma_wait3A_198, %dma_wait3A_199] : memref<10008x128xf32, #tpu.memory_space<vmem_shared>> -> memref<10008x128xf32, #tpu.memory_space<vmem_shared>>
        tpu.wait_indirect_dma semaphore(%arg15 : memref<!tpu.dma_semaphore, #tpu.memory_space<semaphore_mem>>) src(%arg10 : memref<128x128xf32, #tpu.memory_space<vmem>>) dst(%dma_wait3A_200 : memref<10008x128xf32, #tpu.memory_space<vmem_shared>>)
        %add3A_201 = arith.constant 1 : i32
        %add3A_202 = arith.addi %add3A_180, %add3A_201 : i32
        %lt3A_203 = arith.constant 48 : i32
        %lt3A_204 = arith.cmpi slt, %add3A_202, %lt3A_203 : i32
        %convert_element_type3A_205 = arith.extui %lt3A_204 : i1 to i32
        %cond3A_206 = arith.constant 0 : i32
        %cond3A_207 = arith.cmpi ne, %convert_element_type3A_205, %cond3A_206 : i32
        scf.if %cond3A_207 {
          %add3A_208 = arith.constant 1 : i32
          %add3A_209 = arith.addi %add3A_180, %add3A_208 : i32
          %dma_start3A_210 = arith.constant 0 : i32
          %dma_start3A_211 = tpu.memref_slice %arg7[%add3A_209, %dma_start3A_210] : memref<48x128xi32, #tpu.memory_space<vmem>> -> memref<1x128xi32, #tpu.memory_space<vmem>>
          %dma_start3A_212 = tpu.memref_squeeze %dma_start3A_211 : memref<1x128xi32, #tpu.memory_space<vmem>> -> memref<128xi32, #tpu.memory_space<vmem>>
          %dma_start3A_213 = arith.constant 0 : i32
          %dma_start3A_214 = arith.constant 0 : i32
          %dma_start3A_215 = tpu.memref_slice %arg2[%dma_start3A_213, %dma_start3A_214] : memref<10008x128xf32, #tpu.memory_space<hbm>> -> memref<10008x128xf32, #tpu.memory_space<hbm>>
          tpu.enqueue_indirect_dma source(%dma_start3A_215 : memref<10008x128xf32, #tpu.memory_space<hbm>>) target(%arg10 : memref<128x128xf32, #tpu.memory_space<vmem>>) offsets(%dma_start3A_212 : memref<128xi32, #tpu.memory_space<vmem>>) semaphore(%arg13 : memref<!tpu.dma_semaphore, #tpu.memory_space<semaphore_mem>>)
        } else {
        }
      }
      %scan3A_54 = arith.constant 23 : i32
      %dma_wait3A_55 = arith.constant 47 : i32
      %dma_wait3A_56 = arith.constant 0 : i32
      %dma_wait3A_57 = tpu.memref_slice %arg7[%dma_wait3A_55, %dma_wait3A_56] : memref<48x128xi32, #tpu.memory_space<vmem>> -> memref<1x128xi32, #tpu.memory_space<vmem>>
      %dma_wait3A_58 = tpu.memref_squeeze %dma_wait3A_57 : memref<1x128xi32, #tpu.memory_space<vmem>> -> memref<128xi32, #tpu.memory_space<vmem>>
      %dma_wait3A_59 = arith.constant 0 : i32
      %dma_wait3A_60 = arith.constant 0 : i32
      %dma_wait3A_61 = tpu.memref_slice %arg2[%dma_wait3A_59, %dma_wait3A_60] : memref<10008x128xf32, #tpu.memory_space<hbm>> -> memref<10008x128xf32, #tpu.memory_space<hbm>>
      tpu.wait_indirect_dma semaphore(%arg13 : memref<!tpu.dma_semaphore, #tpu.memory_space<semaphore_mem>>) src(%dma_wait3A_61 : memref<10008x128xf32, #tpu.memory_space<hbm>>) dst(%arg10 : memref<128x128xf32, #tpu.memory_space<vmem>>)
      %dma_start3A_62 = arith.constant 47 : i32
      %dma_start3A_63 = arith.constant 0 : i32
      %dma_start3A_64 = tpu.memref_slice %arg8[%dma_start3A_62, %dma_start3A_63] : memref<48x128xi32, #tpu.memory_space<vmem>> -> memref<1x128xi32, #tpu.memory_space<vmem>>
      %dma_start3A_65 = tpu.memref_squeeze %dma_start3A_64 : memref<1x128xi32, #tpu.memory_space<vmem>> -> memref<128xi32, #tpu.memory_space<vmem>>
      %dma_start3A_66 = arith.constant 0 : i32
      %dma_start3A_67 = arith.constant 0 : i32
      %dma_start3A_68 = tpu.memref_slice %arg11[%dma_start3A_66, %dma_start3A_67] : memref<10008x128xf32, #tpu.memory_space<vmem_shared>> -> memref<10008x128xf32, #tpu.memory_space<vmem_shared>>
      tpu.enqueue_indirect_dma source(%arg10 : memref<128x128xf32, #tpu.memory_space<vmem>>) target(%dma_start3A_68 : memref<10008x128xf32, #tpu.memory_space<vmem_shared>>) offsets(%dma_start3A_65 : memref<128xi32, #tpu.memory_space<vmem>>) semaphore(%arg15 : memref<!tpu.dma_semaphore, #tpu.memory_space<semaphore_mem>>) {add = true}
      %dma_wait3A_69 = arith.constant 46 : i32
      %dma_wait3A_70 = arith.constant 0 : i32
      %dma_wait3A_71 = tpu.memref_slice %arg8[%dma_wait3A_69, %dma_wait3A_70] : memref<48x128xi32, #tpu.memory_space<vmem>> -> memref<1x128xi32, #tpu.memory_space<vmem>>
      %dma_wait3A_72 = tpu.memref_squeeze %dma_wait3A_71 : memref<1x128xi32, #tpu.memory_space<vmem>> -> memref<128xi32, #tpu.memory_space<vmem>>
      %dma_wait3A_73 = arith.constant 0 : i32
      %dma_wait3A_74 = arith.constant 0 : i32
      %dma_wait3A_75 = tpu.memref_slice %arg11[%dma_wait3A_73, %dma_wait3A_74] : memref<10008x128xf32, #tpu.memory_space<vmem_shared>> -> memref<10008x128xf32, #tpu.memory_space<vmem_shared>>
      tpu.wait_indirect_dma semaphore(%arg14 : memref<!tpu.dma_semaphore, #tpu.memory_space<semaphore_mem>>) src(%arg9 : memref<128x128xf32, #tpu.memory_space<vmem>>) dst(%dma_wait3A_75 : memref<10008x128xf32, #tpu.memory_space<vmem_shared>>)
      %dma_wait3A_76 = arith.constant 47 : i32
      %dma_wait3A_77 = arith.constant 0 : i32
      %dma_wait3A_78 = tpu.memref_slice %arg8[%dma_wait3A_76, %dma_wait3A_77] : memref<48x128xi32, #tpu.memory_space<vmem>> -> memref<1x128xi32, #tpu.memory_space<vmem>>
      %dma_wait3A_79 = tpu.memref_squeeze %dma_wait3A_78 : memref<1x128xi32, #tpu.memory_space<vmem>> -> memref<128xi32, #tpu.memory_space<vmem>>
      %dma_wait3A_80 = arith.constant 0 : i32
      %dma_wait3A_81 = arith.constant 0 : i32
      %dma_wait3A_82 = tpu.memref_slice %arg11[%dma_wait3A_80, %dma_wait3A_81] : memref<10008x128xf32, #tpu.memory_space<vmem_shared>> -> memref<10008x128xf32, #tpu.memory_space<vmem_shared>>
      tpu.wait_indirect_dma semaphore(%arg15 : memref<!tpu.dma_semaphore, #tpu.memory_space<semaphore_mem>>) src(%arg10 : memref<128x128xf32, #tpu.memory_space<vmem>>) dst(%dma_wait3A_82 : memref<10008x128xf32, #tpu.memory_space<vmem_shared>>)
      %add3A_83 = arith.constant 48 : i32
      %add3A_84 = arith.addi %add3A, %add3A_83 : i32
      "tpu.region"() ({
        %run_scoped3A = tpu.sem_alloc : memref<!tpu.dma_semaphore, #tpu.memory_space<semaphore_mem>>
        %dma_start3A_147 = arith.constant 0 : i32
        %dma_start3A_148 = arith.constant 0 : i32
        %dma_start3A_149 = tpu.memref_slice %arg8[%dma_start3A_147, %dma_start3A_148] : memref<48x128xi32, #tpu.memory_space<vmem>> -> memref<40x128xi32, #tpu.memory_space<vmem>>
        %dma_start3A_150 = arith.constant 0 : i32
        %dma_start3A_151 = tpu.memref_slice %arg4[%add3A_84, %dma_start3A_150] : memref<2560x128xi32, #tpu.memory_space<hbm>> -> memref<40x128xi32, #tpu.memory_space<hbm>>
        %dma_start3A_152 = arith.constant 0 : i32
        %dma_start3A_153 = arith.constant 0 : i32
        %dma_start3A_154 = tpu.memref_slice %arg8[%dma_start3A_152, %dma_start3A_153] : memref<48x128xi32, #tpu.memory_space<vmem>> -> memref<40x128xi32, #tpu.memory_space<vmem>>
        %dma_start3A_155 = arith.constant 0 : i32
        %dma_start3A_156 = tpu.memref_slice %arg4[%add3A_84, %dma_start3A_155] : memref<2560x128xi32, #tpu.memory_space<hbm>> -> memref<40x128xi32, #tpu.memory_space<hbm>>
        tpu.enqueue_dma source(%dma_start3A_156 : memref<40x128xi32, #tpu.memory_space<hbm>>) target(%dma_start3A_154 : memref<40x128xi32, #tpu.memory_space<vmem>>) target_semaphore(%run_scoped3A : memref<!tpu.dma_semaphore, #tpu.memory_space<semaphore_mem>>)
        %dma_wait3A_157 = arith.constant 0 : i32
        %dma_wait3A_158 = arith.constant 0 : i32
        %dma_wait3A_159 = tpu.memref_slice %arg8[%dma_wait3A_157, %dma_wait3A_158] : memref<48x128xi32, #tpu.memory_space<vmem>> -> memref<40x128xi32, #tpu.memory_space<vmem>>
        %dma_wait3A_160 = arith.constant 0 : i32
        %dma_wait3A_161 = tpu.memref_slice %arg4[%add3A_84, %dma_wait3A_160] : memref<2560x128xi32, #tpu.memory_space<hbm>> -> memref<40x128xi32, #tpu.memory_space<hbm>>
        %dma_wait3A_162 = arith.constant 0 : i32
        %dma_wait3A_163 = arith.constant 0 : i32
        %dma_wait3A_164 = tpu.memref_slice %arg8[%dma_wait3A_162, %dma_wait3A_163] : memref<48x128xi32, #tpu.memory_space<vmem>> -> memref<40x128xi32, #tpu.memory_space<vmem>>
        %dma_wait3A_165 = arith.constant 0 : i32
        %dma_wait3A_166 = tpu.memref_slice %arg4[%add3A_84, %dma_wait3A_165] : memref<2560x128xi32, #tpu.memory_space<hbm>> -> memref<40x128xi32, #tpu.memory_space<hbm>>
        tpu.wait_dma2 semaphore(%run_scoped3A : memref<!tpu.dma_semaphore, #tpu.memory_space<semaphore_mem>>) src(%dma_wait3A_166 : memref<40x128xi32, #tpu.memory_space<hbm>>) dst(%dma_wait3A_164 : memref<40x128xi32, #tpu.memory_space<vmem>>)
        tpu.yield
      }) : () -> ()
      "tpu.region"() ({
        %run_scoped3A = tpu.sem_alloc : memref<!tpu.dma_semaphore, #tpu.memory_space<semaphore_mem>>
        %dma_start3A_147 = arith.constant 0 : i32
        %dma_start3A_148 = arith.constant 0 : i32
        %dma_start3A_149 = tpu.memref_slice %arg7[%dma_start3A_147, %dma_start3A_148] : memref<48x128xi32, #tpu.memory_space<vmem>> -> memref<40x128xi32, #tpu.memory_space<vmem>>
        %dma_start3A_150 = arith.constant 0 : i32
        %dma_start3A_151 = tpu.memref_slice %arg3[%add3A_84, %dma_start3A_150] : memref<2560x128xi32, #tpu.memory_space<hbm>> -> memref<40x128xi32, #tpu.memory_space<hbm>>
        %dma_start3A_152 = arith.constant 0 : i32
        %dma_start3A_153 = arith.constant 0 : i32
        %dma_start3A_154 = tpu.memref_slice %arg7[%dma_start3A_152, %dma_start3A_153] : memref<48x128xi32, #tpu.memory_space<vmem>> -> memref<40x128xi32, #tpu.memory_space<vmem>>
        %dma_start3A_155 = arith.constant 0 : i32
        %dma_start3A_156 = tpu.memref_slice %arg3[%add3A_84, %dma_start3A_155] : memref<2560x128xi32, #tpu.memory_space<hbm>> -> memref<40x128xi32, #tpu.memory_space<hbm>>
        tpu.enqueue_dma source(%dma_start3A_156 : memref<40x128xi32, #tpu.memory_space<hbm>>) target(%dma_start3A_154 : memref<40x128xi32, #tpu.memory_space<vmem>>) target_semaphore(%run_scoped3A : memref<!tpu.dma_semaphore, #tpu.memory_space<semaphore_mem>>)
        %dma_wait3A_157 = arith.constant 0 : i32
        %dma_wait3A_158 = arith.constant 0 : i32
        %dma_wait3A_159 = tpu.memref_slice %arg7[%dma_wait3A_157, %dma_wait3A_158] : memref<48x128xi32, #tpu.memory_space<vmem>> -> memref<40x128xi32, #tpu.memory_space<vmem>>
        %dma_wait3A_160 = arith.constant 0 : i32
        %dma_wait3A_161 = tpu.memref_slice %arg3[%add3A_84, %dma_wait3A_160] : memref<2560x128xi32, #tpu.memory_space<hbm>> -> memref<40x128xi32, #tpu.memory_space<hbm>>
        %dma_wait3A_162 = arith.constant 0 : i32
        %dma_wait3A_163 = arith.constant 0 : i32
        %dma_wait3A_164 = tpu.memref_slice %arg7[%dma_wait3A_162, %dma_wait3A_163] : memref<48x128xi32, #tpu.memory_space<vmem>> -> memref<40x128xi32, #tpu.memory_space<vmem>>
        %dma_wait3A_165 = arith.constant 0 : i32
        %dma_wait3A_166 = tpu.memref_slice %arg3[%add3A_84, %dma_wait3A_165] : memref<2560x128xi32, #tpu.memory_space<hbm>> -> memref<40x128xi32, #tpu.memory_space<hbm>>
        tpu.wait_dma2 semaphore(%run_scoped3A : memref<!tpu.dma_semaphore, #tpu.memory_space<semaphore_mem>>) src(%dma_wait3A_166 : memref<40x128xi32, #tpu.memory_space<hbm>>) dst(%dma_wait3A_164 : memref<40x128xi32, #tpu.memory_space<vmem>>)
        tpu.yield
      }) : () -> ()
      %dma_start3A_85 = arith.constant 0 : i32
      %dma_start3A_86 = arith.constant 0 : i32
      %dma_start3A_87 = tpu.memref_slice %arg7[%dma_start3A_85, %dma_start3A_86] : memref<48x128xi32, #tpu.memory_space<vmem>> -> memref<1x128xi32, #tpu.memory_space<vmem>>
      %dma_start3A_88 = tpu.memref_squeeze %dma_start3A_87 : memref<1x128xi32, #tpu.memory_space<vmem>> -> memref<128xi32, #tpu.memory_space<vmem>>
      %dma_start3A_89 = arith.constant 0 : i32
      %dma_start3A_90 = arith.constant 0 : i32
      %dma_start3A_91 = tpu.memref_slice %arg2[%dma_start3A_89, %dma_start3A_90] : memref<10008x128xf32, #tpu.memory_space<hbm>> -> memref<10008x128xf32, #tpu.memory_space<hbm>>
      tpu.enqueue_indirect_dma source(%dma_start3A_91 : memref<10008x128xf32, #tpu.memory_space<hbm>>) target(%arg9 : memref<128x128xf32, #tpu.memory_space<vmem>>) offsets(%dma_start3A_88 : memref<128xi32, #tpu.memory_space<vmem>>) semaphore(%arg12 : memref<!tpu.dma_semaphore, #tpu.memory_space<semaphore_mem>>)
      %dma_wait3A_92 = arith.constant 0 : i32
      %dma_wait3A_93 = arith.constant 0 : i32
      %dma_wait3A_94 = tpu.memref_slice %arg7[%dma_wait3A_92, %dma_wait3A_93] : memref<48x128xi32, #tpu.memory_space<vmem>> -> memref<1x128xi32, #tpu.memory_space<vmem>>
      %dma_wait3A_95 = tpu.memref_squeeze %dma_wait3A_94 : memref<1x128xi32, #tpu.memory_space<vmem>> -> memref<128xi32, #tpu.memory_space<vmem>>
      %dma_wait3A_96 = arith.constant 0 : i32
      %dma_wait3A_97 = arith.constant 0 : i32
      %dma_wait3A_98 = tpu.memref_slice %arg2[%dma_wait3A_96, %dma_wait3A_97] : memref<10008x128xf32, #tpu.memory_space<hbm>> -> memref<10008x128xf32, #tpu.memory_space<hbm>>
      tpu.wait_indirect_dma semaphore(%arg12 : memref<!tpu.dma_semaphore, #tpu.memory_space<semaphore_mem>>) src(%dma_wait3A_98 : memref<10008x128xf32, #tpu.memory_space<hbm>>) dst(%arg9 : memref<128x128xf32, #tpu.memory_space<vmem>>)
      %dma_start3A_99 = arith.constant 0 : i32
      %dma_start3A_100 = arith.constant 0 : i32
      %dma_start3A_101 = tpu.memref_slice %arg8[%dma_start3A_99, %dma_start3A_100] : memref<48x128xi32, #tpu.memory_space<vmem>> -> memref<1x128xi32, #tpu.memory_space<vmem>>
      %dma_start3A_102 = tpu.memref_squeeze %dma_start3A_101 : memref<1x128xi32, #tpu.memory_space<vmem>> -> memref<128xi32, #tpu.memory_space<vmem>>
      %dma_start3A_103 = arith.constant 0 : i32
      %dma_start3A_104 = arith.constant 0 : i32
      %dma_start3A_105 = tpu.memref_slice %arg11[%dma_start3A_103, %dma_start3A_104] : memref<10008x128xf32, #tpu.memory_space<vmem_shared>> -> memref<10008x128xf32, #tpu.memory_space<vmem_shared>>
      tpu.enqueue_indirect_dma source(%arg9 : memref<128x128xf32, #tpu.memory_space<vmem>>) target(%dma_start3A_105 : memref<10008x128xf32, #tpu.memory_space<vmem_shared>>) offsets(%dma_start3A_102 : memref<128xi32, #tpu.memory_space<vmem>>) semaphore(%arg14 : memref<!tpu.dma_semaphore, #tpu.memory_space<semaphore_mem>>) {add = true}
      %dma_start3A_106 = arith.constant 1 : i32
      %dma_start3A_107 = arith.constant 0 : i32
      %dma_start3A_108 = tpu.memref_slice %arg7[%dma_start3A_106, %dma_start3A_107] : memref<48x128xi32, #tpu.memory_space<vmem>> -> memref<1x128xi32, #tpu.memory_space<vmem>>
      %dma_start3A_109 = tpu.memref_squeeze %dma_start3A_108 : memref<1x128xi32, #tpu.memory_space<vmem>> -> memref<128xi32, #tpu.memory_space<vmem>>
      %dma_start3A_110 = arith.constant 0 : i32
      %dma_start3A_111 = arith.constant 0 : i32
      %dma_start3A_112 = tpu.memref_slice %arg2[%dma_start3A_110, %dma_start3A_111] : memref<10008x128xf32, #tpu.memory_space<hbm>> -> memref<10008x128xf32, #tpu.memory_space<hbm>>
      tpu.enqueue_indirect_dma source(%dma_start3A_112 : memref<10008x128xf32, #tpu.memory_space<hbm>>) target(%arg10 : memref<128x128xf32, #tpu.memory_space<vmem>>) offsets(%dma_start3A_109 : memref<128xi32, #tpu.memory_space<vmem>>) semaphore(%arg13 : memref<!tpu.dma_semaphore, #tpu.memory_space<semaphore_mem>>)
      %scan3A_113 = arith.constant 0 : i32
      %scan3A_114 = arith.constant 0 : i32
      %scan3A_115 = arith.constant 19 : i32
      %scan3A_116 = arith.addi %scan3A_114, %scan3A_115 : i32
      %scan3A_117 = arith.constant 1 : i32
      scf.for %scan3A_147 = %scan3A_114 to %scan3A_116 step %scan3A_117  : i32 {
        %mul3A_148 = arith.constant 2 : i32
        %mul3A_149 = arith.muli %mul3A_148, %scan3A_147 : i32
        %add3A_150 = arith.constant 1 : i32
        %add3A_151 = arith.addi %mul3A_149, %add3A_150 : i32
        %dma_wait3A_152 = arith.constant 0 : i32
        %dma_wait3A_153 = tpu.memref_slice %arg7[%add3A_151, %dma_wait3A_152] : memref<48x128xi32, #tpu.memory_space<vmem>> -> memref<1x128xi32, #tpu.memory_space<vmem>>
        %dma_wait3A_154 = tpu.memref_squeeze %dma_wait3A_153 : memref<1x128xi32, #tpu.memory_space<vmem>> -> memref<128xi32, #tpu.memory_space<vmem>>
        %dma_wait3A_155 = arith.constant 0 : i32
        %dma_wait3A_156 = arith.constant 0 : i32
        %dma_wait3A_157 = tpu.memref_slice %arg2[%dma_wait3A_155, %dma_wait3A_156] : memref<10008x128xf32, #tpu.memory_space<hbm>> -> memref<10008x128xf32, #tpu.memory_space<hbm>>
        tpu.wait_indirect_dma semaphore(%arg13 : memref<!tpu.dma_semaphore, #tpu.memory_space<semaphore_mem>>) src(%dma_wait3A_157 : memref<10008x128xf32, #tpu.memory_space<hbm>>) dst(%arg10 : memref<128x128xf32, #tpu.memory_space<vmem>>)
        %dma_start3A_158 = arith.constant 0 : i32
        %dma_start3A_159 = tpu.memref_slice %arg8[%add3A_151, %dma_start3A_158] : memref<48x128xi32, #tpu.memory_space<vmem>> -> memref<1x128xi32, #tpu.memory_space<vmem>>
        %dma_start3A_160 = tpu.memref_squeeze %dma_start3A_159 : memref<1x128xi32, #tpu.memory_space<vmem>> -> memref<128xi32, #tpu.memory_space<vmem>>
        %dma_start3A_161 = arith.constant 0 : i32
        %dma_start3A_162 = arith.constant 0 : i32
        %dma_start3A_163 = tpu.memref_slice %arg11[%dma_start3A_161, %dma_start3A_162] : memref<10008x128xf32, #tpu.memory_space<vmem_shared>> -> memref<10008x128xf32, #tpu.memory_space<vmem_shared>>
        tpu.enqueue_indirect_dma source(%arg10 : memref<128x128xf32, #tpu.memory_space<vmem>>) target(%dma_start3A_163 : memref<10008x128xf32, #tpu.memory_space<vmem_shared>>) offsets(%dma_start3A_160 : memref<128xi32, #tpu.memory_space<vmem>>) semaphore(%arg15 : memref<!tpu.dma_semaphore, #tpu.memory_space<semaphore_mem>>) {add = true}
        %sub3A = arith.constant 1 : i32
        %sub3A_164 = arith.subi %add3A_151, %sub3A : i32
        %dma_wait3A_165 = arith.constant 0 : i32
        %dma_wait3A_166 = tpu.memref_slice %arg8[%sub3A_164, %dma_wait3A_165] : memref<48x128xi32, #tpu.memory_space<vmem>> -> memref<1x128xi32, #tpu.memory_space<vmem>>
        %dma_wait3A_167 = tpu.memref_squeeze %dma_wait3A_166 : memref<1x128xi32, #tpu.memory_space<vmem>> -> memref<128xi32, #tpu.memory_space<vmem>>
        %dma_wait3A_168 = arith.constant 0 : i32
        %dma_wait3A_169 = arith.constant 0 : i32
        %dma_wait3A_170 = tpu.memref_slice %arg11[%dma_wait3A_168, %dma_wait3A_169] : memref<10008x128xf32, #tpu.memory_space<vmem_shared>> -> memref<10008x128xf32, #tpu.memory_space<vmem_shared>>
        tpu.wait_indirect_dma semaphore(%arg14 : memref<!tpu.dma_semaphore, #tpu.memory_space<semaphore_mem>>) src(%arg9 : memref<128x128xf32, #tpu.memory_space<vmem>>) dst(%dma_wait3A_170 : memref<10008x128xf32, #tpu.memory_space<vmem_shared>>)
        %add3A_171 = arith.constant 1 : i32
        %add3A_172 = arith.addi %add3A_151, %add3A_171 : i32
        %lt3A = arith.constant 40 : i32
        %lt3A_173 = arith.cmpi slt, %add3A_172, %lt3A : i32
        %convert_element_type3A_174 = arith.extui %lt3A_173 : i1 to i32
        %cond3A_175 = arith.constant 0 : i32
        %cond3A_176 = arith.cmpi ne, %convert_element_type3A_174, %cond3A_175 : i32
        scf.if %cond3A_176 {
          %add3A_208 = arith.constant 1 : i32
          %add3A_209 = arith.addi %add3A_151, %add3A_208 : i32
          %dma_start3A_210 = arith.constant 0 : i32
          %dma_start3A_211 = tpu.memref_slice %arg7[%add3A_209, %dma_start3A_210] : memref<48x128xi32, #tpu.memory_space<vmem>> -> memref<1x128xi32, #tpu.memory_space<vmem>>
          %dma_start3A_212 = tpu.memref_squeeze %dma_start3A_211 : memref<1x128xi32, #tpu.memory_space<vmem>> -> memref<128xi32, #tpu.memory_space<vmem>>
          %dma_start3A_213 = arith.constant 0 : i32
          %dma_start3A_214 = arith.constant 0 : i32
          %dma_start3A_215 = tpu.memref_slice %arg2[%dma_start3A_213, %dma_start3A_214] : memref<10008x128xf32, #tpu.memory_space<hbm>> -> memref<10008x128xf32, #tpu.memory_space<hbm>>
          tpu.enqueue_indirect_dma source(%dma_start3A_215 : memref<10008x128xf32, #tpu.memory_space<hbm>>) target(%arg9 : memref<128x128xf32, #tpu.memory_space<vmem>>) offsets(%dma_start3A_212 : memref<128xi32, #tpu.memory_space<vmem>>) semaphore(%arg12 : memref<!tpu.dma_semaphore, #tpu.memory_space<semaphore_mem>>)
        } else {
        }
        %mul3A_177 = arith.constant 2 : i32
        %mul3A_178 = arith.muli %mul3A_177, %scan3A_147 : i32
        %add3A_179 = arith.constant 2 : i32
        %add3A_180 = arith.addi %mul3A_178, %add3A_179 : i32
        %dma_wait3A_181 = arith.constant 0 : i32
        %dma_wait3A_182 = tpu.memref_slice %arg7[%add3A_180, %dma_wait3A_181] : memref<48x128xi32, #tpu.memory_space<vmem>> -> memref<1x128xi32, #tpu.memory_space<vmem>>
        %dma_wait3A_183 = tpu.memref_squeeze %dma_wait3A_182 : memref<1x128xi32, #tpu.memory_space<vmem>> -> memref<128xi32, #tpu.memory_space<vmem>>
        %dma_wait3A_184 = arith.constant 0 : i32
        %dma_wait3A_185 = arith.constant 0 : i32
        %dma_wait3A_186 = tpu.memref_slice %arg2[%dma_wait3A_184, %dma_wait3A_185] : memref<10008x128xf32, #tpu.memory_space<hbm>> -> memref<10008x128xf32, #tpu.memory_space<hbm>>
        tpu.wait_indirect_dma semaphore(%arg12 : memref<!tpu.dma_semaphore, #tpu.memory_space<semaphore_mem>>) src(%dma_wait3A_186 : memref<10008x128xf32, #tpu.memory_space<hbm>>) dst(%arg9 : memref<128x128xf32, #tpu.memory_space<vmem>>)
        %dma_start3A_187 = arith.constant 0 : i32
        %dma_start3A_188 = tpu.memref_slice %arg8[%add3A_180, %dma_start3A_187] : memref<48x128xi32, #tpu.memory_space<vmem>> -> memref<1x128xi32, #tpu.memory_space<vmem>>
        %dma_start3A_189 = tpu.memref_squeeze %dma_start3A_188 : memref<1x128xi32, #tpu.memory_space<vmem>> -> memref<128xi32, #tpu.memory_space<vmem>>
        %dma_start3A_190 = arith.constant 0 : i32
        %dma_start3A_191 = arith.constant 0 : i32
        %dma_start3A_192 = tpu.memref_slice %arg11[%dma_start3A_190, %dma_start3A_191] : memref<10008x128xf32, #tpu.memory_space<vmem_shared>> -> memref<10008x128xf32, #tpu.memory_space<vmem_shared>>
        tpu.enqueue_indirect_dma source(%arg9 : memref<128x128xf32, #tpu.memory_space<vmem>>) target(%dma_start3A_192 : memref<10008x128xf32, #tpu.memory_space<vmem_shared>>) offsets(%dma_start3A_189 : memref<128xi32, #tpu.memory_space<vmem>>) semaphore(%arg14 : memref<!tpu.dma_semaphore, #tpu.memory_space<semaphore_mem>>) {add = true}
        %sub3A_193 = arith.constant 1 : i32
        %sub3A_194 = arith.subi %add3A_180, %sub3A_193 : i32
        %dma_wait3A_195 = arith.constant 0 : i32
        %dma_wait3A_196 = tpu.memref_slice %arg8[%sub3A_194, %dma_wait3A_195] : memref<48x128xi32, #tpu.memory_space<vmem>> -> memref<1x128xi32, #tpu.memory_space<vmem>>
        %dma_wait3A_197 = tpu.memref_squeeze %dma_wait3A_196 : memref<1x128xi32, #tpu.memory_space<vmem>> -> memref<128xi32, #tpu.memory_space<vmem>>
        %dma_wait3A_198 = arith.constant 0 : i32
        %dma_wait3A_199 = arith.constant 0 : i32
        %dma_wait3A_200 = tpu.memref_slice %arg11[%dma_wait3A_198, %dma_wait3A_199] : memref<10008x128xf32, #tpu.memory_space<vmem_shared>> -> memref<10008x128xf32, #tpu.memory_space<vmem_shared>>
        tpu.wait_indirect_dma semaphore(%arg15 : memref<!tpu.dma_semaphore, #tpu.memory_space<semaphore_mem>>) src(%arg10 : memref<128x128xf32, #tpu.memory_space<vmem>>) dst(%dma_wait3A_200 : memref<10008x128xf32, #tpu.memory_space<vmem_shared>>)
        %add3A_201 = arith.constant 1 : i32
        %add3A_202 = arith.addi %add3A_180, %add3A_201 : i32
        %lt3A_203 = arith.constant 40 : i32
        %lt3A_204 = arith.cmpi slt, %add3A_202, %lt3A_203 : i32
        %convert_element_type3A_205 = arith.extui %lt3A_204 : i1 to i32
        %cond3A_206 = arith.constant 0 : i32
        %cond3A_207 = arith.cmpi ne, %convert_element_type3A_205, %cond3A_206 : i32
        scf.if %cond3A_207 {
          %add3A_208 = arith.constant 1 : i32
          %add3A_209 = arith.addi %add3A_180, %add3A_208 : i32
          %dma_start3A_210 = arith.constant 0 : i32
          %dma_start3A_211 = tpu.memref_slice %arg7[%add3A_209, %dma_start3A_210] : memref<48x128xi32, #tpu.memory_space<vmem>> -> memref<1x128xi32, #tpu.memory_space<vmem>>
          %dma_start3A_212 = tpu.memref_squeeze %dma_start3A_211 : memref<1x128xi32, #tpu.memory_space<vmem>> -> memref<128xi32, #tpu.memory_space<vmem>>
          %dma_start3A_213 = arith.constant 0 : i32
          %dma_start3A_214 = arith.constant 0 : i32
          %dma_start3A_215 = tpu.memref_slice %arg2[%dma_start3A_213, %dma_start3A_214] : memref<10008x128xf32, #tpu.memory_space<hbm>> -> memref<10008x128xf32, #tpu.memory_space<hbm>>
          tpu.enqueue_indirect_dma source(%dma_start3A_215 : memref<10008x128xf32, #tpu.memory_space<hbm>>) target(%arg10 : memref<128x128xf32, #tpu.memory_space<vmem>>) offsets(%dma_start3A_212 : memref<128xi32, #tpu.memory_space<vmem>>) semaphore(%arg13 : memref<!tpu.dma_semaphore, #tpu.memory_space<semaphore_mem>>)
        } else {
        }
      }
      %scan3A_118 = arith.constant 19 : i32
      %dma_wait3A_119 = arith.constant 39 : i32
      %dma_wait3A_120 = arith.constant 0 : i32
      %dma_wait3A_121 = tpu.memref_slice %arg7[%dma_wait3A_119, %dma_wait3A_120] : memref<48x128xi32, #tpu.memory_space<vmem>> -> memref<1x128xi32, #tpu.memory_space<vmem>>
      %dma_wait3A_122 = tpu.memref_squeeze %dma_wait3A_121 : memref<1x128xi32, #tpu.memory_space<vmem>> -> memref<128xi32, #tpu.memory_space<vmem>>
      %dma_wait3A_123 = arith.constant 0 : i32
      %dma_wait3A_124 = arith.constant 0 : i32
      %dma_wait3A_125 = tpu.memref_slice %arg2[%dma_wait3A_123, %dma_wait3A_124] : memref<10008x128xf32, #tpu.memory_space<hbm>> -> memref<10008x128xf32, #tpu.memory_space<hbm>>
      tpu.wait_indirect_dma semaphore(%arg13 : memref<!tpu.dma_semaphore, #tpu.memory_space<semaphore_mem>>) src(%dma_wait3A_125 : memref<10008x128xf32, #tpu.memory_space<hbm>>) dst(%arg10 : memref<128x128xf32, #tpu.memory_space<vmem>>)
      %dma_start3A_126 = arith.constant 39 : i32
      %dma_start3A_127 = arith.constant 0 : i32
      %dma_start3A_128 = tpu.memref_slice %arg8[%dma_start3A_126, %dma_start3A_127] : memref<48x128xi32, #tpu.memory_space<vmem>> -> memref<1x128xi32, #tpu.memory_space<vmem>>
      %dma_start3A_129 = tpu.memref_squeeze %dma_start3A_128 : memref<1x128xi32, #tpu.memory_space<vmem>> -> memref<128xi32, #tpu.memory_space<vmem>>
      %dma_start3A_130 = arith.constant 0 : i32
      %dma_start3A_131 = arith.constant 0 : i32
      %dma_start3A_132 = tpu.memref_slice %arg11[%dma_start3A_130, %dma_start3A_131] : memref<10008x128xf32, #tpu.memory_space<vmem_shared>> -> memref<10008x128xf32, #tpu.memory_space<vmem_shared>>
      tpu.enqueue_indirect_dma source(%arg10 : memref<128x128xf32, #tpu.memory_space<vmem>>) target(%dma_start3A_132 : memref<10008x128xf32, #tpu.memory_space<vmem_shared>>) offsets(%dma_start3A_129 : memref<128xi32, #tpu.memory_space<vmem>>) semaphore(%arg15 : memref<!tpu.dma_semaphore, #tpu.memory_space<semaphore_mem>>) {add = true}
      %dma_wait3A_133 = arith.constant 38 : i32
      %dma_wait3A_134 = arith.constant 0 : i32
      %dma_wait3A_135 = tpu.memref_slice %arg8[%dma_wait3A_133, %dma_wait3A_134] : memref<48x128xi32, #tpu.memory_space<vmem>> -> memref<1x128xi32, #tpu.memory_space<vmem>>
      %dma_wait3A_136 = tpu.memref_squeeze %dma_wait3A_135 : memref<1x128xi32, #tpu.memory_space<vmem>> -> memref<128xi32, #tpu.memory_space<vmem>>
      %dma_wait3A_137 = arith.constant 0 : i32
      %dma_wait3A_138 = arith.constant 0 : i32
      %dma_wait3A_139 = tpu.memref_slice %arg11[%dma_wait3A_137, %dma_wait3A_138] : memref<10008x128xf32, #tpu.memory_space<vmem_shared>> -> memref<10008x128xf32, #tpu.memory_space<vmem_shared>>
      tpu.wait_indirect_dma semaphore(%arg14 : memref<!tpu.dma_semaphore, #tpu.memory_space<semaphore_mem>>) src(%arg9 : memref<128x128xf32, #tpu.memory_space<vmem>>) dst(%dma_wait3A_139 : memref<10008x128xf32, #tpu.memory_space<vmem_shared>>)
      %dma_wait3A_140 = arith.constant 39 : i32
      %dma_wait3A_141 = arith.constant 0 : i32
      %dma_wait3A_142 = tpu.memref_slice %arg8[%dma_wait3A_140, %dma_wait3A_141] : memref<48x128xi32, #tpu.memory_space<vmem>> -> memref<1x128xi32, #tpu.memory_space<vmem>>
      %dma_wait3A_143 = tpu.memref_squeeze %dma_wait3A_142 : memref<1x128xi32, #tpu.memory_space<vmem>> -> memref<128xi32, #tpu.memory_space<vmem>>
      %dma_wait3A_144 = arith.constant 0 : i32
      %dma_wait3A_145 = arith.constant 0 : i32
      %dma_wait3A_146 = tpu.memref_slice %arg11[%dma_wait3A_144, %dma_wait3A_145] : memref<10008x128xf32, #tpu.memory_space<vmem_shared>> -> memref<10008x128xf32, #tpu.memory_space<vmem_shared>>
      tpu.wait_indirect_dma semaphore(%arg15 : memref<!tpu.dma_semaphore, #tpu.memory_space<semaphore_mem>>) src(%arg10 : memref<128x128xf32, #tpu.memory_space<vmem>>) dst(%dma_wait3A_146 : memref<10008x128xf32, #tpu.memory_space<vmem_shared>>)
    } else {
    }
    %eq3A_8 = arith.constant 1 : i32
    %eq3A_9 = arith.cmpi eq, %arg0, %eq3A_8 : i32
    %convert_element_type3A_10 = arith.extui %eq3A_9 : i1 to i32
    %cond3A_11 = arith.constant 0 : i32
    %cond3A_12 = arith.cmpi ne, %convert_element_type3A_10, %cond3A_11 : i32
    scf.if %cond3A_12 {
      %mul3A_19 = arith.constant 160 : i32
      %mul3A_20 = arith.muli %arg1, %mul3A_19 : i32
      %eq3A_21 = arith.constant 0 : i32
      %eq3A_22 = arith.cmpi eq, %arg0, %eq3A_21 : i32
      %jit3A = arith.constant 0 : i32
      %jit3A_23 = arith.constant 88 : i32
      %select_n3A = arith.select %eq3A_22, %jit3A, %jit3A_23 : i32
      %add3A = arith.addi %mul3A_20, %select_n3A : i32
      "tpu.region"() ({
        %run_scoped3A = tpu.sem_alloc : memref<!tpu.dma_semaphore, #tpu.memory_space<semaphore_mem>>
        %dma_start3A_147 = arith.constant 0 : i32
        %dma_start3A_148 = arith.constant 0 : i32
        %dma_start3A_149 = tpu.memref_slice %arg8[%dma_start3A_147, %dma_start3A_148] : memref<48x128xi32, #tpu.memory_space<vmem>> -> memref<40x128xi32, #tpu.memory_space<vmem>>
        %dma_start3A_150 = arith.constant 0 : i32
        %dma_start3A_151 = tpu.memref_slice %arg4[%add3A, %dma_start3A_150] : memref<2560x128xi32, #tpu.memory_space<hbm>> -> memref<40x128xi32, #tpu.memory_space<hbm>>
        %dma_start3A_152 = arith.constant 0 : i32
        %dma_start3A_153 = arith.constant 0 : i32
        %dma_start3A_154 = tpu.memref_slice %arg8[%dma_start3A_152, %dma_start3A_153] : memref<48x128xi32, #tpu.memory_space<vmem>> -> memref<40x128xi32, #tpu.memory_space<vmem>>
        %dma_start3A_155 = arith.constant 0 : i32
        %dma_start3A_156 = tpu.memref_slice %arg4[%add3A, %dma_start3A_155] : memref<2560x128xi32, #tpu.memory_space<hbm>> -> memref<40x128xi32, #tpu.memory_space<hbm>>
        tpu.enqueue_dma source(%dma_start3A_156 : memref<40x128xi32, #tpu.memory_space<hbm>>) target(%dma_start3A_154 : memref<40x128xi32, #tpu.memory_space<vmem>>) target_semaphore(%run_scoped3A : memref<!tpu.dma_semaphore, #tpu.memory_space<semaphore_mem>>)
        %dma_wait3A_157 = arith.constant 0 : i32
        %dma_wait3A_158 = arith.constant 0 : i32
        %dma_wait3A_159 = tpu.memref_slice %arg8[%dma_wait3A_157, %dma_wait3A_158] : memref<48x128xi32, #tpu.memory_space<vmem>> -> memref<40x128xi32, #tpu.memory_space<vmem>>
        %dma_wait3A_160 = arith.constant 0 : i32
        %dma_wait3A_161 = tpu.memref_slice %arg4[%add3A, %dma_wait3A_160] : memref<2560x128xi32, #tpu.memory_space<hbm>> -> memref<40x128xi32, #tpu.memory_space<hbm>>
        %dma_wait3A_162 = arith.constant 0 : i32
        %dma_wait3A_163 = arith.constant 0 : i32
        %dma_wait3A_164 = tpu.memref_slice %arg8[%dma_wait3A_162, %dma_wait3A_163] : memref<48x128xi32, #tpu.memory_space<vmem>> -> memref<40x128xi32, #tpu.memory_space<vmem>>
        %dma_wait3A_165 = arith.constant 0 : i32
        %dma_wait3A_166 = tpu.memref_slice %arg4[%add3A, %dma_wait3A_165] : memref<2560x128xi32, #tpu.memory_space<hbm>> -> memref<40x128xi32, #tpu.memory_space<hbm>>
        tpu.wait_dma2 semaphore(%run_scoped3A : memref<!tpu.dma_semaphore, #tpu.memory_space<semaphore_mem>>) src(%dma_wait3A_166 : memref<40x128xi32, #tpu.memory_space<hbm>>) dst(%dma_wait3A_164 : memref<40x128xi32, #tpu.memory_space<vmem>>)
        tpu.yield
      }) : () -> ()
      "tpu.region"() ({
        %run_scoped3A = tpu.sem_alloc : memref<!tpu.dma_semaphore, #tpu.memory_space<semaphore_mem>>
        %dma_start3A_147 = arith.constant 0 : i32
        %dma_start3A_148 = arith.constant 0 : i32
        %dma_start3A_149 = tpu.memref_slice %arg7[%dma_start3A_147, %dma_start3A_148] : memref<48x128xi32, #tpu.memory_space<vmem>> -> memref<40x128xi32, #tpu.memory_space<vmem>>
        %dma_start3A_150 = arith.constant 0 : i32
        %dma_start3A_151 = tpu.memref_slice %arg3[%add3A, %dma_start3A_150] : memref<2560x128xi32, #tpu.memory_space<hbm>> -> memref<40x128xi32, #tpu.memory_space<hbm>>
        %dma_start3A_152 = arith.constant 0 : i32
        %dma_start3A_153 = arith.constant 0 : i32
        %dma_start3A_154 = tpu.memref_slice %arg7[%dma_start3A_152, %dma_start3A_153] : memref<48x128xi32, #tpu.memory_space<vmem>> -> memref<40x128xi32, #tpu.memory_space<vmem>>
        %dma_start3A_155 = arith.constant 0 : i32
        %dma_start3A_156 = tpu.memref_slice %arg3[%add3A, %dma_start3A_155] : memref<2560x128xi32, #tpu.memory_space<hbm>> -> memref<40x128xi32, #tpu.memory_space<hbm>>
        tpu.enqueue_dma source(%dma_start3A_156 : memref<40x128xi32, #tpu.memory_space<hbm>>) target(%dma_start3A_154 : memref<40x128xi32, #tpu.memory_space<vmem>>) target_semaphore(%run_scoped3A : memref<!tpu.dma_semaphore, #tpu.memory_space<semaphore_mem>>)
        %dma_wait3A_157 = arith.constant 0 : i32
        %dma_wait3A_158 = arith.constant 0 : i32
        %dma_wait3A_159 = tpu.memref_slice %arg7[%dma_wait3A_157, %dma_wait3A_158] : memref<48x128xi32, #tpu.memory_space<vmem>> -> memref<40x128xi32, #tpu.memory_space<vmem>>
        %dma_wait3A_160 = arith.constant 0 : i32
        %dma_wait3A_161 = tpu.memref_slice %arg3[%add3A, %dma_wait3A_160] : memref<2560x128xi32, #tpu.memory_space<hbm>> -> memref<40x128xi32, #tpu.memory_space<hbm>>
        %dma_wait3A_162 = arith.constant 0 : i32
        %dma_wait3A_163 = arith.constant 0 : i32
        %dma_wait3A_164 = tpu.memref_slice %arg7[%dma_wait3A_162, %dma_wait3A_163] : memref<48x128xi32, #tpu.memory_space<vmem>> -> memref<40x128xi32, #tpu.memory_space<vmem>>
        %dma_wait3A_165 = arith.constant 0 : i32
        %dma_wait3A_166 = tpu.memref_slice %arg3[%add3A, %dma_wait3A_165] : memref<2560x128xi32, #tpu.memory_space<hbm>> -> memref<40x128xi32, #tpu.memory_space<hbm>>
        tpu.wait_dma2 semaphore(%run_scoped3A : memref<!tpu.dma_semaphore, #tpu.memory_space<semaphore_mem>>) src(%dma_wait3A_166 : memref<40x128xi32, #tpu.memory_space<hbm>>) dst(%dma_wait3A_164 : memref<40x128xi32, #tpu.memory_space<vmem>>)
        tpu.yield
      }) : () -> ()
      %dma_start3A = arith.constant 0 : i32
      %dma_start3A_24 = arith.constant 0 : i32
      %dma_start3A_25 = tpu.memref_slice %arg7[%dma_start3A, %dma_start3A_24] : memref<48x128xi32, #tpu.memory_space<vmem>> -> memref<1x128xi32, #tpu.memory_space<vmem>>
      %dma_start3A_26 = tpu.memref_squeeze %dma_start3A_25 : memref<1x128xi32, #tpu.memory_space<vmem>> -> memref<128xi32, #tpu.memory_space<vmem>>
      %dma_start3A_27 = arith.constant 0 : i32
      %dma_start3A_28 = arith.constant 0 : i32
      %dma_start3A_29 = tpu.memref_slice %arg2[%dma_start3A_27, %dma_start3A_28] : memref<10008x128xf32, #tpu.memory_space<hbm>> -> memref<10008x128xf32, #tpu.memory_space<hbm>>
      tpu.enqueue_indirect_dma source(%dma_start3A_29 : memref<10008x128xf32, #tpu.memory_space<hbm>>) target(%arg9 : memref<128x128xf32, #tpu.memory_space<vmem>>) offsets(%dma_start3A_26 : memref<128xi32, #tpu.memory_space<vmem>>) semaphore(%arg12 : memref<!tpu.dma_semaphore, #tpu.memory_space<semaphore_mem>>)
      %dma_wait3A = arith.constant 0 : i32
      %dma_wait3A_30 = arith.constant 0 : i32
      %dma_wait3A_31 = tpu.memref_slice %arg7[%dma_wait3A, %dma_wait3A_30] : memref<48x128xi32, #tpu.memory_space<vmem>> -> memref<1x128xi32, #tpu.memory_space<vmem>>
      %dma_wait3A_32 = tpu.memref_squeeze %dma_wait3A_31 : memref<1x128xi32, #tpu.memory_space<vmem>> -> memref<128xi32, #tpu.memory_space<vmem>>
      %dma_wait3A_33 = arith.constant 0 : i32
      %dma_wait3A_34 = arith.constant 0 : i32
      %dma_wait3A_35 = tpu.memref_slice %arg2[%dma_wait3A_33, %dma_wait3A_34] : memref<10008x128xf32, #tpu.memory_space<hbm>> -> memref<10008x128xf32, #tpu.memory_space<hbm>>
      tpu.wait_indirect_dma semaphore(%arg12 : memref<!tpu.dma_semaphore, #tpu.memory_space<semaphore_mem>>) src(%dma_wait3A_35 : memref<10008x128xf32, #tpu.memory_space<hbm>>) dst(%arg9 : memref<128x128xf32, #tpu.memory_space<vmem>>)
      %dma_start3A_36 = arith.constant 0 : i32
      %dma_start3A_37 = arith.constant 0 : i32
      %dma_start3A_38 = tpu.memref_slice %arg8[%dma_start3A_36, %dma_start3A_37] : memref<48x128xi32, #tpu.memory_space<vmem>> -> memref<1x128xi32, #tpu.memory_space<vmem>>
      %dma_start3A_39 = tpu.memref_squeeze %dma_start3A_38 : memref<1x128xi32, #tpu.memory_space<vmem>> -> memref<128xi32, #tpu.memory_space<vmem>>
      %dma_start3A_40 = arith.constant 0 : i32
      %dma_start3A_41 = arith.constant 0 : i32
      %dma_start3A_42 = tpu.memref_slice %arg11[%dma_start3A_40, %dma_start3A_41] : memref<10008x128xf32, #tpu.memory_space<vmem_shared>> -> memref<10008x128xf32, #tpu.memory_space<vmem_shared>>
      tpu.enqueue_indirect_dma source(%arg9 : memref<128x128xf32, #tpu.memory_space<vmem>>) target(%dma_start3A_42 : memref<10008x128xf32, #tpu.memory_space<vmem_shared>>) offsets(%dma_start3A_39 : memref<128xi32, #tpu.memory_space<vmem>>) semaphore(%arg14 : memref<!tpu.dma_semaphore, #tpu.memory_space<semaphore_mem>>) {add = true}
      %dma_start3A_43 = arith.constant 1 : i32
      %dma_start3A_44 = arith.constant 0 : i32
      %dma_start3A_45 = tpu.memref_slice %arg7[%dma_start3A_43, %dma_start3A_44] : memref<48x128xi32, #tpu.memory_space<vmem>> -> memref<1x128xi32, #tpu.memory_space<vmem>>
      %dma_start3A_46 = tpu.memref_squeeze %dma_start3A_45 : memref<1x128xi32, #tpu.memory_space<vmem>> -> memref<128xi32, #tpu.memory_space<vmem>>
      %dma_start3A_47 = arith.constant 0 : i32
      %dma_start3A_48 = arith.constant 0 : i32
      %dma_start3A_49 = tpu.memref_slice %arg2[%dma_start3A_47, %dma_start3A_48] : memref<10008x128xf32, #tpu.memory_space<hbm>> -> memref<10008x128xf32, #tpu.memory_space<hbm>>
      tpu.enqueue_indirect_dma source(%dma_start3A_49 : memref<10008x128xf32, #tpu.memory_space<hbm>>) target(%arg10 : memref<128x128xf32, #tpu.memory_space<vmem>>) offsets(%dma_start3A_46 : memref<128xi32, #tpu.memory_space<vmem>>) semaphore(%arg13 : memref<!tpu.dma_semaphore, #tpu.memory_space<semaphore_mem>>)
      %scan3A = arith.constant 0 : i32
      %scan3A_50 = arith.constant 0 : i32
      %scan3A_51 = arith.constant 19 : i32
      %scan3A_52 = arith.addi %scan3A_50, %scan3A_51 : i32
      %scan3A_53 = arith.constant 1 : i32
      scf.for %scan3A_147 = %scan3A_50 to %scan3A_52 step %scan3A_53  : i32 {
        %mul3A_148 = arith.constant 2 : i32
        %mul3A_149 = arith.muli %mul3A_148, %scan3A_147 : i32
        %add3A_150 = arith.constant 1 : i32
        %add3A_151 = arith.addi %mul3A_149, %add3A_150 : i32
        %dma_wait3A_152 = arith.constant 0 : i32
        %dma_wait3A_153 = tpu.memref_slice %arg7[%add3A_151, %dma_wait3A_152] : memref<48x128xi32, #tpu.memory_space<vmem>> -> memref<1x128xi32, #tpu.memory_space<vmem>>
        %dma_wait3A_154 = tpu.memref_squeeze %dma_wait3A_153 : memref<1x128xi32, #tpu.memory_space<vmem>> -> memref<128xi32, #tpu.memory_space<vmem>>
        %dma_wait3A_155 = arith.constant 0 : i32
        %dma_wait3A_156 = arith.constant 0 : i32
        %dma_wait3A_157 = tpu.memref_slice %arg2[%dma_wait3A_155, %dma_wait3A_156] : memref<10008x128xf32, #tpu.memory_space<hbm>> -> memref<10008x128xf32, #tpu.memory_space<hbm>>
        tpu.wait_indirect_dma semaphore(%arg13 : memref<!tpu.dma_semaphore, #tpu.memory_space<semaphore_mem>>) src(%dma_wait3A_157 : memref<10008x128xf32, #tpu.memory_space<hbm>>) dst(%arg10 : memref<128x128xf32, #tpu.memory_space<vmem>>)
        %dma_start3A_158 = arith.constant 0 : i32
        %dma_start3A_159 = tpu.memref_slice %arg8[%add3A_151, %dma_start3A_158] : memref<48x128xi32, #tpu.memory_space<vmem>> -> memref<1x128xi32, #tpu.memory_space<vmem>>
        %dma_start3A_160 = tpu.memref_squeeze %dma_start3A_159 : memref<1x128xi32, #tpu.memory_space<vmem>> -> memref<128xi32, #tpu.memory_space<vmem>>
        %dma_start3A_161 = arith.constant 0 : i32
        %dma_start3A_162 = arith.constant 0 : i32
        %dma_start3A_163 = tpu.memref_slice %arg11[%dma_start3A_161, %dma_start3A_162] : memref<10008x128xf32, #tpu.memory_space<vmem_shared>> -> memref<10008x128xf32, #tpu.memory_space<vmem_shared>>
        tpu.enqueue_indirect_dma source(%arg10 : memref<128x128xf32, #tpu.memory_space<vmem>>) target(%dma_start3A_163 : memref<10008x128xf32, #tpu.memory_space<vmem_shared>>) offsets(%dma_start3A_160 : memref<128xi32, #tpu.memory_space<vmem>>) semaphore(%arg15 : memref<!tpu.dma_semaphore, #tpu.memory_space<semaphore_mem>>) {add = true}
        %sub3A = arith.constant 1 : i32
        %sub3A_164 = arith.subi %add3A_151, %sub3A : i32
        %dma_wait3A_165 = arith.constant 0 : i32
        %dma_wait3A_166 = tpu.memref_slice %arg8[%sub3A_164, %dma_wait3A_165] : memref<48x128xi32, #tpu.memory_space<vmem>> -> memref<1x128xi32, #tpu.memory_space<vmem>>
        %dma_wait3A_167 = tpu.memref_squeeze %dma_wait3A_166 : memref<1x128xi32, #tpu.memory_space<vmem>> -> memref<128xi32, #tpu.memory_space<vmem>>
        %dma_wait3A_168 = arith.constant 0 : i32
        %dma_wait3A_169 = arith.constant 0 : i32
        %dma_wait3A_170 = tpu.memref_slice %arg11[%dma_wait3A_168, %dma_wait3A_169] : memref<10008x128xf32, #tpu.memory_space<vmem_shared>> -> memref<10008x128xf32, #tpu.memory_space<vmem_shared>>
        tpu.wait_indirect_dma semaphore(%arg14 : memref<!tpu.dma_semaphore, #tpu.memory_space<semaphore_mem>>) src(%arg9 : memref<128x128xf32, #tpu.memory_space<vmem>>) dst(%dma_wait3A_170 : memref<10008x128xf32, #tpu.memory_space<vmem_shared>>)
        %add3A_171 = arith.constant 1 : i32
        %add3A_172 = arith.addi %add3A_151, %add3A_171 : i32
        %lt3A = arith.constant 40 : i32
        %lt3A_173 = arith.cmpi slt, %add3A_172, %lt3A : i32
        %convert_element_type3A_174 = arith.extui %lt3A_173 : i1 to i32
        %cond3A_175 = arith.constant 0 : i32
        %cond3A_176 = arith.cmpi ne, %convert_element_type3A_174, %cond3A_175 : i32
        scf.if %cond3A_176 {
          %add3A_208 = arith.constant 1 : i32
          %add3A_209 = arith.addi %add3A_151, %add3A_208 : i32
          %dma_start3A_210 = arith.constant 0 : i32
          %dma_start3A_211 = tpu.memref_slice %arg7[%add3A_209, %dma_start3A_210] : memref<48x128xi32, #tpu.memory_space<vmem>> -> memref<1x128xi32, #tpu.memory_space<vmem>>
          %dma_start3A_212 = tpu.memref_squeeze %dma_start3A_211 : memref<1x128xi32, #tpu.memory_space<vmem>> -> memref<128xi32, #tpu.memory_space<vmem>>
          %dma_start3A_213 = arith.constant 0 : i32
          %dma_start3A_214 = arith.constant 0 : i32
          %dma_start3A_215 = tpu.memref_slice %arg2[%dma_start3A_213, %dma_start3A_214] : memref<10008x128xf32, #tpu.memory_space<hbm>> -> memref<10008x128xf32, #tpu.memory_space<hbm>>
          tpu.enqueue_indirect_dma source(%dma_start3A_215 : memref<10008x128xf32, #tpu.memory_space<hbm>>) target(%arg9 : memref<128x128xf32, #tpu.memory_space<vmem>>) offsets(%dma_start3A_212 : memref<128xi32, #tpu.memory_space<vmem>>) semaphore(%arg12 : memref<!tpu.dma_semaphore, #tpu.memory_space<semaphore_mem>>)
        } else {
        }
        %mul3A_177 = arith.constant 2 : i32
        %mul3A_178 = arith.muli %mul3A_177, %scan3A_147 : i32
        %add3A_179 = arith.constant 2 : i32
        %add3A_180 = arith.addi %mul3A_178, %add3A_179 : i32
        %dma_wait3A_181 = arith.constant 0 : i32
        %dma_wait3A_182 = tpu.memref_slice %arg7[%add3A_180, %dma_wait3A_181] : memref<48x128xi32, #tpu.memory_space<vmem>> -> memref<1x128xi32, #tpu.memory_space<vmem>>
        %dma_wait3A_183 = tpu.memref_squeeze %dma_wait3A_182 : memref<1x128xi32, #tpu.memory_space<vmem>> -> memref<128xi32, #tpu.memory_space<vmem>>
        %dma_wait3A_184 = arith.constant 0 : i32
        %dma_wait3A_185 = arith.constant 0 : i32
        %dma_wait3A_186 = tpu.memref_slice %arg2[%dma_wait3A_184, %dma_wait3A_185] : memref<10008x128xf32, #tpu.memory_space<hbm>> -> memref<10008x128xf32, #tpu.memory_space<hbm>>
        tpu.wait_indirect_dma semaphore(%arg12 : memref<!tpu.dma_semaphore, #tpu.memory_space<semaphore_mem>>) src(%dma_wait3A_186 : memref<10008x128xf32, #tpu.memory_space<hbm>>) dst(%arg9 : memref<128x128xf32, #tpu.memory_space<vmem>>)
        %dma_start3A_187 = arith.constant 0 : i32
        %dma_start3A_188 = tpu.memref_slice %arg8[%add3A_180, %dma_start3A_187] : memref<48x128xi32, #tpu.memory_space<vmem>> -> memref<1x128xi32, #tpu.memory_space<vmem>>
        %dma_start3A_189 = tpu.memref_squeeze %dma_start3A_188 : memref<1x128xi32, #tpu.memory_space<vmem>> -> memref<128xi32, #tpu.memory_space<vmem>>
        %dma_start3A_190 = arith.constant 0 : i32
        %dma_start3A_191 = arith.constant 0 : i32
        %dma_start3A_192 = tpu.memref_slice %arg11[%dma_start3A_190, %dma_start3A_191] : memref<10008x128xf32, #tpu.memory_space<vmem_shared>> -> memref<10008x128xf32, #tpu.memory_space<vmem_shared>>
        tpu.enqueue_indirect_dma source(%arg9 : memref<128x128xf32, #tpu.memory_space<vmem>>) target(%dma_start3A_192 : memref<10008x128xf32, #tpu.memory_space<vmem_shared>>) offsets(%dma_start3A_189 : memref<128xi32, #tpu.memory_space<vmem>>) semaphore(%arg14 : memref<!tpu.dma_semaphore, #tpu.memory_space<semaphore_mem>>) {add = true}
        %sub3A_193 = arith.constant 1 : i32
        %sub3A_194 = arith.subi %add3A_180, %sub3A_193 : i32
        %dma_wait3A_195 = arith.constant 0 : i32
        %dma_wait3A_196 = tpu.memref_slice %arg8[%sub3A_194, %dma_wait3A_195] : memref<48x128xi32, #tpu.memory_space<vmem>> -> memref<1x128xi32, #tpu.memory_space<vmem>>
        %dma_wait3A_197 = tpu.memref_squeeze %dma_wait3A_196 : memref<1x128xi32, #tpu.memory_space<vmem>> -> memref<128xi32, #tpu.memory_space<vmem>>
        %dma_wait3A_198 = arith.constant 0 : i32
        %dma_wait3A_199 = arith.constant 0 : i32
        %dma_wait3A_200 = tpu.memref_slice %arg11[%dma_wait3A_198, %dma_wait3A_199] : memref<10008x128xf32, #tpu.memory_space<vmem_shared>> -> memref<10008x128xf32, #tpu.memory_space<vmem_shared>>
        tpu.wait_indirect_dma semaphore(%arg15 : memref<!tpu.dma_semaphore, #tpu.memory_space<semaphore_mem>>) src(%arg10 : memref<128x128xf32, #tpu.memory_space<vmem>>) dst(%dma_wait3A_200 : memref<10008x128xf32, #tpu.memory_space<vmem_shared>>)
        %add3A_201 = arith.constant 1 : i32
        %add3A_202 = arith.addi %add3A_180, %add3A_201 : i32
        %lt3A_203 = arith.constant 40 : i32
        %lt3A_204 = arith.cmpi slt, %add3A_202, %lt3A_203 : i32
        %convert_element_type3A_205 = arith.extui %lt3A_204 : i1 to i32
        %cond3A_206 = arith.constant 0 : i32
        %cond3A_207 = arith.cmpi ne, %convert_element_type3A_205, %cond3A_206 : i32
        scf.if %cond3A_207 {
          %add3A_208 = arith.constant 1 : i32
          %add3A_209 = arith.addi %add3A_180, %add3A_208 : i32
          %dma_start3A_210 = arith.constant 0 : i32
          %dma_start3A_211 = tpu.memref_slice %arg7[%add3A_209, %dma_start3A_210] : memref<48x128xi32, #tpu.memory_space<vmem>> -> memref<1x128xi32, #tpu.memory_space<vmem>>
          %dma_start3A_212 = tpu.memref_squeeze %dma_start3A_211 : memref<1x128xi32, #tpu.memory_space<vmem>> -> memref<128xi32, #tpu.memory_space<vmem>>
          %dma_start3A_213 = arith.constant 0 : i32
          %dma_start3A_214 = arith.constant 0 : i32
          %dma_start3A_215 = tpu.memref_slice %arg2[%dma_start3A_213, %dma_start3A_214] : memref<10008x128xf32, #tpu.memory_space<hbm>> -> memref<10008x128xf32, #tpu.memory_space<hbm>>
          tpu.enqueue_indirect_dma source(%dma_start3A_215 : memref<10008x128xf32, #tpu.memory_space<hbm>>) target(%arg10 : memref<128x128xf32, #tpu.memory_space<vmem>>) offsets(%dma_start3A_212 : memref<128xi32, #tpu.memory_space<vmem>>) semaphore(%arg13 : memref<!tpu.dma_semaphore, #tpu.memory_space<semaphore_mem>>)
        } else {
        }
      }
      %scan3A_54 = arith.constant 19 : i32
      %dma_wait3A_55 = arith.constant 39 : i32
      %dma_wait3A_56 = arith.constant 0 : i32
      %dma_wait3A_57 = tpu.memref_slice %arg7[%dma_wait3A_55, %dma_wait3A_56] : memref<48x128xi32, #tpu.memory_space<vmem>> -> memref<1x128xi32, #tpu.memory_space<vmem>>
      %dma_wait3A_58 = tpu.memref_squeeze %dma_wait3A_57 : memref<1x128xi32, #tpu.memory_space<vmem>> -> memref<128xi32, #tpu.memory_space<vmem>>
      %dma_wait3A_59 = arith.constant 0 : i32
      %dma_wait3A_60 = arith.constant 0 : i32
      %dma_wait3A_61 = tpu.memref_slice %arg2[%dma_wait3A_59, %dma_wait3A_60] : memref<10008x128xf32, #tpu.memory_space<hbm>> -> memref<10008x128xf32, #tpu.memory_space<hbm>>
      tpu.wait_indirect_dma semaphore(%arg13 : memref<!tpu.dma_semaphore, #tpu.memory_space<semaphore_mem>>) src(%dma_wait3A_61 : memref<10008x128xf32, #tpu.memory_space<hbm>>) dst(%arg10 : memref<128x128xf32, #tpu.memory_space<vmem>>)
      %dma_start3A_62 = arith.constant 39 : i32
      %dma_start3A_63 = arith.constant 0 : i32
      %dma_start3A_64 = tpu.memref_slice %arg8[%dma_start3A_62, %dma_start3A_63] : memref<48x128xi32, #tpu.memory_space<vmem>> -> memref<1x128xi32, #tpu.memory_space<vmem>>
      %dma_start3A_65 = tpu.memref_squeeze %dma_start3A_64 : memref<1x128xi32, #tpu.memory_space<vmem>> -> memref<128xi32, #tpu.memory_space<vmem>>
      %dma_start3A_66 = arith.constant 0 : i32
      %dma_start3A_67 = arith.constant 0 : i32
      %dma_start3A_68 = tpu.memref_slice %arg11[%dma_start3A_66, %dma_start3A_67] : memref<10008x128xf32, #tpu.memory_space<vmem_shared>> -> memref<10008x128xf32, #tpu.memory_space<vmem_shared>>
      tpu.enqueue_indirect_dma source(%arg10 : memref<128x128xf32, #tpu.memory_space<vmem>>) target(%dma_start3A_68 : memref<10008x128xf32, #tpu.memory_space<vmem_shared>>) offsets(%dma_start3A_65 : memref<128xi32, #tpu.memory_space<vmem>>) semaphore(%arg15 : memref<!tpu.dma_semaphore, #tpu.memory_space<semaphore_mem>>) {add = true}
      %dma_wait3A_69 = arith.constant 38 : i32
      %dma_wait3A_70 = arith.constant 0 : i32
      %dma_wait3A_71 = tpu.memref_slice %arg8[%dma_wait3A_69, %dma_wait3A_70] : memref<48x128xi32, #tpu.memory_space<vmem>> -> memref<1x128xi32, #tpu.memory_space<vmem>>
      %dma_wait3A_72 = tpu.memref_squeeze %dma_wait3A_71 : memref<1x128xi32, #tpu.memory_space<vmem>> -> memref<128xi32, #tpu.memory_space<vmem>>
      %dma_wait3A_73 = arith.constant 0 : i32
      %dma_wait3A_74 = arith.constant 0 : i32
      %dma_wait3A_75 = tpu.memref_slice %arg11[%dma_wait3A_73, %dma_wait3A_74] : memref<10008x128xf32, #tpu.memory_space<vmem_shared>> -> memref<10008x128xf32, #tpu.memory_space<vmem_shared>>
      tpu.wait_indirect_dma semaphore(%arg14 : memref<!tpu.dma_semaphore, #tpu.memory_space<semaphore_mem>>) src(%arg9 : memref<128x128xf32, #tpu.memory_space<vmem>>) dst(%dma_wait3A_75 : memref<10008x128xf32, #tpu.memory_space<vmem_shared>>)
      %dma_wait3A_76 = arith.constant 39 : i32
      %dma_wait3A_77 = arith.constant 0 : i32
      %dma_wait3A_78 = tpu.memref_slice %arg8[%dma_wait3A_76, %dma_wait3A_77] : memref<48x128xi32, #tpu.memory_space<vmem>> -> memref<1x128xi32, #tpu.memory_space<vmem>>
      %dma_wait3A_79 = tpu.memref_squeeze %dma_wait3A_78 : memref<1x128xi32, #tpu.memory_space<vmem>> -> memref<128xi32, #tpu.memory_space<vmem>>
      %dma_wait3A_80 = arith.constant 0 : i32
      %dma_wait3A_81 = arith.constant 0 : i32
      %dma_wait3A_82 = tpu.memref_slice %arg11[%dma_wait3A_80, %dma_wait3A_81] : memref<10008x128xf32, #tpu.memory_space<vmem_shared>> -> memref<10008x128xf32, #tpu.memory_space<vmem_shared>>
      tpu.wait_indirect_dma semaphore(%arg15 : memref<!tpu.dma_semaphore, #tpu.memory_space<semaphore_mem>>) src(%arg10 : memref<128x128xf32, #tpu.memory_space<vmem>>) dst(%dma_wait3A_82 : memref<10008x128xf32, #tpu.memory_space<vmem_shared>>)
      %add3A_83 = arith.constant 40 : i32
      %add3A_84 = arith.addi %add3A, %add3A_83 : i32
      "tpu.region"() ({
        %run_scoped3A = tpu.sem_alloc : memref<!tpu.dma_semaphore, #tpu.memory_space<semaphore_mem>>
        %dma_start3A_147 = arith.constant 0 : i32
        %dma_start3A_148 = arith.constant 0 : i32
        %dma_start3A_149 = tpu.memref_slice %arg8[%dma_start3A_147, %dma_start3A_148] : memref<48x128xi32, #tpu.memory_space<vmem>> -> memref<32x128xi32, #tpu.memory_space<vmem>>
        %dma_start3A_150 = arith.constant 0 : i32
        %dma_start3A_151 = tpu.memref_slice %arg4[%add3A_84, %dma_start3A_150] : memref<2560x128xi32, #tpu.memory_space<hbm>> -> memref<32x128xi32, #tpu.memory_space<hbm>>
        %dma_start3A_152 = arith.constant 0 : i32
        %dma_start3A_153 = arith.constant 0 : i32
        %dma_start3A_154 = tpu.memref_slice %arg8[%dma_start3A_152, %dma_start3A_153] : memref<48x128xi32, #tpu.memory_space<vmem>> -> memref<32x128xi32, #tpu.memory_space<vmem>>
        %dma_start3A_155 = arith.constant 0 : i32
        %dma_start3A_156 = tpu.memref_slice %arg4[%add3A_84, %dma_start3A_155] : memref<2560x128xi32, #tpu.memory_space<hbm>> -> memref<32x128xi32, #tpu.memory_space<hbm>>
        tpu.enqueue_dma source(%dma_start3A_156 : memref<32x128xi32, #tpu.memory_space<hbm>>) target(%dma_start3A_154 : memref<32x128xi32, #tpu.memory_space<vmem>>) target_semaphore(%run_scoped3A : memref<!tpu.dma_semaphore, #tpu.memory_space<semaphore_mem>>)
        %dma_wait3A_157 = arith.constant 0 : i32
        %dma_wait3A_158 = arith.constant 0 : i32
        %dma_wait3A_159 = tpu.memref_slice %arg8[%dma_wait3A_157, %dma_wait3A_158] : memref<48x128xi32, #tpu.memory_space<vmem>> -> memref<32x128xi32, #tpu.memory_space<vmem>>
        %dma_wait3A_160 = arith.constant 0 : i32
        %dma_wait3A_161 = tpu.memref_slice %arg4[%add3A_84, %dma_wait3A_160] : memref<2560x128xi32, #tpu.memory_space<hbm>> -> memref<32x128xi32, #tpu.memory_space<hbm>>
        %dma_wait3A_162 = arith.constant 0 : i32
        %dma_wait3A_163 = arith.constant 0 : i32
        %dma_wait3A_164 = tpu.memref_slice %arg8[%dma_wait3A_162, %dma_wait3A_163] : memref<48x128xi32, #tpu.memory_space<vmem>> -> memref<32x128xi32, #tpu.memory_space<vmem>>
        %dma_wait3A_165 = arith.constant 0 : i32
        %dma_wait3A_166 = tpu.memref_slice %arg4[%add3A_84, %dma_wait3A_165] : memref<2560x128xi32, #tpu.memory_space<hbm>> -> memref<32x128xi32, #tpu.memory_space<hbm>>
        tpu.wait_dma2 semaphore(%run_scoped3A : memref<!tpu.dma_semaphore, #tpu.memory_space<semaphore_mem>>) src(%dma_wait3A_166 : memref<32x128xi32, #tpu.memory_space<hbm>>) dst(%dma_wait3A_164 : memref<32x128xi32, #tpu.memory_space<vmem>>)
        tpu.yield
      }) : () -> ()
      "tpu.region"() ({
        %run_scoped3A = tpu.sem_alloc : memref<!tpu.dma_semaphore, #tpu.memory_space<semaphore_mem>>
        %dma_start3A_147 = arith.constant 0 : i32
        %dma_start3A_148 = arith.constant 0 : i32
        %dma_start3A_149 = tpu.memref_slice %arg7[%dma_start3A_147, %dma_start3A_148] : memref<48x128xi32, #tpu.memory_space<vmem>> -> memref<32x128xi32, #tpu.memory_space<vmem>>
        %dma_start3A_150 = arith.constant 0 : i32
        %dma_start3A_151 = tpu.memref_slice %arg3[%add3A_84, %dma_start3A_150] : memref<2560x128xi32, #tpu.memory_space<hbm>> -> memref<32x128xi32, #tpu.memory_space<hbm>>
        %dma_start3A_152 = arith.constant 0 : i32
        %dma_start3A_153 = arith.constant 0 : i32
        %dma_start3A_154 = tpu.memref_slice %arg7[%dma_start3A_152, %dma_start3A_153] : memref<48x128xi32, #tpu.memory_space<vmem>> -> memref<32x128xi32, #tpu.memory_space<vmem>>
        %dma_start3A_155 = arith.constant 0 : i32
        %dma_start3A_156 = tpu.memref_slice %arg3[%add3A_84, %dma_start3A_155] : memref<2560x128xi32, #tpu.memory_space<hbm>> -> memref<32x128xi32, #tpu.memory_space<hbm>>
        tpu.enqueue_dma source(%dma_start3A_156 : memref<32x128xi32, #tpu.memory_space<hbm>>) target(%dma_start3A_154 : memref<32x128xi32, #tpu.memory_space<vmem>>) target_semaphore(%run_scoped3A : memref<!tpu.dma_semaphore, #tpu.memory_space<semaphore_mem>>)
        %dma_wait3A_157 = arith.constant 0 : i32
        %dma_wait3A_158 = arith.constant 0 : i32
        %dma_wait3A_159 = tpu.memref_slice %arg7[%dma_wait3A_157, %dma_wait3A_158] : memref<48x128xi32, #tpu.memory_space<vmem>> -> memref<32x128xi32, #tpu.memory_space<vmem>>
        %dma_wait3A_160 = arith.constant 0 : i32
        %dma_wait3A_161 = tpu.memref_slice %arg3[%add3A_84, %dma_wait3A_160] : memref<2560x128xi32, #tpu.memory_space<hbm>> -> memref<32x128xi32, #tpu.memory_space<hbm>>
        %dma_wait3A_162 = arith.constant 0 : i32
        %dma_wait3A_163 = arith.constant 0 : i32
        %dma_wait3A_164 = tpu.memref_slice %arg7[%dma_wait3A_162, %dma_wait3A_163] : memref<48x128xi32, #tpu.memory_space<vmem>> -> memref<32x128xi32, #tpu.memory_space<vmem>>
        %dma_wait3A_165 = arith.constant 0 : i32
        %dma_wait3A_166 = tpu.memref_slice %arg3[%add3A_84, %dma_wait3A_165] : memref<2560x128xi32, #tpu.memory_space<hbm>> -> memref<32x128xi32, #tpu.memory_space<hbm>>
        tpu.wait_dma2 semaphore(%run_scoped3A : memref<!tpu.dma_semaphore, #tpu.memory_space<semaphore_mem>>) src(%dma_wait3A_166 : memref<32x128xi32, #tpu.memory_space<hbm>>) dst(%dma_wait3A_164 : memref<32x128xi32, #tpu.memory_space<vmem>>)
        tpu.yield
      }) : () -> ()
      %dma_start3A_85 = arith.constant 0 : i32
      %dma_start3A_86 = arith.constant 0 : i32
      %dma_start3A_87 = tpu.memref_slice %arg7[%dma_start3A_85, %dma_start3A_86] : memref<48x128xi32, #tpu.memory_space<vmem>> -> memref<1x128xi32, #tpu.memory_space<vmem>>
      %dma_start3A_88 = tpu.memref_squeeze %dma_start3A_87 : memref<1x128xi32, #tpu.memory_space<vmem>> -> memref<128xi32, #tpu.memory_space<vmem>>
      %dma_start3A_89 = arith.constant 0 : i32
      %dma_start3A_90 = arith.constant 0 : i32
      %dma_start3A_91 = tpu.memref_slice %arg2[%dma_start3A_89, %dma_start3A_90] : memref<10008x128xf32, #tpu.memory_space<hbm>> -> memref<10008x128xf32, #tpu.memory_space<hbm>>
      tpu.enqueue_indirect_dma source(%dma_start3A_91 : memref<10008x128xf32, #tpu.memory_space<hbm>>) target(%arg9 : memref<128x128xf32, #tpu.memory_space<vmem>>) offsets(%dma_start3A_88 : memref<128xi32, #tpu.memory_space<vmem>>) semaphore(%arg12 : memref<!tpu.dma_semaphore, #tpu.memory_space<semaphore_mem>>)
      %dma_wait3A_92 = arith.constant 0 : i32
      %dma_wait3A_93 = arith.constant 0 : i32
      %dma_wait3A_94 = tpu.memref_slice %arg7[%dma_wait3A_92, %dma_wait3A_93] : memref<48x128xi32, #tpu.memory_space<vmem>> -> memref<1x128xi32, #tpu.memory_space<vmem>>
      %dma_wait3A_95 = tpu.memref_squeeze %dma_wait3A_94 : memref<1x128xi32, #tpu.memory_space<vmem>> -> memref<128xi32, #tpu.memory_space<vmem>>
      %dma_wait3A_96 = arith.constant 0 : i32
      %dma_wait3A_97 = arith.constant 0 : i32
      %dma_wait3A_98 = tpu.memref_slice %arg2[%dma_wait3A_96, %dma_wait3A_97] : memref<10008x128xf32, #tpu.memory_space<hbm>> -> memref<10008x128xf32, #tpu.memory_space<hbm>>
      tpu.wait_indirect_dma semaphore(%arg12 : memref<!tpu.dma_semaphore, #tpu.memory_space<semaphore_mem>>) src(%dma_wait3A_98 : memref<10008x128xf32, #tpu.memory_space<hbm>>) dst(%arg9 : memref<128x128xf32, #tpu.memory_space<vmem>>)
      %dma_start3A_99 = arith.constant 0 : i32
      %dma_start3A_100 = arith.constant 0 : i32
      %dma_start3A_101 = tpu.memref_slice %arg8[%dma_start3A_99, %dma_start3A_100] : memref<48x128xi32, #tpu.memory_space<vmem>> -> memref<1x128xi32, #tpu.memory_space<vmem>>
      %dma_start3A_102 = tpu.memref_squeeze %dma_start3A_101 : memref<1x128xi32, #tpu.memory_space<vmem>> -> memref<128xi32, #tpu.memory_space<vmem>>
      %dma_start3A_103 = arith.constant 0 : i32
      %dma_start3A_104 = arith.constant 0 : i32
      %dma_start3A_105 = tpu.memref_slice %arg11[%dma_start3A_103, %dma_start3A_104] : memref<10008x128xf32, #tpu.memory_space<vmem_shared>> -> memref<10008x128xf32, #tpu.memory_space<vmem_shared>>
      tpu.enqueue_indirect_dma source(%arg9 : memref<128x128xf32, #tpu.memory_space<vmem>>) target(%dma_start3A_105 : memref<10008x128xf32, #tpu.memory_space<vmem_shared>>) offsets(%dma_start3A_102 : memref<128xi32, #tpu.memory_space<vmem>>) semaphore(%arg14 : memref<!tpu.dma_semaphore, #tpu.memory_space<semaphore_mem>>) {add = true}
      %dma_start3A_106 = arith.constant 1 : i32
      %dma_start3A_107 = arith.constant 0 : i32
      %dma_start3A_108 = tpu.memref_slice %arg7[%dma_start3A_106, %dma_start3A_107] : memref<48x128xi32, #tpu.memory_space<vmem>> -> memref<1x128xi32, #tpu.memory_space<vmem>>
      %dma_start3A_109 = tpu.memref_squeeze %dma_start3A_108 : memref<1x128xi32, #tpu.memory_space<vmem>> -> memref<128xi32, #tpu.memory_space<vmem>>
      %dma_start3A_110 = arith.constant 0 : i32
      %dma_start3A_111 = arith.constant 0 : i32
      %dma_start3A_112 = tpu.memref_slice %arg2[%dma_start3A_110, %dma_start3A_111] : memref<10008x128xf32, #tpu.memory_space<hbm>> -> memref<10008x128xf32, #tpu.memory_space<hbm>>
      tpu.enqueue_indirect_dma source(%dma_start3A_112 : memref<10008x128xf32, #tpu.memory_space<hbm>>) target(%arg10 : memref<128x128xf32, #tpu.memory_space<vmem>>) offsets(%dma_start3A_109 : memref<128xi32, #tpu.memory_space<vmem>>) semaphore(%arg13 : memref<!tpu.dma_semaphore, #tpu.memory_space<semaphore_mem>>)
      %scan3A_113 = arith.constant 0 : i32
      %scan3A_114 = arith.constant 0 : i32
      %scan3A_115 = arith.constant 15 : i32
      %scan3A_116 = arith.addi %scan3A_114, %scan3A_115 : i32
      %scan3A_117 = arith.constant 1 : i32
      scf.for %scan3A_147 = %scan3A_114 to %scan3A_116 step %scan3A_117  : i32 {
        %mul3A_148 = arith.constant 2 : i32
        %mul3A_149 = arith.muli %mul3A_148, %scan3A_147 : i32
        %add3A_150 = arith.constant 1 : i32
        %add3A_151 = arith.addi %mul3A_149, %add3A_150 : i32
        %dma_wait3A_152 = arith.constant 0 : i32
        %dma_wait3A_153 = tpu.memref_slice %arg7[%add3A_151, %dma_wait3A_152] : memref<48x128xi32, #tpu.memory_space<vmem>> -> memref<1x128xi32, #tpu.memory_space<vmem>>
        %dma_wait3A_154 = tpu.memref_squeeze %dma_wait3A_153 : memref<1x128xi32, #tpu.memory_space<vmem>> -> memref<128xi32, #tpu.memory_space<vmem>>
        %dma_wait3A_155 = arith.constant 0 : i32
        %dma_wait3A_156 = arith.constant 0 : i32
        %dma_wait3A_157 = tpu.memref_slice %arg2[%dma_wait3A_155, %dma_wait3A_156] : memref<10008x128xf32, #tpu.memory_space<hbm>> -> memref<10008x128xf32, #tpu.memory_space<hbm>>
        tpu.wait_indirect_dma semaphore(%arg13 : memref<!tpu.dma_semaphore, #tpu.memory_space<semaphore_mem>>) src(%dma_wait3A_157 : memref<10008x128xf32, #tpu.memory_space<hbm>>) dst(%arg10 : memref<128x128xf32, #tpu.memory_space<vmem>>)
        %dma_start3A_158 = arith.constant 0 : i32
        %dma_start3A_159 = tpu.memref_slice %arg8[%add3A_151, %dma_start3A_158] : memref<48x128xi32, #tpu.memory_space<vmem>> -> memref<1x128xi32, #tpu.memory_space<vmem>>
        %dma_start3A_160 = tpu.memref_squeeze %dma_start3A_159 : memref<1x128xi32, #tpu.memory_space<vmem>> -> memref<128xi32, #tpu.memory_space<vmem>>
        %dma_start3A_161 = arith.constant 0 : i32
        %dma_start3A_162 = arith.constant 0 : i32
        %dma_start3A_163 = tpu.memref_slice %arg11[%dma_start3A_161, %dma_start3A_162] : memref<10008x128xf32, #tpu.memory_space<vmem_shared>> -> memref<10008x128xf32, #tpu.memory_space<vmem_shared>>
        tpu.enqueue_indirect_dma source(%arg10 : memref<128x128xf32, #tpu.memory_space<vmem>>) target(%dma_start3A_163 : memref<10008x128xf32, #tpu.memory_space<vmem_shared>>) offsets(%dma_start3A_160 : memref<128xi32, #tpu.memory_space<vmem>>) semaphore(%arg15 : memref<!tpu.dma_semaphore, #tpu.memory_space<semaphore_mem>>) {add = true}
        %sub3A = arith.constant 1 : i32
        %sub3A_164 = arith.subi %add3A_151, %sub3A : i32
        %dma_wait3A_165 = arith.constant 0 : i32
        %dma_wait3A_166 = tpu.memref_slice %arg8[%sub3A_164, %dma_wait3A_165] : memref<48x128xi32, #tpu.memory_space<vmem>> -> memref<1x128xi32, #tpu.memory_space<vmem>>
        %dma_wait3A_167 = tpu.memref_squeeze %dma_wait3A_166 : memref<1x128xi32, #tpu.memory_space<vmem>> -> memref<128xi32, #tpu.memory_space<vmem>>
        %dma_wait3A_168 = arith.constant 0 : i32
        %dma_wait3A_169 = arith.constant 0 : i32
        %dma_wait3A_170 = tpu.memref_slice %arg11[%dma_wait3A_168, %dma_wait3A_169] : memref<10008x128xf32, #tpu.memory_space<vmem_shared>> -> memref<10008x128xf32, #tpu.memory_space<vmem_shared>>
        tpu.wait_indirect_dma semaphore(%arg14 : memref<!tpu.dma_semaphore, #tpu.memory_space<semaphore_mem>>) src(%arg9 : memref<128x128xf32, #tpu.memory_space<vmem>>) dst(%dma_wait3A_170 : memref<10008x128xf32, #tpu.memory_space<vmem_shared>>)
        %add3A_171 = arith.constant 1 : i32
        %add3A_172 = arith.addi %add3A_151, %add3A_171 : i32
        %lt3A = arith.constant 32 : i32
        %lt3A_173 = arith.cmpi slt, %add3A_172, %lt3A : i32
        %convert_element_type3A_174 = arith.extui %lt3A_173 : i1 to i32
        %cond3A_175 = arith.constant 0 : i32
        %cond3A_176 = arith.cmpi ne, %convert_element_type3A_174, %cond3A_175 : i32
        scf.if %cond3A_176 {
          %add3A_208 = arith.constant 1 : i32
          %add3A_209 = arith.addi %add3A_151, %add3A_208 : i32
          %dma_start3A_210 = arith.constant 0 : i32
          %dma_start3A_211 = tpu.memref_slice %arg7[%add3A_209, %dma_start3A_210] : memref<48x128xi32, #tpu.memory_space<vmem>> -> memref<1x128xi32, #tpu.memory_space<vmem>>
          %dma_start3A_212 = tpu.memref_squeeze %dma_start3A_211 : memref<1x128xi32, #tpu.memory_space<vmem>> -> memref<128xi32, #tpu.memory_space<vmem>>
          %dma_start3A_213 = arith.constant 0 : i32
          %dma_start3A_214 = arith.constant 0 : i32
          %dma_start3A_215 = tpu.memref_slice %arg2[%dma_start3A_213, %dma_start3A_214] : memref<10008x128xf32, #tpu.memory_space<hbm>> -> memref<10008x128xf32, #tpu.memory_space<hbm>>
          tpu.enqueue_indirect_dma source(%dma_start3A_215 : memref<10008x128xf32, #tpu.memory_space<hbm>>) target(%arg9 : memref<128x128xf32, #tpu.memory_space<vmem>>) offsets(%dma_start3A_212 : memref<128xi32, #tpu.memory_space<vmem>>) semaphore(%arg12 : memref<!tpu.dma_semaphore, #tpu.memory_space<semaphore_mem>>)
        } else {
        }
        %mul3A_177 = arith.constant 2 : i32
        %mul3A_178 = arith.muli %mul3A_177, %scan3A_147 : i32
        %add3A_179 = arith.constant 2 : i32
        %add3A_180 = arith.addi %mul3A_178, %add3A_179 : i32
        %dma_wait3A_181 = arith.constant 0 : i32
        %dma_wait3A_182 = tpu.memref_slice %arg7[%add3A_180, %dma_wait3A_181] : memref<48x128xi32, #tpu.memory_space<vmem>> -> memref<1x128xi32, #tpu.memory_space<vmem>>
        %dma_wait3A_183 = tpu.memref_squeeze %dma_wait3A_182 : memref<1x128xi32, #tpu.memory_space<vmem>> -> memref<128xi32, #tpu.memory_space<vmem>>
        %dma_wait3A_184 = arith.constant 0 : i32
        %dma_wait3A_185 = arith.constant 0 : i32
        %dma_wait3A_186 = tpu.memref_slice %arg2[%dma_wait3A_184, %dma_wait3A_185] : memref<10008x128xf32, #tpu.memory_space<hbm>> -> memref<10008x128xf32, #tpu.memory_space<hbm>>
        tpu.wait_indirect_dma semaphore(%arg12 : memref<!tpu.dma_semaphore, #tpu.memory_space<semaphore_mem>>) src(%dma_wait3A_186 : memref<10008x128xf32, #tpu.memory_space<hbm>>) dst(%arg9 : memref<128x128xf32, #tpu.memory_space<vmem>>)
        %dma_start3A_187 = arith.constant 0 : i32
        %dma_start3A_188 = tpu.memref_slice %arg8[%add3A_180, %dma_start3A_187] : memref<48x128xi32, #tpu.memory_space<vmem>> -> memref<1x128xi32, #tpu.memory_space<vmem>>
        %dma_start3A_189 = tpu.memref_squeeze %dma_start3A_188 : memref<1x128xi32, #tpu.memory_space<vmem>> -> memref<128xi32, #tpu.memory_space<vmem>>
        %dma_start3A_190 = arith.constant 0 : i32
        %dma_start3A_191 = arith.constant 0 : i32
        %dma_start3A_192 = tpu.memref_slice %arg11[%dma_start3A_190, %dma_start3A_191] : memref<10008x128xf32, #tpu.memory_space<vmem_shared>> -> memref<10008x128xf32, #tpu.memory_space<vmem_shared>>
        tpu.enqueue_indirect_dma source(%arg9 : memref<128x128xf32, #tpu.memory_space<vmem>>) target(%dma_start3A_192 : memref<10008x128xf32, #tpu.memory_space<vmem_shared>>) offsets(%dma_start3A_189 : memref<128xi32, #tpu.memory_space<vmem>>) semaphore(%arg14 : memref<!tpu.dma_semaphore, #tpu.memory_space<semaphore_mem>>) {add = true}
        %sub3A_193 = arith.constant 1 : i32
        %sub3A_194 = arith.subi %add3A_180, %sub3A_193 : i32
        %dma_wait3A_195 = arith.constant 0 : i32
        %dma_wait3A_196 = tpu.memref_slice %arg8[%sub3A_194, %dma_wait3A_195] : memref<48x128xi32, #tpu.memory_space<vmem>> -> memref<1x128xi32, #tpu.memory_space<vmem>>
        %dma_wait3A_197 = tpu.memref_squeeze %dma_wait3A_196 : memref<1x128xi32, #tpu.memory_space<vmem>> -> memref<128xi32, #tpu.memory_space<vmem>>
        %dma_wait3A_198 = arith.constant 0 : i32
        %dma_wait3A_199 = arith.constant 0 : i32
        %dma_wait3A_200 = tpu.memref_slice %arg11[%dma_wait3A_198, %dma_wait3A_199] : memref<10008x128xf32, #tpu.memory_space<vmem_shared>> -> memref<10008x128xf32, #tpu.memory_space<vmem_shared>>
        tpu.wait_indirect_dma semaphore(%arg15 : memref<!tpu.dma_semaphore, #tpu.memory_space<semaphore_mem>>) src(%arg10 : memref<128x128xf32, #tpu.memory_space<vmem>>) dst(%dma_wait3A_200 : memref<10008x128xf32, #tpu.memory_space<vmem_shared>>)
        %add3A_201 = arith.constant 1 : i32
        %add3A_202 = arith.addi %add3A_180, %add3A_201 : i32
        %lt3A_203 = arith.constant 32 : i32
        %lt3A_204 = arith.cmpi slt, %add3A_202, %lt3A_203 : i32
        %convert_element_type3A_205 = arith.extui %lt3A_204 : i1 to i32
        %cond3A_206 = arith.constant 0 : i32
        %cond3A_207 = arith.cmpi ne, %convert_element_type3A_205, %cond3A_206 : i32
        scf.if %cond3A_207 {
          %add3A_208 = arith.constant 1 : i32
          %add3A_209 = arith.addi %add3A_180, %add3A_208 : i32
          %dma_start3A_210 = arith.constant 0 : i32
          %dma_start3A_211 = tpu.memref_slice %arg7[%add3A_209, %dma_start3A_210] : memref<48x128xi32, #tpu.memory_space<vmem>> -> memref<1x128xi32, #tpu.memory_space<vmem>>
          %dma_start3A_212 = tpu.memref_squeeze %dma_start3A_211 : memref<1x128xi32, #tpu.memory_space<vmem>> -> memref<128xi32, #tpu.memory_space<vmem>>
          %dma_start3A_213 = arith.constant 0 : i32
          %dma_start3A_214 = arith.constant 0 : i32
          %dma_start3A_215 = tpu.memref_slice %arg2[%dma_start3A_213, %dma_start3A_214] : memref<10008x128xf32, #tpu.memory_space<hbm>> -> memref<10008x128xf32, #tpu.memory_space<hbm>>
          tpu.enqueue_indirect_dma source(%dma_start3A_215 : memref<10008x128xf32, #tpu.memory_space<hbm>>) target(%arg10 : memref<128x128xf32, #tpu.memory_space<vmem>>) offsets(%dma_start3A_212 : memref<128xi32, #tpu.memory_space<vmem>>) semaphore(%arg13 : memref<!tpu.dma_semaphore, #tpu.memory_space<semaphore_mem>>)
        } else {
        }
      }
      %scan3A_118 = arith.constant 15 : i32
      %dma_wait3A_119 = arith.constant 31 : i32
      %dma_wait3A_120 = arith.constant 0 : i32
      %dma_wait3A_121 = tpu.memref_slice %arg7[%dma_wait3A_119, %dma_wait3A_120] : memref<48x128xi32, #tpu.memory_space<vmem>> -> memref<1x128xi32, #tpu.memory_space<vmem>>
      %dma_wait3A_122 = tpu.memref_squeeze %dma_wait3A_121 : memref<1x128xi32, #tpu.memory_space<vmem>> -> memref<128xi32, #tpu.memory_space<vmem>>
      %dma_wait3A_123 = arith.constant 0 : i32
      %dma_wait3A_124 = arith.constant 0 : i32
      %dma_wait3A_125 = tpu.memref_slice %arg2[%dma_wait3A_123, %dma_wait3A_124] : memref<10008x128xf32, #tpu.memory_space<hbm>> -> memref<10008x128xf32, #tpu.memory_space<hbm>>
      tpu.wait_indirect_dma semaphore(%arg13 : memref<!tpu.dma_semaphore, #tpu.memory_space<semaphore_mem>>) src(%dma_wait3A_125 : memref<10008x128xf32, #tpu.memory_space<hbm>>) dst(%arg10 : memref<128x128xf32, #tpu.memory_space<vmem>>)
      %dma_start3A_126 = arith.constant 31 : i32
      %dma_start3A_127 = arith.constant 0 : i32
      %dma_start3A_128 = tpu.memref_slice %arg8[%dma_start3A_126, %dma_start3A_127] : memref<48x128xi32, #tpu.memory_space<vmem>> -> memref<1x128xi32, #tpu.memory_space<vmem>>
      %dma_start3A_129 = tpu.memref_squeeze %dma_start3A_128 : memref<1x128xi32, #tpu.memory_space<vmem>> -> memref<128xi32, #tpu.memory_space<vmem>>
      %dma_start3A_130 = arith.constant 0 : i32
      %dma_start3A_131 = arith.constant 0 : i32
      %dma_start3A_132 = tpu.memref_slice %arg11[%dma_start3A_130, %dma_start3A_131] : memref<10008x128xf32, #tpu.memory_space<vmem_shared>> -> memref<10008x128xf32, #tpu.memory_space<vmem_shared>>
      tpu.enqueue_indirect_dma source(%arg10 : memref<128x128xf32, #tpu.memory_space<vmem>>) target(%dma_start3A_132 : memref<10008x128xf32, #tpu.memory_space<vmem_shared>>) offsets(%dma_start3A_129 : memref<128xi32, #tpu.memory_space<vmem>>) semaphore(%arg15 : memref<!tpu.dma_semaphore, #tpu.memory_space<semaphore_mem>>) {add = true}
      %dma_wait3A_133 = arith.constant 30 : i32
      %dma_wait3A_134 = arith.constant 0 : i32
      %dma_wait3A_135 = tpu.memref_slice %arg8[%dma_wait3A_133, %dma_wait3A_134] : memref<48x128xi32, #tpu.memory_space<vmem>> -> memref<1x128xi32, #tpu.memory_space<vmem>>
      %dma_wait3A_136 = tpu.memref_squeeze %dma_wait3A_135 : memref<1x128xi32, #tpu.memory_space<vmem>> -> memref<128xi32, #tpu.memory_space<vmem>>
      %dma_wait3A_137 = arith.constant 0 : i32
      %dma_wait3A_138 = arith.constant 0 : i32
      %dma_wait3A_139 = tpu.memref_slice %arg11[%dma_wait3A_137, %dma_wait3A_138] : memref<10008x128xf32, #tpu.memory_space<vmem_shared>> -> memref<10008x128xf32, #tpu.memory_space<vmem_shared>>
      tpu.wait_indirect_dma semaphore(%arg14 : memref<!tpu.dma_semaphore, #tpu.memory_space<semaphore_mem>>) src(%arg9 : memref<128x128xf32, #tpu.memory_space<vmem>>) dst(%dma_wait3A_139 : memref<10008x128xf32, #tpu.memory_space<vmem_shared>>)
      %dma_wait3A_140 = arith.constant 31 : i32
      %dma_wait3A_141 = arith.constant 0 : i32
      %dma_wait3A_142 = tpu.memref_slice %arg8[%dma_wait3A_140, %dma_wait3A_141] : memref<48x128xi32, #tpu.memory_space<vmem>> -> memref<1x128xi32, #tpu.memory_space<vmem>>
      %dma_wait3A_143 = tpu.memref_squeeze %dma_wait3A_142 : memref<1x128xi32, #tpu.memory_space<vmem>> -> memref<128xi32, #tpu.memory_space<vmem>>
      %dma_wait3A_144 = arith.constant 0 : i32
      %dma_wait3A_145 = arith.constant 0 : i32
      %dma_wait3A_146 = tpu.memref_slice %arg11[%dma_wait3A_144, %dma_wait3A_145] : memref<10008x128xf32, #tpu.memory_space<vmem_shared>> -> memref<10008x128xf32, #tpu.memory_space<vmem_shared>>
      tpu.wait_indirect_dma semaphore(%arg15 : memref<!tpu.dma_semaphore, #tpu.memory_space<semaphore_mem>>) src(%arg10 : memref<128x128xf32, #tpu.memory_space<vmem>>) dst(%dma_wait3A_146 : memref<10008x128xf32, #tpu.memory_space<vmem_shared>>)
    } else {
    }
    %barrier3A_13 = arith.constant 0 : index
    tpu.barrier barrier_id(%barrier3A_13)
    "tpu.region"() ({
      %run_scoped3A = tpu.sem_alloc : memref<!tpu.dma_semaphore, #tpu.memory_space<semaphore_mem>>
      %dma_start3A = arith.constant 0 : i32
      %dma_start3A_19 = tpu.memref_slice %arg6[%arg0, %mul3A_0, %dma_start3A] : memref<2x10000x128xf32, #tpu.memory_space<hbm>> -> memref<1x624x128xf32, #tpu.memory_space<hbm>>
      %dma_start3A_20 = tpu.memref_squeeze %dma_start3A_19 : memref<1x624x128xf32, #tpu.memory_space<hbm>> -> memref<624x128xf32, #tpu.memory_space<hbm>>
      %dma_start3A_21 = arith.constant 0 : i32
      %dma_start3A_22 = tpu.memref_slice %arg11[%mul3A_0, %dma_start3A_21] : memref<10008x128xf32, #tpu.memory_space<vmem_shared>> -> memref<624x128xf32, #tpu.memory_space<vmem_shared>>
      tpu.enqueue_dma source(%dma_start3A_22 : memref<624x128xf32, #tpu.memory_space<vmem_shared>>) target(%dma_start3A_20 : memref<624x128xf32, #tpu.memory_space<hbm>>) target_semaphore(%run_scoped3A : memref<!tpu.dma_semaphore, #tpu.memory_space<semaphore_mem>>)
      %dma_wait3A = arith.constant 0 : i32
      %dma_wait3A_23 = tpu.memref_slice %arg6[%arg0, %mul3A_0, %dma_wait3A] : memref<2x10000x128xf32, #tpu.memory_space<hbm>> -> memref<1x624x128xf32, #tpu.memory_space<hbm>>
      %dma_wait3A_24 = tpu.memref_squeeze %dma_wait3A_23 : memref<1x624x128xf32, #tpu.memory_space<hbm>> -> memref<624x128xf32, #tpu.memory_space<hbm>>
      %dma_wait3A_25 = arith.constant 0 : i32
      %dma_wait3A_26 = tpu.memref_slice %arg11[%mul3A_0, %dma_wait3A_25] : memref<10008x128xf32, #tpu.memory_space<vmem_shared>> -> memref<624x128xf32, #tpu.memory_space<vmem_shared>>
      tpu.wait_dma2 semaphore(%run_scoped3A : memref<!tpu.dma_semaphore, #tpu.memory_space<semaphore_mem>>) src(%dma_wait3A_26 : memref<624x128xf32, #tpu.memory_space<vmem_shared>>) dst(%dma_wait3A_24 : memref<624x128xf32, #tpu.memory_space<hbm>>)
      tpu.yield
    }) : () -> ()
    %eq3A_14 = arith.constant 15 : i32
    %eq3A_15 = arith.cmpi eq, %arg1, %eq3A_14 : i32
    %convert_element_type3A_16 = arith.extui %eq3A_15 : i1 to i32
    %cond3A_17 = arith.constant 0 : i32
    %cond3A_18 = arith.cmpi ne, %convert_element_type3A_16, %cond3A_17 : i32
    scf.if %cond3A_18 {
      "tpu.region"() ({
        %run_scoped3A = tpu.sem_alloc : memref<!tpu.dma_semaphore, #tpu.memory_space<semaphore_mem>>
        %dma_start3A = arith.constant 9984 : i32
        %dma_start3A_19 = arith.constant 0 : i32
        %dma_start3A_20 = tpu.memref_slice %arg6[%arg0, %dma_start3A, %dma_start3A_19] : memref<2x10000x128xf32, #tpu.memory_space<hbm>> -> memref<1x16x128xf32, #tpu.memory_space<hbm>>
        %dma_start3A_21 = tpu.memref_squeeze %dma_start3A_20 : memref<1x16x128xf32, #tpu.memory_space<hbm>> -> memref<16x128xf32, #tpu.memory_space<hbm>>
        %dma_start3A_22 = arith.constant 9984 : i32
        %dma_start3A_23 = arith.constant 0 : i32
        %dma_start3A_24 = tpu.memref_slice %arg11[%dma_start3A_22, %dma_start3A_23] : memref<10008x128xf32, #tpu.memory_space<vmem_shared>> -> memref<16x128xf32, #tpu.memory_space<vmem_shared>>
        tpu.enqueue_dma source(%dma_start3A_24 : memref<16x128xf32, #tpu.memory_space<vmem_shared>>) target(%dma_start3A_21 : memref<16x128xf32, #tpu.memory_space<hbm>>) target_semaphore(%run_scoped3A : memref<!tpu.dma_semaphore, #tpu.memory_space<semaphore_mem>>)
        %dma_wait3A = arith.constant 9984 : i32
        %dma_wait3A_25 = arith.constant 0 : i32
        %dma_wait3A_26 = tpu.memref_slice %arg6[%arg0, %dma_wait3A, %dma_wait3A_25] : memref<2x10000x128xf32, #tpu.memory_space<hbm>> -> memref<1x16x128xf32, #tpu.memory_space<hbm>>
        %dma_wait3A_27 = tpu.memref_squeeze %dma_wait3A_26 : memref<1x16x128xf32, #tpu.memory_space<hbm>> -> memref<16x128xf32, #tpu.memory_space<hbm>>
        %dma_wait3A_28 = arith.constant 9984 : i32
        %dma_wait3A_29 = arith.constant 0 : i32
        %dma_wait3A_30 = tpu.memref_slice %arg11[%dma_wait3A_28, %dma_wait3A_29] : memref<10008x128xf32, #tpu.memory_space<vmem_shared>> -> memref<16x128xf32, #tpu.memory_space<vmem_shared>>
        tpu.wait_dma2 semaphore(%run_scoped3A : memref<!tpu.dma_semaphore, #tpu.memory_space<semaphore_mem>>) src(%dma_wait3A_30 : memref<16x128xf32, #tpu.memory_space<vmem_shared>>) dst(%dma_wait3A_27 : memref<16x128xf32, #tpu.memory_space<hbm>>)
        tpu.yield
      }) : () -> ()
    } else {
    }
    return
  }
}

#map = affine_map<(d0, d1) -> (0, 0)>
#map1 = affine_map<(d0, d1) -> (0, 0, 0)>
module attributes {stable_mosaic.version = 14 : i64} {
  func.func @scatter_kernel(%arg0: i32, %arg1: i32, %arg2: memref<10008x128xf32, #tpu.memory_space<hbm>>, %arg3: memref<2560x128xi32, #tpu.memory_space<hbm>>, %arg4: memref<2560x128xi32, #tpu.memory_space<hbm>>, %arg5: memref<10000x128xf32, #tpu.memory_space<hbm>>, %arg6: memref<2x10000x128xf32, #tpu.memory_space<hbm>>, %arg7: memref<48x128xi32, #tpu.memory_space<vmem>>, %arg8: memref<48x128xi32, #tpu.memory_space<vmem>>, %arg9: memref<128x128xf32, #tpu.memory_space<vmem>>, %arg10: memref<128x128xf32, #tpu.memory_space<vmem>>, %arg11: memref<10008x128xf32, #tpu.memory_space<vmem_shared>>, %arg12: memref<!tpu.dma_semaphore, #tpu.memory_space<semaphore_mem>>, %arg13: memref<!tpu.dma_semaphore, #tpu.memory_space<semaphore_mem>>, %arg14: memref<!tpu.dma_semaphore, #tpu.memory_space<semaphore_mem>>, %arg15: memref<!tpu.dma_semaphore, #tpu.memory_space<semaphore_mem>>) attributes {dimension_semantics = [#tpu.dimension_semantics<core_parallel>, #tpu.dimension_semantics<subcore_parallel>], iteration_bounds = array<i64: 2, 16>, scalar_prefetch = 0 : i64, scratch_operands = 9 : i64, tpu.core_type = #tpu.core_type<sc_vector_subcore>, window_params = [{transform_indices = #map}, {transform_indices = #map}, {transform_indices = #map}, {transform_indices = #map}, {transform_indices = #map1}]} {
    %mul3A = arith.constant 624 : i32
    %mul3A_0 = arith.muli %arg1, %mul3A : i32
    "tpu.region"() ({
      %run_scoped3A = tpu.sem_alloc : memref<!tpu.dma_semaphore, #tpu.memory_space<semaphore_mem>>
      %dma_start3A = arith.constant 0 : i32
      %dma_start3A_19 = tpu.memref_slice %arg11[%mul3A_0, %dma_start3A] : memref<10008x128xf32, #tpu.memory_space<vmem_shared>> -> memref<624x128xf32, #tpu.memory_space<vmem_shared>>
      %dma_start3A_20 = arith.constant 0 : i32
      %dma_start3A_21 = tpu.memref_slice %arg5[%mul3A_0, %dma_start3A_20] : memref<10000x128xf32, #tpu.memory_space<hbm>> -> memref<624x128xf32, #tpu.memory_space<hbm>>
      tpu.enqueue_dma source(%dma_start3A_21 : memref<624x128xf32, #tpu.memory_space<hbm>>) target(%dma_start3A_19 : memref<624x128xf32, #tpu.memory_space<vmem_shared>>) target_semaphore(%run_scoped3A : memref<!tpu.dma_semaphore, #tpu.memory_space<semaphore_mem>>)
      %dma_wait3A = arith.constant 0 : i32
      %dma_wait3A_22 = tpu.memref_slice %arg11[%mul3A_0, %dma_wait3A] : memref<10008x128xf32, #tpu.memory_space<vmem_shared>> -> memref<624x128xf32, #tpu.memory_space<vmem_shared>>
      %dma_wait3A_23 = arith.constant 0 : i32
      %dma_wait3A_24 = tpu.memref_slice %arg5[%mul3A_0, %dma_wait3A_23] : memref<10000x128xf32, #tpu.memory_space<hbm>> -> memref<624x128xf32, #tpu.memory_space<hbm>>
      tpu.wait_dma2 semaphore(%run_scoped3A : memref<!tpu.dma_semaphore, #tpu.memory_space<semaphore_mem>>) src(%dma_wait3A_24 : memref<624x128xf32, #tpu.memory_space<hbm>>) dst(%dma_wait3A_22 : memref<624x128xf32, #tpu.memory_space<vmem_shared>>)
      tpu.yield
    }) : () -> ()
    %eq3A = arith.constant 15 : i32
    %eq3A_1 = arith.cmpi eq, %arg1, %eq3A : i32
    %convert_element_type3A = arith.extui %eq3A_1 : i1 to i32
    %cond3A = arith.constant 0 : i32
    %cond3A_2 = arith.cmpi ne, %convert_element_type3A, %cond3A : i32
    scf.if %cond3A_2 {
      "tpu.region"() ({
        %run_scoped3A = tpu.sem_alloc : memref<!tpu.dma_semaphore, #tpu.memory_space<semaphore_mem>>
        %dma_start3A = arith.constant 9984 : i32
        %dma_start3A_19 = arith.constant 0 : i32
        %dma_start3A_20 = tpu.memref_slice %arg11[%dma_start3A, %dma_start3A_19] : memref<10008x128xf32, #tpu.memory_space<vmem_shared>> -> memref<16x128xf32, #tpu.memory_space<vmem_shared>>
        %dma_start3A_21 = arith.constant 9984 : i32
        %dma_start3A_22 = arith.constant 0 : i32
        %dma_start3A_23 = tpu.memref_slice %arg5[%dma_start3A_21, %dma_start3A_22] : memref<10000x128xf32, #tpu.memory_space<hbm>> -> memref<16x128xf32, #tpu.memory_space<hbm>>
        tpu.enqueue_dma source(%dma_start3A_23 : memref<16x128xf32, #tpu.memory_space<hbm>>) target(%dma_start3A_20 : memref<16x128xf32, #tpu.memory_space<vmem_shared>>) target_semaphore(%run_scoped3A : memref<!tpu.dma_semaphore, #tpu.memory_space<semaphore_mem>>)
        %dma_wait3A = arith.constant 9984 : i32
        %dma_wait3A_24 = arith.constant 0 : i32
        %dma_wait3A_25 = tpu.memref_slice %arg11[%dma_wait3A, %dma_wait3A_24] : memref<10008x128xf32, #tpu.memory_space<vmem_shared>> -> memref<16x128xf32, #tpu.memory_space<vmem_shared>>
        %dma_wait3A_26 = arith.constant 9984 : i32
        %dma_wait3A_27 = arith.constant 0 : i32
        %dma_wait3A_28 = tpu.memref_slice %arg5[%dma_wait3A_26, %dma_wait3A_27] : memref<10000x128xf32, #tpu.memory_space<hbm>> -> memref<16x128xf32, #tpu.memory_space<hbm>>
        tpu.wait_dma2 semaphore(%run_scoped3A : memref<!tpu.dma_semaphore, #tpu.memory_space<semaphore_mem>>) src(%dma_wait3A_28 : memref<16x128xf32, #tpu.memory_space<hbm>>) dst(%dma_wait3A_25 : memref<16x128xf32, #tpu.memory_space<vmem_shared>>)
        tpu.yield
      }) : () -> ()
    } else {
    }
    %barrier3A = arith.constant 0 : index
    tpu.barrier barrier_id(%barrier3A)
    %eq3A_3 = arith.constant 0 : i32
    %eq3A_4 = arith.cmpi eq, %arg0, %eq3A_3 : i32
    %convert_element_type3A_5 = arith.extui %eq3A_4 : i1 to i32
    %cond3A_6 = arith.constant 0 : i32
    %cond3A_7 = arith.cmpi ne, %convert_element_type3A_5, %cond3A_6 : i32
    scf.if %cond3A_7 {
      %mul3A_19 = arith.constant 160 : i32
      %mul3A_20 = arith.muli %arg1, %mul3A_19 : i32
      %eq3A_21 = arith.constant 0 : i32
      %eq3A_22 = arith.cmpi eq, %arg0, %eq3A_21 : i32
      %jit3A = arith.constant 0 : i32
      %jit3A_23 = arith.constant 88 : i32
      %select_n3A = arith.select %eq3A_22, %jit3A, %jit3A_23 : i32
      %add3A = arith.addi %mul3A_20, %select_n3A : i32
      "tpu.region"() ({
        %run_scoped3A = tpu.sem_alloc : memref<!tpu.dma_semaphore, #tpu.memory_space<semaphore_mem>>
        %dma_start3A_147 = arith.constant 0 : i32
        %dma_start3A_148 = arith.constant 0 : i32
        %dma_start3A_149 = tpu.memref_slice %arg8[%dma_start3A_147, %dma_start3A_148] : memref<48x128xi32, #tpu.memory_space<vmem>> -> memref<48x128xi32, #tpu.memory_space<vmem>>
        %dma_start3A_150 = arith.constant 0 : i32
        %dma_start3A_151 = tpu.memref_slice %arg4[%add3A, %dma_start3A_150] : memref<2560x128xi32, #tpu.memory_space<hbm>> -> memref<48x128xi32, #tpu.memory_space<hbm>>
        %dma_start3A_152 = arith.constant 0 : i32
        %dma_start3A_153 = arith.constant 0 : i32
        %dma_start3A_154 = tpu.memref_slice %arg8[%dma_start3A_152, %dma_start3A_153] : memref<48x128xi32, #tpu.memory_space<vmem>> -> memref<48x128xi32, #tpu.memory_space<vmem>>
        %dma_start3A_155 = arith.constant 0 : i32
        %dma_start3A_156 = tpu.memref_slice %arg4[%add3A, %dma_start3A_155] : memref<2560x128xi32, #tpu.memory_space<hbm>> -> memref<48x128xi32, #tpu.memory_space<hbm>>
        tpu.enqueue_dma source(%dma_start3A_156 : memref<48x128xi32, #tpu.memory_space<hbm>>) target(%dma_start3A_154 : memref<48x128xi32, #tpu.memory_space<vmem>>) target_semaphore(%run_scoped3A : memref<!tpu.dma_semaphore, #tpu.memory_space<semaphore_mem>>)
        %dma_wait3A_157 = arith.constant 0 : i32
        %dma_wait3A_158 = arith.constant 0 : i32
        %dma_wait3A_159 = tpu.memref_slice %arg8[%dma_wait3A_157, %dma_wait3A_158] : memref<48x128xi32, #tpu.memory_space<vmem>> -> memref<48x128xi32, #tpu.memory_space<vmem>>
        %dma_wait3A_160 = arith.constant 0 : i32
        %dma_wait3A_161 = tpu.memref_slice %arg4[%add3A, %dma_wait3A_160] : memref<2560x128xi32, #tpu.memory_space<hbm>> -> memref<48x128xi32, #tpu.memory_space<hbm>>
        %dma_wait3A_162 = arith.constant 0 : i32
        %dma_wait3A_163 = arith.constant 0 : i32
        %dma_wait3A_164 = tpu.memref_slice %arg8[%dma_wait3A_162, %dma_wait3A_163] : memref<48x128xi32, #tpu.memory_space<vmem>> -> memref<48x128xi32, #tpu.memory_space<vmem>>
        %dma_wait3A_165 = arith.constant 0 : i32
        %dma_wait3A_166 = tpu.memref_slice %arg4[%add3A, %dma_wait3A_165] : memref<2560x128xi32, #tpu.memory_space<hbm>> -> memref<48x128xi32, #tpu.memory_space<hbm>>
        tpu.wait_dma2 semaphore(%run_scoped3A : memref<!tpu.dma_semaphore, #tpu.memory_space<semaphore_mem>>) src(%dma_wait3A_166 : memref<48x128xi32, #tpu.memory_space<hbm>>) dst(%dma_wait3A_164 : memref<48x128xi32, #tpu.memory_space<vmem>>)
        tpu.yield
      }) : () -> ()
      "tpu.region"() ({
        %run_scoped3A = tpu.sem_alloc : memref<!tpu.dma_semaphore, #tpu.memory_space<semaphore_mem>>
        %dma_start3A_147 = arith.constant 0 : i32
        %dma_start3A_148 = arith.constant 0 : i32
        %dma_start3A_149 = tpu.memref_slice %arg7[%dma_start3A_147, %dma_start3A_148] : memref<48x128xi32, #tpu.memory_space<vmem>> -> memref<48x128xi32, #tpu.memory_space<vmem>>
        %dma_start3A_150 = arith.constant 0 : i32
        %dma_start3A_151 = tpu.memref_slice %arg3[%add3A, %dma_start3A_150] : memref<2560x128xi32, #tpu.memory_space<hbm>> -> memref<48x128xi32, #tpu.memory_space<hbm>>
        %dma_start3A_152 = arith.constant 0 : i32
        %dma_start3A_153 = arith.constant 0 : i32
        %dma_start3A_154 = tpu.memref_slice %arg7[%dma_start3A_152, %dma_start3A_153] : memref<48x128xi32, #tpu.memory_space<vmem>> -> memref<48x128xi32, #tpu.memory_space<vmem>>
        %dma_start3A_155 = arith.constant 0 : i32
        %dma_start3A_156 = tpu.memref_slice %arg3[%add3A, %dma_start3A_155] : memref<2560x128xi32, #tpu.memory_space<hbm>> -> memref<48x128xi32, #tpu.memory_space<hbm>>
        tpu.enqueue_dma source(%dma_start3A_156 : memref<48x128xi32, #tpu.memory_space<hbm>>) target(%dma_start3A_154 : memref<48x128xi32, #tpu.memory_space<vmem>>) target_semaphore(%run_scoped3A : memref<!tpu.dma_semaphore, #tpu.memory_space<semaphore_mem>>)
        %dma_wait3A_157 = arith.constant 0 : i32
        %dma_wait3A_158 = arith.constant 0 : i32
        %dma_wait3A_159 = tpu.memref_slice %arg7[%dma_wait3A_157, %dma_wait3A_158] : memref<48x128xi32, #tpu.memory_space<vmem>> -> memref<48x128xi32, #tpu.memory_space<vmem>>
        %dma_wait3A_160 = arith.constant 0 : i32
        %dma_wait3A_161 = tpu.memref_slice %arg3[%add3A, %dma_wait3A_160] : memref<2560x128xi32, #tpu.memory_space<hbm>> -> memref<48x128xi32, #tpu.memory_space<hbm>>
        %dma_wait3A_162 = arith.constant 0 : i32
        %dma_wait3A_163 = arith.constant 0 : i32
        %dma_wait3A_164 = tpu.memref_slice %arg7[%dma_wait3A_162, %dma_wait3A_163] : memref<48x128xi32, #tpu.memory_space<vmem>> -> memref<48x128xi32, #tpu.memory_space<vmem>>
        %dma_wait3A_165 = arith.constant 0 : i32
        %dma_wait3A_166 = tpu.memref_slice %arg3[%add3A, %dma_wait3A_165] : memref<2560x128xi32, #tpu.memory_space<hbm>> -> memref<48x128xi32, #tpu.memory_space<hbm>>
        tpu.wait_dma2 semaphore(%run_scoped3A : memref<!tpu.dma_semaphore, #tpu.memory_space<semaphore_mem>>) src(%dma_wait3A_166 : memref<48x128xi32, #tpu.memory_space<hbm>>) dst(%dma_wait3A_164 : memref<48x128xi32, #tpu.memory_space<vmem>>)
        tpu.yield
      }) : () -> ()
      %dma_start3A = arith.constant 0 : i32
      %dma_start3A_24 = arith.constant 0 : i32
      %dma_start3A_25 = tpu.memref_slice %arg7[%dma_start3A, %dma_start3A_24] : memref<48x128xi32, #tpu.memory_space<vmem>> -> memref<1x128xi32, #tpu.memory_space<vmem>>
      %dma_start3A_26 = tpu.memref_squeeze %dma_start3A_25 : memref<1x128xi32, #tpu.memory_space<vmem>> -> memref<128xi32, #tpu.memory_space<vmem>>
      %dma_start3A_27 = arith.constant 0 : i32
      %dma_start3A_28 = arith.constant 0 : i32
      %dma_start3A_29 = tpu.memref_slice %arg2[%dma_start3A_27, %dma_start3A_28] : memref<10008x128xf32, #tpu.memory_space<hbm>> -> memref<10008x128xf32, #tpu.memory_space<hbm>>
      tpu.enqueue_indirect_dma source(%dma_start3A_29 : memref<10008x128xf32, #tpu.memory_space<hbm>>) target(%arg9 : memref<128x128xf32, #tpu.memory_space<vmem>>) offsets(%dma_start3A_26 : memref<128xi32, #tpu.memory_space<vmem>>) semaphore(%arg12 : memref<!tpu.dma_semaphore, #tpu.memory_space<semaphore_mem>>)
      %dma_wait3A = arith.constant 0 : i32
      %dma_wait3A_30 = arith.constant 0 : i32
      %dma_wait3A_31 = tpu.memref_slice %arg7[%dma_wait3A, %dma_wait3A_30] : memref<48x128xi32, #tpu.memory_space<vmem>> -> memref<1x128xi32, #tpu.memory_space<vmem>>
      %dma_wait3A_32 = tpu.memref_squeeze %dma_wait3A_31 : memref<1x128xi32, #tpu.memory_space<vmem>> -> memref<128xi32, #tpu.memory_space<vmem>>
      %dma_wait3A_33 = arith.constant 0 : i32
      %dma_wait3A_34 = arith.constant 0 : i32
      %dma_wait3A_35 = tpu.memref_slice %arg2[%dma_wait3A_33, %dma_wait3A_34] : memref<10008x128xf32, #tpu.memory_space<hbm>> -> memref<10008x128xf32, #tpu.memory_space<hbm>>
      tpu.wait_indirect_dma semaphore(%arg12 : memref<!tpu.dma_semaphore, #tpu.memory_space<semaphore_mem>>) src(%dma_wait3A_35 : memref<10008x128xf32, #tpu.memory_space<hbm>>) dst(%arg9 : memref<128x128xf32, #tpu.memory_space<vmem>>)
      %dma_start3A_36 = arith.constant 0 : i32
      %dma_start3A_37 = arith.constant 0 : i32
      %dma_start3A_38 = tpu.memref_slice %arg8[%dma_start3A_36, %dma_start3A_37] : memref<48x128xi32, #tpu.memory_space<vmem>> -> memref<1x128xi32, #tpu.memory_space<vmem>>
      %dma_start3A_39 = tpu.memref_squeeze %dma_start3A_38 : memref<1x128xi32, #tpu.memory_space<vmem>> -> memref<128xi32, #tpu.memory_space<vmem>>
      %dma_start3A_40 = arith.constant 0 : i32
      %dma_start3A_41 = arith.constant 0 : i32
      %dma_start3A_42 = tpu.memref_slice %arg11[%dma_start3A_40, %dma_start3A_41] : memref<10008x128xf32, #tpu.memory_space<vmem_shared>> -> memref<10008x128xf32, #tpu.memory_space<vmem_shared>>
      tpu.enqueue_indirect_dma source(%arg9 : memref<128x128xf32, #tpu.memory_space<vmem>>) target(%dma_start3A_42 : memref<10008x128xf32, #tpu.memory_space<vmem_shared>>) offsets(%dma_start3A_39 : memref<128xi32, #tpu.memory_space<vmem>>) semaphore(%arg14 : memref<!tpu.dma_semaphore, #tpu.memory_space<semaphore_mem>>) {add = true}
      %dma_start3A_43 = arith.constant 1 : i32
      %dma_start3A_44 = arith.constant 0 : i32
      %dma_start3A_45 = tpu.memref_slice %arg7[%dma_start3A_43, %dma_start3A_44] : memref<48x128xi32, #tpu.memory_space<vmem>> -> memref<1x128xi32, #tpu.memory_space<vmem>>
      %dma_start3A_46 = tpu.memref_squeeze %dma_start3A_45 : memref<1x128xi32, #tpu.memory_space<vmem>> -> memref<128xi32, #tpu.memory_space<vmem>>
      %dma_start3A_47 = arith.constant 0 : i32
      %dma_start3A_48 = arith.constant 0 : i32
      %dma_start3A_49 = tpu.memref_slice %arg2[%dma_start3A_47, %dma_start3A_48] : memref<10008x128xf32, #tpu.memory_space<hbm>> -> memref<10008x128xf32, #tpu.memory_space<hbm>>
      tpu.enqueue_indirect_dma source(%dma_start3A_49 : memref<10008x128xf32, #tpu.memory_space<hbm>>) target(%arg10 : memref<128x128xf32, #tpu.memory_space<vmem>>) offsets(%dma_start3A_46 : memref<128xi32, #tpu.memory_space<vmem>>) semaphore(%arg13 : memref<!tpu.dma_semaphore, #tpu.memory_space<semaphore_mem>>)
      %scan3A = arith.constant 0 : i32
      %scan3A_50 = arith.constant 0 : i32
      %scan3A_51 = arith.constant 23 : i32
      %scan3A_52 = arith.addi %scan3A_50, %scan3A_51 : i32
      %scan3A_53 = arith.constant 1 : i32
      scf.for %scan3A_147 = %scan3A_50 to %scan3A_52 step %scan3A_53  : i32 {
        %mul3A_148 = arith.constant 2 : i32
        %mul3A_149 = arith.muli %mul3A_148, %scan3A_147 : i32
        %add3A_150 = arith.constant 1 : i32
        %add3A_151 = arith.addi %mul3A_149, %add3A_150 : i32
        %dma_wait3A_152 = arith.constant 0 : i32
        %dma_wait3A_153 = tpu.memref_slice %arg7[%add3A_151, %dma_wait3A_152] : memref<48x128xi32, #tpu.memory_space<vmem>> -> memref<1x128xi32, #tpu.memory_space<vmem>>
        %dma_wait3A_154 = tpu.memref_squeeze %dma_wait3A_153 : memref<1x128xi32, #tpu.memory_space<vmem>> -> memref<128xi32, #tpu.memory_space<vmem>>
        %dma_wait3A_155 = arith.constant 0 : i32
        %dma_wait3A_156 = arith.constant 0 : i32
        %dma_wait3A_157 = tpu.memref_slice %arg2[%dma_wait3A_155, %dma_wait3A_156] : memref<10008x128xf32, #tpu.memory_space<hbm>> -> memref<10008x128xf32, #tpu.memory_space<hbm>>
        tpu.wait_indirect_dma semaphore(%arg13 : memref<!tpu.dma_semaphore, #tpu.memory_space<semaphore_mem>>) src(%dma_wait3A_157 : memref<10008x128xf32, #tpu.memory_space<hbm>>) dst(%arg10 : memref<128x128xf32, #tpu.memory_space<vmem>>)
        %dma_start3A_158 = arith.constant 0 : i32
        %dma_start3A_159 = tpu.memref_slice %arg8[%add3A_151, %dma_start3A_158] : memref<48x128xi32, #tpu.memory_space<vmem>> -> memref<1x128xi32, #tpu.memory_space<vmem>>
        %dma_start3A_160 = tpu.memref_squeeze %dma_start3A_159 : memref<1x128xi32, #tpu.memory_space<vmem>> -> memref<128xi32, #tpu.memory_space<vmem>>
        %dma_start3A_161 = arith.constant 0 : i32
        %dma_start3A_162 = arith.constant 0 : i32
        %dma_start3A_163 = tpu.memref_slice %arg11[%dma_start3A_161, %dma_start3A_162] : memref<10008x128xf32, #tpu.memory_space<vmem_shared>> -> memref<10008x128xf32, #tpu.memory_space<vmem_shared>>
        tpu.enqueue_indirect_dma source(%arg10 : memref<128x128xf32, #tpu.memory_space<vmem>>) target(%dma_start3A_163 : memref<10008x128xf32, #tpu.memory_space<vmem_shared>>) offsets(%dma_start3A_160 : memref<128xi32, #tpu.memory_space<vmem>>) semaphore(%arg15 : memref<!tpu.dma_semaphore, #tpu.memory_space<semaphore_mem>>) {add = true}
        %sub3A = arith.constant 1 : i32
        %sub3A_164 = arith.subi %add3A_151, %sub3A : i32
        %dma_wait3A_165 = arith.constant 0 : i32
        %dma_wait3A_166 = tpu.memref_slice %arg8[%sub3A_164, %dma_wait3A_165] : memref<48x128xi32, #tpu.memory_space<vmem>> -> memref<1x128xi32, #tpu.memory_space<vmem>>
        %dma_wait3A_167 = tpu.memref_squeeze %dma_wait3A_166 : memref<1x128xi32, #tpu.memory_space<vmem>> -> memref<128xi32, #tpu.memory_space<vmem>>
        %dma_wait3A_168 = arith.constant 0 : i32
        %dma_wait3A_169 = arith.constant 0 : i32
        %dma_wait3A_170 = tpu.memref_slice %arg11[%dma_wait3A_168, %dma_wait3A_169] : memref<10008x128xf32, #tpu.memory_space<vmem_shared>> -> memref<10008x128xf32, #tpu.memory_space<vmem_shared>>
        tpu.wait_indirect_dma semaphore(%arg14 : memref<!tpu.dma_semaphore, #tpu.memory_space<semaphore_mem>>) src(%arg9 : memref<128x128xf32, #tpu.memory_space<vmem>>) dst(%dma_wait3A_170 : memref<10008x128xf32, #tpu.memory_space<vmem_shared>>)
        %add3A_171 = arith.constant 1 : i32
        %add3A_172 = arith.addi %add3A_151, %add3A_171 : i32
        %lt3A = arith.constant 48 : i32
        %lt3A_173 = arith.cmpi slt, %add3A_172, %lt3A : i32
        %convert_element_type3A_174 = arith.extui %lt3A_173 : i1 to i32
        %cond3A_175 = arith.constant 0 : i32
        %cond3A_176 = arith.cmpi ne, %convert_element_type3A_174, %cond3A_175 : i32
        scf.if %cond3A_176 {
          %add3A_208 = arith.constant 1 : i32
          %add3A_209 = arith.addi %add3A_151, %add3A_208 : i32
          %dma_start3A_210 = arith.constant 0 : i32
          %dma_start3A_211 = tpu.memref_slice %arg7[%add3A_209, %dma_start3A_210] : memref<48x128xi32, #tpu.memory_space<vmem>> -> memref<1x128xi32, #tpu.memory_space<vmem>>
          %dma_start3A_212 = tpu.memref_squeeze %dma_start3A_211 : memref<1x128xi32, #tpu.memory_space<vmem>> -> memref<128xi32, #tpu.memory_space<vmem>>
          %dma_start3A_213 = arith.constant 0 : i32
          %dma_start3A_214 = arith.constant 0 : i32
          %dma_start3A_215 = tpu.memref_slice %arg2[%dma_start3A_213, %dma_start3A_214] : memref<10008x128xf32, #tpu.memory_space<hbm>> -> memref<10008x128xf32, #tpu.memory_space<hbm>>
          tpu.enqueue_indirect_dma source(%dma_start3A_215 : memref<10008x128xf32, #tpu.memory_space<hbm>>) target(%arg9 : memref<128x128xf32, #tpu.memory_space<vmem>>) offsets(%dma_start3A_212 : memref<128xi32, #tpu.memory_space<vmem>>) semaphore(%arg12 : memref<!tpu.dma_semaphore, #tpu.memory_space<semaphore_mem>>)
        } else {
        }
        %mul3A_177 = arith.constant 2 : i32
        %mul3A_178 = arith.muli %mul3A_177, %scan3A_147 : i32
        %add3A_179 = arith.constant 2 : i32
        %add3A_180 = arith.addi %mul3A_178, %add3A_179 : i32
        %dma_wait3A_181 = arith.constant 0 : i32
        %dma_wait3A_182 = tpu.memref_slice %arg7[%add3A_180, %dma_wait3A_181] : memref<48x128xi32, #tpu.memory_space<vmem>> -> memref<1x128xi32, #tpu.memory_space<vmem>>
        %dma_wait3A_183 = tpu.memref_squeeze %dma_wait3A_182 : memref<1x128xi32, #tpu.memory_space<vmem>> -> memref<128xi32, #tpu.memory_space<vmem>>
        %dma_wait3A_184 = arith.constant 0 : i32
        %dma_wait3A_185 = arith.constant 0 : i32
        %dma_wait3A_186 = tpu.memref_slice %arg2[%dma_wait3A_184, %dma_wait3A_185] : memref<10008x128xf32, #tpu.memory_space<hbm>> -> memref<10008x128xf32, #tpu.memory_space<hbm>>
        tpu.wait_indirect_dma semaphore(%arg12 : memref<!tpu.dma_semaphore, #tpu.memory_space<semaphore_mem>>) src(%dma_wait3A_186 : memref<10008x128xf32, #tpu.memory_space<hbm>>) dst(%arg9 : memref<128x128xf32, #tpu.memory_space<vmem>>)
        %dma_start3A_187 = arith.constant 0 : i32
        %dma_start3A_188 = tpu.memref_slice %arg8[%add3A_180, %dma_start3A_187] : memref<48x128xi32, #tpu.memory_space<vmem>> -> memref<1x128xi32, #tpu.memory_space<vmem>>
        %dma_start3A_189 = tpu.memref_squeeze %dma_start3A_188 : memref<1x128xi32, #tpu.memory_space<vmem>> -> memref<128xi32, #tpu.memory_space<vmem>>
        %dma_start3A_190 = arith.constant 0 : i32
        %dma_start3A_191 = arith.constant 0 : i32
        %dma_start3A_192 = tpu.memref_slice %arg11[%dma_start3A_190, %dma_start3A_191] : memref<10008x128xf32, #tpu.memory_space<vmem_shared>> -> memref<10008x128xf32, #tpu.memory_space<vmem_shared>>
        tpu.enqueue_indirect_dma source(%arg9 : memref<128x128xf32, #tpu.memory_space<vmem>>) target(%dma_start3A_192 : memref<10008x128xf32, #tpu.memory_space<vmem_shared>>) offsets(%dma_start3A_189 : memref<128xi32, #tpu.memory_space<vmem>>) semaphore(%arg14 : memref<!tpu.dma_semaphore, #tpu.memory_space<semaphore_mem>>) {add = true}
        %sub3A_193 = arith.constant 1 : i32
        %sub3A_194 = arith.subi %add3A_180, %sub3A_193 : i32
        %dma_wait3A_195 = arith.constant 0 : i32
        %dma_wait3A_196 = tpu.memref_slice %arg8[%sub3A_194, %dma_wait3A_195] : memref<48x128xi32, #tpu.memory_space<vmem>> -> memref<1x128xi32, #tpu.memory_space<vmem>>
        %dma_wait3A_197 = tpu.memref_squeeze %dma_wait3A_196 : memref<1x128xi32, #tpu.memory_space<vmem>> -> memref<128xi32, #tpu.memory_space<vmem>>
        %dma_wait3A_198 = arith.constant 0 : i32
        %dma_wait3A_199 = arith.constant 0 : i32
        %dma_wait3A_200 = tpu.memref_slice %arg11[%dma_wait3A_198, %dma_wait3A_199] : memref<10008x128xf32, #tpu.memory_space<vmem_shared>> -> memref<10008x128xf32, #tpu.memory_space<vmem_shared>>
        tpu.wait_indirect_dma semaphore(%arg15 : memref<!tpu.dma_semaphore, #tpu.memory_space<semaphore_mem>>) src(%arg10 : memref<128x128xf32, #tpu.memory_space<vmem>>) dst(%dma_wait3A_200 : memref<10008x128xf32, #tpu.memory_space<vmem_shared>>)
        %add3A_201 = arith.constant 1 : i32
        %add3A_202 = arith.addi %add3A_180, %add3A_201 : i32
        %lt3A_203 = arith.constant 48 : i32
        %lt3A_204 = arith.cmpi slt, %add3A_202, %lt3A_203 : i32
        %convert_element_type3A_205 = arith.extui %lt3A_204 : i1 to i32
        %cond3A_206 = arith.constant 0 : i32
        %cond3A_207 = arith.cmpi ne, %convert_element_type3A_205, %cond3A_206 : i32
        scf.if %cond3A_207 {
          %add3A_208 = arith.constant 1 : i32
          %add3A_209 = arith.addi %add3A_180, %add3A_208 : i32
          %dma_start3A_210 = arith.constant 0 : i32
          %dma_start3A_211 = tpu.memref_slice %arg7[%add3A_209, %dma_start3A_210] : memref<48x128xi32, #tpu.memory_space<vmem>> -> memref<1x128xi32, #tpu.memory_space<vmem>>
          %dma_start3A_212 = tpu.memref_squeeze %dma_start3A_211 : memref<1x128xi32, #tpu.memory_space<vmem>> -> memref<128xi32, #tpu.memory_space<vmem>>
          %dma_start3A_213 = arith.constant 0 : i32
          %dma_start3A_214 = arith.constant 0 : i32
          %dma_start3A_215 = tpu.memref_slice %arg2[%dma_start3A_213, %dma_start3A_214] : memref<10008x128xf32, #tpu.memory_space<hbm>> -> memref<10008x128xf32, #tpu.memory_space<hbm>>
          tpu.enqueue_indirect_dma source(%dma_start3A_215 : memref<10008x128xf32, #tpu.memory_space<hbm>>) target(%arg10 : memref<128x128xf32, #tpu.memory_space<vmem>>) offsets(%dma_start3A_212 : memref<128xi32, #tpu.memory_space<vmem>>) semaphore(%arg13 : memref<!tpu.dma_semaphore, #tpu.memory_space<semaphore_mem>>)
        } else {
        }
      }
      %scan3A_54 = arith.constant 23 : i32
      %dma_wait3A_55 = arith.constant 47 : i32
      %dma_wait3A_56 = arith.constant 0 : i32
      %dma_wait3A_57 = tpu.memref_slice %arg7[%dma_wait3A_55, %dma_wait3A_56] : memref<48x128xi32, #tpu.memory_space<vmem>> -> memref<1x128xi32, #tpu.memory_space<vmem>>
      %dma_wait3A_58 = tpu.memref_squeeze %dma_wait3A_57 : memref<1x128xi32, #tpu.memory_space<vmem>> -> memref<128xi32, #tpu.memory_space<vmem>>
      %dma_wait3A_59 = arith.constant 0 : i32
      %dma_wait3A_60 = arith.constant 0 : i32
      %dma_wait3A_61 = tpu.memref_slice %arg2[%dma_wait3A_59, %dma_wait3A_60] : memref<10008x128xf32, #tpu.memory_space<hbm>> -> memref<10008x128xf32, #tpu.memory_space<hbm>>
      tpu.wait_indirect_dma semaphore(%arg13 : memref<!tpu.dma_semaphore, #tpu.memory_space<semaphore_mem>>) src(%dma_wait3A_61 : memref<10008x128xf32, #tpu.memory_space<hbm>>) dst(%arg10 : memref<128x128xf32, #tpu.memory_space<vmem>>)
      %dma_start3A_62 = arith.constant 47 : i32
      %dma_start3A_63 = arith.constant 0 : i32
      %dma_start3A_64 = tpu.memref_slice %arg8[%dma_start3A_62, %dma_start3A_63] : memref<48x128xi32, #tpu.memory_space<vmem>> -> memref<1x128xi32, #tpu.memory_space<vmem>>
      %dma_start3A_65 = tpu.memref_squeeze %dma_start3A_64 : memref<1x128xi32, #tpu.memory_space<vmem>> -> memref<128xi32, #tpu.memory_space<vmem>>
      %dma_start3A_66 = arith.constant 0 : i32
      %dma_start3A_67 = arith.constant 0 : i32
      %dma_start3A_68 = tpu.memref_slice %arg11[%dma_start3A_66, %dma_start3A_67] : memref<10008x128xf32, #tpu.memory_space<vmem_shared>> -> memref<10008x128xf32, #tpu.memory_space<vmem_shared>>
      tpu.enqueue_indirect_dma source(%arg10 : memref<128x128xf32, #tpu.memory_space<vmem>>) target(%dma_start3A_68 : memref<10008x128xf32, #tpu.memory_space<vmem_shared>>) offsets(%dma_start3A_65 : memref<128xi32, #tpu.memory_space<vmem>>) semaphore(%arg15 : memref<!tpu.dma_semaphore, #tpu.memory_space<semaphore_mem>>) {add = true}
      %dma_wait3A_69 = arith.constant 46 : i32
      %dma_wait3A_70 = arith.constant 0 : i32
      %dma_wait3A_71 = tpu.memref_slice %arg8[%dma_wait3A_69, %dma_wait3A_70] : memref<48x128xi32, #tpu.memory_space<vmem>> -> memref<1x128xi32, #tpu.memory_space<vmem>>
      %dma_wait3A_72 = tpu.memref_squeeze %dma_wait3A_71 : memref<1x128xi32, #tpu.memory_space<vmem>> -> memref<128xi32, #tpu.memory_space<vmem>>
      %dma_wait3A_73 = arith.constant 0 : i32
      %dma_wait3A_74 = arith.constant 0 : i32
      %dma_wait3A_75 = tpu.memref_slice %arg11[%dma_wait3A_73, %dma_wait3A_74] : memref<10008x128xf32, #tpu.memory_space<vmem_shared>> -> memref<10008x128xf32, #tpu.memory_space<vmem_shared>>
      tpu.wait_indirect_dma semaphore(%arg14 : memref<!tpu.dma_semaphore, #tpu.memory_space<semaphore_mem>>) src(%arg9 : memref<128x128xf32, #tpu.memory_space<vmem>>) dst(%dma_wait3A_75 : memref<10008x128xf32, #tpu.memory_space<vmem_shared>>)
      %dma_wait3A_76 = arith.constant 47 : i32
      %dma_wait3A_77 = arith.constant 0 : i32
      %dma_wait3A_78 = tpu.memref_slice %arg8[%dma_wait3A_76, %dma_wait3A_77] : memref<48x128xi32, #tpu.memory_space<vmem>> -> memref<1x128xi32, #tpu.memory_space<vmem>>
      %dma_wait3A_79 = tpu.memref_squeeze %dma_wait3A_78 : memref<1x128xi32, #tpu.memory_space<vmem>> -> memref<128xi32, #tpu.memory_space<vmem>>
      %dma_wait3A_80 = arith.constant 0 : i32
      %dma_wait3A_81 = arith.constant 0 : i32
      %dma_wait3A_82 = tpu.memref_slice %arg11[%dma_wait3A_80, %dma_wait3A_81] : memref<10008x128xf32, #tpu.memory_space<vmem_shared>> -> memref<10008x128xf32, #tpu.memory_space<vmem_shared>>
      tpu.wait_indirect_dma semaphore(%arg15 : memref<!tpu.dma_semaphore, #tpu.memory_space<semaphore_mem>>) src(%arg10 : memref<128x128xf32, #tpu.memory_space<vmem>>) dst(%dma_wait3A_82 : memref<10008x128xf32, #tpu.memory_space<vmem_shared>>)
      %add3A_83 = arith.constant 48 : i32
      %add3A_84 = arith.addi %add3A, %add3A_83 : i32
      "tpu.region"() ({
        %run_scoped3A = tpu.sem_alloc : memref<!tpu.dma_semaphore, #tpu.memory_space<semaphore_mem>>
        %dma_start3A_147 = arith.constant 0 : i32
        %dma_start3A_148 = arith.constant 0 : i32
        %dma_start3A_149 = tpu.memref_slice %arg8[%dma_start3A_147, %dma_start3A_148] : memref<48x128xi32, #tpu.memory_space<vmem>> -> memref<40x128xi32, #tpu.memory_space<vmem>>
        %dma_start3A_150 = arith.constant 0 : i32
        %dma_start3A_151 = tpu.memref_slice %arg4[%add3A_84, %dma_start3A_150] : memref<2560x128xi32, #tpu.memory_space<hbm>> -> memref<40x128xi32, #tpu.memory_space<hbm>>
        %dma_start3A_152 = arith.constant 0 : i32
        %dma_start3A_153 = arith.constant 0 : i32
        %dma_start3A_154 = tpu.memref_slice %arg8[%dma_start3A_152, %dma_start3A_153] : memref<48x128xi32, #tpu.memory_space<vmem>> -> memref<40x128xi32, #tpu.memory_space<vmem>>
        %dma_start3A_155 = arith.constant 0 : i32
        %dma_start3A_156 = tpu.memref_slice %arg4[%add3A_84, %dma_start3A_155] : memref<2560x128xi32, #tpu.memory_space<hbm>> -> memref<40x128xi32, #tpu.memory_space<hbm>>
        tpu.enqueue_dma source(%dma_start3A_156 : memref<40x128xi32, #tpu.memory_space<hbm>>) target(%dma_start3A_154 : memref<40x128xi32, #tpu.memory_space<vmem>>) target_semaphore(%run_scoped3A : memref<!tpu.dma_semaphore, #tpu.memory_space<semaphore_mem>>)
        %dma_wait3A_157 = arith.constant 0 : i32
        %dma_wait3A_158 = arith.constant 0 : i32
        %dma_wait3A_159 = tpu.memref_slice %arg8[%dma_wait3A_157, %dma_wait3A_158] : memref<48x128xi32, #tpu.memory_space<vmem>> -> memref<40x128xi32, #tpu.memory_space<vmem>>
        %dma_wait3A_160 = arith.constant 0 : i32
        %dma_wait3A_161 = tpu.memref_slice %arg4[%add3A_84, %dma_wait3A_160] : memref<2560x128xi32, #tpu.memory_space<hbm>> -> memref<40x128xi32, #tpu.memory_space<hbm>>
        %dma_wait3A_162 = arith.constant 0 : i32
        %dma_wait3A_163 = arith.constant 0 : i32
        %dma_wait3A_164 = tpu.memref_slice %arg8[%dma_wait3A_162, %dma_wait3A_163] : memref<48x128xi32, #tpu.memory_space<vmem>> -> memref<40x128xi32, #tpu.memory_space<vmem>>
        %dma_wait3A_165 = arith.constant 0 : i32
        %dma_wait3A_166 = tpu.memref_slice %arg4[%add3A_84, %dma_wait3A_165] : memref<2560x128xi32, #tpu.memory_space<hbm>> -> memref<40x128xi32, #tpu.memory_space<hbm>>
        tpu.wait_dma2 semaphore(%run_scoped3A : memref<!tpu.dma_semaphore, #tpu.memory_space<semaphore_mem>>) src(%dma_wait3A_166 : memref<40x128xi32, #tpu.memory_space<hbm>>) dst(%dma_wait3A_164 : memref<40x128xi32, #tpu.memory_space<vmem>>)
        tpu.yield
      }) : () -> ()
      "tpu.region"() ({
        %run_scoped3A = tpu.sem_alloc : memref<!tpu.dma_semaphore, #tpu.memory_space<semaphore_mem>>
        %dma_start3A_147 = arith.constant 0 : i32
        %dma_start3A_148 = arith.constant 0 : i32
        %dma_start3A_149 = tpu.memref_slice %arg7[%dma_start3A_147, %dma_start3A_148] : memref<48x128xi32, #tpu.memory_space<vmem>> -> memref<40x128xi32, #tpu.memory_space<vmem>>
        %dma_start3A_150 = arith.constant 0 : i32
        %dma_start3A_151 = tpu.memref_slice %arg3[%add3A_84, %dma_start3A_150] : memref<2560x128xi32, #tpu.memory_space<hbm>> -> memref<40x128xi32, #tpu.memory_space<hbm>>
        %dma_start3A_152 = arith.constant 0 : i32
        %dma_start3A_153 = arith.constant 0 : i32
        %dma_start3A_154 = tpu.memref_slice %arg7[%dma_start3A_152, %dma_start3A_153] : memref<48x128xi32, #tpu.memory_space<vmem>> -> memref<40x128xi32, #tpu.memory_space<vmem>>
        %dma_start3A_155 = arith.constant 0 : i32
        %dma_start3A_156 = tpu.memref_slice %arg3[%add3A_84, %dma_start3A_155] : memref<2560x128xi32, #tpu.memory_space<hbm>> -> memref<40x128xi32, #tpu.memory_space<hbm>>
        tpu.enqueue_dma source(%dma_start3A_156 : memref<40x128xi32, #tpu.memory_space<hbm>>) target(%dma_start3A_154 : memref<40x128xi32, #tpu.memory_space<vmem>>) target_semaphore(%run_scoped3A : memref<!tpu.dma_semaphore, #tpu.memory_space<semaphore_mem>>)
        %dma_wait3A_157 = arith.constant 0 : i32
        %dma_wait3A_158 = arith.constant 0 : i32
        %dma_wait3A_159 = tpu.memref_slice %arg7[%dma_wait3A_157, %dma_wait3A_158] : memref<48x128xi32, #tpu.memory_space<vmem>> -> memref<40x128xi32, #tpu.memory_space<vmem>>
        %dma_wait3A_160 = arith.constant 0 : i32
        %dma_wait3A_161 = tpu.memref_slice %arg3[%add3A_84, %dma_wait3A_160] : memref<2560x128xi32, #tpu.memory_space<hbm>> -> memref<40x128xi32, #tpu.memory_space<hbm>>
        %dma_wait3A_162 = arith.constant 0 : i32
        %dma_wait3A_163 = arith.constant 0 : i32
        %dma_wait3A_164 = tpu.memref_slice %arg7[%dma_wait3A_162, %dma_wait3A_163] : memref<48x128xi32, #tpu.memory_space<vmem>> -> memref<40x128xi32, #tpu.memory_space<vmem>>
        %dma_wait3A_165 = arith.constant 0 : i32
        %dma_wait3A_166 = tpu.memref_slice %arg3[%add3A_84, %dma_wait3A_165] : memref<2560x128xi32, #tpu.memory_space<hbm>> -> memref<40x128xi32, #tpu.memory_space<hbm>>
        tpu.wait_dma2 semaphore(%run_scoped3A : memref<!tpu.dma_semaphore, #tpu.memory_space<semaphore_mem>>) src(%dma_wait3A_166 : memref<40x128xi32, #tpu.memory_space<hbm>>) dst(%dma_wait3A_164 : memref<40x128xi32, #tpu.memory_space<vmem>>)
        tpu.yield
      }) : () -> ()
      %dma_start3A_85 = arith.constant 0 : i32
      %dma_start3A_86 = arith.constant 0 : i32
      %dma_start3A_87 = tpu.memref_slice %arg7[%dma_start3A_85, %dma_start3A_86] : memref<48x128xi32, #tpu.memory_space<vmem>> -> memref<1x128xi32, #tpu.memory_space<vmem>>
      %dma_start3A_88 = tpu.memref_squeeze %dma_start3A_87 : memref<1x128xi32, #tpu.memory_space<vmem>> -> memref<128xi32, #tpu.memory_space<vmem>>
      %dma_start3A_89 = arith.constant 0 : i32
      %dma_start3A_90 = arith.constant 0 : i32
      %dma_start3A_91 = tpu.memref_slice %arg2[%dma_start3A_89, %dma_start3A_90] : memref<10008x128xf32, #tpu.memory_space<hbm>> -> memref<10008x128xf32, #tpu.memory_space<hbm>>
      tpu.enqueue_indirect_dma source(%dma_start3A_91 : memref<10008x128xf32, #tpu.memory_space<hbm>>) target(%arg9 : memref<128x128xf32, #tpu.memory_space<vmem>>) offsets(%dma_start3A_88 : memref<128xi32, #tpu.memory_space<vmem>>) semaphore(%arg12 : memref<!tpu.dma_semaphore, #tpu.memory_space<semaphore_mem>>)
      %dma_wait3A_92 = arith.constant 0 : i32
      %dma_wait3A_93 = arith.constant 0 : i32
      %dma_wait3A_94 = tpu.memref_slice %arg7[%dma_wait3A_92, %dma_wait3A_93] : memref<48x128xi32, #tpu.memory_space<vmem>> -> memref<1x128xi32, #tpu.memory_space<vmem>>
      %dma_wait3A_95 = tpu.memref_squeeze %dma_wait3A_94 : memref<1x128xi32, #tpu.memory_space<vmem>> -> memref<128xi32, #tpu.memory_space<vmem>>
      %dma_wait3A_96 = arith.constant 0 : i32
      %dma_wait3A_97 = arith.constant 0 : i32
      %dma_wait3A_98 = tpu.memref_slice %arg2[%dma_wait3A_96, %dma_wait3A_97] : memref<10008x128xf32, #tpu.memory_space<hbm>> -> memref<10008x128xf32, #tpu.memory_space<hbm>>
      tpu.wait_indirect_dma semaphore(%arg12 : memref<!tpu.dma_semaphore, #tpu.memory_space<semaphore_mem>>) src(%dma_wait3A_98 : memref<10008x128xf32, #tpu.memory_space<hbm>>) dst(%arg9 : memref<128x128xf32, #tpu.memory_space<vmem>>)
      %dma_start3A_99 = arith.constant 0 : i32
      %dma_start3A_100 = arith.constant 0 : i32
      %dma_start3A_101 = tpu.memref_slice %arg8[%dma_start3A_99, %dma_start3A_100] : memref<48x128xi32, #tpu.memory_space<vmem>> -> memref<1x128xi32, #tpu.memory_space<vmem>>
      %dma_start3A_102 = tpu.memref_squeeze %dma_start3A_101 : memref<1x128xi32, #tpu.memory_space<vmem>> -> memref<128xi32, #tpu.memory_space<vmem>>
      %dma_start3A_103 = arith.constant 0 : i32
      %dma_start3A_104 = arith.constant 0 : i32
      %dma_start3A_105 = tpu.memref_slice %arg11[%dma_start3A_103, %dma_start3A_104] : memref<10008x128xf32, #tpu.memory_space<vmem_shared>> -> memref<10008x128xf32, #tpu.memory_space<vmem_shared>>
      tpu.enqueue_indirect_dma source(%arg9 : memref<128x128xf32, #tpu.memory_space<vmem>>) target(%dma_start3A_105 : memref<10008x128xf32, #tpu.memory_space<vmem_shared>>) offsets(%dma_start3A_102 : memref<128xi32, #tpu.memory_space<vmem>>) semaphore(%arg14 : memref<!tpu.dma_semaphore, #tpu.memory_space<semaphore_mem>>) {add = true}
      %dma_start3A_106 = arith.constant 1 : i32
      %dma_start3A_107 = arith.constant 0 : i32
      %dma_start3A_108 = tpu.memref_slice %arg7[%dma_start3A_106, %dma_start3A_107] : memref<48x128xi32, #tpu.memory_space<vmem>> -> memref<1x128xi32, #tpu.memory_space<vmem>>
      %dma_start3A_109 = tpu.memref_squeeze %dma_start3A_108 : memref<1x128xi32, #tpu.memory_space<vmem>> -> memref<128xi32, #tpu.memory_space<vmem>>
      %dma_start3A_110 = arith.constant 0 : i32
      %dma_start3A_111 = arith.constant 0 : i32
      %dma_start3A_112 = tpu.memref_slice %arg2[%dma_start3A_110, %dma_start3A_111] : memref<10008x128xf32, #tpu.memory_space<hbm>> -> memref<10008x128xf32, #tpu.memory_space<hbm>>
      tpu.enqueue_indirect_dma source(%dma_start3A_112 : memref<10008x128xf32, #tpu.memory_space<hbm>>) target(%arg10 : memref<128x128xf32, #tpu.memory_space<vmem>>) offsets(%dma_start3A_109 : memref<128xi32, #tpu.memory_space<vmem>>) semaphore(%arg13 : memref<!tpu.dma_semaphore, #tpu.memory_space<semaphore_mem>>)
      %scan3A_113 = arith.constant 0 : i32
      %scan3A_114 = arith.constant 0 : i32
      %scan3A_115 = arith.constant 19 : i32
      %scan3A_116 = arith.addi %scan3A_114, %scan3A_115 : i32
      %scan3A_117 = arith.constant 1 : i32
      scf.for %scan3A_147 = %scan3A_114 to %scan3A_116 step %scan3A_117  : i32 {
        %mul3A_148 = arith.constant 2 : i32
        %mul3A_149 = arith.muli %mul3A_148, %scan3A_147 : i32
        %add3A_150 = arith.constant 1 : i32
        %add3A_151 = arith.addi %mul3A_149, %add3A_150 : i32
        %dma_wait3A_152 = arith.constant 0 : i32
        %dma_wait3A_153 = tpu.memref_slice %arg7[%add3A_151, %dma_wait3A_152] : memref<48x128xi32, #tpu.memory_space<vmem>> -> memref<1x128xi32, #tpu.memory_space<vmem>>
        %dma_wait3A_154 = tpu.memref_squeeze %dma_wait3A_153 : memref<1x128xi32, #tpu.memory_space<vmem>> -> memref<128xi32, #tpu.memory_space<vmem>>
        %dma_wait3A_155 = arith.constant 0 : i32
        %dma_wait3A_156 = arith.constant 0 : i32
        %dma_wait3A_157 = tpu.memref_slice %arg2[%dma_wait3A_155, %dma_wait3A_156] : memref<10008x128xf32, #tpu.memory_space<hbm>> -> memref<10008x128xf32, #tpu.memory_space<hbm>>
        tpu.wait_indirect_dma semaphore(%arg13 : memref<!tpu.dma_semaphore, #tpu.memory_space<semaphore_mem>>) src(%dma_wait3A_157 : memref<10008x128xf32, #tpu.memory_space<hbm>>) dst(%arg10 : memref<128x128xf32, #tpu.memory_space<vmem>>)
        %dma_start3A_158 = arith.constant 0 : i32
        %dma_start3A_159 = tpu.memref_slice %arg8[%add3A_151, %dma_start3A_158] : memref<48x128xi32, #tpu.memory_space<vmem>> -> memref<1x128xi32, #tpu.memory_space<vmem>>
        %dma_start3A_160 = tpu.memref_squeeze %dma_start3A_159 : memref<1x128xi32, #tpu.memory_space<vmem>> -> memref<128xi32, #tpu.memory_space<vmem>>
        %dma_start3A_161 = arith.constant 0 : i32
        %dma_start3A_162 = arith.constant 0 : i32
        %dma_start3A_163 = tpu.memref_slice %arg11[%dma_start3A_161, %dma_start3A_162] : memref<10008x128xf32, #tpu.memory_space<vmem_shared>> -> memref<10008x128xf32, #tpu.memory_space<vmem_shared>>
        tpu.enqueue_indirect_dma source(%arg10 : memref<128x128xf32, #tpu.memory_space<vmem>>) target(%dma_start3A_163 : memref<10008x128xf32, #tpu.memory_space<vmem_shared>>) offsets(%dma_start3A_160 : memref<128xi32, #tpu.memory_space<vmem>>) semaphore(%arg15 : memref<!tpu.dma_semaphore, #tpu.memory_space<semaphore_mem>>) {add = true}
        %sub3A = arith.constant 1 : i32
        %sub3A_164 = arith.subi %add3A_151, %sub3A : i32
        %dma_wait3A_165 = arith.constant 0 : i32
        %dma_wait3A_166 = tpu.memref_slice %arg8[%sub3A_164, %dma_wait3A_165] : memref<48x128xi32, #tpu.memory_space<vmem>> -> memref<1x128xi32, #tpu.memory_space<vmem>>
        %dma_wait3A_167 = tpu.memref_squeeze %dma_wait3A_166 : memref<1x128xi32, #tpu.memory_space<vmem>> -> memref<128xi32, #tpu.memory_space<vmem>>
        %dma_wait3A_168 = arith.constant 0 : i32
        %dma_wait3A_169 = arith.constant 0 : i32
        %dma_wait3A_170 = tpu.memref_slice %arg11[%dma_wait3A_168, %dma_wait3A_169] : memref<10008x128xf32, #tpu.memory_space<vmem_shared>> -> memref<10008x128xf32, #tpu.memory_space<vmem_shared>>
        tpu.wait_indirect_dma semaphore(%arg14 : memref<!tpu.dma_semaphore, #tpu.memory_space<semaphore_mem>>) src(%arg9 : memref<128x128xf32, #tpu.memory_space<vmem>>) dst(%dma_wait3A_170 : memref<10008x128xf32, #tpu.memory_space<vmem_shared>>)
        %add3A_171 = arith.constant 1 : i32
        %add3A_172 = arith.addi %add3A_151, %add3A_171 : i32
        %lt3A = arith.constant 40 : i32
        %lt3A_173 = arith.cmpi slt, %add3A_172, %lt3A : i32
        %convert_element_type3A_174 = arith.extui %lt3A_173 : i1 to i32
        %cond3A_175 = arith.constant 0 : i32
        %cond3A_176 = arith.cmpi ne, %convert_element_type3A_174, %cond3A_175 : i32
        scf.if %cond3A_176 {
          %add3A_208 = arith.constant 1 : i32
          %add3A_209 = arith.addi %add3A_151, %add3A_208 : i32
          %dma_start3A_210 = arith.constant 0 : i32
          %dma_start3A_211 = tpu.memref_slice %arg7[%add3A_209, %dma_start3A_210] : memref<48x128xi32, #tpu.memory_space<vmem>> -> memref<1x128xi32, #tpu.memory_space<vmem>>
          %dma_start3A_212 = tpu.memref_squeeze %dma_start3A_211 : memref<1x128xi32, #tpu.memory_space<vmem>> -> memref<128xi32, #tpu.memory_space<vmem>>
          %dma_start3A_213 = arith.constant 0 : i32
          %dma_start3A_214 = arith.constant 0 : i32
          %dma_start3A_215 = tpu.memref_slice %arg2[%dma_start3A_213, %dma_start3A_214] : memref<10008x128xf32, #tpu.memory_space<hbm>> -> memref<10008x128xf32, #tpu.memory_space<hbm>>
          tpu.enqueue_indirect_dma source(%dma_start3A_215 : memref<10008x128xf32, #tpu.memory_space<hbm>>) target(%arg9 : memref<128x128xf32, #tpu.memory_space<vmem>>) offsets(%dma_start3A_212 : memref<128xi32, #tpu.memory_space<vmem>>) semaphore(%arg12 : memref<!tpu.dma_semaphore, #tpu.memory_space<semaphore_mem>>)
        } else {
        }
        %mul3A_177 = arith.constant 2 : i32
        %mul3A_178 = arith.muli %mul3A_177, %scan3A_147 : i32
        %add3A_179 = arith.constant 2 : i32
        %add3A_180 = arith.addi %mul3A_178, %add3A_179 : i32
        %dma_wait3A_181 = arith.constant 0 : i32
        %dma_wait3A_182 = tpu.memref_slice %arg7[%add3A_180, %dma_wait3A_181] : memref<48x128xi32, #tpu.memory_space<vmem>> -> memref<1x128xi32, #tpu.memory_space<vmem>>
        %dma_wait3A_183 = tpu.memref_squeeze %dma_wait3A_182 : memref<1x128xi32, #tpu.memory_space<vmem>> -> memref<128xi32, #tpu.memory_space<vmem>>
        %dma_wait3A_184 = arith.constant 0 : i32
        %dma_wait3A_185 = arith.constant 0 : i32
        %dma_wait3A_186 = tpu.memref_slice %arg2[%dma_wait3A_184, %dma_wait3A_185] : memref<10008x128xf32, #tpu.memory_space<hbm>> -> memref<10008x128xf32, #tpu.memory_space<hbm>>
        tpu.wait_indirect_dma semaphore(%arg12 : memref<!tpu.dma_semaphore, #tpu.memory_space<semaphore_mem>>) src(%dma_wait3A_186 : memref<10008x128xf32, #tpu.memory_space<hbm>>) dst(%arg9 : memref<128x128xf32, #tpu.memory_space<vmem>>)
        %dma_start3A_187 = arith.constant 0 : i32
        %dma_start3A_188 = tpu.memref_slice %arg8[%add3A_180, %dma_start3A_187] : memref<48x128xi32, #tpu.memory_space<vmem>> -> memref<1x128xi32, #tpu.memory_space<vmem>>
        %dma_start3A_189 = tpu.memref_squeeze %dma_start3A_188 : memref<1x128xi32, #tpu.memory_space<vmem>> -> memref<128xi32, #tpu.memory_space<vmem>>
        %dma_start3A_190 = arith.constant 0 : i32
        %dma_start3A_191 = arith.constant 0 : i32
        %dma_start3A_192 = tpu.memref_slice %arg11[%dma_start3A_190, %dma_start3A_191] : memref<10008x128xf32, #tpu.memory_space<vmem_shared>> -> memref<10008x128xf32, #tpu.memory_space<vmem_shared>>
        tpu.enqueue_indirect_dma source(%arg9 : memref<128x128xf32, #tpu.memory_space<vmem>>) target(%dma_start3A_192 : memref<10008x128xf32, #tpu.memory_space<vmem_shared>>) offsets(%dma_start3A_189 : memref<128xi32, #tpu.memory_space<vmem>>) semaphore(%arg14 : memref<!tpu.dma_semaphore, #tpu.memory_space<semaphore_mem>>) {add = true}
        %sub3A_193 = arith.constant 1 : i32
        %sub3A_194 = arith.subi %add3A_180, %sub3A_193 : i32
        %dma_wait3A_195 = arith.constant 0 : i32
        %dma_wait3A_196 = tpu.memref_slice %arg8[%sub3A_194, %dma_wait3A_195] : memref<48x128xi32, #tpu.memory_space<vmem>> -> memref<1x128xi32, #tpu.memory_space<vmem>>
        %dma_wait3A_197 = tpu.memref_squeeze %dma_wait3A_196 : memref<1x128xi32, #tpu.memory_space<vmem>> -> memref<128xi32, #tpu.memory_space<vmem>>
        %dma_wait3A_198 = arith.constant 0 : i32
        %dma_wait3A_199 = arith.constant 0 : i32
        %dma_wait3A_200 = tpu.memref_slice %arg11[%dma_wait3A_198, %dma_wait3A_199] : memref<10008x128xf32, #tpu.memory_space<vmem_shared>> -> memref<10008x128xf32, #tpu.memory_space<vmem_shared>>
        tpu.wait_indirect_dma semaphore(%arg15 : memref<!tpu.dma_semaphore, #tpu.memory_space<semaphore_mem>>) src(%arg10 : memref<128x128xf32, #tpu.memory_space<vmem>>) dst(%dma_wait3A_200 : memref<10008x128xf32, #tpu.memory_space<vmem_shared>>)
        %add3A_201 = arith.constant 1 : i32
        %add3A_202 = arith.addi %add3A_180, %add3A_201 : i32
        %lt3A_203 = arith.constant 40 : i32
        %lt3A_204 = arith.cmpi slt, %add3A_202, %lt3A_203 : i32
        %convert_element_type3A_205 = arith.extui %lt3A_204 : i1 to i32
        %cond3A_206 = arith.constant 0 : i32
        %cond3A_207 = arith.cmpi ne, %convert_element_type3A_205, %cond3A_206 : i32
        scf.if %cond3A_207 {
          %add3A_208 = arith.constant 1 : i32
          %add3A_209 = arith.addi %add3A_180, %add3A_208 : i32
          %dma_start3A_210 = arith.constant 0 : i32
          %dma_start3A_211 = tpu.memref_slice %arg7[%add3A_209, %dma_start3A_210] : memref<48x128xi32, #tpu.memory_space<vmem>> -> memref<1x128xi32, #tpu.memory_space<vmem>>
          %dma_start3A_212 = tpu.memref_squeeze %dma_start3A_211 : memref<1x128xi32, #tpu.memory_space<vmem>> -> memref<128xi32, #tpu.memory_space<vmem>>
          %dma_start3A_213 = arith.constant 0 : i32
          %dma_start3A_214 = arith.constant 0 : i32
          %dma_start3A_215 = tpu.memref_slice %arg2[%dma_start3A_213, %dma_start3A_214] : memref<10008x128xf32, #tpu.memory_space<hbm>> -> memref<10008x128xf32, #tpu.memory_space<hbm>>
          tpu.enqueue_indirect_dma source(%dma_start3A_215 : memref<10008x128xf32, #tpu.memory_space<hbm>>) target(%arg10 : memref<128x128xf32, #tpu.memory_space<vmem>>) offsets(%dma_start3A_212 : memref<128xi32, #tpu.memory_space<vmem>>) semaphore(%arg13 : memref<!tpu.dma_semaphore, #tpu.memory_space<semaphore_mem>>)
        } else {
        }
      }
      %scan3A_118 = arith.constant 19 : i32
      %dma_wait3A_119 = arith.constant 39 : i32
      %dma_wait3A_120 = arith.constant 0 : i32
      %dma_wait3A_121 = tpu.memref_slice %arg7[%dma_wait3A_119, %dma_wait3A_120] : memref<48x128xi32, #tpu.memory_space<vmem>> -> memref<1x128xi32, #tpu.memory_space<vmem>>
      %dma_wait3A_122 = tpu.memref_squeeze %dma_wait3A_121 : memref<1x128xi32, #tpu.memory_space<vmem>> -> memref<128xi32, #tpu.memory_space<vmem>>
      %dma_wait3A_123 = arith.constant 0 : i32
      %dma_wait3A_124 = arith.constant 0 : i32
      %dma_wait3A_125 = tpu.memref_slice %arg2[%dma_wait3A_123, %dma_wait3A_124] : memref<10008x128xf32, #tpu.memory_space<hbm>> -> memref<10008x128xf32, #tpu.memory_space<hbm>>
      tpu.wait_indirect_dma semaphore(%arg13 : memref<!tpu.dma_semaphore, #tpu.memory_space<semaphore_mem>>) src(%dma_wait3A_125 : memref<10008x128xf32, #tpu.memory_space<hbm>>) dst(%arg10 : memref<128x128xf32, #tpu.memory_space<vmem>>)
      %dma_start3A_126 = arith.constant 39 : i32
      %dma_start3A_127 = arith.constant 0 : i32
      %dma_start3A_128 = tpu.memref_slice %arg8[%dma_start3A_126, %dma_start3A_127] : memref<48x128xi32, #tpu.memory_space<vmem>> -> memref<1x128xi32, #tpu.memory_space<vmem>>
      %dma_start3A_129 = tpu.memref_squeeze %dma_start3A_128 : memref<1x128xi32, #tpu.memory_space<vmem>> -> memref<128xi32, #tpu.memory_space<vmem>>
      %dma_start3A_130 = arith.constant 0 : i32
      %dma_start3A_131 = arith.constant 0 : i32
      %dma_start3A_132 = tpu.memref_slice %arg11[%dma_start3A_130, %dma_start3A_131] : memref<10008x128xf32, #tpu.memory_space<vmem_shared>> -> memref<10008x128xf32, #tpu.memory_space<vmem_shared>>
      tpu.enqueue_indirect_dma source(%arg10 : memref<128x128xf32, #tpu.memory_space<vmem>>) target(%dma_start3A_132 : memref<10008x128xf32, #tpu.memory_space<vmem_shared>>) offsets(%dma_start3A_129 : memref<128xi32, #tpu.memory_space<vmem>>) semaphore(%arg15 : memref<!tpu.dma_semaphore, #tpu.memory_space<semaphore_mem>>) {add = true}
      %dma_wait3A_133 = arith.constant 38 : i32
      %dma_wait3A_134 = arith.constant 0 : i32
      %dma_wait3A_135 = tpu.memref_slice %arg8[%dma_wait3A_133, %dma_wait3A_134] : memref<48x128xi32, #tpu.memory_space<vmem>> -> memref<1x128xi32, #tpu.memory_space<vmem>>
      %dma_wait3A_136 = tpu.memref_squeeze %dma_wait3A_135 : memref<1x128xi32, #tpu.memory_space<vmem>> -> memref<128xi32, #tpu.memory_space<vmem>>
      %dma_wait3A_137 = arith.constant 0 : i32
      %dma_wait3A_138 = arith.constant 0 : i32
      %dma_wait3A_139 = tpu.memref_slice %arg11[%dma_wait3A_137, %dma_wait3A_138] : memref<10008x128xf32, #tpu.memory_space<vmem_shared>> -> memref<10008x128xf32, #tpu.memory_space<vmem_shared>>
      tpu.wait_indirect_dma semaphore(%arg14 : memref<!tpu.dma_semaphore, #tpu.memory_space<semaphore_mem>>) src(%arg9 : memref<128x128xf32, #tpu.memory_space<vmem>>) dst(%dma_wait3A_139 : memref<10008x128xf32, #tpu.memory_space<vmem_shared>>)
      %dma_wait3A_140 = arith.constant 39 : i32
      %dma_wait3A_141 = arith.constant 0 : i32
      %dma_wait3A_142 = tpu.memref_slice %arg8[%dma_wait3A_140, %dma_wait3A_141] : memref<48x128xi32, #tpu.memory_space<vmem>> -> memref<1x128xi32, #tpu.memory_space<vmem>>
      %dma_wait3A_143 = tpu.memref_squeeze %dma_wait3A_142 : memref<1x128xi32, #tpu.memory_space<vmem>> -> memref<128xi32, #tpu.memory_space<vmem>>
      %dma_wait3A_144 = arith.constant 0 : i32
      %dma_wait3A_145 = arith.constant 0 : i32
      %dma_wait3A_146 = tpu.memref_slice %arg11[%dma_wait3A_144, %dma_wait3A_145] : memref<10008x128xf32, #tpu.memory_space<vmem_shared>> -> memref<10008x128xf32, #tpu.memory_space<vmem_shared>>
      tpu.wait_indirect_dma semaphore(%arg15 : memref<!tpu.dma_semaphore, #tpu.memory_space<semaphore_mem>>) src(%arg10 : memref<128x128xf32, #tpu.memory_space<vmem>>) dst(%dma_wait3A_146 : memref<10008x128xf32, #tpu.memory_space<vmem_shared>>)
    } else {
    }
    %eq3A_8 = arith.constant 1 : i32
    %eq3A_9 = arith.cmpi eq, %arg0, %eq3A_8 : i32
    %convert_element_type3A_10 = arith.extui %eq3A_9 : i1 to i32
    %cond3A_11 = arith.constant 0 : i32
    %cond3A_12 = arith.cmpi ne, %convert_element_type3A_10, %cond3A_11 : i32
    scf.if %cond3A_12 {
      %mul3A_19 = arith.constant 160 : i32
      %mul3A_20 = arith.muli %arg1, %mul3A_19 : i32
      %eq3A_21 = arith.constant 0 : i32
      %eq3A_22 = arith.cmpi eq, %arg0, %eq3A_21 : i32
      %jit3A = arith.constant 0 : i32
      %jit3A_23 = arith.constant 88 : i32
      %select_n3A = arith.select %eq3A_22, %jit3A, %jit3A_23 : i32
      %add3A = arith.addi %mul3A_20, %select_n3A : i32
      "tpu.region"() ({
        %run_scoped3A = tpu.sem_alloc : memref<!tpu.dma_semaphore, #tpu.memory_space<semaphore_mem>>
        %dma_start3A_147 = arith.constant 0 : i32
        %dma_start3A_148 = arith.constant 0 : i32
        %dma_start3A_149 = tpu.memref_slice %arg8[%dma_start3A_147, %dma_start3A_148] : memref<48x128xi32, #tpu.memory_space<vmem>> -> memref<40x128xi32, #tpu.memory_space<vmem>>
        %dma_start3A_150 = arith.constant 0 : i32
        %dma_start3A_151 = tpu.memref_slice %arg4[%add3A, %dma_start3A_150] : memref<2560x128xi32, #tpu.memory_space<hbm>> -> memref<40x128xi32, #tpu.memory_space<hbm>>
        %dma_start3A_152 = arith.constant 0 : i32
        %dma_start3A_153 = arith.constant 0 : i32
        %dma_start3A_154 = tpu.memref_slice %arg8[%dma_start3A_152, %dma_start3A_153] : memref<48x128xi32, #tpu.memory_space<vmem>> -> memref<40x128xi32, #tpu.memory_space<vmem>>
        %dma_start3A_155 = arith.constant 0 : i32
        %dma_start3A_156 = tpu.memref_slice %arg4[%add3A, %dma_start3A_155] : memref<2560x128xi32, #tpu.memory_space<hbm>> -> memref<40x128xi32, #tpu.memory_space<hbm>>
        tpu.enqueue_dma source(%dma_start3A_156 : memref<40x128xi32, #tpu.memory_space<hbm>>) target(%dma_start3A_154 : memref<40x128xi32, #tpu.memory_space<vmem>>) target_semaphore(%run_scoped3A : memref<!tpu.dma_semaphore, #tpu.memory_space<semaphore_mem>>)
        %dma_wait3A_157 = arith.constant 0 : i32
        %dma_wait3A_158 = arith.constant 0 : i32
        %dma_wait3A_159 = tpu.memref_slice %arg8[%dma_wait3A_157, %dma_wait3A_158] : memref<48x128xi32, #tpu.memory_space<vmem>> -> memref<40x128xi32, #tpu.memory_space<vmem>>
        %dma_wait3A_160 = arith.constant 0 : i32
        %dma_wait3A_161 = tpu.memref_slice %arg4[%add3A, %dma_wait3A_160] : memref<2560x128xi32, #tpu.memory_space<hbm>> -> memref<40x128xi32, #tpu.memory_space<hbm>>
        %dma_wait3A_162 = arith.constant 0 : i32
        %dma_wait3A_163 = arith.constant 0 : i32
        %dma_wait3A_164 = tpu.memref_slice %arg8[%dma_wait3A_162, %dma_wait3A_163] : memref<48x128xi32, #tpu.memory_space<vmem>> -> memref<40x128xi32, #tpu.memory_space<vmem>>
        %dma_wait3A_165 = arith.constant 0 : i32
        %dma_wait3A_166 = tpu.memref_slice %arg4[%add3A, %dma_wait3A_165] : memref<2560x128xi32, #tpu.memory_space<hbm>> -> memref<40x128xi32, #tpu.memory_space<hbm>>
        tpu.wait_dma2 semaphore(%run_scoped3A : memref<!tpu.dma_semaphore, #tpu.memory_space<semaphore_mem>>) src(%dma_wait3A_166 : memref<40x128xi32, #tpu.memory_space<hbm>>) dst(%dma_wait3A_164 : memref<40x128xi32, #tpu.memory_space<vmem>>)
        tpu.yield
      }) : () -> ()
      "tpu.region"() ({
        %run_scoped3A = tpu.sem_alloc : memref<!tpu.dma_semaphore, #tpu.memory_space<semaphore_mem>>
        %dma_start3A_147 = arith.constant 0 : i32
        %dma_start3A_148 = arith.constant 0 : i32
        %dma_start3A_149 = tpu.memref_slice %arg7[%dma_start3A_147, %dma_start3A_148] : memref<48x128xi32, #tpu.memory_space<vmem>> -> memref<40x128xi32, #tpu.memory_space<vmem>>
        %dma_start3A_150 = arith.constant 0 : i32
        %dma_start3A_151 = tpu.memref_slice %arg3[%add3A, %dma_start3A_150] : memref<2560x128xi32, #tpu.memory_space<hbm>> -> memref<40x128xi32, #tpu.memory_space<hbm>>
        %dma_start3A_152 = arith.constant 0 : i32
        %dma_start3A_153 = arith.constant 0 : i32
        %dma_start3A_154 = tpu.memref_slice %arg7[%dma_start3A_152, %dma_start3A_153] : memref<48x128xi32, #tpu.memory_space<vmem>> -> memref<40x128xi32, #tpu.memory_space<vmem>>
        %dma_start3A_155 = arith.constant 0 : i32
        %dma_start3A_156 = tpu.memref_slice %arg3[%add3A, %dma_start3A_155] : memref<2560x128xi32, #tpu.memory_space<hbm>> -> memref<40x128xi32, #tpu.memory_space<hbm>>
        tpu.enqueue_dma source(%dma_start3A_156 : memref<40x128xi32, #tpu.memory_space<hbm>>) target(%dma_start3A_154 : memref<40x128xi32, #tpu.memory_space<vmem>>) target_semaphore(%run_scoped3A : memref<!tpu.dma_semaphore, #tpu.memory_space<semaphore_mem>>)
        %dma_wait3A_157 = arith.constant 0 : i32
        %dma_wait3A_158 = arith.constant 0 : i32
        %dma_wait3A_159 = tpu.memref_slice %arg7[%dma_wait3A_157, %dma_wait3A_158] : memref<48x128xi32, #tpu.memory_space<vmem>> -> memref<40x128xi32, #tpu.memory_space<vmem>>
        %dma_wait3A_160 = arith.constant 0 : i32
        %dma_wait3A_161 = tpu.memref_slice %arg3[%add3A, %dma_wait3A_160] : memref<2560x128xi32, #tpu.memory_space<hbm>> -> memref<40x128xi32, #tpu.memory_space<hbm>>
        %dma_wait3A_162 = arith.constant 0 : i32
        %dma_wait3A_163 = arith.constant 0 : i32
        %dma_wait3A_164 = tpu.memref_slice %arg7[%dma_wait3A_162, %dma_wait3A_163] : memref<48x128xi32, #tpu.memory_space<vmem>> -> memref<40x128xi32, #tpu.memory_space<vmem>>
        %dma_wait3A_165 = arith.constant 0 : i32
        %dma_wait3A_166 = tpu.memref_slice %arg3[%add3A, %dma_wait3A_165] : memref<2560x128xi32, #tpu.memory_space<hbm>> -> memref<40x128xi32, #tpu.memory_space<hbm>>
        tpu.wait_dma2 semaphore(%run_scoped3A : memref<!tpu.dma_semaphore, #tpu.memory_space<semaphore_mem>>) src(%dma_wait3A_166 : memref<40x128xi32, #tpu.memory_space<hbm>>) dst(%dma_wait3A_164 : memref<40x128xi32, #tpu.memory_space<vmem>>)
        tpu.yield
      }) : () -> ()
      %dma_start3A = arith.constant 0 : i32
      %dma_start3A_24 = arith.constant 0 : i32
      %dma_start3A_25 = tpu.memref_slice %arg7[%dma_start3A, %dma_start3A_24] : memref<48x128xi32, #tpu.memory_space<vmem>> -> memref<1x128xi32, #tpu.memory_space<vmem>>
      %dma_start3A_26 = tpu.memref_squeeze %dma_start3A_25 : memref<1x128xi32, #tpu.memory_space<vmem>> -> memref<128xi32, #tpu.memory_space<vmem>>
      %dma_start3A_27 = arith.constant 0 : i32
      %dma_start3A_28 = arith.constant 0 : i32
      %dma_start3A_29 = tpu.memref_slice %arg2[%dma_start3A_27, %dma_start3A_28] : memref<10008x128xf32, #tpu.memory_space<hbm>> -> memref<10008x128xf32, #tpu.memory_space<hbm>>
      tpu.enqueue_indirect_dma source(%dma_start3A_29 : memref<10008x128xf32, #tpu.memory_space<hbm>>) target(%arg9 : memref<128x128xf32, #tpu.memory_space<vmem>>) offsets(%dma_start3A_26 : memref<128xi32, #tpu.memory_space<vmem>>) semaphore(%arg12 : memref<!tpu.dma_semaphore, #tpu.memory_space<semaphore_mem>>)
      %dma_wait3A = arith.constant 0 : i32
      %dma_wait3A_30 = arith.constant 0 : i32
      %dma_wait3A_31 = tpu.memref_slice %arg7[%dma_wait3A, %dma_wait3A_30] : memref<48x128xi32, #tpu.memory_space<vmem>> -> memref<1x128xi32, #tpu.memory_space<vmem>>
      %dma_wait3A_32 = tpu.memref_squeeze %dma_wait3A_31 : memref<1x128xi32, #tpu.memory_space<vmem>> -> memref<128xi32, #tpu.memory_space<vmem>>
      %dma_wait3A_33 = arith.constant 0 : i32
      %dma_wait3A_34 = arith.constant 0 : i32
      %dma_wait3A_35 = tpu.memref_slice %arg2[%dma_wait3A_33, %dma_wait3A_34] : memref<10008x128xf32, #tpu.memory_space<hbm>> -> memref<10008x128xf32, #tpu.memory_space<hbm>>
      tpu.wait_indirect_dma semaphore(%arg12 : memref<!tpu.dma_semaphore, #tpu.memory_space<semaphore_mem>>) src(%dma_wait3A_35 : memref<10008x128xf32, #tpu.memory_space<hbm>>) dst(%arg9 : memref<128x128xf32, #tpu.memory_space<vmem>>)
      %dma_start3A_36 = arith.constant 0 : i32
      %dma_start3A_37 = arith.constant 0 : i32
      %dma_start3A_38 = tpu.memref_slice %arg8[%dma_start3A_36, %dma_start3A_37] : memref<48x128xi32, #tpu.memory_space<vmem>> -> memref<1x128xi32, #tpu.memory_space<vmem>>
      %dma_start3A_39 = tpu.memref_squeeze %dma_start3A_38 : memref<1x128xi32, #tpu.memory_space<vmem>> -> memref<128xi32, #tpu.memory_space<vmem>>
      %dma_start3A_40 = arith.constant 0 : i32
      %dma_start3A_41 = arith.constant 0 : i32
      %dma_start3A_42 = tpu.memref_slice %arg11[%dma_start3A_40, %dma_start3A_41] : memref<10008x128xf32, #tpu.memory_space<vmem_shared>> -> memref<10008x128xf32, #tpu.memory_space<vmem_shared>>
      tpu.enqueue_indirect_dma source(%arg9 : memref<128x128xf32, #tpu.memory_space<vmem>>) target(%dma_start3A_42 : memref<10008x128xf32, #tpu.memory_space<vmem_shared>>) offsets(%dma_start3A_39 : memref<128xi32, #tpu.memory_space<vmem>>) semaphore(%arg14 : memref<!tpu.dma_semaphore, #tpu.memory_space<semaphore_mem>>) {add = true}
      %dma_start3A_43 = arith.constant 1 : i32
      %dma_start3A_44 = arith.constant 0 : i32
      %dma_start3A_45 = tpu.memref_slice %arg7[%dma_start3A_43, %dma_start3A_44] : memref<48x128xi32, #tpu.memory_space<vmem>> -> memref<1x128xi32, #tpu.memory_space<vmem>>
      %dma_start3A_46 = tpu.memref_squeeze %dma_start3A_45 : memref<1x128xi32, #tpu.memory_space<vmem>> -> memref<128xi32, #tpu.memory_space<vmem>>
      %dma_start3A_47 = arith.constant 0 : i32
      %dma_start3A_48 = arith.constant 0 : i32
      %dma_start3A_49 = tpu.memref_slice %arg2[%dma_start3A_47, %dma_start3A_48] : memref<10008x128xf32, #tpu.memory_space<hbm>> -> memref<10008x128xf32, #tpu.memory_space<hbm>>
      tpu.enqueue_indirect_dma source(%dma_start3A_49 : memref<10008x128xf32, #tpu.memory_space<hbm>>) target(%arg10 : memref<128x128xf32, #tpu.memory_space<vmem>>) offsets(%dma_start3A_46 : memref<128xi32, #tpu.memory_space<vmem>>) semaphore(%arg13 : memref<!tpu.dma_semaphore, #tpu.memory_space<semaphore_mem>>)
      %scan3A = arith.constant 0 : i32
      %scan3A_50 = arith.constant 0 : i32
      %scan3A_51 = arith.constant 19 : i32
      %scan3A_52 = arith.addi %scan3A_50, %scan3A_51 : i32
      %scan3A_53 = arith.constant 1 : i32
      scf.for %scan3A_147 = %scan3A_50 to %scan3A_52 step %scan3A_53  : i32 {
        %mul3A_148 = arith.constant 2 : i32
        %mul3A_149 = arith.muli %mul3A_148, %scan3A_147 : i32
        %add3A_150 = arith.constant 1 : i32
        %add3A_151 = arith.addi %mul3A_149, %add3A_150 : i32
        %dma_wait3A_152 = arith.constant 0 : i32
        %dma_wait3A_153 = tpu.memref_slice %arg7[%add3A_151, %dma_wait3A_152] : memref<48x128xi32, #tpu.memory_space<vmem>> -> memref<1x128xi32, #tpu.memory_space<vmem>>
        %dma_wait3A_154 = tpu.memref_squeeze %dma_wait3A_153 : memref<1x128xi32, #tpu.memory_space<vmem>> -> memref<128xi32, #tpu.memory_space<vmem>>
        %dma_wait3A_155 = arith.constant 0 : i32
        %dma_wait3A_156 = arith.constant 0 : i32
        %dma_wait3A_157 = tpu.memref_slice %arg2[%dma_wait3A_155, %dma_wait3A_156] : memref<10008x128xf32, #tpu.memory_space<hbm>> -> memref<10008x128xf32, #tpu.memory_space<hbm>>
        tpu.wait_indirect_dma semaphore(%arg13 : memref<!tpu.dma_semaphore, #tpu.memory_space<semaphore_mem>>) src(%dma_wait3A_157 : memref<10008x128xf32, #tpu.memory_space<hbm>>) dst(%arg10 : memref<128x128xf32, #tpu.memory_space<vmem>>)
        %dma_start3A_158 = arith.constant 0 : i32
        %dma_start3A_159 = tpu.memref_slice %arg8[%add3A_151, %dma_start3A_158] : memref<48x128xi32, #tpu.memory_space<vmem>> -> memref<1x128xi32, #tpu.memory_space<vmem>>
        %dma_start3A_160 = tpu.memref_squeeze %dma_start3A_159 : memref<1x128xi32, #tpu.memory_space<vmem>> -> memref<128xi32, #tpu.memory_space<vmem>>
        %dma_start3A_161 = arith.constant 0 : i32
        %dma_start3A_162 = arith.constant 0 : i32
        %dma_start3A_163 = tpu.memref_slice %arg11[%dma_start3A_161, %dma_start3A_162] : memref<10008x128xf32, #tpu.memory_space<vmem_shared>> -> memref<10008x128xf32, #tpu.memory_space<vmem_shared>>
        tpu.enqueue_indirect_dma source(%arg10 : memref<128x128xf32, #tpu.memory_space<vmem>>) target(%dma_start3A_163 : memref<10008x128xf32, #tpu.memory_space<vmem_shared>>) offsets(%dma_start3A_160 : memref<128xi32, #tpu.memory_space<vmem>>) semaphore(%arg15 : memref<!tpu.dma_semaphore, #tpu.memory_space<semaphore_mem>>) {add = true}
        %sub3A = arith.constant 1 : i32
        %sub3A_164 = arith.subi %add3A_151, %sub3A : i32
        %dma_wait3A_165 = arith.constant 0 : i32
        %dma_wait3A_166 = tpu.memref_slice %arg8[%sub3A_164, %dma_wait3A_165] : memref<48x128xi32, #tpu.memory_space<vmem>> -> memref<1x128xi32, #tpu.memory_space<vmem>>
        %dma_wait3A_167 = tpu.memref_squeeze %dma_wait3A_166 : memref<1x128xi32, #tpu.memory_space<vmem>> -> memref<128xi32, #tpu.memory_space<vmem>>
        %dma_wait3A_168 = arith.constant 0 : i32
        %dma_wait3A_169 = arith.constant 0 : i32
        %dma_wait3A_170 = tpu.memref_slice %arg11[%dma_wait3A_168, %dma_wait3A_169] : memref<10008x128xf32, #tpu.memory_space<vmem_shared>> -> memref<10008x128xf32, #tpu.memory_space<vmem_shared>>
        tpu.wait_indirect_dma semaphore(%arg14 : memref<!tpu.dma_semaphore, #tpu.memory_space<semaphore_mem>>) src(%arg9 : memref<128x128xf32, #tpu.memory_space<vmem>>) dst(%dma_wait3A_170 : memref<10008x128xf32, #tpu.memory_space<vmem_shared>>)
        %add3A_171 = arith.constant 1 : i32
        %add3A_172 = arith.addi %add3A_151, %add3A_171 : i32
        %lt3A = arith.constant 40 : i32
        %lt3A_173 = arith.cmpi slt, %add3A_172, %lt3A : i32
        %convert_element_type3A_174 = arith.extui %lt3A_173 : i1 to i32
        %cond3A_175 = arith.constant 0 : i32
        %cond3A_176 = arith.cmpi ne, %convert_element_type3A_174, %cond3A_175 : i32
        scf.if %cond3A_176 {
          %add3A_208 = arith.constant 1 : i32
          %add3A_209 = arith.addi %add3A_151, %add3A_208 : i32
          %dma_start3A_210 = arith.constant 0 : i32
          %dma_start3A_211 = tpu.memref_slice %arg7[%add3A_209, %dma_start3A_210] : memref<48x128xi32, #tpu.memory_space<vmem>> -> memref<1x128xi32, #tpu.memory_space<vmem>>
          %dma_start3A_212 = tpu.memref_squeeze %dma_start3A_211 : memref<1x128xi32, #tpu.memory_space<vmem>> -> memref<128xi32, #tpu.memory_space<vmem>>
          %dma_start3A_213 = arith.constant 0 : i32
          %dma_start3A_214 = arith.constant 0 : i32
          %dma_start3A_215 = tpu.memref_slice %arg2[%dma_start3A_213, %dma_start3A_214] : memref<10008x128xf32, #tpu.memory_space<hbm>> -> memref<10008x128xf32, #tpu.memory_space<hbm>>
          tpu.enqueue_indirect_dma source(%dma_start3A_215 : memref<10008x128xf32, #tpu.memory_space<hbm>>) target(%arg9 : memref<128x128xf32, #tpu.memory_space<vmem>>) offsets(%dma_start3A_212 : memref<128xi32, #tpu.memory_space<vmem>>) semaphore(%arg12 : memref<!tpu.dma_semaphore, #tpu.memory_space<semaphore_mem>>)
        } else {
        }
        %mul3A_177 = arith.constant 2 : i32
        %mul3A_178 = arith.muli %mul3A_177, %scan3A_147 : i32
        %add3A_179 = arith.constant 2 : i32
        %add3A_180 = arith.addi %mul3A_178, %add3A_179 : i32
        %dma_wait3A_181 = arith.constant 0 : i32
        %dma_wait3A_182 = tpu.memref_slice %arg7[%add3A_180, %dma_wait3A_181] : memref<48x128xi32, #tpu.memory_space<vmem>> -> memref<1x128xi32, #tpu.memory_space<vmem>>
        %dma_wait3A_183 = tpu.memref_squeeze %dma_wait3A_182 : memref<1x128xi32, #tpu.memory_space<vmem>> -> memref<128xi32, #tpu.memory_space<vmem>>
        %dma_wait3A_184 = arith.constant 0 : i32
        %dma_wait3A_185 = arith.constant 0 : i32
        %dma_wait3A_186 = tpu.memref_slice %arg2[%dma_wait3A_184, %dma_wait3A_185] : memref<10008x128xf32, #tpu.memory_space<hbm>> -> memref<10008x128xf32, #tpu.memory_space<hbm>>
        tpu.wait_indirect_dma semaphore(%arg12 : memref<!tpu.dma_semaphore, #tpu.memory_space<semaphore_mem>>) src(%dma_wait3A_186 : memref<10008x128xf32, #tpu.memory_space<hbm>>) dst(%arg9 : memref<128x128xf32, #tpu.memory_space<vmem>>)
        %dma_start3A_187 = arith.constant 0 : i32
        %dma_start3A_188 = tpu.memref_slice %arg8[%add3A_180, %dma_start3A_187] : memref<48x128xi32, #tpu.memory_space<vmem>> -> memref<1x128xi32, #tpu.memory_space<vmem>>
        %dma_start3A_189 = tpu.memref_squeeze %dma_start3A_188 : memref<1x128xi32, #tpu.memory_space<vmem>> -> memref<128xi32, #tpu.memory_space<vmem>>
        %dma_start3A_190 = arith.constant 0 : i32
        %dma_start3A_191 = arith.constant 0 : i32
        %dma_start3A_192 = tpu.memref_slice %arg11[%dma_start3A_190, %dma_start3A_191] : memref<10008x128xf32, #tpu.memory_space<vmem_shared>> -> memref<10008x128xf32, #tpu.memory_space<vmem_shared>>
        tpu.enqueue_indirect_dma source(%arg9 : memref<128x128xf32, #tpu.memory_space<vmem>>) target(%dma_start3A_192 : memref<10008x128xf32, #tpu.memory_space<vmem_shared>>) offsets(%dma_start3A_189 : memref<128xi32, #tpu.memory_space<vmem>>) semaphore(%arg14 : memref<!tpu.dma_semaphore, #tpu.memory_space<semaphore_mem>>) {add = true}
        %sub3A_193 = arith.constant 1 : i32
        %sub3A_194 = arith.subi %add3A_180, %sub3A_193 : i32
        %dma_wait3A_195 = arith.constant 0 : i32
        %dma_wait3A_196 = tpu.memref_slice %arg8[%sub3A_194, %dma_wait3A_195] : memref<48x128xi32, #tpu.memory_space<vmem>> -> memref<1x128xi32, #tpu.memory_space<vmem>>
        %dma_wait3A_197 = tpu.memref_squeeze %dma_wait3A_196 : memref<1x128xi32, #tpu.memory_space<vmem>> -> memref<128xi32, #tpu.memory_space<vmem>>
        %dma_wait3A_198 = arith.constant 0 : i32
        %dma_wait3A_199 = arith.constant 0 : i32
        %dma_wait3A_200 = tpu.memref_slice %arg11[%dma_wait3A_198, %dma_wait3A_199] : memref<10008x128xf32, #tpu.memory_space<vmem_shared>> -> memref<10008x128xf32, #tpu.memory_space<vmem_shared>>
        tpu.wait_indirect_dma semaphore(%arg15 : memref<!tpu.dma_semaphore, #tpu.memory_space<semaphore_mem>>) src(%arg10 : memref<128x128xf32, #tpu.memory_space<vmem>>) dst(%dma_wait3A_200 : memref<10008x128xf32, #tpu.memory_space<vmem_shared>>)
        %add3A_201 = arith.constant 1 : i32
        %add3A_202 = arith.addi %add3A_180, %add3A_201 : i32
        %lt3A_203 = arith.constant 40 : i32
        %lt3A_204 = arith.cmpi slt, %add3A_202, %lt3A_203 : i32
        %convert_element_type3A_205 = arith.extui %lt3A_204 : i1 to i32
        %cond3A_206 = arith.constant 0 : i32
        %cond3A_207 = arith.cmpi ne, %convert_element_type3A_205, %cond3A_206 : i32
        scf.if %cond3A_207 {
          %add3A_208 = arith.constant 1 : i32
          %add3A_209 = arith.addi %add3A_180, %add3A_208 : i32
          %dma_start3A_210 = arith.constant 0 : i32
          %dma_start3A_211 = tpu.memref_slice %arg7[%add3A_209, %dma_start3A_210] : memref<48x128xi32, #tpu.memory_space<vmem>> -> memref<1x128xi32, #tpu.memory_space<vmem>>
          %dma_start3A_212 = tpu.memref_squeeze %dma_start3A_211 : memref<1x128xi32, #tpu.memory_space<vmem>> -> memref<128xi32, #tpu.memory_space<vmem>>
          %dma_start3A_213 = arith.constant 0 : i32
          %dma_start3A_214 = arith.constant 0 : i32
          %dma_start3A_215 = tpu.memref_slice %arg2[%dma_start3A_213, %dma_start3A_214] : memref<10008x128xf32, #tpu.memory_space<hbm>> -> memref<10008x128xf32, #tpu.memory_space<hbm>>
          tpu.enqueue_indirect_dma source(%dma_start3A_215 : memref<10008x128xf32, #tpu.memory_space<hbm>>) target(%arg10 : memref<128x128xf32, #tpu.memory_space<vmem>>) offsets(%dma_start3A_212 : memref<128xi32, #tpu.memory_space<vmem>>) semaphore(%arg13 : memref<!tpu.dma_semaphore, #tpu.memory_space<semaphore_mem>>)
        } else {
        }
      }
      %scan3A_54 = arith.constant 19 : i32
      %dma_wait3A_55 = arith.constant 39 : i32
      %dma_wait3A_56 = arith.constant 0 : i32
      %dma_wait3A_57 = tpu.memref_slice %arg7[%dma_wait3A_55, %dma_wait3A_56] : memref<48x128xi32, #tpu.memory_space<vmem>> -> memref<1x128xi32, #tpu.memory_space<vmem>>
      %dma_wait3A_58 = tpu.memref_squeeze %dma_wait3A_57 : memref<1x128xi32, #tpu.memory_space<vmem>> -> memref<128xi32, #tpu.memory_space<vmem>>
      %dma_wait3A_59 = arith.constant 0 : i32
      %dma_wait3A_60 = arith.constant 0 : i32
      %dma_wait3A_61 = tpu.memref_slice %arg2[%dma_wait3A_59, %dma_wait3A_60] : memref<10008x128xf32, #tpu.memory_space<hbm>> -> memref<10008x128xf32, #tpu.memory_space<hbm>>
      tpu.wait_indirect_dma semaphore(%arg13 : memref<!tpu.dma_semaphore, #tpu.memory_space<semaphore_mem>>) src(%dma_wait3A_61 : memref<10008x128xf32, #tpu.memory_space<hbm>>) dst(%arg10 : memref<128x128xf32, #tpu.memory_space<vmem>>)
      %dma_start3A_62 = arith.constant 39 : i32
      %dma_start3A_63 = arith.constant 0 : i32
      %dma_start3A_64 = tpu.memref_slice %arg8[%dma_start3A_62, %dma_start3A_63] : memref<48x128xi32, #tpu.memory_space<vmem>> -> memref<1x128xi32, #tpu.memory_space<vmem>>
      %dma_start3A_65 = tpu.memref_squeeze %dma_start3A_64 : memref<1x128xi32, #tpu.memory_space<vmem>> -> memref<128xi32, #tpu.memory_space<vmem>>
      %dma_start3A_66 = arith.constant 0 : i32
      %dma_start3A_67 = arith.constant 0 : i32
      %dma_start3A_68 = tpu.memref_slice %arg11[%dma_start3A_66, %dma_start3A_67] : memref<10008x128xf32, #tpu.memory_space<vmem_shared>> -> memref<10008x128xf32, #tpu.memory_space<vmem_shared>>
      tpu.enqueue_indirect_dma source(%arg10 : memref<128x128xf32, #tpu.memory_space<vmem>>) target(%dma_start3A_68 : memref<10008x128xf32, #tpu.memory_space<vmem_shared>>) offsets(%dma_start3A_65 : memref<128xi32, #tpu.memory_space<vmem>>) semaphore(%arg15 : memref<!tpu.dma_semaphore, #tpu.memory_space<semaphore_mem>>) {add = true}
      %dma_wait3A_69 = arith.constant 38 : i32
      %dma_wait3A_70 = arith.constant 0 : i32
      %dma_wait3A_71 = tpu.memref_slice %arg8[%dma_wait3A_69, %dma_wait3A_70] : memref<48x128xi32, #tpu.memory_space<vmem>> -> memref<1x128xi32, #tpu.memory_space<vmem>>
      %dma_wait3A_72 = tpu.memref_squeeze %dma_wait3A_71 : memref<1x128xi32, #tpu.memory_space<vmem>> -> memref<128xi32, #tpu.memory_space<vmem>>
      %dma_wait3A_73 = arith.constant 0 : i32
      %dma_wait3A_74 = arith.constant 0 : i32
      %dma_wait3A_75 = tpu.memref_slice %arg11[%dma_wait3A_73, %dma_wait3A_74] : memref<10008x128xf32, #tpu.memory_space<vmem_shared>> -> memref<10008x128xf32, #tpu.memory_space<vmem_shared>>
      tpu.wait_indirect_dma semaphore(%arg14 : memref<!tpu.dma_semaphore, #tpu.memory_space<semaphore_mem>>) src(%arg9 : memref<128x128xf32, #tpu.memory_space<vmem>>) dst(%dma_wait3A_75 : memref<10008x128xf32, #tpu.memory_space<vmem_shared>>)
      %dma_wait3A_76 = arith.constant 39 : i32
      %dma_wait3A_77 = arith.constant 0 : i32
      %dma_wait3A_78 = tpu.memref_slice %arg8[%dma_wait3A_76, %dma_wait3A_77] : memref<48x128xi32, #tpu.memory_space<vmem>> -> memref<1x128xi32, #tpu.memory_space<vmem>>
      %dma_wait3A_79 = tpu.memref_squeeze %dma_wait3A_78 : memref<1x128xi32, #tpu.memory_space<vmem>> -> memref<128xi32, #tpu.memory_space<vmem>>
      %dma_wait3A_80 = arith.constant 0 : i32
      %dma_wait3A_81 = arith.constant 0 : i32
      %dma_wait3A_82 = tpu.memref_slice %arg11[%dma_wait3A_80, %dma_wait3A_81] : memref<10008x128xf32, #tpu.memory_space<vmem_shared>> -> memref<10008x128xf32, #tpu.memory_space<vmem_shared>>
      tpu.wait_indirect_dma semaphore(%arg15 : memref<!tpu.dma_semaphore, #tpu.memory_space<semaphore_mem>>) src(%arg10 : memref<128x128xf32, #tpu.memory_space<vmem>>) dst(%dma_wait3A_82 : memref<10008x128xf32, #tpu.memory_space<vmem_shared>>)
      %add3A_83 = arith.constant 40 : i32
      %add3A_84 = arith.addi %add3A, %add3A_83 : i32
      "tpu.region"() ({
        %run_scoped3A = tpu.sem_alloc : memref<!tpu.dma_semaphore, #tpu.memory_space<semaphore_mem>>
        %dma_start3A_147 = arith.constant 0 : i32
        %dma_start3A_148 = arith.constant 0 : i32
        %dma_start3A_149 = tpu.memref_slice %arg8[%dma_start3A_147, %dma_start3A_148] : memref<48x128xi32, #tpu.memory_space<vmem>> -> memref<32x128xi32, #tpu.memory_space<vmem>>
        %dma_start3A_150 = arith.constant 0 : i32
        %dma_start3A_151 = tpu.memref_slice %arg4[%add3A_84, %dma_start3A_150] : memref<2560x128xi32, #tpu.memory_space<hbm>> -> memref<32x128xi32, #tpu.memory_space<hbm>>
        %dma_start3A_152 = arith.constant 0 : i32
        %dma_start3A_153 = arith.constant 0 : i32
        %dma_start3A_154 = tpu.memref_slice %arg8[%dma_start3A_152, %dma_start3A_153] : memref<48x128xi32, #tpu.memory_space<vmem>> -> memref<32x128xi32, #tpu.memory_space<vmem>>
        %dma_start3A_155 = arith.constant 0 : i32
        %dma_start3A_156 = tpu.memref_slice %arg4[%add3A_84, %dma_start3A_155] : memref<2560x128xi32, #tpu.memory_space<hbm>> -> memref<32x128xi32, #tpu.memory_space<hbm>>
        tpu.enqueue_dma source(%dma_start3A_156 : memref<32x128xi32, #tpu.memory_space<hbm>>) target(%dma_start3A_154 : memref<32x128xi32, #tpu.memory_space<vmem>>) target_semaphore(%run_scoped3A : memref<!tpu.dma_semaphore, #tpu.memory_space<semaphore_mem>>)
        %dma_wait3A_157 = arith.constant 0 : i32
        %dma_wait3A_158 = arith.constant 0 : i32
        %dma_wait3A_159 = tpu.memref_slice %arg8[%dma_wait3A_157, %dma_wait3A_158] : memref<48x128xi32, #tpu.memory_space<vmem>> -> memref<32x128xi32, #tpu.memory_space<vmem>>
        %dma_wait3A_160 = arith.constant 0 : i32
        %dma_wait3A_161 = tpu.memref_slice %arg4[%add3A_84, %dma_wait3A_160] : memref<2560x128xi32, #tpu.memory_space<hbm>> -> memref<32x128xi32, #tpu.memory_space<hbm>>
        %dma_wait3A_162 = arith.constant 0 : i32
        %dma_wait3A_163 = arith.constant 0 : i32
        %dma_wait3A_164 = tpu.memref_slice %arg8[%dma_wait3A_162, %dma_wait3A_163] : memref<48x128xi32, #tpu.memory_space<vmem>> -> memref<32x128xi32, #tpu.memory_space<vmem>>
        %dma_wait3A_165 = arith.constant 0 : i32
        %dma_wait3A_166 = tpu.memref_slice %arg4[%add3A_84, %dma_wait3A_165] : memref<2560x128xi32, #tpu.memory_space<hbm>> -> memref<32x128xi32, #tpu.memory_space<hbm>>
        tpu.wait_dma2 semaphore(%run_scoped3A : memref<!tpu.dma_semaphore, #tpu.memory_space<semaphore_mem>>) src(%dma_wait3A_166 : memref<32x128xi32, #tpu.memory_space<hbm>>) dst(%dma_wait3A_164 : memref<32x128xi32, #tpu.memory_space<vmem>>)
        tpu.yield
      }) : () -> ()
      "tpu.region"() ({
        %run_scoped3A = tpu.sem_alloc : memref<!tpu.dma_semaphore, #tpu.memory_space<semaphore_mem>>
        %dma_start3A_147 = arith.constant 0 : i32
        %dma_start3A_148 = arith.constant 0 : i32
        %dma_start3A_149 = tpu.memref_slice %arg7[%dma_start3A_147, %dma_start3A_148] : memref<48x128xi32, #tpu.memory_space<vmem>> -> memref<32x128xi32, #tpu.memory_space<vmem>>
        %dma_start3A_150 = arith.constant 0 : i32
        %dma_start3A_151 = tpu.memref_slice %arg3[%add3A_84, %dma_start3A_150] : memref<2560x128xi32, #tpu.memory_space<hbm>> -> memref<32x128xi32, #tpu.memory_space<hbm>>
        %dma_start3A_152 = arith.constant 0 : i32
        %dma_start3A_153 = arith.constant 0 : i32
        %dma_start3A_154 = tpu.memref_slice %arg7[%dma_start3A_152, %dma_start3A_153] : memref<48x128xi32, #tpu.memory_space<vmem>> -> memref<32x128xi32, #tpu.memory_space<vmem>>
        %dma_start3A_155 = arith.constant 0 : i32
        %dma_start3A_156 = tpu.memref_slice %arg3[%add3A_84, %dma_start3A_155] : memref<2560x128xi32, #tpu.memory_space<hbm>> -> memref<32x128xi32, #tpu.memory_space<hbm>>
        tpu.enqueue_dma source(%dma_start3A_156 : memref<32x128xi32, #tpu.memory_space<hbm>>) target(%dma_start3A_154 : memref<32x128xi32, #tpu.memory_space<vmem>>) target_semaphore(%run_scoped3A : memref<!tpu.dma_semaphore, #tpu.memory_space<semaphore_mem>>)
        %dma_wait3A_157 = arith.constant 0 : i32
        %dma_wait3A_158 = arith.constant 0 : i32
        %dma_wait3A_159 = tpu.memref_slice %arg7[%dma_wait3A_157, %dma_wait3A_158] : memref<48x128xi32, #tpu.memory_space<vmem>> -> memref<32x128xi32, #tpu.memory_space<vmem>>
        %dma_wait3A_160 = arith.constant 0 : i32
        %dma_wait3A_161 = tpu.memref_slice %arg3[%add3A_84, %dma_wait3A_160] : memref<2560x128xi32, #tpu.memory_space<hbm>> -> memref<32x128xi32, #tpu.memory_space<hbm>>
        %dma_wait3A_162 = arith.constant 0 : i32
        %dma_wait3A_163 = arith.constant 0 : i32
        %dma_wait3A_164 = tpu.memref_slice %arg7[%dma_wait3A_162, %dma_wait3A_163] : memref<48x128xi32, #tpu.memory_space<vmem>> -> memref<32x128xi32, #tpu.memory_space<vmem>>
        %dma_wait3A_165 = arith.constant 0 : i32
        %dma_wait3A_166 = tpu.memref_slice %arg3[%add3A_84, %dma_wait3A_165] : memref<2560x128xi32, #tpu.memory_space<hbm>> -> memref<32x128xi32, #tpu.memory_space<hbm>>
        tpu.wait_dma2 semaphore(%run_scoped3A : memref<!tpu.dma_semaphore, #tpu.memory_space<semaphore_mem>>) src(%dma_wait3A_166 : memref<32x128xi32, #tpu.memory_space<hbm>>) dst(%dma_wait3A_164 : memref<32x128xi32, #tpu.memory_space<vmem>>)
        tpu.yield
      }) : () -> ()
      %dma_start3A_85 = arith.constant 0 : i32
      %dma_start3A_86 = arith.constant 0 : i32
      %dma_start3A_87 = tpu.memref_slice %arg7[%dma_start3A_85, %dma_start3A_86] : memref<48x128xi32, #tpu.memory_space<vmem>> -> memref<1x128xi32, #tpu.memory_space<vmem>>
      %dma_start3A_88 = tpu.memref_squeeze %dma_start3A_87 : memref<1x128xi32, #tpu.memory_space<vmem>> -> memref<128xi32, #tpu.memory_space<vmem>>
      %dma_start3A_89 = arith.constant 0 : i32
      %dma_start3A_90 = arith.constant 0 : i32
      %dma_start3A_91 = tpu.memref_slice %arg2[%dma_start3A_89, %dma_start3A_90] : memref<10008x128xf32, #tpu.memory_space<hbm>> -> memref<10008x128xf32, #tpu.memory_space<hbm>>
      tpu.enqueue_indirect_dma source(%dma_start3A_91 : memref<10008x128xf32, #tpu.memory_space<hbm>>) target(%arg9 : memref<128x128xf32, #tpu.memory_space<vmem>>) offsets(%dma_start3A_88 : memref<128xi32, #tpu.memory_space<vmem>>) semaphore(%arg12 : memref<!tpu.dma_semaphore, #tpu.memory_space<semaphore_mem>>)
      %dma_wait3A_92 = arith.constant 0 : i32
      %dma_wait3A_93 = arith.constant 0 : i32
      %dma_wait3A_94 = tpu.memref_slice %arg7[%dma_wait3A_92, %dma_wait3A_93] : memref<48x128xi32, #tpu.memory_space<vmem>> -> memref<1x128xi32, #tpu.memory_space<vmem>>
      %dma_wait3A_95 = tpu.memref_squeeze %dma_wait3A_94 : memref<1x128xi32, #tpu.memory_space<vmem>> -> memref<128xi32, #tpu.memory_space<vmem>>
      %dma_wait3A_96 = arith.constant 0 : i32
      %dma_wait3A_97 = arith.constant 0 : i32
      %dma_wait3A_98 = tpu.memref_slice %arg2[%dma_wait3A_96, %dma_wait3A_97] : memref<10008x128xf32, #tpu.memory_space<hbm>> -> memref<10008x128xf32, #tpu.memory_space<hbm>>
      tpu.wait_indirect_dma semaphore(%arg12 : memref<!tpu.dma_semaphore, #tpu.memory_space<semaphore_mem>>) src(%dma_wait3A_98 : memref<10008x128xf32, #tpu.memory_space<hbm>>) dst(%arg9 : memref<128x128xf32, #tpu.memory_space<vmem>>)
      %dma_start3A_99 = arith.constant 0 : i32
      %dma_start3A_100 = arith.constant 0 : i32
      %dma_start3A_101 = tpu.memref_slice %arg8[%dma_start3A_99, %dma_start3A_100] : memref<48x128xi32, #tpu.memory_space<vmem>> -> memref<1x128xi32, #tpu.memory_space<vmem>>
      %dma_start3A_102 = tpu.memref_squeeze %dma_start3A_101 : memref<1x128xi32, #tpu.memory_space<vmem>> -> memref<128xi32, #tpu.memory_space<vmem>>
      %dma_start3A_103 = arith.constant 0 : i32
      %dma_start3A_104 = arith.constant 0 : i32
      %dma_start3A_105 = tpu.memref_slice %arg11[%dma_start3A_103, %dma_start3A_104] : memref<10008x128xf32, #tpu.memory_space<vmem_shared>> -> memref<10008x128xf32, #tpu.memory_space<vmem_shared>>
      tpu.enqueue_indirect_dma source(%arg9 : memref<128x128xf32, #tpu.memory_space<vmem>>) target(%dma_start3A_105 : memref<10008x128xf32, #tpu.memory_space<vmem_shared>>) offsets(%dma_start3A_102 : memref<128xi32, #tpu.memory_space<vmem>>) semaphore(%arg14 : memref<!tpu.dma_semaphore, #tpu.memory_space<semaphore_mem>>) {add = true}
      %dma_start3A_106 = arith.constant 1 : i32
      %dma_start3A_107 = arith.constant 0 : i32
      %dma_start3A_108 = tpu.memref_slice %arg7[%dma_start3A_106, %dma_start3A_107] : memref<48x128xi32, #tpu.memory_space<vmem>> -> memref<1x128xi32, #tpu.memory_space<vmem>>
      %dma_start3A_109 = tpu.memref_squeeze %dma_start3A_108 : memref<1x128xi32, #tpu.memory_space<vmem>> -> memref<128xi32, #tpu.memory_space<vmem>>
      %dma_start3A_110 = arith.constant 0 : i32
      %dma_start3A_111 = arith.constant 0 : i32
      %dma_start3A_112 = tpu.memref_slice %arg2[%dma_start3A_110, %dma_start3A_111] : memref<10008x128xf32, #tpu.memory_space<hbm>> -> memref<10008x128xf32, #tpu.memory_space<hbm>>
      tpu.enqueue_indirect_dma source(%dma_start3A_112 : memref<10008x128xf32, #tpu.memory_space<hbm>>) target(%arg10 : memref<128x128xf32, #tpu.memory_space<vmem>>) offsets(%dma_start3A_109 : memref<128xi32, #tpu.memory_space<vmem>>) semaphore(%arg13 : memref<!tpu.dma_semaphore, #tpu.memory_space<semaphore_mem>>)
      %scan3A_113 = arith.constant 0 : i32
      %scan3A_114 = arith.constant 0 : i32
      %scan3A_115 = arith.constant 15 : i32
      %scan3A_116 = arith.addi %scan3A_114, %scan3A_115 : i32
      %scan3A_117 = arith.constant 1 : i32
      scf.for %scan3A_147 = %scan3A_114 to %scan3A_116 step %scan3A_117  : i32 {
        %mul3A_148 = arith.constant 2 : i32
        %mul3A_149 = arith.muli %mul3A_148, %scan3A_147 : i32
        %add3A_150 = arith.constant 1 : i32
        %add3A_151 = arith.addi %mul3A_149, %add3A_150 : i32
        %dma_wait3A_152 = arith.constant 0 : i32
        %dma_wait3A_153 = tpu.memref_slice %arg7[%add3A_151, %dma_wait3A_152] : memref<48x128xi32, #tpu.memory_space<vmem>> -> memref<1x128xi32, #tpu.memory_space<vmem>>
        %dma_wait3A_154 = tpu.memref_squeeze %dma_wait3A_153 : memref<1x128xi32, #tpu.memory_space<vmem>> -> memref<128xi32, #tpu.memory_space<vmem>>
        %dma_wait3A_155 = arith.constant 0 : i32
        %dma_wait3A_156 = arith.constant 0 : i32
        %dma_wait3A_157 = tpu.memref_slice %arg2[%dma_wait3A_155, %dma_wait3A_156] : memref<10008x128xf32, #tpu.memory_space<hbm>> -> memref<10008x128xf32, #tpu.memory_space<hbm>>
        tpu.wait_indirect_dma semaphore(%arg13 : memref<!tpu.dma_semaphore, #tpu.memory_space<semaphore_mem>>) src(%dma_wait3A_157 : memref<10008x128xf32, #tpu.memory_space<hbm>>) dst(%arg10 : memref<128x128xf32, #tpu.memory_space<vmem>>)
        %dma_start3A_158 = arith.constant 0 : i32
        %dma_start3A_159 = tpu.memref_slice %arg8[%add3A_151, %dma_start3A_158] : memref<48x128xi32, #tpu.memory_space<vmem>> -> memref<1x128xi32, #tpu.memory_space<vmem>>
        %dma_start3A_160 = tpu.memref_squeeze %dma_start3A_159 : memref<1x128xi32, #tpu.memory_space<vmem>> -> memref<128xi32, #tpu.memory_space<vmem>>
        %dma_start3A_161 = arith.constant 0 : i32
        %dma_start3A_162 = arith.constant 0 : i32
        %dma_start3A_163 = tpu.memref_slice %arg11[%dma_start3A_161, %dma_start3A_162] : memref<10008x128xf32, #tpu.memory_space<vmem_shared>> -> memref<10008x128xf32, #tpu.memory_space<vmem_shared>>
        tpu.enqueue_indirect_dma source(%arg10 : memref<128x128xf32, #tpu.memory_space<vmem>>) target(%dma_start3A_163 : memref<10008x128xf32, #tpu.memory_space<vmem_shared>>) offsets(%dma_start3A_160 : memref<128xi32, #tpu.memory_space<vmem>>) semaphore(%arg15 : memref<!tpu.dma_semaphore, #tpu.memory_space<semaphore_mem>>) {add = true}
        %sub3A = arith.constant 1 : i32
        %sub3A_164 = arith.subi %add3A_151, %sub3A : i32
        %dma_wait3A_165 = arith.constant 0 : i32
        %dma_wait3A_166 = tpu.memref_slice %arg8[%sub3A_164, %dma_wait3A_165] : memref<48x128xi32, #tpu.memory_space<vmem>> -> memref<1x128xi32, #tpu.memory_space<vmem>>
        %dma_wait3A_167 = tpu.memref_squeeze %dma_wait3A_166 : memref<1x128xi32, #tpu.memory_space<vmem>> -> memref<128xi32, #tpu.memory_space<vmem>>
        %dma_wait3A_168 = arith.constant 0 : i32
        %dma_wait3A_169 = arith.constant 0 : i32
        %dma_wait3A_170 = tpu.memref_slice %arg11[%dma_wait3A_168, %dma_wait3A_169] : memref<10008x128xf32, #tpu.memory_space<vmem_shared>> -> memref<10008x128xf32, #tpu.memory_space<vmem_shared>>
        tpu.wait_indirect_dma semaphore(%arg14 : memref<!tpu.dma_semaphore, #tpu.memory_space<semaphore_mem>>) src(%arg9 : memref<128x128xf32, #tpu.memory_space<vmem>>) dst(%dma_wait3A_170 : memref<10008x128xf32, #tpu.memory_space<vmem_shared>>)
        %add3A_171 = arith.constant 1 : i32
        %add3A_172 = arith.addi %add3A_151, %add3A_171 : i32
        %lt3A = arith.constant 32 : i32
        %lt3A_173 = arith.cmpi slt, %add3A_172, %lt3A : i32
        %convert_element_type3A_174 = arith.extui %lt3A_173 : i1 to i32
        %cond3A_175 = arith.constant 0 : i32
        %cond3A_176 = arith.cmpi ne, %convert_element_type3A_174, %cond3A_175 : i32
        scf.if %cond3A_176 {
          %add3A_208 = arith.constant 1 : i32
          %add3A_209 = arith.addi %add3A_151, %add3A_208 : i32
          %dma_start3A_210 = arith.constant 0 : i32
          %dma_start3A_211 = tpu.memref_slice %arg7[%add3A_209, %dma_start3A_210] : memref<48x128xi32, #tpu.memory_space<vmem>> -> memref<1x128xi32, #tpu.memory_space<vmem>>
          %dma_start3A_212 = tpu.memref_squeeze %dma_start3A_211 : memref<1x128xi32, #tpu.memory_space<vmem>> -> memref<128xi32, #tpu.memory_space<vmem>>
          %dma_start3A_213 = arith.constant 0 : i32
          %dma_start3A_214 = arith.constant 0 : i32
          %dma_start3A_215 = tpu.memref_slice %arg2[%dma_start3A_213, %dma_start3A_214] : memref<10008x128xf32, #tpu.memory_space<hbm>> -> memref<10008x128xf32, #tpu.memory_space<hbm>>
          tpu.enqueue_indirect_dma source(%dma_start3A_215 : memref<10008x128xf32, #tpu.memory_space<hbm>>) target(%arg9 : memref<128x128xf32, #tpu.memory_space<vmem>>) offsets(%dma_start3A_212 : memref<128xi32, #tpu.memory_space<vmem>>) semaphore(%arg12 : memref<!tpu.dma_semaphore, #tpu.memory_space<semaphore_mem>>)
        } else {
        }
        %mul3A_177 = arith.constant 2 : i32
        %mul3A_178 = arith.muli %mul3A_177, %scan3A_147 : i32
        %add3A_179 = arith.constant 2 : i32
        %add3A_180 = arith.addi %mul3A_178, %add3A_179 : i32
        %dma_wait3A_181 = arith.constant 0 : i32
        %dma_wait3A_182 = tpu.memref_slice %arg7[%add3A_180, %dma_wait3A_181] : memref<48x128xi32, #tpu.memory_space<vmem>> -> memref<1x128xi32, #tpu.memory_space<vmem>>
        %dma_wait3A_183 = tpu.memref_squeeze %dma_wait3A_182 : memref<1x128xi32, #tpu.memory_space<vmem>> -> memref<128xi32, #tpu.memory_space<vmem>>
        %dma_wait3A_184 = arith.constant 0 : i32
        %dma_wait3A_185 = arith.constant 0 : i32
        %dma_wait3A_186 = tpu.memref_slice %arg2[%dma_wait3A_184, %dma_wait3A_185] : memref<10008x128xf32, #tpu.memory_space<hbm>> -> memref<10008x128xf32, #tpu.memory_space<hbm>>
        tpu.wait_indirect_dma semaphore(%arg12 : memref<!tpu.dma_semaphore, #tpu.memory_space<semaphore_mem>>) src(%dma_wait3A_186 : memref<10008x128xf32, #tpu.memory_space<hbm>>) dst(%arg9 : memref<128x128xf32, #tpu.memory_space<vmem>>)
        %dma_start3A_187 = arith.constant 0 : i32
        %dma_start3A_188 = tpu.memref_slice %arg8[%add3A_180, %dma_start3A_187] : memref<48x128xi32, #tpu.memory_space<vmem>> -> memref<1x128xi32, #tpu.memory_space<vmem>>
        %dma_start3A_189 = tpu.memref_squeeze %dma_start3A_188 : memref<1x128xi32, #tpu.memory_space<vmem>> -> memref<128xi32, #tpu.memory_space<vmem>>
        %dma_start3A_190 = arith.constant 0 : i32
        %dma_start3A_191 = arith.constant 0 : i32
        %dma_start3A_192 = tpu.memref_slice %arg11[%dma_start3A_190, %dma_start3A_191] : memref<10008x128xf32, #tpu.memory_space<vmem_shared>> -> memref<10008x128xf32, #tpu.memory_space<vmem_shared>>
        tpu.enqueue_indirect_dma source(%arg9 : memref<128x128xf32, #tpu.memory_space<vmem>>) target(%dma_start3A_192 : memref<10008x128xf32, #tpu.memory_space<vmem_shared>>) offsets(%dma_start3A_189 : memref<128xi32, #tpu.memory_space<vmem>>) semaphore(%arg14 : memref<!tpu.dma_semaphore, #tpu.memory_space<semaphore_mem>>) {add = true}
        %sub3A_193 = arith.constant 1 : i32
        %sub3A_194 = arith.subi %add3A_180, %sub3A_193 : i32
        %dma_wait3A_195 = arith.constant 0 : i32
        %dma_wait3A_196 = tpu.memref_slice %arg8[%sub3A_194, %dma_wait3A_195] : memref<48x128xi32, #tpu.memory_space<vmem>> -> memref<1x128xi32, #tpu.memory_space<vmem>>
        %dma_wait3A_197 = tpu.memref_squeeze %dma_wait3A_196 : memref<1x128xi32, #tpu.memory_space<vmem>> -> memref<128xi32, #tpu.memory_space<vmem>>
        %dma_wait3A_198 = arith.constant 0 : i32
        %dma_wait3A_199 = arith.constant 0 : i32
        %dma_wait3A_200 = tpu.memref_slice %arg11[%dma_wait3A_198, %dma_wait3A_199] : memref<10008x128xf32, #tpu.memory_space<vmem_shared>> -> memref<10008x128xf32, #tpu.memory_space<vmem_shared>>
        tpu.wait_indirect_dma semaphore(%arg15 : memref<!tpu.dma_semaphore, #tpu.memory_space<semaphore_mem>>) src(%arg10 : memref<128x128xf32, #tpu.memory_space<vmem>>) dst(%dma_wait3A_200 : memref<10008x128xf32, #tpu.memory_space<vmem_shared>>)
        %add3A_201 = arith.constant 1 : i32
        %add3A_202 = arith.addi %add3A_180, %add3A_201 : i32
        %lt3A_203 = arith.constant 32 : i32
        %lt3A_204 = arith.cmpi slt, %add3A_202, %lt3A_203 : i32
        %convert_element_type3A_205 = arith.extui %lt3A_204 : i1 to i32
        %cond3A_206 = arith.constant 0 : i32
        %cond3A_207 = arith.cmpi ne, %convert_element_type3A_205, %cond3A_206 : i32
        scf.if %cond3A_207 {
          %add3A_208 = arith.constant 1 : i32
          %add3A_209 = arith.addi %add3A_180, %add3A_208 : i32
          %dma_start3A_210 = arith.constant 0 : i32
          %dma_start3A_211 = tpu.memref_slice %arg7[%add3A_209, %dma_start3A_210] : memref<48x128xi32, #tpu.memory_space<vmem>> -> memref<1x128xi32, #tpu.memory_space<vmem>>
          %dma_start3A_212 = tpu.memref_squeeze %dma_start3A_211 : memref<1x128xi32, #tpu.memory_space<vmem>> -> memref<128xi32, #tpu.memory_space<vmem>>
          %dma_start3A_213 = arith.constant 0 : i32
          %dma_start3A_214 = arith.constant 0 : i32
          %dma_start3A_215 = tpu.memref_slice %arg2[%dma_start3A_213, %dma_start3A_214] : memref<10008x128xf32, #tpu.memory_space<hbm>> -> memref<10008x128xf32, #tpu.memory_space<hbm>>
          tpu.enqueue_indirect_dma source(%dma_start3A_215 : memref<10008x128xf32, #tpu.memory_space<hbm>>) target(%arg10 : memref<128x128xf32, #tpu.memory_space<vmem>>) offsets(%dma_start3A_212 : memref<128xi32, #tpu.memory_space<vmem>>) semaphore(%arg13 : memref<!tpu.dma_semaphore, #tpu.memory_space<semaphore_mem>>)
        } else {
        }
      }
      %scan3A_118 = arith.constant 15 : i32
      %dma_wait3A_119 = arith.constant 31 : i32
      %dma_wait3A_120 = arith.constant 0 : i32
      %dma_wait3A_121 = tpu.memref_slice %arg7[%dma_wait3A_119, %dma_wait3A_120] : memref<48x128xi32, #tpu.memory_space<vmem>> -> memref<1x128xi32, #tpu.memory_space<vmem>>
      %dma_wait3A_122 = tpu.memref_squeeze %dma_wait3A_121 : memref<1x128xi32, #tpu.memory_space<vmem>> -> memref<128xi32, #tpu.memory_space<vmem>>
      %dma_wait3A_123 = arith.constant 0 : i32
      %dma_wait3A_124 = arith.constant 0 : i32
      %dma_wait3A_125 = tpu.memref_slice %arg2[%dma_wait3A_123, %dma_wait3A_124] : memref<10008x128xf32, #tpu.memory_space<hbm>> -> memref<10008x128xf32, #tpu.memory_space<hbm>>
      tpu.wait_indirect_dma semaphore(%arg13 : memref<!tpu.dma_semaphore, #tpu.memory_space<semaphore_mem>>) src(%dma_wait3A_125 : memref<10008x128xf32, #tpu.memory_space<hbm>>) dst(%arg10 : memref<128x128xf32, #tpu.memory_space<vmem>>)
      %dma_start3A_126 = arith.constant 31 : i32
      %dma_start3A_127 = arith.constant 0 : i32
      %dma_start3A_128 = tpu.memref_slice %arg8[%dma_start3A_126, %dma_start3A_127] : memref<48x128xi32, #tpu.memory_space<vmem>> -> memref<1x128xi32, #tpu.memory_space<vmem>>
      %dma_start3A_129 = tpu.memref_squeeze %dma_start3A_128 : memref<1x128xi32, #tpu.memory_space<vmem>> -> memref<128xi32, #tpu.memory_space<vmem>>
      %dma_start3A_130 = arith.constant 0 : i32
      %dma_start3A_131 = arith.constant 0 : i32
      %dma_start3A_132 = tpu.memref_slice %arg11[%dma_start3A_130, %dma_start3A_131] : memref<10008x128xf32, #tpu.memory_space<vmem_shared>> -> memref<10008x128xf32, #tpu.memory_space<vmem_shared>>
      tpu.enqueue_indirect_dma source(%arg10 : memref<128x128xf32, #tpu.memory_space<vmem>>) target(%dma_start3A_132 : memref<10008x128xf32, #tpu.memory_space<vmem_shared>>) offsets(%dma_start3A_129 : memref<128xi32, #tpu.memory_space<vmem>>) semaphore(%arg15 : memref<!tpu.dma_semaphore, #tpu.memory_space<semaphore_mem>>) {add = true}
      %dma_wait3A_133 = arith.constant 30 : i32
      %dma_wait3A_134 = arith.constant 0 : i32
      %dma_wait3A_135 = tpu.memref_slice %arg8[%dma_wait3A_133, %dma_wait3A_134] : memref<48x128xi32, #tpu.memory_space<vmem>> -> memref<1x128xi32, #tpu.memory_space<vmem>>
      %dma_wait3A_136 = tpu.memref_squeeze %dma_wait3A_135 : memref<1x128xi32, #tpu.memory_space<vmem>> -> memref<128xi32, #tpu.memory_space<vmem>>
      %dma_wait3A_137 = arith.constant 0 : i32
      %dma_wait3A_138 = arith.constant 0 : i32
      %dma_wait3A_139 = tpu.memref_slice %arg11[%dma_wait3A_137, %dma_wait3A_138] : memref<10008x128xf32, #tpu.memory_space<vmem_shared>> -> memref<10008x128xf32, #tpu.memory_space<vmem_shared>>
      tpu.wait_indirect_dma semaphore(%arg14 : memref<!tpu.dma_semaphore, #tpu.memory_space<semaphore_mem>>) src(%arg9 : memref<128x128xf32, #tpu.memory_space<vmem>>) dst(%dma_wait3A_139 : memref<10008x128xf32, #tpu.memory_space<vmem_shared>>)
      %dma_wait3A_140 = arith.constant 31 : i32
      %dma_wait3A_141 = arith.constant 0 : i32
      %dma_wait3A_142 = tpu.memref_slice %arg8[%dma_wait3A_140, %dma_wait3A_141] : memref<48x128xi32, #tpu.memory_space<vmem>> -> memref<1x128xi32, #tpu.memory_space<vmem>>
      %dma_wait3A_143 = tpu.memref_squeeze %dma_wait3A_142 : memref<1x128xi32, #tpu.memory_space<vmem>> -> memref<128xi32, #tpu.memory_space<vmem>>
      %dma_wait3A_144 = arith.constant 0 : i32
      %dma_wait3A_145 = arith.constant 0 : i32
      %dma_wait3A_146 = tpu.memref_slice %arg11[%dma_wait3A_144, %dma_wait3A_145] : memref<10008x128xf32, #tpu.memory_space<vmem_shared>> -> memref<10008x128xf32, #tpu.memory_space<vmem_shared>>
      tpu.wait_indirect_dma semaphore(%arg15 : memref<!tpu.dma_semaphore, #tpu.memory_space<semaphore_mem>>) src(%arg10 : memref<128x128xf32, #tpu.memory_space<vmem>>) dst(%dma_wait3A_146 : memref<10008x128xf32, #tpu.memory_space<vmem_shared>>)
    } else {
    }
    %barrier3A_13 = arith.constant 0 : index
    tpu.barrier barrier_id(%barrier3A_13)
    "tpu.region"() ({
      %run_scoped3A = tpu.sem_alloc : memref<!tpu.dma_semaphore, #tpu.memory_space<semaphore_mem>>
      %dma_start3A = arith.constant 0 : i32
      %dma_start3A_19 = tpu.memref_slice %arg6[%arg0, %mul3A_0, %dma_start3A] : memref<2x10000x128xf32, #tpu.memory_space<hbm>> -> memref<1x624x128xf32, #tpu.memory_space<hbm>>
      %dma_start3A_20 = tpu.memref_squeeze %dma_start3A_19 : memref<1x624x128xf32, #tpu.memory_space<hbm>> -> memref<624x128xf32, #tpu.memory_space<hbm>>
      %dma_start3A_21 = arith.constant 0 : i32
      %dma_start3A_22 = tpu.memref_slice %arg11[%mul3A_0, %dma_start3A_21] : memref<10008x128xf32, #tpu.memory_space<vmem_shared>> -> memref<624x128xf32, #tpu.memory_space<vmem_shared>>
      tpu.enqueue_dma source(%dma_start3A_22 : memref<624x128xf32, #tpu.memory_space<vmem_shared>>) target(%dma_start3A_20 : memref<624x128xf32, #tpu.memory_space<hbm>>) target_semaphore(%run_scoped3A : memref<!tpu.dma_semaphore, #tpu.memory_space<semaphore_mem>>)
      %dma_wait3A = arith.constant 0 : i32
      %dma_wait3A_23 = tpu.memref_slice %arg6[%arg0, %mul3A_0, %dma_wait3A] : memref<2x10000x128xf32, #tpu.memory_space<hbm>> -> memref<1x624x128xf32, #tpu.memory_space<hbm>>
      %dma_wait3A_24 = tpu.memref_squeeze %dma_wait3A_23 : memref<1x624x128xf32, #tpu.memory_space<hbm>> -> memref<624x128xf32, #tpu.memory_space<hbm>>
      %dma_wait3A_25 = arith.constant 0 : i32
      %dma_wait3A_26 = tpu.memref_slice %arg11[%mul3A_0, %dma_wait3A_25] : memref<10008x128xf32, #tpu.memory_space<vmem_shared>> -> memref<624x128xf32, #tpu.memory_space<vmem_shared>>
      tpu.wait_dma2 semaphore(%run_scoped3A : memref<!tpu.dma_semaphore, #tpu.memory_space<semaphore_mem>>) src(%dma_wait3A_26 : memref<624x128xf32, #tpu.memory_space<vmem_shared>>) dst(%dma_wait3A_24 : memref<624x128xf32, #tpu.memory_space<hbm>>)
      tpu.yield
    }) : () -> ()
    %eq3A_14 = arith.constant 15 : i32
    %eq3A_15 = arith.cmpi eq, %arg1, %eq3A_14 : i32
    %convert_element_type3A_16 = arith.extui %eq3A_15 : i1 to i32
    %cond3A_17 = arith.constant 0 : i32
    %cond3A_18 = arith.cmpi ne, %convert_element_type3A_16, %cond3A_17 : i32
    scf.if %cond3A_18 {
      "tpu.region"() ({
        %run_scoped3A = tpu.sem_alloc : memref<!tpu.dma_semaphore, #tpu.memory_space<semaphore_mem>>
        %dma_start3A = arith.constant 9984 : i32
        %dma_start3A_19 = arith.constant 0 : i32
        %dma_start3A_20 = tpu.memref_slice %arg6[%arg0, %dma_start3A, %dma_start3A_19] : memref<2x10000x128xf32, #tpu.memory_space<hbm>> -> memref<1x16x128xf32, #tpu.memory_space<hbm>>
        %dma_start3A_21 = tpu.memref_squeeze %dma_start3A_20 : memref<1x16x128xf32, #tpu.memory_space<hbm>> -> memref<16x128xf32, #tpu.memory_space<hbm>>
        %dma_start3A_22 = arith.constant 9984 : i32
        %dma_start3A_23 = arith.constant 0 : i32
        %dma_start3A_24 = tpu.memref_slice %arg11[%dma_start3A_22, %dma_start3A_23] : memref<10008x128xf32, #tpu.memory_space<vmem_shared>> -> memref<16x128xf32, #tpu.memory_space<vmem_shared>>
        tpu.enqueue_dma source(%dma_start3A_24 : memref<16x128xf32, #tpu.memory_space<vmem_shared>>) target(%dma_start3A_21 : memref<16x128xf32, #tpu.memory_space<hbm>>) target_semaphore(%run_scoped3A : memref<!tpu.dma_semaphore, #tpu.memory_space<semaphore_mem>>)
        %dma_wait3A = arith.constant 9984 : i32
        %dma_wait3A_25 = arith.constant 0 : i32
        %dma_wait3A_26 = tpu.memref_slice %arg6[%arg0, %dma_wait3A, %dma_wait3A_25] : memref<2x10000x128xf32, #tpu.memory_space<hbm>> -> memref<1x16x128xf32, #tpu.memory_space<hbm>>
        %dma_wait3A_27 = tpu.memref_squeeze %dma_wait3A_26 : memref<1x16x128xf32, #tpu.memory_space<hbm>> -> memref<16x128xf32, #tpu.memory_space<hbm>>
        %dma_wait3A_28 = arith.constant 9984 : i32
        %dma_wait3A_29 = arith.constant 0 : i32
        %dma_wait3A_30 = tpu.memref_slice %arg11[%dma_wait3A_28, %dma_wait3A_29] : memref<10008x128xf32, #tpu.memory_space<vmem_shared>> -> memref<16x128xf32, #tpu.memory_space<vmem_shared>>
        tpu.wait_dma2 semaphore(%run_scoped3A : memref<!tpu.dma_semaphore, #tpu.memory_space<semaphore_mem>>) src(%dma_wait3A_30 : memref<16x128xf32, #tpu.memory_space<vmem_shared>>) dst(%dma_wait3A_27 : memref<16x128xf32, #tpu.memory_space<hbm>>)
        tpu.yield
      }) : () -> ()
    } else {
    }
    return
  }
}

#map = affine_map<(d0, d1) -> (0, 0)>
#map1 = affine_map<(d0, d1) -> (0, 0, 0)>
module attributes {stable_mosaic.version = 14 : i64} {
  func.func @scatter_kernel(%arg0: i32, %arg1: i32, %arg2: memref<10008x128xf32, #tpu.memory_space<hbm>>, %arg3: memref<2560x128xi32, #tpu.memory_space<hbm>>, %arg4: memref<2560x128xi32, #tpu.memory_space<hbm>>, %arg5: memref<10000x128xf32, #tpu.memory_space<hbm>>, %arg6: memref<2x10000x128xf32, #tpu.memory_space<hbm>>, %arg7: memref<48x128xi32, #tpu.memory_space<vmem>>, %arg8: memref<48x128xi32, #tpu.memory_space<vmem>>, %arg9: memref<128x128xf32, #tpu.memory_space<vmem>>, %arg10: memref<128x128xf32, #tpu.memory_space<vmem>>, %arg11: memref<10008x128xf32, #tpu.memory_space<vmem_shared>>, %arg12: memref<!tpu.dma_semaphore, #tpu.memory_space<semaphore_mem>>, %arg13: memref<!tpu.dma_semaphore, #tpu.memory_space<semaphore_mem>>, %arg14: memref<!tpu.dma_semaphore, #tpu.memory_space<semaphore_mem>>, %arg15: memref<!tpu.dma_semaphore, #tpu.memory_space<semaphore_mem>>) attributes {dimension_semantics = [#tpu.dimension_semantics<core_parallel>, #tpu.dimension_semantics<subcore_parallel>], iteration_bounds = array<i64: 2, 16>, scalar_prefetch = 0 : i64, scratch_operands = 9 : i64, tpu.core_type = #tpu.core_type<sc_vector_subcore>, window_params = [{transform_indices = #map}, {transform_indices = #map}, {transform_indices = #map}, {transform_indices = #map}, {transform_indices = #map1}]} {
    %mul3A = arith.constant 624 : i32
    %mul3A_0 = arith.muli %arg1, %mul3A : i32
    "tpu.region"() ({
      %run_scoped3A = tpu.sem_alloc : memref<!tpu.dma_semaphore, #tpu.memory_space<semaphore_mem>>
      %dma_start3A = arith.constant 0 : i32
      %dma_start3A_19 = tpu.memref_slice %arg11[%mul3A_0, %dma_start3A] : memref<10008x128xf32, #tpu.memory_space<vmem_shared>> -> memref<624x128xf32, #tpu.memory_space<vmem_shared>>
      %dma_start3A_20 = arith.constant 0 : i32
      %dma_start3A_21 = tpu.memref_slice %arg5[%mul3A_0, %dma_start3A_20] : memref<10000x128xf32, #tpu.memory_space<hbm>> -> memref<624x128xf32, #tpu.memory_space<hbm>>
      tpu.enqueue_dma source(%dma_start3A_21 : memref<624x128xf32, #tpu.memory_space<hbm>>) target(%dma_start3A_19 : memref<624x128xf32, #tpu.memory_space<vmem_shared>>) target_semaphore(%run_scoped3A : memref<!tpu.dma_semaphore, #tpu.memory_space<semaphore_mem>>)
      %dma_wait3A = arith.constant 0 : i32
      %dma_wait3A_22 = tpu.memref_slice %arg11[%mul3A_0, %dma_wait3A] : memref<10008x128xf32, #tpu.memory_space<vmem_shared>> -> memref<624x128xf32, #tpu.memory_space<vmem_shared>>
      %dma_wait3A_23 = arith.constant 0 : i32
      %dma_wait3A_24 = tpu.memref_slice %arg5[%mul3A_0, %dma_wait3A_23] : memref<10000x128xf32, #tpu.memory_space<hbm>> -> memref<624x128xf32, #tpu.memory_space<hbm>>
      tpu.wait_dma2 semaphore(%run_scoped3A : memref<!tpu.dma_semaphore, #tpu.memory_space<semaphore_mem>>) src(%dma_wait3A_24 : memref<624x128xf32, #tpu.memory_space<hbm>>) dst(%dma_wait3A_22 : memref<624x128xf32, #tpu.memory_space<vmem_shared>>)
      tpu.yield
    }) : () -> ()
    %eq3A = arith.constant 15 : i32
    %eq3A_1 = arith.cmpi eq, %arg1, %eq3A : i32
    %convert_element_type3A = arith.extui %eq3A_1 : i1 to i32
    %cond3A = arith.constant 0 : i32
    %cond3A_2 = arith.cmpi ne, %convert_element_type3A, %cond3A : i32
    scf.if %cond3A_2 {
      "tpu.region"() ({
        %run_scoped3A = tpu.sem_alloc : memref<!tpu.dma_semaphore, #tpu.memory_space<semaphore_mem>>
        %dma_start3A = arith.constant 9984 : i32
        %dma_start3A_19 = arith.constant 0 : i32
        %dma_start3A_20 = tpu.memref_slice %arg11[%dma_start3A, %dma_start3A_19] : memref<10008x128xf32, #tpu.memory_space<vmem_shared>> -> memref<16x128xf32, #tpu.memory_space<vmem_shared>>
        %dma_start3A_21 = arith.constant 9984 : i32
        %dma_start3A_22 = arith.constant 0 : i32
        %dma_start3A_23 = tpu.memref_slice %arg5[%dma_start3A_21, %dma_start3A_22] : memref<10000x128xf32, #tpu.memory_space<hbm>> -> memref<16x128xf32, #tpu.memory_space<hbm>>
        tpu.enqueue_dma source(%dma_start3A_23 : memref<16x128xf32, #tpu.memory_space<hbm>>) target(%dma_start3A_20 : memref<16x128xf32, #tpu.memory_space<vmem_shared>>) target_semaphore(%run_scoped3A : memref<!tpu.dma_semaphore, #tpu.memory_space<semaphore_mem>>)
        %dma_wait3A = arith.constant 9984 : i32
        %dma_wait3A_24 = arith.constant 0 : i32
        %dma_wait3A_25 = tpu.memref_slice %arg11[%dma_wait3A, %dma_wait3A_24] : memref<10008x128xf32, #tpu.memory_space<vmem_shared>> -> memref<16x128xf32, #tpu.memory_space<vmem_shared>>
        %dma_wait3A_26 = arith.constant 9984 : i32
        %dma_wait3A_27 = arith.constant 0 : i32
        %dma_wait3A_28 = tpu.memref_slice %arg5[%dma_wait3A_26, %dma_wait3A_27] : memref<10000x128xf32, #tpu.memory_space<hbm>> -> memref<16x128xf32, #tpu.memory_space<hbm>>
        tpu.wait_dma2 semaphore(%run_scoped3A : memref<!tpu.dma_semaphore, #tpu.memory_space<semaphore_mem>>) src(%dma_wait3A_28 : memref<16x128xf32, #tpu.memory_space<hbm>>) dst(%dma_wait3A_25 : memref<16x128xf32, #tpu.memory_space<vmem_shared>>)
        tpu.yield
      }) : () -> ()
    } else {
    }
    %barrier3A = arith.constant 0 : index
    tpu.barrier barrier_id(%barrier3A)
    %eq3A_3 = arith.constant 0 : i32
    %eq3A_4 = arith.cmpi eq, %arg0, %eq3A_3 : i32
    %convert_element_type3A_5 = arith.extui %eq3A_4 : i1 to i32
    %cond3A_6 = arith.constant 0 : i32
    %cond3A_7 = arith.cmpi ne, %convert_element_type3A_5, %cond3A_6 : i32
    scf.if %cond3A_7 {
      %mul3A_19 = arith.constant 160 : i32
      %mul3A_20 = arith.muli %arg1, %mul3A_19 : i32
      %eq3A_21 = arith.constant 0 : i32
      %eq3A_22 = arith.cmpi eq, %arg0, %eq3A_21 : i32
      %jit3A = arith.constant 0 : i32
      %jit3A_23 = arith.constant 88 : i32
      %select_n3A = arith.select %eq3A_22, %jit3A, %jit3A_23 : i32
      %add3A = arith.addi %mul3A_20, %select_n3A : i32
      "tpu.region"() ({
        %run_scoped3A = tpu.sem_alloc : memref<!tpu.dma_semaphore, #tpu.memory_space<semaphore_mem>>
        %dma_start3A_147 = arith.constant 0 : i32
        %dma_start3A_148 = arith.constant 0 : i32
        %dma_start3A_149 = tpu.memref_slice %arg8[%dma_start3A_147, %dma_start3A_148] : memref<48x128xi32, #tpu.memory_space<vmem>> -> memref<48x128xi32, #tpu.memory_space<vmem>>
        %dma_start3A_150 = arith.constant 0 : i32
        %dma_start3A_151 = tpu.memref_slice %arg4[%add3A, %dma_start3A_150] : memref<2560x128xi32, #tpu.memory_space<hbm>> -> memref<48x128xi32, #tpu.memory_space<hbm>>
        %dma_start3A_152 = arith.constant 0 : i32
        %dma_start3A_153 = arith.constant 0 : i32
        %dma_start3A_154 = tpu.memref_slice %arg8[%dma_start3A_152, %dma_start3A_153] : memref<48x128xi32, #tpu.memory_space<vmem>> -> memref<48x128xi32, #tpu.memory_space<vmem>>
        %dma_start3A_155 = arith.constant 0 : i32
        %dma_start3A_156 = tpu.memref_slice %arg4[%add3A, %dma_start3A_155] : memref<2560x128xi32, #tpu.memory_space<hbm>> -> memref<48x128xi32, #tpu.memory_space<hbm>>
        tpu.enqueue_dma source(%dma_start3A_156 : memref<48x128xi32, #tpu.memory_space<hbm>>) target(%dma_start3A_154 : memref<48x128xi32, #tpu.memory_space<vmem>>) target_semaphore(%run_scoped3A : memref<!tpu.dma_semaphore, #tpu.memory_space<semaphore_mem>>)
        %dma_wait3A_157 = arith.constant 0 : i32
        %dma_wait3A_158 = arith.constant 0 : i32
        %dma_wait3A_159 = tpu.memref_slice %arg8[%dma_wait3A_157, %dma_wait3A_158] : memref<48x128xi32, #tpu.memory_space<vmem>> -> memref<48x128xi32, #tpu.memory_space<vmem>>
        %dma_wait3A_160 = arith.constant 0 : i32
        %dma_wait3A_161 = tpu.memref_slice %arg4[%add3A, %dma_wait3A_160] : memref<2560x128xi32, #tpu.memory_space<hbm>> -> memref<48x128xi32, #tpu.memory_space<hbm>>
        %dma_wait3A_162 = arith.constant 0 : i32
        %dma_wait3A_163 = arith.constant 0 : i32
        %dma_wait3A_164 = tpu.memref_slice %arg8[%dma_wait3A_162, %dma_wait3A_163] : memref<48x128xi32, #tpu.memory_space<vmem>> -> memref<48x128xi32, #tpu.memory_space<vmem>>
        %dma_wait3A_165 = arith.constant 0 : i32
        %dma_wait3A_166 = tpu.memref_slice %arg4[%add3A, %dma_wait3A_165] : memref<2560x128xi32, #tpu.memory_space<hbm>> -> memref<48x128xi32, #tpu.memory_space<hbm>>
        tpu.wait_dma2 semaphore(%run_scoped3A : memref<!tpu.dma_semaphore, #tpu.memory_space<semaphore_mem>>) src(%dma_wait3A_166 : memref<48x128xi32, #tpu.memory_space<hbm>>) dst(%dma_wait3A_164 : memref<48x128xi32, #tpu.memory_space<vmem>>)
        tpu.yield
      }) : () -> ()
      "tpu.region"() ({
        %run_scoped3A = tpu.sem_alloc : memref<!tpu.dma_semaphore, #tpu.memory_space<semaphore_mem>>
        %dma_start3A_147 = arith.constant 0 : i32
        %dma_start3A_148 = arith.constant 0 : i32
        %dma_start3A_149 = tpu.memref_slice %arg7[%dma_start3A_147, %dma_start3A_148] : memref<48x128xi32, #tpu.memory_space<vmem>> -> memref<48x128xi32, #tpu.memory_space<vmem>>
        %dma_start3A_150 = arith.constant 0 : i32
        %dma_start3A_151 = tpu.memref_slice %arg3[%add3A, %dma_start3A_150] : memref<2560x128xi32, #tpu.memory_space<hbm>> -> memref<48x128xi32, #tpu.memory_space<hbm>>
        %dma_start3A_152 = arith.constant 0 : i32
        %dma_start3A_153 = arith.constant 0 : i32
        %dma_start3A_154 = tpu.memref_slice %arg7[%dma_start3A_152, %dma_start3A_153] : memref<48x128xi32, #tpu.memory_space<vmem>> -> memref<48x128xi32, #tpu.memory_space<vmem>>
        %dma_start3A_155 = arith.constant 0 : i32
        %dma_start3A_156 = tpu.memref_slice %arg3[%add3A, %dma_start3A_155] : memref<2560x128xi32, #tpu.memory_space<hbm>> -> memref<48x128xi32, #tpu.memory_space<hbm>>
        tpu.enqueue_dma source(%dma_start3A_156 : memref<48x128xi32, #tpu.memory_space<hbm>>) target(%dma_start3A_154 : memref<48x128xi32, #tpu.memory_space<vmem>>) target_semaphore(%run_scoped3A : memref<!tpu.dma_semaphore, #tpu.memory_space<semaphore_mem>>)
        %dma_wait3A_157 = arith.constant 0 : i32
        %dma_wait3A_158 = arith.constant 0 : i32
        %dma_wait3A_159 = tpu.memref_slice %arg7[%dma_wait3A_157, %dma_wait3A_158] : memref<48x128xi32, #tpu.memory_space<vmem>> -> memref<48x128xi32, #tpu.memory_space<vmem>>
        %dma_wait3A_160 = arith.constant 0 : i32
        %dma_wait3A_161 = tpu.memref_slice %arg3[%add3A, %dma_wait3A_160] : memref<2560x128xi32, #tpu.memory_space<hbm>> -> memref<48x128xi32, #tpu.memory_space<hbm>>
        %dma_wait3A_162 = arith.constant 0 : i32
        %dma_wait3A_163 = arith.constant 0 : i32
        %dma_wait3A_164 = tpu.memref_slice %arg7[%dma_wait3A_162, %dma_wait3A_163] : memref<48x128xi32, #tpu.memory_space<vmem>> -> memref<48x128xi32, #tpu.memory_space<vmem>>
        %dma_wait3A_165 = arith.constant 0 : i32
        %dma_wait3A_166 = tpu.memref_slice %arg3[%add3A, %dma_wait3A_165] : memref<2560x128xi32, #tpu.memory_space<hbm>> -> memref<48x128xi32, #tpu.memory_space<hbm>>
        tpu.wait_dma2 semaphore(%run_scoped3A : memref<!tpu.dma_semaphore, #tpu.memory_space<semaphore_mem>>) src(%dma_wait3A_166 : memref<48x128xi32, #tpu.memory_space<hbm>>) dst(%dma_wait3A_164 : memref<48x128xi32, #tpu.memory_space<vmem>>)
        tpu.yield
      }) : () -> ()
      %dma_start3A = arith.constant 0 : i32
      %dma_start3A_24 = arith.constant 0 : i32
      %dma_start3A_25 = tpu.memref_slice %arg7[%dma_start3A, %dma_start3A_24] : memref<48x128xi32, #tpu.memory_space<vmem>> -> memref<1x128xi32, #tpu.memory_space<vmem>>
      %dma_start3A_26 = tpu.memref_squeeze %dma_start3A_25 : memref<1x128xi32, #tpu.memory_space<vmem>> -> memref<128xi32, #tpu.memory_space<vmem>>
      %dma_start3A_27 = arith.constant 0 : i32
      %dma_start3A_28 = arith.constant 0 : i32
      %dma_start3A_29 = tpu.memref_slice %arg2[%dma_start3A_27, %dma_start3A_28] : memref<10008x128xf32, #tpu.memory_space<hbm>> -> memref<10008x128xf32, #tpu.memory_space<hbm>>
      tpu.enqueue_indirect_dma source(%dma_start3A_29 : memref<10008x128xf32, #tpu.memory_space<hbm>>) target(%arg9 : memref<128x128xf32, #tpu.memory_space<vmem>>) offsets(%dma_start3A_26 : memref<128xi32, #tpu.memory_space<vmem>>) semaphore(%arg12 : memref<!tpu.dma_semaphore, #tpu.memory_space<semaphore_mem>>)
      %dma_wait3A = arith.constant 0 : i32
      %dma_wait3A_30 = arith.constant 0 : i32
      %dma_wait3A_31 = tpu.memref_slice %arg7[%dma_wait3A, %dma_wait3A_30] : memref<48x128xi32, #tpu.memory_space<vmem>> -> memref<1x128xi32, #tpu.memory_space<vmem>>
      %dma_wait3A_32 = tpu.memref_squeeze %dma_wait3A_31 : memref<1x128xi32, #tpu.memory_space<vmem>> -> memref<128xi32, #tpu.memory_space<vmem>>
      %dma_wait3A_33 = arith.constant 0 : i32
      %dma_wait3A_34 = arith.constant 0 : i32
      %dma_wait3A_35 = tpu.memref_slice %arg2[%dma_wait3A_33, %dma_wait3A_34] : memref<10008x128xf32, #tpu.memory_space<hbm>> -> memref<10008x128xf32, #tpu.memory_space<hbm>>
      tpu.wait_indirect_dma semaphore(%arg12 : memref<!tpu.dma_semaphore, #tpu.memory_space<semaphore_mem>>) src(%dma_wait3A_35 : memref<10008x128xf32, #tpu.memory_space<hbm>>) dst(%arg9 : memref<128x128xf32, #tpu.memory_space<vmem>>)
      %dma_start3A_36 = arith.constant 0 : i32
      %dma_start3A_37 = arith.constant 0 : i32
      %dma_start3A_38 = tpu.memref_slice %arg8[%dma_start3A_36, %dma_start3A_37] : memref<48x128xi32, #tpu.memory_space<vmem>> -> memref<1x128xi32, #tpu.memory_space<vmem>>
      %dma_start3A_39 = tpu.memref_squeeze %dma_start3A_38 : memref<1x128xi32, #tpu.memory_space<vmem>> -> memref<128xi32, #tpu.memory_space<vmem>>
      %dma_start3A_40 = arith.constant 0 : i32
      %dma_start3A_41 = arith.constant 0 : i32
      %dma_start3A_42 = tpu.memref_slice %arg11[%dma_start3A_40, %dma_start3A_41] : memref<10008x128xf32, #tpu.memory_space<vmem_shared>> -> memref<10008x128xf32, #tpu.memory_space<vmem_shared>>
      tpu.enqueue_indirect_dma source(%arg9 : memref<128x128xf32, #tpu.memory_space<vmem>>) target(%dma_start3A_42 : memref<10008x128xf32, #tpu.memory_space<vmem_shared>>) offsets(%dma_start3A_39 : memref<128xi32, #tpu.memory_space<vmem>>) semaphore(%arg14 : memref<!tpu.dma_semaphore, #tpu.memory_space<semaphore_mem>>) {add = true}
      %dma_start3A_43 = arith.constant 1 : i32
      %dma_start3A_44 = arith.constant 0 : i32
      %dma_start3A_45 = tpu.memref_slice %arg7[%dma_start3A_43, %dma_start3A_44] : memref<48x128xi32, #tpu.memory_space<vmem>> -> memref<1x128xi32, #tpu.memory_space<vmem>>
      %dma_start3A_46 = tpu.memref_squeeze %dma_start3A_45 : memref<1x128xi32, #tpu.memory_space<vmem>> -> memref<128xi32, #tpu.memory_space<vmem>>
      %dma_start3A_47 = arith.constant 0 : i32
      %dma_start3A_48 = arith.constant 0 : i32
      %dma_start3A_49 = tpu.memref_slice %arg2[%dma_start3A_47, %dma_start3A_48] : memref<10008x128xf32, #tpu.memory_space<hbm>> -> memref<10008x128xf32, #tpu.memory_space<hbm>>
      tpu.enqueue_indirect_dma source(%dma_start3A_49 : memref<10008x128xf32, #tpu.memory_space<hbm>>) target(%arg10 : memref<128x128xf32, #tpu.memory_space<vmem>>) offsets(%dma_start3A_46 : memref<128xi32, #tpu.memory_space<vmem>>) semaphore(%arg13 : memref<!tpu.dma_semaphore, #tpu.memory_space<semaphore_mem>>)
      %scan3A = arith.constant 0 : i32
      %scan3A_50 = arith.constant 0 : i32
      %scan3A_51 = arith.constant 23 : i32
      %scan3A_52 = arith.addi %scan3A_50, %scan3A_51 : i32
      %scan3A_53 = arith.constant 1 : i32
      scf.for %scan3A_147 = %scan3A_50 to %scan3A_52 step %scan3A_53  : i32 {
        %mul3A_148 = arith.constant 2 : i32
        %mul3A_149 = arith.muli %mul3A_148, %scan3A_147 : i32
        %add3A_150 = arith.constant 1 : i32
        %add3A_151 = arith.addi %mul3A_149, %add3A_150 : i32
        %dma_wait3A_152 = arith.constant 0 : i32
        %dma_wait3A_153 = tpu.memref_slice %arg7[%add3A_151, %dma_wait3A_152] : memref<48x128xi32, #tpu.memory_space<vmem>> -> memref<1x128xi32, #tpu.memory_space<vmem>>
        %dma_wait3A_154 = tpu.memref_squeeze %dma_wait3A_153 : memref<1x128xi32, #tpu.memory_space<vmem>> -> memref<128xi32, #tpu.memory_space<vmem>>
        %dma_wait3A_155 = arith.constant 0 : i32
        %dma_wait3A_156 = arith.constant 0 : i32
        %dma_wait3A_157 = tpu.memref_slice %arg2[%dma_wait3A_155, %dma_wait3A_156] : memref<10008x128xf32, #tpu.memory_space<hbm>> -> memref<10008x128xf32, #tpu.memory_space<hbm>>
        tpu.wait_indirect_dma semaphore(%arg13 : memref<!tpu.dma_semaphore, #tpu.memory_space<semaphore_mem>>) src(%dma_wait3A_157 : memref<10008x128xf32, #tpu.memory_space<hbm>>) dst(%arg10 : memref<128x128xf32, #tpu.memory_space<vmem>>)
        %dma_start3A_158 = arith.constant 0 : i32
        %dma_start3A_159 = tpu.memref_slice %arg8[%add3A_151, %dma_start3A_158] : memref<48x128xi32, #tpu.memory_space<vmem>> -> memref<1x128xi32, #tpu.memory_space<vmem>>
        %dma_start3A_160 = tpu.memref_squeeze %dma_start3A_159 : memref<1x128xi32, #tpu.memory_space<vmem>> -> memref<128xi32, #tpu.memory_space<vmem>>
        %dma_start3A_161 = arith.constant 0 : i32
        %dma_start3A_162 = arith.constant 0 : i32
        %dma_start3A_163 = tpu.memref_slice %arg11[%dma_start3A_161, %dma_start3A_162] : memref<10008x128xf32, #tpu.memory_space<vmem_shared>> -> memref<10008x128xf32, #tpu.memory_space<vmem_shared>>
        tpu.enqueue_indirect_dma source(%arg10 : memref<128x128xf32, #tpu.memory_space<vmem>>) target(%dma_start3A_163 : memref<10008x128xf32, #tpu.memory_space<vmem_shared>>) offsets(%dma_start3A_160 : memref<128xi32, #tpu.memory_space<vmem>>) semaphore(%arg15 : memref<!tpu.dma_semaphore, #tpu.memory_space<semaphore_mem>>) {add = true}
        %sub3A = arith.constant 1 : i32
        %sub3A_164 = arith.subi %add3A_151, %sub3A : i32
        %dma_wait3A_165 = arith.constant 0 : i32
        %dma_wait3A_166 = tpu.memref_slice %arg8[%sub3A_164, %dma_wait3A_165] : memref<48x128xi32, #tpu.memory_space<vmem>> -> memref<1x128xi32, #tpu.memory_space<vmem>>
        %dma_wait3A_167 = tpu.memref_squeeze %dma_wait3A_166 : memref<1x128xi32, #tpu.memory_space<vmem>> -> memref<128xi32, #tpu.memory_space<vmem>>
        %dma_wait3A_168 = arith.constant 0 : i32
        %dma_wait3A_169 = arith.constant 0 : i32
        %dma_wait3A_170 = tpu.memref_slice %arg11[%dma_wait3A_168, %dma_wait3A_169] : memref<10008x128xf32, #tpu.memory_space<vmem_shared>> -> memref<10008x128xf32, #tpu.memory_space<vmem_shared>>
        tpu.wait_indirect_dma semaphore(%arg14 : memref<!tpu.dma_semaphore, #tpu.memory_space<semaphore_mem>>) src(%arg9 : memref<128x128xf32, #tpu.memory_space<vmem>>) dst(%dma_wait3A_170 : memref<10008x128xf32, #tpu.memory_space<vmem_shared>>)
        %add3A_171 = arith.constant 1 : i32
        %add3A_172 = arith.addi %add3A_151, %add3A_171 : i32
        %lt3A = arith.constant 48 : i32
        %lt3A_173 = arith.cmpi slt, %add3A_172, %lt3A : i32
        %convert_element_type3A_174 = arith.extui %lt3A_173 : i1 to i32
        %cond3A_175 = arith.constant 0 : i32
        %cond3A_176 = arith.cmpi ne, %convert_element_type3A_174, %cond3A_175 : i32
        scf.if %cond3A_176 {
          %add3A_208 = arith.constant 1 : i32
          %add3A_209 = arith.addi %add3A_151, %add3A_208 : i32
          %dma_start3A_210 = arith.constant 0 : i32
          %dma_start3A_211 = tpu.memref_slice %arg7[%add3A_209, %dma_start3A_210] : memref<48x128xi32, #tpu.memory_space<vmem>> -> memref<1x128xi32, #tpu.memory_space<vmem>>
          %dma_start3A_212 = tpu.memref_squeeze %dma_start3A_211 : memref<1x128xi32, #tpu.memory_space<vmem>> -> memref<128xi32, #tpu.memory_space<vmem>>
          %dma_start3A_213 = arith.constant 0 : i32
          %dma_start3A_214 = arith.constant 0 : i32
          %dma_start3A_215 = tpu.memref_slice %arg2[%dma_start3A_213, %dma_start3A_214] : memref<10008x128xf32, #tpu.memory_space<hbm>> -> memref<10008x128xf32, #tpu.memory_space<hbm>>
          tpu.enqueue_indirect_dma source(%dma_start3A_215 : memref<10008x128xf32, #tpu.memory_space<hbm>>) target(%arg9 : memref<128x128xf32, #tpu.memory_space<vmem>>) offsets(%dma_start3A_212 : memref<128xi32, #tpu.memory_space<vmem>>) semaphore(%arg12 : memref<!tpu.dma_semaphore, #tpu.memory_space<semaphore_mem>>)
        } else {
        }
        %mul3A_177 = arith.constant 2 : i32
        %mul3A_178 = arith.muli %mul3A_177, %scan3A_147 : i32
        %add3A_179 = arith.constant 2 : i32
        %add3A_180 = arith.addi %mul3A_178, %add3A_179 : i32
        %dma_wait3A_181 = arith.constant 0 : i32
        %dma_wait3A_182 = tpu.memref_slice %arg7[%add3A_180, %dma_wait3A_181] : memref<48x128xi32, #tpu.memory_space<vmem>> -> memref<1x128xi32, #tpu.memory_space<vmem>>
        %dma_wait3A_183 = tpu.memref_squeeze %dma_wait3A_182 : memref<1x128xi32, #tpu.memory_space<vmem>> -> memref<128xi32, #tpu.memory_space<vmem>>
        %dma_wait3A_184 = arith.constant 0 : i32
        %dma_wait3A_185 = arith.constant 0 : i32
        %dma_wait3A_186 = tpu.memref_slice %arg2[%dma_wait3A_184, %dma_wait3A_185] : memref<10008x128xf32, #tpu.memory_space<hbm>> -> memref<10008x128xf32, #tpu.memory_space<hbm>>
        tpu.wait_indirect_dma semaphore(%arg12 : memref<!tpu.dma_semaphore, #tpu.memory_space<semaphore_mem>>) src(%dma_wait3A_186 : memref<10008x128xf32, #tpu.memory_space<hbm>>) dst(%arg9 : memref<128x128xf32, #tpu.memory_space<vmem>>)
        %dma_start3A_187 = arith.constant 0 : i32
        %dma_start3A_188 = tpu.memref_slice %arg8[%add3A_180, %dma_start3A_187] : memref<48x128xi32, #tpu.memory_space<vmem>> -> memref<1x128xi32, #tpu.memory_space<vmem>>
        %dma_start3A_189 = tpu.memref_squeeze %dma_start3A_188 : memref<1x128xi32, #tpu.memory_space<vmem>> -> memref<128xi32, #tpu.memory_space<vmem>>
        %dma_start3A_190 = arith.constant 0 : i32
        %dma_start3A_191 = arith.constant 0 : i32
        %dma_start3A_192 = tpu.memref_slice %arg11[%dma_start3A_190, %dma_start3A_191] : memref<10008x128xf32, #tpu.memory_space<vmem_shared>> -> memref<10008x128xf32, #tpu.memory_space<vmem_shared>>
        tpu.enqueue_indirect_dma source(%arg9 : memref<128x128xf32, #tpu.memory_space<vmem>>) target(%dma_start3A_192 : memref<10008x128xf32, #tpu.memory_space<vmem_shared>>) offsets(%dma_start3A_189 : memref<128xi32, #tpu.memory_space<vmem>>) semaphore(%arg14 : memref<!tpu.dma_semaphore, #tpu.memory_space<semaphore_mem>>) {add = true}
        %sub3A_193 = arith.constant 1 : i32
        %sub3A_194 = arith.subi %add3A_180, %sub3A_193 : i32
        %dma_wait3A_195 = arith.constant 0 : i32
        %dma_wait3A_196 = tpu.memref_slice %arg8[%sub3A_194, %dma_wait3A_195] : memref<48x128xi32, #tpu.memory_space<vmem>> -> memref<1x128xi32, #tpu.memory_space<vmem>>
        %dma_wait3A_197 = tpu.memref_squeeze %dma_wait3A_196 : memref<1x128xi32, #tpu.memory_space<vmem>> -> memref<128xi32, #tpu.memory_space<vmem>>
        %dma_wait3A_198 = arith.constant 0 : i32
        %dma_wait3A_199 = arith.constant 0 : i32
        %dma_wait3A_200 = tpu.memref_slice %arg11[%dma_wait3A_198, %dma_wait3A_199] : memref<10008x128xf32, #tpu.memory_space<vmem_shared>> -> memref<10008x128xf32, #tpu.memory_space<vmem_shared>>
        tpu.wait_indirect_dma semaphore(%arg15 : memref<!tpu.dma_semaphore, #tpu.memory_space<semaphore_mem>>) src(%arg10 : memref<128x128xf32, #tpu.memory_space<vmem>>) dst(%dma_wait3A_200 : memref<10008x128xf32, #tpu.memory_space<vmem_shared>>)
        %add3A_201 = arith.constant 1 : i32
        %add3A_202 = arith.addi %add3A_180, %add3A_201 : i32
        %lt3A_203 = arith.constant 48 : i32
        %lt3A_204 = arith.cmpi slt, %add3A_202, %lt3A_203 : i32
        %convert_element_type3A_205 = arith.extui %lt3A_204 : i1 to i32
        %cond3A_206 = arith.constant 0 : i32
        %cond3A_207 = arith.cmpi ne, %convert_element_type3A_205, %cond3A_206 : i32
        scf.if %cond3A_207 {
          %add3A_208 = arith.constant 1 : i32
          %add3A_209 = arith.addi %add3A_180, %add3A_208 : i32
          %dma_start3A_210 = arith.constant 0 : i32
          %dma_start3A_211 = tpu.memref_slice %arg7[%add3A_209, %dma_start3A_210] : memref<48x128xi32, #tpu.memory_space<vmem>> -> memref<1x128xi32, #tpu.memory_space<vmem>>
          %dma_start3A_212 = tpu.memref_squeeze %dma_start3A_211 : memref<1x128xi32, #tpu.memory_space<vmem>> -> memref<128xi32, #tpu.memory_space<vmem>>
          %dma_start3A_213 = arith.constant 0 : i32
          %dma_start3A_214 = arith.constant 0 : i32
          %dma_start3A_215 = tpu.memref_slice %arg2[%dma_start3A_213, %dma_start3A_214] : memref<10008x128xf32, #tpu.memory_space<hbm>> -> memref<10008x128xf32, #tpu.memory_space<hbm>>
          tpu.enqueue_indirect_dma source(%dma_start3A_215 : memref<10008x128xf32, #tpu.memory_space<hbm>>) target(%arg10 : memref<128x128xf32, #tpu.memory_space<vmem>>) offsets(%dma_start3A_212 : memref<128xi32, #tpu.memory_space<vmem>>) semaphore(%arg13 : memref<!tpu.dma_semaphore, #tpu.memory_space<semaphore_mem>>)
        } else {
        }
      }
      %scan3A_54 = arith.constant 23 : i32
      %dma_wait3A_55 = arith.constant 47 : i32
      %dma_wait3A_56 = arith.constant 0 : i32
      %dma_wait3A_57 = tpu.memref_slice %arg7[%dma_wait3A_55, %dma_wait3A_56] : memref<48x128xi32, #tpu.memory_space<vmem>> -> memref<1x128xi32, #tpu.memory_space<vmem>>
      %dma_wait3A_58 = tpu.memref_squeeze %dma_wait3A_57 : memref<1x128xi32, #tpu.memory_space<vmem>> -> memref<128xi32, #tpu.memory_space<vmem>>
      %dma_wait3A_59 = arith.constant 0 : i32
      %dma_wait3A_60 = arith.constant 0 : i32
      %dma_wait3A_61 = tpu.memref_slice %arg2[%dma_wait3A_59, %dma_wait3A_60] : memref<10008x128xf32, #tpu.memory_space<hbm>> -> memref<10008x128xf32, #tpu.memory_space<hbm>>
      tpu.wait_indirect_dma semaphore(%arg13 : memref<!tpu.dma_semaphore, #tpu.memory_space<semaphore_mem>>) src(%dma_wait3A_61 : memref<10008x128xf32, #tpu.memory_space<hbm>>) dst(%arg10 : memref<128x128xf32, #tpu.memory_space<vmem>>)
      %dma_start3A_62 = arith.constant 47 : i32
      %dma_start3A_63 = arith.constant 0 : i32
      %dma_start3A_64 = tpu.memref_slice %arg8[%dma_start3A_62, %dma_start3A_63] : memref<48x128xi32, #tpu.memory_space<vmem>> -> memref<1x128xi32, #tpu.memory_space<vmem>>
      %dma_start3A_65 = tpu.memref_squeeze %dma_start3A_64 : memref<1x128xi32, #tpu.memory_space<vmem>> -> memref<128xi32, #tpu.memory_space<vmem>>
      %dma_start3A_66 = arith.constant 0 : i32
      %dma_start3A_67 = arith.constant 0 : i32
      %dma_start3A_68 = tpu.memref_slice %arg11[%dma_start3A_66, %dma_start3A_67] : memref<10008x128xf32, #tpu.memory_space<vmem_shared>> -> memref<10008x128xf32, #tpu.memory_space<vmem_shared>>
      tpu.enqueue_indirect_dma source(%arg10 : memref<128x128xf32, #tpu.memory_space<vmem>>) target(%dma_start3A_68 : memref<10008x128xf32, #tpu.memory_space<vmem_shared>>) offsets(%dma_start3A_65 : memref<128xi32, #tpu.memory_space<vmem>>) semaphore(%arg15 : memref<!tpu.dma_semaphore, #tpu.memory_space<semaphore_mem>>) {add = true}
      %dma_wait3A_69 = arith.constant 46 : i32
      %dma_wait3A_70 = arith.constant 0 : i32
      %dma_wait3A_71 = tpu.memref_slice %arg8[%dma_wait3A_69, %dma_wait3A_70] : memref<48x128xi32, #tpu.memory_space<vmem>> -> memref<1x128xi32, #tpu.memory_space<vmem>>
      %dma_wait3A_72 = tpu.memref_squeeze %dma_wait3A_71 : memref<1x128xi32, #tpu.memory_space<vmem>> -> memref<128xi32, #tpu.memory_space<vmem>>
      %dma_wait3A_73 = arith.constant 0 : i32
      %dma_wait3A_74 = arith.constant 0 : i32
      %dma_wait3A_75 = tpu.memref_slice %arg11[%dma_wait3A_73, %dma_wait3A_74] : memref<10008x128xf32, #tpu.memory_space<vmem_shared>> -> memref<10008x128xf32, #tpu.memory_space<vmem_shared>>
      tpu.wait_indirect_dma semaphore(%arg14 : memref<!tpu.dma_semaphore, #tpu.memory_space<semaphore_mem>>) src(%arg9 : memref<128x128xf32, #tpu.memory_space<vmem>>) dst(%dma_wait3A_75 : memref<10008x128xf32, #tpu.memory_space<vmem_shared>>)
      %dma_wait3A_76 = arith.constant 47 : i32
      %dma_wait3A_77 = arith.constant 0 : i32
      %dma_wait3A_78 = tpu.memref_slice %arg8[%dma_wait3A_76, %dma_wait3A_77] : memref<48x128xi32, #tpu.memory_space<vmem>> -> memref<1x128xi32, #tpu.memory_space<vmem>>
      %dma_wait3A_79 = tpu.memref_squeeze %dma_wait3A_78 : memref<1x128xi32, #tpu.memory_space<vmem>> -> memref<128xi32, #tpu.memory_space<vmem>>
      %dma_wait3A_80 = arith.constant 0 : i32
      %dma_wait3A_81 = arith.constant 0 : i32
      %dma_wait3A_82 = tpu.memref_slice %arg11[%dma_wait3A_80, %dma_wait3A_81] : memref<10008x128xf32, #tpu.memory_space<vmem_shared>> -> memref<10008x128xf32, #tpu.memory_space<vmem_shared>>
      tpu.wait_indirect_dma semaphore(%arg15 : memref<!tpu.dma_semaphore, #tpu.memory_space<semaphore_mem>>) src(%arg10 : memref<128x128xf32, #tpu.memory_space<vmem>>) dst(%dma_wait3A_82 : memref<10008x128xf32, #tpu.memory_space<vmem_shared>>)
      %add3A_83 = arith.constant 48 : i32
      %add3A_84 = arith.addi %add3A, %add3A_83 : i32
      "tpu.region"() ({
        %run_scoped3A = tpu.sem_alloc : memref<!tpu.dma_semaphore, #tpu.memory_space<semaphore_mem>>
        %dma_start3A_147 = arith.constant 0 : i32
        %dma_start3A_148 = arith.constant 0 : i32
        %dma_start3A_149 = tpu.memref_slice %arg8[%dma_start3A_147, %dma_start3A_148] : memref<48x128xi32, #tpu.memory_space<vmem>> -> memref<40x128xi32, #tpu.memory_space<vmem>>
        %dma_start3A_150 = arith.constant 0 : i32
        %dma_start3A_151 = tpu.memref_slice %arg4[%add3A_84, %dma_start3A_150] : memref<2560x128xi32, #tpu.memory_space<hbm>> -> memref<40x128xi32, #tpu.memory_space<hbm>>
        %dma_start3A_152 = arith.constant 0 : i32
        %dma_start3A_153 = arith.constant 0 : i32
        %dma_start3A_154 = tpu.memref_slice %arg8[%dma_start3A_152, %dma_start3A_153] : memref<48x128xi32, #tpu.memory_space<vmem>> -> memref<40x128xi32, #tpu.memory_space<vmem>>
        %dma_start3A_155 = arith.constant 0 : i32
        %dma_start3A_156 = tpu.memref_slice %arg4[%add3A_84, %dma_start3A_155] : memref<2560x128xi32, #tpu.memory_space<hbm>> -> memref<40x128xi32, #tpu.memory_space<hbm>>
        tpu.enqueue_dma source(%dma_start3A_156 : memref<40x128xi32, #tpu.memory_space<hbm>>) target(%dma_start3A_154 : memref<40x128xi32, #tpu.memory_space<vmem>>) target_semaphore(%run_scoped3A : memref<!tpu.dma_semaphore, #tpu.memory_space<semaphore_mem>>)
        %dma_wait3A_157 = arith.constant 0 : i32
        %dma_wait3A_158 = arith.constant 0 : i32
        %dma_wait3A_159 = tpu.memref_slice %arg8[%dma_wait3A_157, %dma_wait3A_158] : memref<48x128xi32, #tpu.memory_space<vmem>> -> memref<40x128xi32, #tpu.memory_space<vmem>>
        %dma_wait3A_160 = arith.constant 0 : i32
        %dma_wait3A_161 = tpu.memref_slice %arg4[%add3A_84, %dma_wait3A_160] : memref<2560x128xi32, #tpu.memory_space<hbm>> -> memref<40x128xi32, #tpu.memory_space<hbm>>
        %dma_wait3A_162 = arith.constant 0 : i32
        %dma_wait3A_163 = arith.constant 0 : i32
        %dma_wait3A_164 = tpu.memref_slice %arg8[%dma_wait3A_162, %dma_wait3A_163] : memref<48x128xi32, #tpu.memory_space<vmem>> -> memref<40x128xi32, #tpu.memory_space<vmem>>
        %dma_wait3A_165 = arith.constant 0 : i32
        %dma_wait3A_166 = tpu.memref_slice %arg4[%add3A_84, %dma_wait3A_165] : memref<2560x128xi32, #tpu.memory_space<hbm>> -> memref<40x128xi32, #tpu.memory_space<hbm>>
        tpu.wait_dma2 semaphore(%run_scoped3A : memref<!tpu.dma_semaphore, #tpu.memory_space<semaphore_mem>>) src(%dma_wait3A_166 : memref<40x128xi32, #tpu.memory_space<hbm>>) dst(%dma_wait3A_164 : memref<40x128xi32, #tpu.memory_space<vmem>>)
        tpu.yield
      }) : () -> ()
      "tpu.region"() ({
        %run_scoped3A = tpu.sem_alloc : memref<!tpu.dma_semaphore, #tpu.memory_space<semaphore_mem>>
        %dma_start3A_147 = arith.constant 0 : i32
        %dma_start3A_148 = arith.constant 0 : i32
        %dma_start3A_149 = tpu.memref_slice %arg7[%dma_start3A_147, %dma_start3A_148] : memref<48x128xi32, #tpu.memory_space<vmem>> -> memref<40x128xi32, #tpu.memory_space<vmem>>
        %dma_start3A_150 = arith.constant 0 : i32
        %dma_start3A_151 = tpu.memref_slice %arg3[%add3A_84, %dma_start3A_150] : memref<2560x128xi32, #tpu.memory_space<hbm>> -> memref<40x128xi32, #tpu.memory_space<hbm>>
        %dma_start3A_152 = arith.constant 0 : i32
        %dma_start3A_153 = arith.constant 0 : i32
        %dma_start3A_154 = tpu.memref_slice %arg7[%dma_start3A_152, %dma_start3A_153] : memref<48x128xi32, #tpu.memory_space<vmem>> -> memref<40x128xi32, #tpu.memory_space<vmem>>
        %dma_start3A_155 = arith.constant 0 : i32
        %dma_start3A_156 = tpu.memref_slice %arg3[%add3A_84, %dma_start3A_155] : memref<2560x128xi32, #tpu.memory_space<hbm>> -> memref<40x128xi32, #tpu.memory_space<hbm>>
        tpu.enqueue_dma source(%dma_start3A_156 : memref<40x128xi32, #tpu.memory_space<hbm>>) target(%dma_start3A_154 : memref<40x128xi32, #tpu.memory_space<vmem>>) target_semaphore(%run_scoped3A : memref<!tpu.dma_semaphore, #tpu.memory_space<semaphore_mem>>)
        %dma_wait3A_157 = arith.constant 0 : i32
        %dma_wait3A_158 = arith.constant 0 : i32
        %dma_wait3A_159 = tpu.memref_slice %arg7[%dma_wait3A_157, %dma_wait3A_158] : memref<48x128xi32, #tpu.memory_space<vmem>> -> memref<40x128xi32, #tpu.memory_space<vmem>>
        %dma_wait3A_160 = arith.constant 0 : i32
        %dma_wait3A_161 = tpu.memref_slice %arg3[%add3A_84, %dma_wait3A_160] : memref<2560x128xi32, #tpu.memory_space<hbm>> -> memref<40x128xi32, #tpu.memory_space<hbm>>
        %dma_wait3A_162 = arith.constant 0 : i32
        %dma_wait3A_163 = arith.constant 0 : i32
        %dma_wait3A_164 = tpu.memref_slice %arg7[%dma_wait3A_162, %dma_wait3A_163] : memref<48x128xi32, #tpu.memory_space<vmem>> -> memref<40x128xi32, #tpu.memory_space<vmem>>
        %dma_wait3A_165 = arith.constant 0 : i32
        %dma_wait3A_166 = tpu.memref_slice %arg3[%add3A_84, %dma_wait3A_165] : memref<2560x128xi32, #tpu.memory_space<hbm>> -> memref<40x128xi32, #tpu.memory_space<hbm>>
        tpu.wait_dma2 semaphore(%run_scoped3A : memref<!tpu.dma_semaphore, #tpu.memory_space<semaphore_mem>>) src(%dma_wait3A_166 : memref<40x128xi32, #tpu.memory_space<hbm>>) dst(%dma_wait3A_164 : memref<40x128xi32, #tpu.memory_space<vmem>>)
        tpu.yield
      }) : () -> ()
      %dma_start3A_85 = arith.constant 0 : i32
      %dma_start3A_86 = arith.constant 0 : i32
      %dma_start3A_87 = tpu.memref_slice %arg7[%dma_start3A_85, %dma_start3A_86] : memref<48x128xi32, #tpu.memory_space<vmem>> -> memref<1x128xi32, #tpu.memory_space<vmem>>
      %dma_start3A_88 = tpu.memref_squeeze %dma_start3A_87 : memref<1x128xi32, #tpu.memory_space<vmem>> -> memref<128xi32, #tpu.memory_space<vmem>>
      %dma_start3A_89 = arith.constant 0 : i32
      %dma_start3A_90 = arith.constant 0 : i32
      %dma_start3A_91 = tpu.memref_slice %arg2[%dma_start3A_89, %dma_start3A_90] : memref<10008x128xf32, #tpu.memory_space<hbm>> -> memref<10008x128xf32, #tpu.memory_space<hbm>>
      tpu.enqueue_indirect_dma source(%dma_start3A_91 : memref<10008x128xf32, #tpu.memory_space<hbm>>) target(%arg9 : memref<128x128xf32, #tpu.memory_space<vmem>>) offsets(%dma_start3A_88 : memref<128xi32, #tpu.memory_space<vmem>>) semaphore(%arg12 : memref<!tpu.dma_semaphore, #tpu.memory_space<semaphore_mem>>)
      %dma_wait3A_92 = arith.constant 0 : i32
      %dma_wait3A_93 = arith.constant 0 : i32
      %dma_wait3A_94 = tpu.memref_slice %arg7[%dma_wait3A_92, %dma_wait3A_93] : memref<48x128xi32, #tpu.memory_space<vmem>> -> memref<1x128xi32, #tpu.memory_space<vmem>>
      %dma_wait3A_95 = tpu.memref_squeeze %dma_wait3A_94 : memref<1x128xi32, #tpu.memory_space<vmem>> -> memref<128xi32, #tpu.memory_space<vmem>>
      %dma_wait3A_96 = arith.constant 0 : i32
      %dma_wait3A_97 = arith.constant 0 : i32
      %dma_wait3A_98 = tpu.memref_slice %arg2[%dma_wait3A_96, %dma_wait3A_97] : memref<10008x128xf32, #tpu.memory_space<hbm>> -> memref<10008x128xf32, #tpu.memory_space<hbm>>
      tpu.wait_indirect_dma semaphore(%arg12 : memref<!tpu.dma_semaphore, #tpu.memory_space<semaphore_mem>>) src(%dma_wait3A_98 : memref<10008x128xf32, #tpu.memory_space<hbm>>) dst(%arg9 : memref<128x128xf32, #tpu.memory_space<vmem>>)
      %dma_start3A_99 = arith.constant 0 : i32
      %dma_start3A_100 = arith.constant 0 : i32
      %dma_start3A_101 = tpu.memref_slice %arg8[%dma_start3A_99, %dma_start3A_100] : memref<48x128xi32, #tpu.memory_space<vmem>> -> memref<1x128xi32, #tpu.memory_space<vmem>>
      %dma_start3A_102 = tpu.memref_squeeze %dma_start3A_101 : memref<1x128xi32, #tpu.memory_space<vmem>> -> memref<128xi32, #tpu.memory_space<vmem>>
      %dma_start3A_103 = arith.constant 0 : i32
      %dma_start3A_104 = arith.constant 0 : i32
      %dma_start3A_105 = tpu.memref_slice %arg11[%dma_start3A_103, %dma_start3A_104] : memref<10008x128xf32, #tpu.memory_space<vmem_shared>> -> memref<10008x128xf32, #tpu.memory_space<vmem_shared>>
      tpu.enqueue_indirect_dma source(%arg9 : memref<128x128xf32, #tpu.memory_space<vmem>>) target(%dma_start3A_105 : memref<10008x128xf32, #tpu.memory_space<vmem_shared>>) offsets(%dma_start3A_102 : memref<128xi32, #tpu.memory_space<vmem>>) semaphore(%arg14 : memref<!tpu.dma_semaphore, #tpu.memory_space<semaphore_mem>>) {add = true}
      %dma_start3A_106 = arith.constant 1 : i32
      %dma_start3A_107 = arith.constant 0 : i32
      %dma_start3A_108 = tpu.memref_slice %arg7[%dma_start3A_106, %dma_start3A_107] : memref<48x128xi32, #tpu.memory_space<vmem>> -> memref<1x128xi32, #tpu.memory_space<vmem>>
      %dma_start3A_109 = tpu.memref_squeeze %dma_start3A_108 : memref<1x128xi32, #tpu.memory_space<vmem>> -> memref<128xi32, #tpu.memory_space<vmem>>
      %dma_start3A_110 = arith.constant 0 : i32
      %dma_start3A_111 = arith.constant 0 : i32
      %dma_start3A_112 = tpu.memref_slice %arg2[%dma_start3A_110, %dma_start3A_111] : memref<10008x128xf32, #tpu.memory_space<hbm>> -> memref<10008x128xf32, #tpu.memory_space<hbm>>
      tpu.enqueue_indirect_dma source(%dma_start3A_112 : memref<10008x128xf32, #tpu.memory_space<hbm>>) target(%arg10 : memref<128x128xf32, #tpu.memory_space<vmem>>) offsets(%dma_start3A_109 : memref<128xi32, #tpu.memory_space<vmem>>) semaphore(%arg13 : memref<!tpu.dma_semaphore, #tpu.memory_space<semaphore_mem>>)
      %scan3A_113 = arith.constant 0 : i32
      %scan3A_114 = arith.constant 0 : i32
      %scan3A_115 = arith.constant 19 : i32
      %scan3A_116 = arith.addi %scan3A_114, %scan3A_115 : i32
      %scan3A_117 = arith.constant 1 : i32
      scf.for %scan3A_147 = %scan3A_114 to %scan3A_116 step %scan3A_117  : i32 {
        %mul3A_148 = arith.constant 2 : i32
        %mul3A_149 = arith.muli %mul3A_148, %scan3A_147 : i32
        %add3A_150 = arith.constant 1 : i32
        %add3A_151 = arith.addi %mul3A_149, %add3A_150 : i32
        %dma_wait3A_152 = arith.constant 0 : i32
        %dma_wait3A_153 = tpu.memref_slice %arg7[%add3A_151, %dma_wait3A_152] : memref<48x128xi32, #tpu.memory_space<vmem>> -> memref<1x128xi32, #tpu.memory_space<vmem>>
        %dma_wait3A_154 = tpu.memref_squeeze %dma_wait3A_153 : memref<1x128xi32, #tpu.memory_space<vmem>> -> memref<128xi32, #tpu.memory_space<vmem>>
        %dma_wait3A_155 = arith.constant 0 : i32
        %dma_wait3A_156 = arith.constant 0 : i32
        %dma_wait3A_157 = tpu.memref_slice %arg2[%dma_wait3A_155, %dma_wait3A_156] : memref<10008x128xf32, #tpu.memory_space<hbm>> -> memref<10008x128xf32, #tpu.memory_space<hbm>>
        tpu.wait_indirect_dma semaphore(%arg13 : memref<!tpu.dma_semaphore, #tpu.memory_space<semaphore_mem>>) src(%dma_wait3A_157 : memref<10008x128xf32, #tpu.memory_space<hbm>>) dst(%arg10 : memref<128x128xf32, #tpu.memory_space<vmem>>)
        %dma_start3A_158 = arith.constant 0 : i32
        %dma_start3A_159 = tpu.memref_slice %arg8[%add3A_151, %dma_start3A_158] : memref<48x128xi32, #tpu.memory_space<vmem>> -> memref<1x128xi32, #tpu.memory_space<vmem>>
        %dma_start3A_160 = tpu.memref_squeeze %dma_start3A_159 : memref<1x128xi32, #tpu.memory_space<vmem>> -> memref<128xi32, #tpu.memory_space<vmem>>
        %dma_start3A_161 = arith.constant 0 : i32
        %dma_start3A_162 = arith.constant 0 : i32
        %dma_start3A_163 = tpu.memref_slice %arg11[%dma_start3A_161, %dma_start3A_162] : memref<10008x128xf32, #tpu.memory_space<vmem_shared>> -> memref<10008x128xf32, #tpu.memory_space<vmem_shared>>
        tpu.enqueue_indirect_dma source(%arg10 : memref<128x128xf32, #tpu.memory_space<vmem>>) target(%dma_start3A_163 : memref<10008x128xf32, #tpu.memory_space<vmem_shared>>) offsets(%dma_start3A_160 : memref<128xi32, #tpu.memory_space<vmem>>) semaphore(%arg15 : memref<!tpu.dma_semaphore, #tpu.memory_space<semaphore_mem>>) {add = true}
        %sub3A = arith.constant 1 : i32
        %sub3A_164 = arith.subi %add3A_151, %sub3A : i32
        %dma_wait3A_165 = arith.constant 0 : i32
        %dma_wait3A_166 = tpu.memref_slice %arg8[%sub3A_164, %dma_wait3A_165] : memref<48x128xi32, #tpu.memory_space<vmem>> -> memref<1x128xi32, #tpu.memory_space<vmem>>
        %dma_wait3A_167 = tpu.memref_squeeze %dma_wait3A_166 : memref<1x128xi32, #tpu.memory_space<vmem>> -> memref<128xi32, #tpu.memory_space<vmem>>
        %dma_wait3A_168 = arith.constant 0 : i32
        %dma_wait3A_169 = arith.constant 0 : i32
        %dma_wait3A_170 = tpu.memref_slice %arg11[%dma_wait3A_168, %dma_wait3A_169] : memref<10008x128xf32, #tpu.memory_space<vmem_shared>> -> memref<10008x128xf32, #tpu.memory_space<vmem_shared>>
        tpu.wait_indirect_dma semaphore(%arg14 : memref<!tpu.dma_semaphore, #tpu.memory_space<semaphore_mem>>) src(%arg9 : memref<128x128xf32, #tpu.memory_space<vmem>>) dst(%dma_wait3A_170 : memref<10008x128xf32, #tpu.memory_space<vmem_shared>>)
        %add3A_171 = arith.constant 1 : i32
        %add3A_172 = arith.addi %add3A_151, %add3A_171 : i32
        %lt3A = arith.constant 40 : i32
        %lt3A_173 = arith.cmpi slt, %add3A_172, %lt3A : i32
        %convert_element_type3A_174 = arith.extui %lt3A_173 : i1 to i32
        %cond3A_175 = arith.constant 0 : i32
        %cond3A_176 = arith.cmpi ne, %convert_element_type3A_174, %cond3A_175 : i32
        scf.if %cond3A_176 {
          %add3A_208 = arith.constant 1 : i32
          %add3A_209 = arith.addi %add3A_151, %add3A_208 : i32
          %dma_start3A_210 = arith.constant 0 : i32
          %dma_start3A_211 = tpu.memref_slice %arg7[%add3A_209, %dma_start3A_210] : memref<48x128xi32, #tpu.memory_space<vmem>> -> memref<1x128xi32, #tpu.memory_space<vmem>>
          %dma_start3A_212 = tpu.memref_squeeze %dma_start3A_211 : memref<1x128xi32, #tpu.memory_space<vmem>> -> memref<128xi32, #tpu.memory_space<vmem>>
          %dma_start3A_213 = arith.constant 0 : i32
          %dma_start3A_214 = arith.constant 0 : i32
          %dma_start3A_215 = tpu.memref_slice %arg2[%dma_start3A_213, %dma_start3A_214] : memref<10008x128xf32, #tpu.memory_space<hbm>> -> memref<10008x128xf32, #tpu.memory_space<hbm>>
          tpu.enqueue_indirect_dma source(%dma_start3A_215 : memref<10008x128xf32, #tpu.memory_space<hbm>>) target(%arg9 : memref<128x128xf32, #tpu.memory_space<vmem>>) offsets(%dma_start3A_212 : memref<128xi32, #tpu.memory_space<vmem>>) semaphore(%arg12 : memref<!tpu.dma_semaphore, #tpu.memory_space<semaphore_mem>>)
        } else {
        }
        %mul3A_177 = arith.constant 2 : i32
        %mul3A_178 = arith.muli %mul3A_177, %scan3A_147 : i32
        %add3A_179 = arith.constant 2 : i32
        %add3A_180 = arith.addi %mul3A_178, %add3A_179 : i32
        %dma_wait3A_181 = arith.constant 0 : i32
        %dma_wait3A_182 = tpu.memref_slice %arg7[%add3A_180, %dma_wait3A_181] : memref<48x128xi32, #tpu.memory_space<vmem>> -> memref<1x128xi32, #tpu.memory_space<vmem>>
        %dma_wait3A_183 = tpu.memref_squeeze %dma_wait3A_182 : memref<1x128xi32, #tpu.memory_space<vmem>> -> memref<128xi32, #tpu.memory_space<vmem>>
        %dma_wait3A_184 = arith.constant 0 : i32
        %dma_wait3A_185 = arith.constant 0 : i32
        %dma_wait3A_186 = tpu.memref_slice %arg2[%dma_wait3A_184, %dma_wait3A_185] : memref<10008x128xf32, #tpu.memory_space<hbm>> -> memref<10008x128xf32, #tpu.memory_space<hbm>>
        tpu.wait_indirect_dma semaphore(%arg12 : memref<!tpu.dma_semaphore, #tpu.memory_space<semaphore_mem>>) src(%dma_wait3A_186 : memref<10008x128xf32, #tpu.memory_space<hbm>>) dst(%arg9 : memref<128x128xf32, #tpu.memory_space<vmem>>)
        %dma_start3A_187 = arith.constant 0 : i32
        %dma_start3A_188 = tpu.memref_slice %arg8[%add3A_180, %dma_start3A_187] : memref<48x128xi32, #tpu.memory_space<vmem>> -> memref<1x128xi32, #tpu.memory_space<vmem>>
        %dma_start3A_189 = tpu.memref_squeeze %dma_start3A_188 : memref<1x128xi32, #tpu.memory_space<vmem>> -> memref<128xi32, #tpu.memory_space<vmem>>
        %dma_start3A_190 = arith.constant 0 : i32
        %dma_start3A_191 = arith.constant 0 : i32
        %dma_start3A_192 = tpu.memref_slice %arg11[%dma_start3A_190, %dma_start3A_191] : memref<10008x128xf32, #tpu.memory_space<vmem_shared>> -> memref<10008x128xf32, #tpu.memory_space<vmem_shared>>
        tpu.enqueue_indirect_dma source(%arg9 : memref<128x128xf32, #tpu.memory_space<vmem>>) target(%dma_start3A_192 : memref<10008x128xf32, #tpu.memory_space<vmem_shared>>) offsets(%dma_start3A_189 : memref<128xi32, #tpu.memory_space<vmem>>) semaphore(%arg14 : memref<!tpu.dma_semaphore, #tpu.memory_space<semaphore_mem>>) {add = true}
        %sub3A_193 = arith.constant 1 : i32
        %sub3A_194 = arith.subi %add3A_180, %sub3A_193 : i32
        %dma_wait3A_195 = arith.constant 0 : i32
        %dma_wait3A_196 = tpu.memref_slice %arg8[%sub3A_194, %dma_wait3A_195] : memref<48x128xi32, #tpu.memory_space<vmem>> -> memref<1x128xi32, #tpu.memory_space<vmem>>
        %dma_wait3A_197 = tpu.memref_squeeze %dma_wait3A_196 : memref<1x128xi32, #tpu.memory_space<vmem>> -> memref<128xi32, #tpu.memory_space<vmem>>
        %dma_wait3A_198 = arith.constant 0 : i32
        %dma_wait3A_199 = arith.constant 0 : i32
        %dma_wait3A_200 = tpu.memref_slice %arg11[%dma_wait3A_198, %dma_wait3A_199] : memref<10008x128xf32, #tpu.memory_space<vmem_shared>> -> memref<10008x128xf32, #tpu.memory_space<vmem_shared>>
        tpu.wait_indirect_dma semaphore(%arg15 : memref<!tpu.dma_semaphore, #tpu.memory_space<semaphore_mem>>) src(%arg10 : memref<128x128xf32, #tpu.memory_space<vmem>>) dst(%dma_wait3A_200 : memref<10008x128xf32, #tpu.memory_space<vmem_shared>>)
        %add3A_201 = arith.constant 1 : i32
        %add3A_202 = arith.addi %add3A_180, %add3A_201 : i32
        %lt3A_203 = arith.constant 40 : i32
        %lt3A_204 = arith.cmpi slt, %add3A_202, %lt3A_203 : i32
        %convert_element_type3A_205 = arith.extui %lt3A_204 : i1 to i32
        %cond3A_206 = arith.constant 0 : i32
        %cond3A_207 = arith.cmpi ne, %convert_element_type3A_205, %cond3A_206 : i32
        scf.if %cond3A_207 {
          %add3A_208 = arith.constant 1 : i32
          %add3A_209 = arith.addi %add3A_180, %add3A_208 : i32
          %dma_start3A_210 = arith.constant 0 : i32
          %dma_start3A_211 = tpu.memref_slice %arg7[%add3A_209, %dma_start3A_210] : memref<48x128xi32, #tpu.memory_space<vmem>> -> memref<1x128xi32, #tpu.memory_space<vmem>>
          %dma_start3A_212 = tpu.memref_squeeze %dma_start3A_211 : memref<1x128xi32, #tpu.memory_space<vmem>> -> memref<128xi32, #tpu.memory_space<vmem>>
          %dma_start3A_213 = arith.constant 0 : i32
          %dma_start3A_214 = arith.constant 0 : i32
          %dma_start3A_215 = tpu.memref_slice %arg2[%dma_start3A_213, %dma_start3A_214] : memref<10008x128xf32, #tpu.memory_space<hbm>> -> memref<10008x128xf32, #tpu.memory_space<hbm>>
          tpu.enqueue_indirect_dma source(%dma_start3A_215 : memref<10008x128xf32, #tpu.memory_space<hbm>>) target(%arg10 : memref<128x128xf32, #tpu.memory_space<vmem>>) offsets(%dma_start3A_212 : memref<128xi32, #tpu.memory_space<vmem>>) semaphore(%arg13 : memref<!tpu.dma_semaphore, #tpu.memory_space<semaphore_mem>>)
        } else {
        }
      }
      %scan3A_118 = arith.constant 19 : i32
      %dma_wait3A_119 = arith.constant 39 : i32
      %dma_wait3A_120 = arith.constant 0 : i32
      %dma_wait3A_121 = tpu.memref_slice %arg7[%dma_wait3A_119, %dma_wait3A_120] : memref<48x128xi32, #tpu.memory_space<vmem>> -> memref<1x128xi32, #tpu.memory_space<vmem>>
      %dma_wait3A_122 = tpu.memref_squeeze %dma_wait3A_121 : memref<1x128xi32, #tpu.memory_space<vmem>> -> memref<128xi32, #tpu.memory_space<vmem>>
      %dma_wait3A_123 = arith.constant 0 : i32
      %dma_wait3A_124 = arith.constant 0 : i32
      %dma_wait3A_125 = tpu.memref_slice %arg2[%dma_wait3A_123, %dma_wait3A_124] : memref<10008x128xf32, #tpu.memory_space<hbm>> -> memref<10008x128xf32, #tpu.memory_space<hbm>>
      tpu.wait_indirect_dma semaphore(%arg13 : memref<!tpu.dma_semaphore, #tpu.memory_space<semaphore_mem>>) src(%dma_wait3A_125 : memref<10008x128xf32, #tpu.memory_space<hbm>>) dst(%arg10 : memref<128x128xf32, #tpu.memory_space<vmem>>)
      %dma_start3A_126 = arith.constant 39 : i32
      %dma_start3A_127 = arith.constant 0 : i32
      %dma_start3A_128 = tpu.memref_slice %arg8[%dma_start3A_126, %dma_start3A_127] : memref<48x128xi32, #tpu.memory_space<vmem>> -> memref<1x128xi32, #tpu.memory_space<vmem>>
      %dma_start3A_129 = tpu.memref_squeeze %dma_start3A_128 : memref<1x128xi32, #tpu.memory_space<vmem>> -> memref<128xi32, #tpu.memory_space<vmem>>
      %dma_start3A_130 = arith.constant 0 : i32
      %dma_start3A_131 = arith.constant 0 : i32
      %dma_start3A_132 = tpu.memref_slice %arg11[%dma_start3A_130, %dma_start3A_131] : memref<10008x128xf32, #tpu.memory_space<vmem_shared>> -> memref<10008x128xf32, #tpu.memory_space<vmem_shared>>
      tpu.enqueue_indirect_dma source(%arg10 : memref<128x128xf32, #tpu.memory_space<vmem>>) target(%dma_start3A_132 : memref<10008x128xf32, #tpu.memory_space<vmem_shared>>) offsets(%dma_start3A_129 : memref<128xi32, #tpu.memory_space<vmem>>) semaphore(%arg15 : memref<!tpu.dma_semaphore, #tpu.memory_space<semaphore_mem>>) {add = true}
      %dma_wait3A_133 = arith.constant 38 : i32
      %dma_wait3A_134 = arith.constant 0 : i32
      %dma_wait3A_135 = tpu.memref_slice %arg8[%dma_wait3A_133, %dma_wait3A_134] : memref<48x128xi32, #tpu.memory_space<vmem>> -> memref<1x128xi32, #tpu.memory_space<vmem>>
      %dma_wait3A_136 = tpu.memref_squeeze %dma_wait3A_135 : memref<1x128xi32, #tpu.memory_space<vmem>> -> memref<128xi32, #tpu.memory_space<vmem>>
      %dma_wait3A_137 = arith.constant 0 : i32
      %dma_wait3A_138 = arith.constant 0 : i32
      %dma_wait3A_139 = tpu.memref_slice %arg11[%dma_wait3A_137, %dma_wait3A_138] : memref<10008x128xf32, #tpu.memory_space<vmem_shared>> -> memref<10008x128xf32, #tpu.memory_space<vmem_shared>>
      tpu.wait_indirect_dma semaphore(%arg14 : memref<!tpu.dma_semaphore, #tpu.memory_space<semaphore_mem>>) src(%arg9 : memref<128x128xf32, #tpu.memory_space<vmem>>) dst(%dma_wait3A_139 : memref<10008x128xf32, #tpu.memory_space<vmem_shared>>)
      %dma_wait3A_140 = arith.constant 39 : i32
      %dma_wait3A_141 = arith.constant 0 : i32
      %dma_wait3A_142 = tpu.memref_slice %arg8[%dma_wait3A_140, %dma_wait3A_141] : memref<48x128xi32, #tpu.memory_space<vmem>> -> memref<1x128xi32, #tpu.memory_space<vmem>>
      %dma_wait3A_143 = tpu.memref_squeeze %dma_wait3A_142 : memref<1x128xi32, #tpu.memory_space<vmem>> -> memref<128xi32, #tpu.memory_space<vmem>>
      %dma_wait3A_144 = arith.constant 0 : i32
      %dma_wait3A_145 = arith.constant 0 : i32
      %dma_wait3A_146 = tpu.memref_slice %arg11[%dma_wait3A_144, %dma_wait3A_145] : memref<10008x128xf32, #tpu.memory_space<vmem_shared>> -> memref<10008x128xf32, #tpu.memory_space<vmem_shared>>
      tpu.wait_indirect_dma semaphore(%arg15 : memref<!tpu.dma_semaphore, #tpu.memory_space<semaphore_mem>>) src(%arg10 : memref<128x128xf32, #tpu.memory_space<vmem>>) dst(%dma_wait3A_146 : memref<10008x128xf32, #tpu.memory_space<vmem_shared>>)
    } else {
    }
    %eq3A_8 = arith.constant 1 : i32
    %eq3A_9 = arith.cmpi eq, %arg0, %eq3A_8 : i32
    %convert_element_type3A_10 = arith.extui %eq3A_9 : i1 to i32
    %cond3A_11 = arith.constant 0 : i32
    %cond3A_12 = arith.cmpi ne, %convert_element_type3A_10, %cond3A_11 : i32
    scf.if %cond3A_12 {
      %mul3A_19 = arith.constant 160 : i32
      %mul3A_20 = arith.muli %arg1, %mul3A_19 : i32
      %eq3A_21 = arith.constant 0 : i32
      %eq3A_22 = arith.cmpi eq, %arg0, %eq3A_21 : i32
      %jit3A = arith.constant 0 : i32
      %jit3A_23 = arith.constant 88 : i32
      %select_n3A = arith.select %eq3A_22, %jit3A, %jit3A_23 : i32
      %add3A = arith.addi %mul3A_20, %select_n3A : i32
      "tpu.region"() ({
        %run_scoped3A = tpu.sem_alloc : memref<!tpu.dma_semaphore, #tpu.memory_space<semaphore_mem>>
        %dma_start3A_147 = arith.constant 0 : i32
        %dma_start3A_148 = arith.constant 0 : i32
        %dma_start3A_149 = tpu.memref_slice %arg8[%dma_start3A_147, %dma_start3A_148] : memref<48x128xi32, #tpu.memory_space<vmem>> -> memref<40x128xi32, #tpu.memory_space<vmem>>
        %dma_start3A_150 = arith.constant 0 : i32
        %dma_start3A_151 = tpu.memref_slice %arg4[%add3A, %dma_start3A_150] : memref<2560x128xi32, #tpu.memory_space<hbm>> -> memref<40x128xi32, #tpu.memory_space<hbm>>
        %dma_start3A_152 = arith.constant 0 : i32
        %dma_start3A_153 = arith.constant 0 : i32
        %dma_start3A_154 = tpu.memref_slice %arg8[%dma_start3A_152, %dma_start3A_153] : memref<48x128xi32, #tpu.memory_space<vmem>> -> memref<40x128xi32, #tpu.memory_space<vmem>>
        %dma_start3A_155 = arith.constant 0 : i32
        %dma_start3A_156 = tpu.memref_slice %arg4[%add3A, %dma_start3A_155] : memref<2560x128xi32, #tpu.memory_space<hbm>> -> memref<40x128xi32, #tpu.memory_space<hbm>>
        tpu.enqueue_dma source(%dma_start3A_156 : memref<40x128xi32, #tpu.memory_space<hbm>>) target(%dma_start3A_154 : memref<40x128xi32, #tpu.memory_space<vmem>>) target_semaphore(%run_scoped3A : memref<!tpu.dma_semaphore, #tpu.memory_space<semaphore_mem>>)
        %dma_wait3A_157 = arith.constant 0 : i32
        %dma_wait3A_158 = arith.constant 0 : i32
        %dma_wait3A_159 = tpu.memref_slice %arg8[%dma_wait3A_157, %dma_wait3A_158] : memref<48x128xi32, #tpu.memory_space<vmem>> -> memref<40x128xi32, #tpu.memory_space<vmem>>
        %dma_wait3A_160 = arith.constant 0 : i32
        %dma_wait3A_161 = tpu.memref_slice %arg4[%add3A, %dma_wait3A_160] : memref<2560x128xi32, #tpu.memory_space<hbm>> -> memref<40x128xi32, #tpu.memory_space<hbm>>
        %dma_wait3A_162 = arith.constant 0 : i32
        %dma_wait3A_163 = arith.constant 0 : i32
        %dma_wait3A_164 = tpu.memref_slice %arg8[%dma_wait3A_162, %dma_wait3A_163] : memref<48x128xi32, #tpu.memory_space<vmem>> -> memref<40x128xi32, #tpu.memory_space<vmem>>
        %dma_wait3A_165 = arith.constant 0 : i32
        %dma_wait3A_166 = tpu.memref_slice %arg4[%add3A, %dma_wait3A_165] : memref<2560x128xi32, #tpu.memory_space<hbm>> -> memref<40x128xi32, #tpu.memory_space<hbm>>
        tpu.wait_dma2 semaphore(%run_scoped3A : memref<!tpu.dma_semaphore, #tpu.memory_space<semaphore_mem>>) src(%dma_wait3A_166 : memref<40x128xi32, #tpu.memory_space<hbm>>) dst(%dma_wait3A_164 : memref<40x128xi32, #tpu.memory_space<vmem>>)
        tpu.yield
      }) : () -> ()
      "tpu.region"() ({
        %run_scoped3A = tpu.sem_alloc : memref<!tpu.dma_semaphore, #tpu.memory_space<semaphore_mem>>
        %dma_start3A_147 = arith.constant 0 : i32
        %dma_start3A_148 = arith.constant 0 : i32
        %dma_start3A_149 = tpu.memref_slice %arg7[%dma_start3A_147, %dma_start3A_148] : memref<48x128xi32, #tpu.memory_space<vmem>> -> memref<40x128xi32, #tpu.memory_space<vmem>>
        %dma_start3A_150 = arith.constant 0 : i32
        %dma_start3A_151 = tpu.memref_slice %arg3[%add3A, %dma_start3A_150] : memref<2560x128xi32, #tpu.memory_space<hbm>> -> memref<40x128xi32, #tpu.memory_space<hbm>>
        %dma_start3A_152 = arith.constant 0 : i32
        %dma_start3A_153 = arith.constant 0 : i32
        %dma_start3A_154 = tpu.memref_slice %arg7[%dma_start3A_152, %dma_start3A_153] : memref<48x128xi32, #tpu.memory_space<vmem>> -> memref<40x128xi32, #tpu.memory_space<vmem>>
        %dma_start3A_155 = arith.constant 0 : i32
        %dma_start3A_156 = tpu.memref_slice %arg3[%add3A, %dma_start3A_155] : memref<2560x128xi32, #tpu.memory_space<hbm>> -> memref<40x128xi32, #tpu.memory_space<hbm>>
        tpu.enqueue_dma source(%dma_start3A_156 : memref<40x128xi32, #tpu.memory_space<hbm>>) target(%dma_start3A_154 : memref<40x128xi32, #tpu.memory_space<vmem>>) target_semaphore(%run_scoped3A : memref<!tpu.dma_semaphore, #tpu.memory_space<semaphore_mem>>)
        %dma_wait3A_157 = arith.constant 0 : i32
        %dma_wait3A_158 = arith.constant 0 : i32
        %dma_wait3A_159 = tpu.memref_slice %arg7[%dma_wait3A_157, %dma_wait3A_158] : memref<48x128xi32, #tpu.memory_space<vmem>> -> memref<40x128xi32, #tpu.memory_space<vmem>>
        %dma_wait3A_160 = arith.constant 0 : i32
        %dma_wait3A_161 = tpu.memref_slice %arg3[%add3A, %dma_wait3A_160] : memref<2560x128xi32, #tpu.memory_space<hbm>> -> memref<40x128xi32, #tpu.memory_space<hbm>>
        %dma_wait3A_162 = arith.constant 0 : i32
        %dma_wait3A_163 = arith.constant 0 : i32
        %dma_wait3A_164 = tpu.memref_slice %arg7[%dma_wait3A_162, %dma_wait3A_163] : memref<48x128xi32, #tpu.memory_space<vmem>> -> memref<40x128xi32, #tpu.memory_space<vmem>>
        %dma_wait3A_165 = arith.constant 0 : i32
        %dma_wait3A_166 = tpu.memref_slice %arg3[%add3A, %dma_wait3A_165] : memref<2560x128xi32, #tpu.memory_space<hbm>> -> memref<40x128xi32, #tpu.memory_space<hbm>>
        tpu.wait_dma2 semaphore(%run_scoped3A : memref<!tpu.dma_semaphore, #tpu.memory_space<semaphore_mem>>) src(%dma_wait3A_166 : memref<40x128xi32, #tpu.memory_space<hbm>>) dst(%dma_wait3A_164 : memref<40x128xi32, #tpu.memory_space<vmem>>)
        tpu.yield
      }) : () -> ()
      %dma_start3A = arith.constant 0 : i32
      %dma_start3A_24 = arith.constant 0 : i32
      %dma_start3A_25 = tpu.memref_slice %arg7[%dma_start3A, %dma_start3A_24] : memref<48x128xi32, #tpu.memory_space<vmem>> -> memref<1x128xi32, #tpu.memory_space<vmem>>
      %dma_start3A_26 = tpu.memref_squeeze %dma_start3A_25 : memref<1x128xi32, #tpu.memory_space<vmem>> -> memref<128xi32, #tpu.memory_space<vmem>>
      %dma_start3A_27 = arith.constant 0 : i32
      %dma_start3A_28 = arith.constant 0 : i32
      %dma_start3A_29 = tpu.memref_slice %arg2[%dma_start3A_27, %dma_start3A_28] : memref<10008x128xf32, #tpu.memory_space<hbm>> -> memref<10008x128xf32, #tpu.memory_space<hbm>>
      tpu.enqueue_indirect_dma source(%dma_start3A_29 : memref<10008x128xf32, #tpu.memory_space<hbm>>) target(%arg9 : memref<128x128xf32, #tpu.memory_space<vmem>>) offsets(%dma_start3A_26 : memref<128xi32, #tpu.memory_space<vmem>>) semaphore(%arg12 : memref<!tpu.dma_semaphore, #tpu.memory_space<semaphore_mem>>)
      %dma_wait3A = arith.constant 0 : i32
      %dma_wait3A_30 = arith.constant 0 : i32
      %dma_wait3A_31 = tpu.memref_slice %arg7[%dma_wait3A, %dma_wait3A_30] : memref<48x128xi32, #tpu.memory_space<vmem>> -> memref<1x128xi32, #tpu.memory_space<vmem>>
      %dma_wait3A_32 = tpu.memref_squeeze %dma_wait3A_31 : memref<1x128xi32, #tpu.memory_space<vmem>> -> memref<128xi32, #tpu.memory_space<vmem>>
      %dma_wait3A_33 = arith.constant 0 : i32
      %dma_wait3A_34 = arith.constant 0 : i32
      %dma_wait3A_35 = tpu.memref_slice %arg2[%dma_wait3A_33, %dma_wait3A_34] : memref<10008x128xf32, #tpu.memory_space<hbm>> -> memref<10008x128xf32, #tpu.memory_space<hbm>>
      tpu.wait_indirect_dma semaphore(%arg12 : memref<!tpu.dma_semaphore, #tpu.memory_space<semaphore_mem>>) src(%dma_wait3A_35 : memref<10008x128xf32, #tpu.memory_space<hbm>>) dst(%arg9 : memref<128x128xf32, #tpu.memory_space<vmem>>)
      %dma_start3A_36 = arith.constant 0 : i32
      %dma_start3A_37 = arith.constant 0 : i32
      %dma_start3A_38 = tpu.memref_slice %arg8[%dma_start3A_36, %dma_start3A_37] : memref<48x128xi32, #tpu.memory_space<vmem>> -> memref<1x128xi32, #tpu.memory_space<vmem>>
      %dma_start3A_39 = tpu.memref_squeeze %dma_start3A_38 : memref<1x128xi32, #tpu.memory_space<vmem>> -> memref<128xi32, #tpu.memory_space<vmem>>
      %dma_start3A_40 = arith.constant 0 : i32
      %dma_start3A_41 = arith.constant 0 : i32
      %dma_start3A_42 = tpu.memref_slice %arg11[%dma_start3A_40, %dma_start3A_41] : memref<10008x128xf32, #tpu.memory_space<vmem_shared>> -> memref<10008x128xf32, #tpu.memory_space<vmem_shared>>
      tpu.enqueue_indirect_dma source(%arg9 : memref<128x128xf32, #tpu.memory_space<vmem>>) target(%dma_start3A_42 : memref<10008x128xf32, #tpu.memory_space<vmem_shared>>) offsets(%dma_start3A_39 : memref<128xi32, #tpu.memory_space<vmem>>) semaphore(%arg14 : memref<!tpu.dma_semaphore, #tpu.memory_space<semaphore_mem>>) {add = true}
      %dma_start3A_43 = arith.constant 1 : i32
      %dma_start3A_44 = arith.constant 0 : i32
      %dma_start3A_45 = tpu.memref_slice %arg7[%dma_start3A_43, %dma_start3A_44] : memref<48x128xi32, #tpu.memory_space<vmem>> -> memref<1x128xi32, #tpu.memory_space<vmem>>
      %dma_start3A_46 = tpu.memref_squeeze %dma_start3A_45 : memref<1x128xi32, #tpu.memory_space<vmem>> -> memref<128xi32, #tpu.memory_space<vmem>>
      %dma_start3A_47 = arith.constant 0 : i32
      %dma_start3A_48 = arith.constant 0 : i32
      %dma_start3A_49 = tpu.memref_slice %arg2[%dma_start3A_47, %dma_start3A_48] : memref<10008x128xf32, #tpu.memory_space<hbm>> -> memref<10008x128xf32, #tpu.memory_space<hbm>>
      tpu.enqueue_indirect_dma source(%dma_start3A_49 : memref<10008x128xf32, #tpu.memory_space<hbm>>) target(%arg10 : memref<128x128xf32, #tpu.memory_space<vmem>>) offsets(%dma_start3A_46 : memref<128xi32, #tpu.memory_space<vmem>>) semaphore(%arg13 : memref<!tpu.dma_semaphore, #tpu.memory_space<semaphore_mem>>)
      %scan3A = arith.constant 0 : i32
      %scan3A_50 = arith.constant 0 : i32
      %scan3A_51 = arith.constant 19 : i32
      %scan3A_52 = arith.addi %scan3A_50, %scan3A_51 : i32
      %scan3A_53 = arith.constant 1 : i32
      scf.for %scan3A_147 = %scan3A_50 to %scan3A_52 step %scan3A_53  : i32 {
        %mul3A_148 = arith.constant 2 : i32
        %mul3A_149 = arith.muli %mul3A_148, %scan3A_147 : i32
        %add3A_150 = arith.constant 1 : i32
        %add3A_151 = arith.addi %mul3A_149, %add3A_150 : i32
        %dma_wait3A_152 = arith.constant 0 : i32
        %dma_wait3A_153 = tpu.memref_slice %arg7[%add3A_151, %dma_wait3A_152] : memref<48x128xi32, #tpu.memory_space<vmem>> -> memref<1x128xi32, #tpu.memory_space<vmem>>
        %dma_wait3A_154 = tpu.memref_squeeze %dma_wait3A_153 : memref<1x128xi32, #tpu.memory_space<vmem>> -> memref<128xi32, #tpu.memory_space<vmem>>
        %dma_wait3A_155 = arith.constant 0 : i32
        %dma_wait3A_156 = arith.constant 0 : i32
        %dma_wait3A_157 = tpu.memref_slice %arg2[%dma_wait3A_155, %dma_wait3A_156] : memref<10008x128xf32, #tpu.memory_space<hbm>> -> memref<10008x128xf32, #tpu.memory_space<hbm>>
        tpu.wait_indirect_dma semaphore(%arg13 : memref<!tpu.dma_semaphore, #tpu.memory_space<semaphore_mem>>) src(%dma_wait3A_157 : memref<10008x128xf32, #tpu.memory_space<hbm>>) dst(%arg10 : memref<128x128xf32, #tpu.memory_space<vmem>>)
        %dma_start3A_158 = arith.constant 0 : i32
        %dma_start3A_159 = tpu.memref_slice %arg8[%add3A_151, %dma_start3A_158] : memref<48x128xi32, #tpu.memory_space<vmem>> -> memref<1x128xi32, #tpu.memory_space<vmem>>
        %dma_start3A_160 = tpu.memref_squeeze %dma_start3A_159 : memref<1x128xi32, #tpu.memory_space<vmem>> -> memref<128xi32, #tpu.memory_space<vmem>>
        %dma_start3A_161 = arith.constant 0 : i32
        %dma_start3A_162 = arith.constant 0 : i32
        %dma_start3A_163 = tpu.memref_slice %arg11[%dma_start3A_161, %dma_start3A_162] : memref<10008x128xf32, #tpu.memory_space<vmem_shared>> -> memref<10008x128xf32, #tpu.memory_space<vmem_shared>>
        tpu.enqueue_indirect_dma source(%arg10 : memref<128x128xf32, #tpu.memory_space<vmem>>) target(%dma_start3A_163 : memref<10008x128xf32, #tpu.memory_space<vmem_shared>>) offsets(%dma_start3A_160 : memref<128xi32, #tpu.memory_space<vmem>>) semaphore(%arg15 : memref<!tpu.dma_semaphore, #tpu.memory_space<semaphore_mem>>) {add = true}
        %sub3A = arith.constant 1 : i32
        %sub3A_164 = arith.subi %add3A_151, %sub3A : i32
        %dma_wait3A_165 = arith.constant 0 : i32
        %dma_wait3A_166 = tpu.memref_slice %arg8[%sub3A_164, %dma_wait3A_165] : memref<48x128xi32, #tpu.memory_space<vmem>> -> memref<1x128xi32, #tpu.memory_space<vmem>>
        %dma_wait3A_167 = tpu.memref_squeeze %dma_wait3A_166 : memref<1x128xi32, #tpu.memory_space<vmem>> -> memref<128xi32, #tpu.memory_space<vmem>>
        %dma_wait3A_168 = arith.constant 0 : i32
        %dma_wait3A_169 = arith.constant 0 : i32
        %dma_wait3A_170 = tpu.memref_slice %arg11[%dma_wait3A_168, %dma_wait3A_169] : memref<10008x128xf32, #tpu.memory_space<vmem_shared>> -> memref<10008x128xf32, #tpu.memory_space<vmem_shared>>
        tpu.wait_indirect_dma semaphore(%arg14 : memref<!tpu.dma_semaphore, #tpu.memory_space<semaphore_mem>>) src(%arg9 : memref<128x128xf32, #tpu.memory_space<vmem>>) dst(%dma_wait3A_170 : memref<10008x128xf32, #tpu.memory_space<vmem_shared>>)
        %add3A_171 = arith.constant 1 : i32
        %add3A_172 = arith.addi %add3A_151, %add3A_171 : i32
        %lt3A = arith.constant 40 : i32
        %lt3A_173 = arith.cmpi slt, %add3A_172, %lt3A : i32
        %convert_element_type3A_174 = arith.extui %lt3A_173 : i1 to i32
        %cond3A_175 = arith.constant 0 : i32
        %cond3A_176 = arith.cmpi ne, %convert_element_type3A_174, %cond3A_175 : i32
        scf.if %cond3A_176 {
          %add3A_208 = arith.constant 1 : i32
          %add3A_209 = arith.addi %add3A_151, %add3A_208 : i32
          %dma_start3A_210 = arith.constant 0 : i32
          %dma_start3A_211 = tpu.memref_slice %arg7[%add3A_209, %dma_start3A_210] : memref<48x128xi32, #tpu.memory_space<vmem>> -> memref<1x128xi32, #tpu.memory_space<vmem>>
          %dma_start3A_212 = tpu.memref_squeeze %dma_start3A_211 : memref<1x128xi32, #tpu.memory_space<vmem>> -> memref<128xi32, #tpu.memory_space<vmem>>
          %dma_start3A_213 = arith.constant 0 : i32
          %dma_start3A_214 = arith.constant 0 : i32
          %dma_start3A_215 = tpu.memref_slice %arg2[%dma_start3A_213, %dma_start3A_214] : memref<10008x128xf32, #tpu.memory_space<hbm>> -> memref<10008x128xf32, #tpu.memory_space<hbm>>
          tpu.enqueue_indirect_dma source(%dma_start3A_215 : memref<10008x128xf32, #tpu.memory_space<hbm>>) target(%arg9 : memref<128x128xf32, #tpu.memory_space<vmem>>) offsets(%dma_start3A_212 : memref<128xi32, #tpu.memory_space<vmem>>) semaphore(%arg12 : memref<!tpu.dma_semaphore, #tpu.memory_space<semaphore_mem>>)
        } else {
        }
        %mul3A_177 = arith.constant 2 : i32
        %mul3A_178 = arith.muli %mul3A_177, %scan3A_147 : i32
        %add3A_179 = arith.constant 2 : i32
        %add3A_180 = arith.addi %mul3A_178, %add3A_179 : i32
        %dma_wait3A_181 = arith.constant 0 : i32
        %dma_wait3A_182 = tpu.memref_slice %arg7[%add3A_180, %dma_wait3A_181] : memref<48x128xi32, #tpu.memory_space<vmem>> -> memref<1x128xi32, #tpu.memory_space<vmem>>
        %dma_wait3A_183 = tpu.memref_squeeze %dma_wait3A_182 : memref<1x128xi32, #tpu.memory_space<vmem>> -> memref<128xi32, #tpu.memory_space<vmem>>
        %dma_wait3A_184 = arith.constant 0 : i32
        %dma_wait3A_185 = arith.constant 0 : i32
        %dma_wait3A_186 = tpu.memref_slice %arg2[%dma_wait3A_184, %dma_wait3A_185] : memref<10008x128xf32, #tpu.memory_space<hbm>> -> memref<10008x128xf32, #tpu.memory_space<hbm>>
        tpu.wait_indirect_dma semaphore(%arg12 : memref<!tpu.dma_semaphore, #tpu.memory_space<semaphore_mem>>) src(%dma_wait3A_186 : memref<10008x128xf32, #tpu.memory_space<hbm>>) dst(%arg9 : memref<128x128xf32, #tpu.memory_space<vmem>>)
        %dma_start3A_187 = arith.constant 0 : i32
        %dma_start3A_188 = tpu.memref_slice %arg8[%add3A_180, %dma_start3A_187] : memref<48x128xi32, #tpu.memory_space<vmem>> -> memref<1x128xi32, #tpu.memory_space<vmem>>
        %dma_start3A_189 = tpu.memref_squeeze %dma_start3A_188 : memref<1x128xi32, #tpu.memory_space<vmem>> -> memref<128xi32, #tpu.memory_space<vmem>>
        %dma_start3A_190 = arith.constant 0 : i32
        %dma_start3A_191 = arith.constant 0 : i32
        %dma_start3A_192 = tpu.memref_slice %arg11[%dma_start3A_190, %dma_start3A_191] : memref<10008x128xf32, #tpu.memory_space<vmem_shared>> -> memref<10008x128xf32, #tpu.memory_space<vmem_shared>>
        tpu.enqueue_indirect_dma source(%arg9 : memref<128x128xf32, #tpu.memory_space<vmem>>) target(%dma_start3A_192 : memref<10008x128xf32, #tpu.memory_space<vmem_shared>>) offsets(%dma_start3A_189 : memref<128xi32, #tpu.memory_space<vmem>>) semaphore(%arg14 : memref<!tpu.dma_semaphore, #tpu.memory_space<semaphore_mem>>) {add = true}
        %sub3A_193 = arith.constant 1 : i32
        %sub3A_194 = arith.subi %add3A_180, %sub3A_193 : i32
        %dma_wait3A_195 = arith.constant 0 : i32
        %dma_wait3A_196 = tpu.memref_slice %arg8[%sub3A_194, %dma_wait3A_195] : memref<48x128xi32, #tpu.memory_space<vmem>> -> memref<1x128xi32, #tpu.memory_space<vmem>>
        %dma_wait3A_197 = tpu.memref_squeeze %dma_wait3A_196 : memref<1x128xi32, #tpu.memory_space<vmem>> -> memref<128xi32, #tpu.memory_space<vmem>>
        %dma_wait3A_198 = arith.constant 0 : i32
        %dma_wait3A_199 = arith.constant 0 : i32
        %dma_wait3A_200 = tpu.memref_slice %arg11[%dma_wait3A_198, %dma_wait3A_199] : memref<10008x128xf32, #tpu.memory_space<vmem_shared>> -> memref<10008x128xf32, #tpu.memory_space<vmem_shared>>
        tpu.wait_indirect_dma semaphore(%arg15 : memref<!tpu.dma_semaphore, #tpu.memory_space<semaphore_mem>>) src(%arg10 : memref<128x128xf32, #tpu.memory_space<vmem>>) dst(%dma_wait3A_200 : memref<10008x128xf32, #tpu.memory_space<vmem_shared>>)
        %add3A_201 = arith.constant 1 : i32
        %add3A_202 = arith.addi %add3A_180, %add3A_201 : i32
        %lt3A_203 = arith.constant 40 : i32
        %lt3A_204 = arith.cmpi slt, %add3A_202, %lt3A_203 : i32
        %convert_element_type3A_205 = arith.extui %lt3A_204 : i1 to i32
        %cond3A_206 = arith.constant 0 : i32
        %cond3A_207 = arith.cmpi ne, %convert_element_type3A_205, %cond3A_206 : i32
        scf.if %cond3A_207 {
          %add3A_208 = arith.constant 1 : i32
          %add3A_209 = arith.addi %add3A_180, %add3A_208 : i32
          %dma_start3A_210 = arith.constant 0 : i32
          %dma_start3A_211 = tpu.memref_slice %arg7[%add3A_209, %dma_start3A_210] : memref<48x128xi32, #tpu.memory_space<vmem>> -> memref<1x128xi32, #tpu.memory_space<vmem>>
          %dma_start3A_212 = tpu.memref_squeeze %dma_start3A_211 : memref<1x128xi32, #tpu.memory_space<vmem>> -> memref<128xi32, #tpu.memory_space<vmem>>
          %dma_start3A_213 = arith.constant 0 : i32
          %dma_start3A_214 = arith.constant 0 : i32
          %dma_start3A_215 = tpu.memref_slice %arg2[%dma_start3A_213, %dma_start3A_214] : memref<10008x128xf32, #tpu.memory_space<hbm>> -> memref<10008x128xf32, #tpu.memory_space<hbm>>
          tpu.enqueue_indirect_dma source(%dma_start3A_215 : memref<10008x128xf32, #tpu.memory_space<hbm>>) target(%arg10 : memref<128x128xf32, #tpu.memory_space<vmem>>) offsets(%dma_start3A_212 : memref<128xi32, #tpu.memory_space<vmem>>) semaphore(%arg13 : memref<!tpu.dma_semaphore, #tpu.memory_space<semaphore_mem>>)
        } else {
        }
      }
      %scan3A_54 = arith.constant 19 : i32
      %dma_wait3A_55 = arith.constant 39 : i32
      %dma_wait3A_56 = arith.constant 0 : i32
      %dma_wait3A_57 = tpu.memref_slice %arg7[%dma_wait3A_55, %dma_wait3A_56] : memref<48x128xi32, #tpu.memory_space<vmem>> -> memref<1x128xi32, #tpu.memory_space<vmem>>
      %dma_wait3A_58 = tpu.memref_squeeze %dma_wait3A_57 : memref<1x128xi32, #tpu.memory_space<vmem>> -> memref<128xi32, #tpu.memory_space<vmem>>
      %dma_wait3A_59 = arith.constant 0 : i32
      %dma_wait3A_60 = arith.constant 0 : i32
      %dma_wait3A_61 = tpu.memref_slice %arg2[%dma_wait3A_59, %dma_wait3A_60] : memref<10008x128xf32, #tpu.memory_space<hbm>> -> memref<10008x128xf32, #tpu.memory_space<hbm>>
      tpu.wait_indirect_dma semaphore(%arg13 : memref<!tpu.dma_semaphore, #tpu.memory_space<semaphore_mem>>) src(%dma_wait3A_61 : memref<10008x128xf32, #tpu.memory_space<hbm>>) dst(%arg10 : memref<128x128xf32, #tpu.memory_space<vmem>>)
      %dma_start3A_62 = arith.constant 39 : i32
      %dma_start3A_63 = arith.constant 0 : i32
      %dma_start3A_64 = tpu.memref_slice %arg8[%dma_start3A_62, %dma_start3A_63] : memref<48x128xi32, #tpu.memory_space<vmem>> -> memref<1x128xi32, #tpu.memory_space<vmem>>
      %dma_start3A_65 = tpu.memref_squeeze %dma_start3A_64 : memref<1x128xi32, #tpu.memory_space<vmem>> -> memref<128xi32, #tpu.memory_space<vmem>>
      %dma_start3A_66 = arith.constant 0 : i32
      %dma_start3A_67 = arith.constant 0 : i32
      %dma_start3A_68 = tpu.memref_slice %arg11[%dma_start3A_66, %dma_start3A_67] : memref<10008x128xf32, #tpu.memory_space<vmem_shared>> -> memref<10008x128xf32, #tpu.memory_space<vmem_shared>>
      tpu.enqueue_indirect_dma source(%arg10 : memref<128x128xf32, #tpu.memory_space<vmem>>) target(%dma_start3A_68 : memref<10008x128xf32, #tpu.memory_space<vmem_shared>>) offsets(%dma_start3A_65 : memref<128xi32, #tpu.memory_space<vmem>>) semaphore(%arg15 : memref<!tpu.dma_semaphore, #tpu.memory_space<semaphore_mem>>) {add = true}
      %dma_wait3A_69 = arith.constant 38 : i32
      %dma_wait3A_70 = arith.constant 0 : i32
      %dma_wait3A_71 = tpu.memref_slice %arg8[%dma_wait3A_69, %dma_wait3A_70] : memref<48x128xi32, #tpu.memory_space<vmem>> -> memref<1x128xi32, #tpu.memory_space<vmem>>
      %dma_wait3A_72 = tpu.memref_squeeze %dma_wait3A_71 : memref<1x128xi32, #tpu.memory_space<vmem>> -> memref<128xi32, #tpu.memory_space<vmem>>
      %dma_wait3A_73 = arith.constant 0 : i32
      %dma_wait3A_74 = arith.constant 0 : i32
      %dma_wait3A_75 = tpu.memref_slice %arg11[%dma_wait3A_73, %dma_wait3A_74] : memref<10008x128xf32, #tpu.memory_space<vmem_shared>> -> memref<10008x128xf32, #tpu.memory_space<vmem_shared>>
      tpu.wait_indirect_dma semaphore(%arg14 : memref<!tpu.dma_semaphore, #tpu.memory_space<semaphore_mem>>) src(%arg9 : memref<128x128xf32, #tpu.memory_space<vmem>>) dst(%dma_wait3A_75 : memref<10008x128xf32, #tpu.memory_space<vmem_shared>>)
      %dma_wait3A_76 = arith.constant 39 : i32
      %dma_wait3A_77 = arith.constant 0 : i32
      %dma_wait3A_78 = tpu.memref_slice %arg8[%dma_wait3A_76, %dma_wait3A_77] : memref<48x128xi32, #tpu.memory_space<vmem>> -> memref<1x128xi32, #tpu.memory_space<vmem>>
      %dma_wait3A_79 = tpu.memref_squeeze %dma_wait3A_78 : memref<1x128xi32, #tpu.memory_space<vmem>> -> memref<128xi32, #tpu.memory_space<vmem>>
      %dma_wait3A_80 = arith.constant 0 : i32
      %dma_wait3A_81 = arith.constant 0 : i32
      %dma_wait3A_82 = tpu.memref_slice %arg11[%dma_wait3A_80, %dma_wait3A_81] : memref<10008x128xf32, #tpu.memory_space<vmem_shared>> -> memref<10008x128xf32, #tpu.memory_space<vmem_shared>>
      tpu.wait_indirect_dma semaphore(%arg15 : memref<!tpu.dma_semaphore, #tpu.memory_space<semaphore_mem>>) src(%arg10 : memref<128x128xf32, #tpu.memory_space<vmem>>) dst(%dma_wait3A_82 : memref<10008x128xf32, #tpu.memory_space<vmem_shared>>)
      %add3A_83 = arith.constant 40 : i32
      %add3A_84 = arith.addi %add3A, %add3A_83 : i32
      "tpu.region"() ({
        %run_scoped3A = tpu.sem_alloc : memref<!tpu.dma_semaphore, #tpu.memory_space<semaphore_mem>>
        %dma_start3A_147 = arith.constant 0 : i32
        %dma_start3A_148 = arith.constant 0 : i32
        %dma_start3A_149 = tpu.memref_slice %arg8[%dma_start3A_147, %dma_start3A_148] : memref<48x128xi32, #tpu.memory_space<vmem>> -> memref<32x128xi32, #tpu.memory_space<vmem>>
        %dma_start3A_150 = arith.constant 0 : i32
        %dma_start3A_151 = tpu.memref_slice %arg4[%add3A_84, %dma_start3A_150] : memref<2560x128xi32, #tpu.memory_space<hbm>> -> memref<32x128xi32, #tpu.memory_space<hbm>>
        %dma_start3A_152 = arith.constant 0 : i32
        %dma_start3A_153 = arith.constant 0 : i32
        %dma_start3A_154 = tpu.memref_slice %arg8[%dma_start3A_152, %dma_start3A_153] : memref<48x128xi32, #tpu.memory_space<vmem>> -> memref<32x128xi32, #tpu.memory_space<vmem>>
        %dma_start3A_155 = arith.constant 0 : i32
        %dma_start3A_156 = tpu.memref_slice %arg4[%add3A_84, %dma_start3A_155] : memref<2560x128xi32, #tpu.memory_space<hbm>> -> memref<32x128xi32, #tpu.memory_space<hbm>>
        tpu.enqueue_dma source(%dma_start3A_156 : memref<32x128xi32, #tpu.memory_space<hbm>>) target(%dma_start3A_154 : memref<32x128xi32, #tpu.memory_space<vmem>>) target_semaphore(%run_scoped3A : memref<!tpu.dma_semaphore, #tpu.memory_space<semaphore_mem>>)
        %dma_wait3A_157 = arith.constant 0 : i32
        %dma_wait3A_158 = arith.constant 0 : i32
        %dma_wait3A_159 = tpu.memref_slice %arg8[%dma_wait3A_157, %dma_wait3A_158] : memref<48x128xi32, #tpu.memory_space<vmem>> -> memref<32x128xi32, #tpu.memory_space<vmem>>
        %dma_wait3A_160 = arith.constant 0 : i32
        %dma_wait3A_161 = tpu.memref_slice %arg4[%add3A_84, %dma_wait3A_160] : memref<2560x128xi32, #tpu.memory_space<hbm>> -> memref<32x128xi32, #tpu.memory_space<hbm>>
        %dma_wait3A_162 = arith.constant 0 : i32
        %dma_wait3A_163 = arith.constant 0 : i32
        %dma_wait3A_164 = tpu.memref_slice %arg8[%dma_wait3A_162, %dma_wait3A_163] : memref<48x128xi32, #tpu.memory_space<vmem>> -> memref<32x128xi32, #tpu.memory_space<vmem>>
        %dma_wait3A_165 = arith.constant 0 : i32
        %dma_wait3A_166 = tpu.memref_slice %arg4[%add3A_84, %dma_wait3A_165] : memref<2560x128xi32, #tpu.memory_space<hbm>> -> memref<32x128xi32, #tpu.memory_space<hbm>>
        tpu.wait_dma2 semaphore(%run_scoped3A : memref<!tpu.dma_semaphore, #tpu.memory_space<semaphore_mem>>) src(%dma_wait3A_166 : memref<32x128xi32, #tpu.memory_space<hbm>>) dst(%dma_wait3A_164 : memref<32x128xi32, #tpu.memory_space<vmem>>)
        tpu.yield
      }) : () -> ()
      "tpu.region"() ({
        %run_scoped3A = tpu.sem_alloc : memref<!tpu.dma_semaphore, #tpu.memory_space<semaphore_mem>>
        %dma_start3A_147 = arith.constant 0 : i32
        %dma_start3A_148 = arith.constant 0 : i32
        %dma_start3A_149 = tpu.memref_slice %arg7[%dma_start3A_147, %dma_start3A_148] : memref<48x128xi32, #tpu.memory_space<vmem>> -> memref<32x128xi32, #tpu.memory_space<vmem>>
        %dma_start3A_150 = arith.constant 0 : i32
        %dma_start3A_151 = tpu.memref_slice %arg3[%add3A_84, %dma_start3A_150] : memref<2560x128xi32, #tpu.memory_space<hbm>> -> memref<32x128xi32, #tpu.memory_space<hbm>>
        %dma_start3A_152 = arith.constant 0 : i32
        %dma_start3A_153 = arith.constant 0 : i32
        %dma_start3A_154 = tpu.memref_slice %arg7[%dma_start3A_152, %dma_start3A_153] : memref<48x128xi32, #tpu.memory_space<vmem>> -> memref<32x128xi32, #tpu.memory_space<vmem>>
        %dma_start3A_155 = arith.constant 0 : i32
        %dma_start3A_156 = tpu.memref_slice %arg3[%add3A_84, %dma_start3A_155] : memref<2560x128xi32, #tpu.memory_space<hbm>> -> memref<32x128xi32, #tpu.memory_space<hbm>>
        tpu.enqueue_dma source(%dma_start3A_156 : memref<32x128xi32, #tpu.memory_space<hbm>>) target(%dma_start3A_154 : memref<32x128xi32, #tpu.memory_space<vmem>>) target_semaphore(%run_scoped3A : memref<!tpu.dma_semaphore, #tpu.memory_space<semaphore_mem>>)
        %dma_wait3A_157 = arith.constant 0 : i32
        %dma_wait3A_158 = arith.constant 0 : i32
        %dma_wait3A_159 = tpu.memref_slice %arg7[%dma_wait3A_157, %dma_wait3A_158] : memref<48x128xi32, #tpu.memory_space<vmem>> -> memref<32x128xi32, #tpu.memory_space<vmem>>
        %dma_wait3A_160 = arith.constant 0 : i32
        %dma_wait3A_161 = tpu.memref_slice %arg3[%add3A_84, %dma_wait3A_160] : memref<2560x128xi32, #tpu.memory_space<hbm>> -> memref<32x128xi32, #tpu.memory_space<hbm>>
        %dma_wait3A_162 = arith.constant 0 : i32
        %dma_wait3A_163 = arith.constant 0 : i32
        %dma_wait3A_164 = tpu.memref_slice %arg7[%dma_wait3A_162, %dma_wait3A_163] : memref<48x128xi32, #tpu.memory_space<vmem>> -> memref<32x128xi32, #tpu.memory_space<vmem>>
        %dma_wait3A_165 = arith.constant 0 : i32
        %dma_wait3A_166 = tpu.memref_slice %arg3[%add3A_84, %dma_wait3A_165] : memref<2560x128xi32, #tpu.memory_space<hbm>> -> memref<32x128xi32, #tpu.memory_space<hbm>>
        tpu.wait_dma2 semaphore(%run_scoped3A : memref<!tpu.dma_semaphore, #tpu.memory_space<semaphore_mem>>) src(%dma_wait3A_166 : memref<32x128xi32, #tpu.memory_space<hbm>>) dst(%dma_wait3A_164 : memref<32x128xi32, #tpu.memory_space<vmem>>)
        tpu.yield
      }) : () -> ()
      %dma_start3A_85 = arith.constant 0 : i32
      %dma_start3A_86 = arith.constant 0 : i32
      %dma_start3A_87 = tpu.memref_slice %arg7[%dma_start3A_85, %dma_start3A_86] : memref<48x128xi32, #tpu.memory_space<vmem>> -> memref<1x128xi32, #tpu.memory_space<vmem>>
      %dma_start3A_88 = tpu.memref_squeeze %dma_start3A_87 : memref<1x128xi32, #tpu.memory_space<vmem>> -> memref<128xi32, #tpu.memory_space<vmem>>
      %dma_start3A_89 = arith.constant 0 : i32
      %dma_start3A_90 = arith.constant 0 : i32
      %dma_start3A_91 = tpu.memref_slice %arg2[%dma_start3A_89, %dma_start3A_90] : memref<10008x128xf32, #tpu.memory_space<hbm>> -> memref<10008x128xf32, #tpu.memory_space<hbm>>
      tpu.enqueue_indirect_dma source(%dma_start3A_91 : memref<10008x128xf32, #tpu.memory_space<hbm>>) target(%arg9 : memref<128x128xf32, #tpu.memory_space<vmem>>) offsets(%dma_start3A_88 : memref<128xi32, #tpu.memory_space<vmem>>) semaphore(%arg12 : memref<!tpu.dma_semaphore, #tpu.memory_space<semaphore_mem>>)
      %dma_wait3A_92 = arith.constant 0 : i32
      %dma_wait3A_93 = arith.constant 0 : i32
      %dma_wait3A_94 = tpu.memref_slice %arg7[%dma_wait3A_92, %dma_wait3A_93] : memref<48x128xi32, #tpu.memory_space<vmem>> -> memref<1x128xi32, #tpu.memory_space<vmem>>
      %dma_wait3A_95 = tpu.memref_squeeze %dma_wait3A_94 : memref<1x128xi32, #tpu.memory_space<vmem>> -> memref<128xi32, #tpu.memory_space<vmem>>
      %dma_wait3A_96 = arith.constant 0 : i32
      %dma_wait3A_97 = arith.constant 0 : i32
      %dma_wait3A_98 = tpu.memref_slice %arg2[%dma_wait3A_96, %dma_wait3A_97] : memref<10008x128xf32, #tpu.memory_space<hbm>> -> memref<10008x128xf32, #tpu.memory_space<hbm>>
      tpu.wait_indirect_dma semaphore(%arg12 : memref<!tpu.dma_semaphore, #tpu.memory_space<semaphore_mem>>) src(%dma_wait3A_98 : memref<10008x128xf32, #tpu.memory_space<hbm>>) dst(%arg9 : memref<128x128xf32, #tpu.memory_space<vmem>>)
      %dma_start3A_99 = arith.constant 0 : i32
      %dma_start3A_100 = arith.constant 0 : i32
      %dma_start3A_101 = tpu.memref_slice %arg8[%dma_start3A_99, %dma_start3A_100] : memref<48x128xi32, #tpu.memory_space<vmem>> -> memref<1x128xi32, #tpu.memory_space<vmem>>
      %dma_start3A_102 = tpu.memref_squeeze %dma_start3A_101 : memref<1x128xi32, #tpu.memory_space<vmem>> -> memref<128xi32, #tpu.memory_space<vmem>>
      %dma_start3A_103 = arith.constant 0 : i32
      %dma_start3A_104 = arith.constant 0 : i32
      %dma_start3A_105 = tpu.memref_slice %arg11[%dma_start3A_103, %dma_start3A_104] : memref<10008x128xf32, #tpu.memory_space<vmem_shared>> -> memref<10008x128xf32, #tpu.memory_space<vmem_shared>>
      tpu.enqueue_indirect_dma source(%arg9 : memref<128x128xf32, #tpu.memory_space<vmem>>) target(%dma_start3A_105 : memref<10008x128xf32, #tpu.memory_space<vmem_shared>>) offsets(%dma_start3A_102 : memref<128xi32, #tpu.memory_space<vmem>>) semaphore(%arg14 : memref<!tpu.dma_semaphore, #tpu.memory_space<semaphore_mem>>) {add = true}
      %dma_start3A_106 = arith.constant 1 : i32
      %dma_start3A_107 = arith.constant 0 : i32
      %dma_start3A_108 = tpu.memref_slice %arg7[%dma_start3A_106, %dma_start3A_107] : memref<48x128xi32, #tpu.memory_space<vmem>> -> memref<1x128xi32, #tpu.memory_space<vmem>>
      %dma_start3A_109 = tpu.memref_squeeze %dma_start3A_108 : memref<1x128xi32, #tpu.memory_space<vmem>> -> memref<128xi32, #tpu.memory_space<vmem>>
      %dma_start3A_110 = arith.constant 0 : i32
      %dma_start3A_111 = arith.constant 0 : i32
      %dma_start3A_112 = tpu.memref_slice %arg2[%dma_start3A_110, %dma_start3A_111] : memref<10008x128xf32, #tpu.memory_space<hbm>> -> memref<10008x128xf32, #tpu.memory_space<hbm>>
      tpu.enqueue_indirect_dma source(%dma_start3A_112 : memref<10008x128xf32, #tpu.memory_space<hbm>>) target(%arg10 : memref<128x128xf32, #tpu.memory_space<vmem>>) offsets(%dma_start3A_109 : memref<128xi32, #tpu.memory_space<vmem>>) semaphore(%arg13 : memref<!tpu.dma_semaphore, #tpu.memory_space<semaphore_mem>>)
      %scan3A_113 = arith.constant 0 : i32
      %scan3A_114 = arith.constant 0 : i32
      %scan3A_115 = arith.constant 15 : i32
      %scan3A_116 = arith.addi %scan3A_114, %scan3A_115 : i32
      %scan3A_117 = arith.constant 1 : i32
      scf.for %scan3A_147 = %scan3A_114 to %scan3A_116 step %scan3A_117  : i32 {
        %mul3A_148 = arith.constant 2 : i32
        %mul3A_149 = arith.muli %mul3A_148, %scan3A_147 : i32
        %add3A_150 = arith.constant 1 : i32
        %add3A_151 = arith.addi %mul3A_149, %add3A_150 : i32
        %dma_wait3A_152 = arith.constant 0 : i32
        %dma_wait3A_153 = tpu.memref_slice %arg7[%add3A_151, %dma_wait3A_152] : memref<48x128xi32, #tpu.memory_space<vmem>> -> memref<1x128xi32, #tpu.memory_space<vmem>>
        %dma_wait3A_154 = tpu.memref_squeeze %dma_wait3A_153 : memref<1x128xi32, #tpu.memory_space<vmem>> -> memref<128xi32, #tpu.memory_space<vmem>>
        %dma_wait3A_155 = arith.constant 0 : i32
        %dma_wait3A_156 = arith.constant 0 : i32
        %dma_wait3A_157 = tpu.memref_slice %arg2[%dma_wait3A_155, %dma_wait3A_156] : memref<10008x128xf32, #tpu.memory_space<hbm>> -> memref<10008x128xf32, #tpu.memory_space<hbm>>
        tpu.wait_indirect_dma semaphore(%arg13 : memref<!tpu.dma_semaphore, #tpu.memory_space<semaphore_mem>>) src(%dma_wait3A_157 : memref<10008x128xf32, #tpu.memory_space<hbm>>) dst(%arg10 : memref<128x128xf32, #tpu.memory_space<vmem>>)
        %dma_start3A_158 = arith.constant 0 : i32
        %dma_start3A_159 = tpu.memref_slice %arg8[%add3A_151, %dma_start3A_158] : memref<48x128xi32, #tpu.memory_space<vmem>> -> memref<1x128xi32, #tpu.memory_space<vmem>>
        %dma_start3A_160 = tpu.memref_squeeze %dma_start3A_159 : memref<1x128xi32, #tpu.memory_space<vmem>> -> memref<128xi32, #tpu.memory_space<vmem>>
        %dma_start3A_161 = arith.constant 0 : i32
        %dma_start3A_162 = arith.constant 0 : i32
        %dma_start3A_163 = tpu.memref_slice %arg11[%dma_start3A_161, %dma_start3A_162] : memref<10008x128xf32, #tpu.memory_space<vmem_shared>> -> memref<10008x128xf32, #tpu.memory_space<vmem_shared>>
        tpu.enqueue_indirect_dma source(%arg10 : memref<128x128xf32, #tpu.memory_space<vmem>>) target(%dma_start3A_163 : memref<10008x128xf32, #tpu.memory_space<vmem_shared>>) offsets(%dma_start3A_160 : memref<128xi32, #tpu.memory_space<vmem>>) semaphore(%arg15 : memref<!tpu.dma_semaphore, #tpu.memory_space<semaphore_mem>>) {add = true}
        %sub3A = arith.constant 1 : i32
        %sub3A_164 = arith.subi %add3A_151, %sub3A : i32
        %dma_wait3A_165 = arith.constant 0 : i32
        %dma_wait3A_166 = tpu.memref_slice %arg8[%sub3A_164, %dma_wait3A_165] : memref<48x128xi32, #tpu.memory_space<vmem>> -> memref<1x128xi32, #tpu.memory_space<vmem>>
        %dma_wait3A_167 = tpu.memref_squeeze %dma_wait3A_166 : memref<1x128xi32, #tpu.memory_space<vmem>> -> memref<128xi32, #tpu.memory_space<vmem>>
        %dma_wait3A_168 = arith.constant 0 : i32
        %dma_wait3A_169 = arith.constant 0 : i32
        %dma_wait3A_170 = tpu.memref_slice %arg11[%dma_wait3A_168, %dma_wait3A_169] : memref<10008x128xf32, #tpu.memory_space<vmem_shared>> -> memref<10008x128xf32, #tpu.memory_space<vmem_shared>>
        tpu.wait_indirect_dma semaphore(%arg14 : memref<!tpu.dma_semaphore, #tpu.memory_space<semaphore_mem>>) src(%arg9 : memref<128x128xf32, #tpu.memory_space<vmem>>) dst(%dma_wait3A_170 : memref<10008x128xf32, #tpu.memory_space<vmem_shared>>)
        %add3A_171 = arith.constant 1 : i32
        %add3A_172 = arith.addi %add3A_151, %add3A_171 : i32
        %lt3A = arith.constant 32 : i32
        %lt3A_173 = arith.cmpi slt, %add3A_172, %lt3A : i32
        %convert_element_type3A_174 = arith.extui %lt3A_173 : i1 to i32
        %cond3A_175 = arith.constant 0 : i32
        %cond3A_176 = arith.cmpi ne, %convert_element_type3A_174, %cond3A_175 : i32
        scf.if %cond3A_176 {
          %add3A_208 = arith.constant 1 : i32
          %add3A_209 = arith.addi %add3A_151, %add3A_208 : i32
          %dma_start3A_210 = arith.constant 0 : i32
          %dma_start3A_211 = tpu.memref_slice %arg7[%add3A_209, %dma_start3A_210] : memref<48x128xi32, #tpu.memory_space<vmem>> -> memref<1x128xi32, #tpu.memory_space<vmem>>
          %dma_start3A_212 = tpu.memref_squeeze %dma_start3A_211 : memref<1x128xi32, #tpu.memory_space<vmem>> -> memref<128xi32, #tpu.memory_space<vmem>>
          %dma_start3A_213 = arith.constant 0 : i32
          %dma_start3A_214 = arith.constant 0 : i32
          %dma_start3A_215 = tpu.memref_slice %arg2[%dma_start3A_213, %dma_start3A_214] : memref<10008x128xf32, #tpu.memory_space<hbm>> -> memref<10008x128xf32, #tpu.memory_space<hbm>>
          tpu.enqueue_indirect_dma source(%dma_start3A_215 : memref<10008x128xf32, #tpu.memory_space<hbm>>) target(%arg9 : memref<128x128xf32, #tpu.memory_space<vmem>>) offsets(%dma_start3A_212 : memref<128xi32, #tpu.memory_space<vmem>>) semaphore(%arg12 : memref<!tpu.dma_semaphore, #tpu.memory_space<semaphore_mem>>)
        } else {
        }
        %mul3A_177 = arith.constant 2 : i32
        %mul3A_178 = arith.muli %mul3A_177, %scan3A_147 : i32
        %add3A_179 = arith.constant 2 : i32
        %add3A_180 = arith.addi %mul3A_178, %add3A_179 : i32
        %dma_wait3A_181 = arith.constant 0 : i32
        %dma_wait3A_182 = tpu.memref_slice %arg7[%add3A_180, %dma_wait3A_181] : memref<48x128xi32, #tpu.memory_space<vmem>> -> memref<1x128xi32, #tpu.memory_space<vmem>>
        %dma_wait3A_183 = tpu.memref_squeeze %dma_wait3A_182 : memref<1x128xi32, #tpu.memory_space<vmem>> -> memref<128xi32, #tpu.memory_space<vmem>>
        %dma_wait3A_184 = arith.constant 0 : i32
        %dma_wait3A_185 = arith.constant 0 : i32
        %dma_wait3A_186 = tpu.memref_slice %arg2[%dma_wait3A_184, %dma_wait3A_185] : memref<10008x128xf32, #tpu.memory_space<hbm>> -> memref<10008x128xf32, #tpu.memory_space<hbm>>
        tpu.wait_indirect_dma semaphore(%arg12 : memref<!tpu.dma_semaphore, #tpu.memory_space<semaphore_mem>>) src(%dma_wait3A_186 : memref<10008x128xf32, #tpu.memory_space<hbm>>) dst(%arg9 : memref<128x128xf32, #tpu.memory_space<vmem>>)
        %dma_start3A_187 = arith.constant 0 : i32
        %dma_start3A_188 = tpu.memref_slice %arg8[%add3A_180, %dma_start3A_187] : memref<48x128xi32, #tpu.memory_space<vmem>> -> memref<1x128xi32, #tpu.memory_space<vmem>>
        %dma_start3A_189 = tpu.memref_squeeze %dma_start3A_188 : memref<1x128xi32, #tpu.memory_space<vmem>> -> memref<128xi32, #tpu.memory_space<vmem>>
        %dma_start3A_190 = arith.constant 0 : i32
        %dma_start3A_191 = arith.constant 0 : i32
        %dma_start3A_192 = tpu.memref_slice %arg11[%dma_start3A_190, %dma_start3A_191] : memref<10008x128xf32, #tpu.memory_space<vmem_shared>> -> memref<10008x128xf32, #tpu.memory_space<vmem_shared>>
        tpu.enqueue_indirect_dma source(%arg9 : memref<128x128xf32, #tpu.memory_space<vmem>>) target(%dma_start3A_192 : memref<10008x128xf32, #tpu.memory_space<vmem_shared>>) offsets(%dma_start3A_189 : memref<128xi32, #tpu.memory_space<vmem>>) semaphore(%arg14 : memref<!tpu.dma_semaphore, #tpu.memory_space<semaphore_mem>>) {add = true}
        %sub3A_193 = arith.constant 1 : i32
        %sub3A_194 = arith.subi %add3A_180, %sub3A_193 : i32
        %dma_wait3A_195 = arith.constant 0 : i32
        %dma_wait3A_196 = tpu.memref_slice %arg8[%sub3A_194, %dma_wait3A_195] : memref<48x128xi32, #tpu.memory_space<vmem>> -> memref<1x128xi32, #tpu.memory_space<vmem>>
        %dma_wait3A_197 = tpu.memref_squeeze %dma_wait3A_196 : memref<1x128xi32, #tpu.memory_space<vmem>> -> memref<128xi32, #tpu.memory_space<vmem>>
        %dma_wait3A_198 = arith.constant 0 : i32
        %dma_wait3A_199 = arith.constant 0 : i32
        %dma_wait3A_200 = tpu.memref_slice %arg11[%dma_wait3A_198, %dma_wait3A_199] : memref<10008x128xf32, #tpu.memory_space<vmem_shared>> -> memref<10008x128xf32, #tpu.memory_space<vmem_shared>>
        tpu.wait_indirect_dma semaphore(%arg15 : memref<!tpu.dma_semaphore, #tpu.memory_space<semaphore_mem>>) src(%arg10 : memref<128x128xf32, #tpu.memory_space<vmem>>) dst(%dma_wait3A_200 : memref<10008x128xf32, #tpu.memory_space<vmem_shared>>)
        %add3A_201 = arith.constant 1 : i32
        %add3A_202 = arith.addi %add3A_180, %add3A_201 : i32
        %lt3A_203 = arith.constant 32 : i32
        %lt3A_204 = arith.cmpi slt, %add3A_202, %lt3A_203 : i32
        %convert_element_type3A_205 = arith.extui %lt3A_204 : i1 to i32
        %cond3A_206 = arith.constant 0 : i32
        %cond3A_207 = arith.cmpi ne, %convert_element_type3A_205, %cond3A_206 : i32
        scf.if %cond3A_207 {
          %add3A_208 = arith.constant 1 : i32
          %add3A_209 = arith.addi %add3A_180, %add3A_208 : i32
          %dma_start3A_210 = arith.constant 0 : i32
          %dma_start3A_211 = tpu.memref_slice %arg7[%add3A_209, %dma_start3A_210] : memref<48x128xi32, #tpu.memory_space<vmem>> -> memref<1x128xi32, #tpu.memory_space<vmem>>
          %dma_start3A_212 = tpu.memref_squeeze %dma_start3A_211 : memref<1x128xi32, #tpu.memory_space<vmem>> -> memref<128xi32, #tpu.memory_space<vmem>>
          %dma_start3A_213 = arith.constant 0 : i32
          %dma_start3A_214 = arith.constant 0 : i32
          %dma_start3A_215 = tpu.memref_slice %arg2[%dma_start3A_213, %dma_start3A_214] : memref<10008x128xf32, #tpu.memory_space<hbm>> -> memref<10008x128xf32, #tpu.memory_space<hbm>>
          tpu.enqueue_indirect_dma source(%dma_start3A_215 : memref<10008x128xf32, #tpu.memory_space<hbm>>) target(%arg10 : memref<128x128xf32, #tpu.memory_space<vmem>>) offsets(%dma_start3A_212 : memref<128xi32, #tpu.memory_space<vmem>>) semaphore(%arg13 : memref<!tpu.dma_semaphore, #tpu.memory_space<semaphore_mem>>)
        } else {
        }
      }
      %scan3A_118 = arith.constant 15 : i32
      %dma_wait3A_119 = arith.constant 31 : i32
      %dma_wait3A_120 = arith.constant 0 : i32
      %dma_wait3A_121 = tpu.memref_slice %arg7[%dma_wait3A_119, %dma_wait3A_120] : memref<48x128xi32, #tpu.memory_space<vmem>> -> memref<1x128xi32, #tpu.memory_space<vmem>>
      %dma_wait3A_122 = tpu.memref_squeeze %dma_wait3A_121 : memref<1x128xi32, #tpu.memory_space<vmem>> -> memref<128xi32, #tpu.memory_space<vmem>>
      %dma_wait3A_123 = arith.constant 0 : i32
      %dma_wait3A_124 = arith.constant 0 : i32
      %dma_wait3A_125 = tpu.memref_slice %arg2[%dma_wait3A_123, %dma_wait3A_124] : memref<10008x128xf32, #tpu.memory_space<hbm>> -> memref<10008x128xf32, #tpu.memory_space<hbm>>
      tpu.wait_indirect_dma semaphore(%arg13 : memref<!tpu.dma_semaphore, #tpu.memory_space<semaphore_mem>>) src(%dma_wait3A_125 : memref<10008x128xf32, #tpu.memory_space<hbm>>) dst(%arg10 : memref<128x128xf32, #tpu.memory_space<vmem>>)
      %dma_start3A_126 = arith.constant 31 : i32
      %dma_start3A_127 = arith.constant 0 : i32
      %dma_start3A_128 = tpu.memref_slice %arg8[%dma_start3A_126, %dma_start3A_127] : memref<48x128xi32, #tpu.memory_space<vmem>> -> memref<1x128xi32, #tpu.memory_space<vmem>>
      %dma_start3A_129 = tpu.memref_squeeze %dma_start3A_128 : memref<1x128xi32, #tpu.memory_space<vmem>> -> memref<128xi32, #tpu.memory_space<vmem>>
      %dma_start3A_130 = arith.constant 0 : i32
      %dma_start3A_131 = arith.constant 0 : i32
      %dma_start3A_132 = tpu.memref_slice %arg11[%dma_start3A_130, %dma_start3A_131] : memref<10008x128xf32, #tpu.memory_space<vmem_shared>> -> memref<10008x128xf32, #tpu.memory_space<vmem_shared>>
      tpu.enqueue_indirect_dma source(%arg10 : memref<128x128xf32, #tpu.memory_space<vmem>>) target(%dma_start3A_132 : memref<10008x128xf32, #tpu.memory_space<vmem_shared>>) offsets(%dma_start3A_129 : memref<128xi32, #tpu.memory_space<vmem>>) semaphore(%arg15 : memref<!tpu.dma_semaphore, #tpu.memory_space<semaphore_mem>>) {add = true}
      %dma_wait3A_133 = arith.constant 30 : i32
      %dma_wait3A_134 = arith.constant 0 : i32
      %dma_wait3A_135 = tpu.memref_slice %arg8[%dma_wait3A_133, %dma_wait3A_134] : memref<48x128xi32, #tpu.memory_space<vmem>> -> memref<1x128xi32, #tpu.memory_space<vmem>>
      %dma_wait3A_136 = tpu.memref_squeeze %dma_wait3A_135 : memref<1x128xi32, #tpu.memory_space<vmem>> -> memref<128xi32, #tpu.memory_space<vmem>>
      %dma_wait3A_137 = arith.constant 0 : i32
      %dma_wait3A_138 = arith.constant 0 : i32
      %dma_wait3A_139 = tpu.memref_slice %arg11[%dma_wait3A_137, %dma_wait3A_138] : memref<10008x128xf32, #tpu.memory_space<vmem_shared>> -> memref<10008x128xf32, #tpu.memory_space<vmem_shared>>
      tpu.wait_indirect_dma semaphore(%arg14 : memref<!tpu.dma_semaphore, #tpu.memory_space<semaphore_mem>>) src(%arg9 : memref<128x128xf32, #tpu.memory_space<vmem>>) dst(%dma_wait3A_139 : memref<10008x128xf32, #tpu.memory_space<vmem_shared>>)
      %dma_wait3A_140 = arith.constant 31 : i32
      %dma_wait3A_141 = arith.constant 0 : i32
      %dma_wait3A_142 = tpu.memref_slice %arg8[%dma_wait3A_140, %dma_wait3A_141] : memref<48x128xi32, #tpu.memory_space<vmem>> -> memref<1x128xi32, #tpu.memory_space<vmem>>
      %dma_wait3A_143 = tpu.memref_squeeze %dma_wait3A_142 : memref<1x128xi32, #tpu.memory_space<vmem>> -> memref<128xi32, #tpu.memory_space<vmem>>
      %dma_wait3A_144 = arith.constant 0 : i32
      %dma_wait3A_145 = arith.constant 0 : i32
      %dma_wait3A_146 = tpu.memref_slice %arg11[%dma_wait3A_144, %dma_wait3A_145] : memref<10008x128xf32, #tpu.memory_space<vmem_shared>> -> memref<10008x128xf32, #tpu.memory_space<vmem_shared>>
      tpu.wait_indirect_dma semaphore(%arg15 : memref<!tpu.dma_semaphore, #tpu.memory_space<semaphore_mem>>) src(%arg10 : memref<128x128xf32, #tpu.memory_space<vmem>>) dst(%dma_wait3A_146 : memref<10008x128xf32, #tpu.memory_space<vmem_shared>>)
    } else {
    }
    %barrier3A_13 = arith.constant 0 : index
    tpu.barrier barrier_id(%barrier3A_13)
    "tpu.region"() ({
      %run_scoped3A = tpu.sem_alloc : memref<!tpu.dma_semaphore, #tpu.memory_space<semaphore_mem>>
      %dma_start3A = arith.constant 0 : i32
      %dma_start3A_19 = tpu.memref_slice %arg6[%arg0, %mul3A_0, %dma_start3A] : memref<2x10000x128xf32, #tpu.memory_space<hbm>> -> memref<1x624x128xf32, #tpu.memory_space<hbm>>
      %dma_start3A_20 = tpu.memref_squeeze %dma_start3A_19 : memref<1x624x128xf32, #tpu.memory_space<hbm>> -> memref<624x128xf32, #tpu.memory_space<hbm>>
      %dma_start3A_21 = arith.constant 0 : i32
      %dma_start3A_22 = tpu.memref_slice %arg11[%mul3A_0, %dma_start3A_21] : memref<10008x128xf32, #tpu.memory_space<vmem_shared>> -> memref<624x128xf32, #tpu.memory_space<vmem_shared>>
      tpu.enqueue_dma source(%dma_start3A_22 : memref<624x128xf32, #tpu.memory_space<vmem_shared>>) target(%dma_start3A_20 : memref<624x128xf32, #tpu.memory_space<hbm>>) target_semaphore(%run_scoped3A : memref<!tpu.dma_semaphore, #tpu.memory_space<semaphore_mem>>)
      %dma_wait3A = arith.constant 0 : i32
      %dma_wait3A_23 = tpu.memref_slice %arg6[%arg0, %mul3A_0, %dma_wait3A] : memref<2x10000x128xf32, #tpu.memory_space<hbm>> -> memref<1x624x128xf32, #tpu.memory_space<hbm>>
      %dma_wait3A_24 = tpu.memref_squeeze %dma_wait3A_23 : memref<1x624x128xf32, #tpu.memory_space<hbm>> -> memref<624x128xf32, #tpu.memory_space<hbm>>
      %dma_wait3A_25 = arith.constant 0 : i32
      %dma_wait3A_26 = tpu.memref_slice %arg11[%mul3A_0, %dma_wait3A_25] : memref<10008x128xf32, #tpu.memory_space<vmem_shared>> -> memref<624x128xf32, #tpu.memory_space<vmem_shared>>
      tpu.wait_dma2 semaphore(%run_scoped3A : memref<!tpu.dma_semaphore, #tpu.memory_space<semaphore_mem>>) src(%dma_wait3A_26 : memref<624x128xf32, #tpu.memory_space<vmem_shared>>) dst(%dma_wait3A_24 : memref<624x128xf32, #tpu.memory_space<hbm>>)
      tpu.yield
    }) : () -> ()
    %eq3A_14 = arith.constant 15 : i32
    %eq3A_15 = arith.cmpi eq, %arg1, %eq3A_14 : i32
    %convert_element_type3A_16 = arith.extui %eq3A_15 : i1 to i32
    %cond3A_17 = arith.constant 0 : i32
    %cond3A_18 = arith.cmpi ne, %convert_element_type3A_16, %cond3A_17 : i32
    scf.if %cond3A_18 {
      "tpu.region"() ({
        %run_scoped3A = tpu.sem_alloc : memref<!tpu.dma_semaphore, #tpu.memory_space<semaphore_mem>>
        %dma_start3A = arith.constant 9984 : i32
        %dma_start3A_19 = arith.constant 0 : i32
        %dma_start3A_20 = tpu.memref_slice %arg6[%arg0, %dma_start3A, %dma_start3A_19] : memref<2x10000x128xf32, #tpu.memory_space<hbm>> -> memref<1x16x128xf32, #tpu.memory_space<hbm>>
        %dma_start3A_21 = tpu.memref_squeeze %dma_start3A_20 : memref<1x16x128xf32, #tpu.memory_space<hbm>> -> memref<16x128xf32, #tpu.memory_space<hbm>>
        %dma_start3A_22 = arith.constant 9984 : i32
        %dma_start3A_23 = arith.constant 0 : i32
        %dma_start3A_24 = tpu.memref_slice %arg11[%dma_start3A_22, %dma_start3A_23] : memref<10008x128xf32, #tpu.memory_space<vmem_shared>> -> memref<16x128xf32, #tpu.memory_space<vmem_shared>>
        tpu.enqueue_dma source(%dma_start3A_24 : memref<16x128xf32, #tpu.memory_space<vmem_shared>>) target(%dma_start3A_21 : memref<16x128xf32, #tpu.memory_space<hbm>>) target_semaphore(%run_scoped3A : memref<!tpu.dma_semaphore, #tpu.memory_space<semaphore_mem>>)
        %dma_wait3A = arith.constant 9984 : i32
        %dma_wait3A_25 = arith.constant 0 : i32
        %dma_wait3A_26 = tpu.memref_slice %arg6[%arg0, %dma_wait3A, %dma_wait3A_25] : memref<2x10000x128xf32, #tpu.memory_space<hbm>> -> memref<1x16x128xf32, #tpu.memory_space<hbm>>
        %dma_wait3A_27 = tpu.memref_squeeze %dma_wait3A_26 : memref<1x16x128xf32, #tpu.memory_space<hbm>> -> memref<16x128xf32, #tpu.memory_space<hbm>>
        %dma_wait3A_28 = arith.constant 9984 : i32
        %dma_wait3A_29 = arith.constant 0 : i32
        %dma_wait3A_30 = tpu.memref_slice %arg11[%dma_wait3A_28, %dma_wait3A_29] : memref<10008x128xf32, #tpu.memory_space<vmem_shared>> -> memref<16x128xf32, #tpu.memory_space<vmem_shared>>
        tpu.wait_dma2 semaphore(%run_scoped3A : memref<!tpu.dma_semaphore, #tpu.memory_space<semaphore_mem>>) src(%dma_wait3A_30 : memref<16x128xf32, #tpu.memory_space<vmem_shared>>) dst(%dma_wait3A_27 : memref<16x128xf32, #tpu.memory_space<hbm>>)
        tpu.yield
      }) : () -> ()
    } else {
    }
    return
  }
}

module attributes {stable_mosaic.version = 14 : i64} {
  func.func @_tc0_body(%arg0: memref<10000x128xf32, #tpu.memory_space<vmem>>, %arg1: memref<128x128xf32, #tpu.memory_space<vmem>>, %arg2: memref<10000x1xf32, #tpu.memory_space<vmem>>, %arg3: memref<10000x1xf32, #tpu.memory_space<vmem>>, %arg4: memref<10008x128xf32, #tpu.memory_space<vmem>>, %arg5: memref<10000x1xf32, #tpu.memory_space<vmem>>) attributes {dimension_semantics = [], scalar_prefetch = 0 : i64, scratch_operands = 0 : i64, tpu.core_type = #tpu.core_type<tc>} {
    %get3A = arith.constant 0 : index
    %get3A_0 = arith.constant 0 : index
    %get3A_1 = vector.load %arg2[%get3A, %get3A_0] : memref<10000x1xf32, #tpu.memory_space<vmem>>, vector<10000x1xf32>
    %get3A_2 = arith.constant 0 : index
    %get3A_3 = arith.constant 0 : index
    %get3A_4 = vector.load %arg3[%get3A_2, %get3A_3] : memref<10000x1xf32, #tpu.memory_space<vmem>>, vector<10000x1xf32>
    %add3A = arith.addf %get3A_1, %get3A_4 : vector<10000x1xf32>
    %add3A_5 = arith.constant 1.000000e+00 : f32
    %add3A_6 = vector.broadcast %add3A_5 : f32 to vector<10000x1xf32>
    %add3A_7 = arith.addf %add3A, %add3A_6 : vector<10000x1xf32>
    %rsqrt3A = math.rsqrt %add3A_7 : vector<10000x1xf32>
    %swap3A = arith.constant 0 : index
    %swap3A_8 = arith.constant 0 : index
    %swap3A_9 = vector.load %arg5[%swap3A, %swap3A_8] : memref<10000x1xf32, #tpu.memory_space<vmem>>, vector<10000x1xf32>
    tpu.vector_store %arg5[%swap3A, %swap3A_8], %rsqrt3A {strides = array<i32>} : memref<10000x1xf32, #tpu.memory_space<vmem>>, vector<10000x1xf32>,
    %get3A_10 = arith.constant 0 : index
    %get3A_11 = arith.constant 0 : index
    %get3A_12 = vector.load %arg0[%get3A_10, %get3A_11] : memref<10000x128xf32, #tpu.memory_space<vmem>>, vector<10000x128xf32>
    %get3A_13 = arith.constant 0 : index
    %get3A_14 = arith.constant 0 : index
    %get3A_15 = vector.load %arg1[%get3A_13, %get3A_14] : memref<128x128xf32, #tpu.memory_space<vmem>>, vector<128x128xf32>
    %dot_general3A = arith.constant dense<0.000000e+00> : vector<10000x128xf32>
    %dot_general3A_16 = tpu.matmul %get3A_12, %get3A_15, %dot_general3A {dimension_numbers = #tpu.dot_dimension_numbers<[1], [0], [0], [1], [0, 0, 1, 1], [], []>, transpose_lhs_hint = false} : vector<10000x128xf32>, vector<128x128xf32>, vector<10000x128xf32> -> vector<10000x128xf32>
    %mul3A = vector.broadcast %rsqrt3A : vector<10000x1xf32> to vector<10000x128xf32>
    %mul3A_17 = arith.mulf %dot_general3A_16, %mul3A : vector<10000x128xf32>
    %swap3A_18 = arith.constant 0 : index
    %swap3A_19 = arith.constant 0 : index
    %swap3A_20 = vector.load %arg4[%swap3A_18, %swap3A_19] : memref<10008x128xf32, #tpu.memory_space<vmem>>, vector<10000x128xf32>
    tpu.vector_store %arg4[%swap3A_18, %swap3A_19], %mul3A_17 {strides = array<i32>} : memref<10008x128xf32, #tpu.memory_space<vmem>>, vector<10000x128xf32>,
    %broadcast_in_dim3A = arith.constant 0.000000e+00 : f32
    %broadcast_in_dim3A_21 = vector.broadcast %broadcast_in_dim3A : f32 to vector<8x128xf32>
    %swap3A_22 = arith.constant 10000 : index
    %swap3A_23 = arith.constant 0 : index
    %swap3A_24 = vector.load %arg4[%swap3A_22, %swap3A_23] : memref<10008x128xf32, #tpu.memory_space<vmem>>, vector<8x128xf32>
    tpu.vector_store %arg4[%swap3A_22, %swap3A_23], %broadcast_in_dim3A_21 {strides = array<i32>} : memref<10008x128xf32, #tpu.memory_space<vmem>>, vector<8x128xf32>,
    return
  }
}

module attributes {stable_mosaic.version = 14 : i64} {
  func.func @_tc_mid_body(%arg0: memref<10000x128xf32, #tpu.memory_space<vmem>>, %arg1: memref<10000x128xf32, #tpu.memory_space<vmem>>, %arg2: memref<10008x128xf32, #tpu.memory_space<vmem>>, %arg3: memref<10000x1xf32, #tpu.memory_space<vmem>>, %arg4: memref<1x128xf32, #tpu.memory_space<vmem>>, %arg5: memref<1x128xf32, #tpu.memory_space<vmem>>, %arg6: memref<1x128xf32, #tpu.memory_space<vmem>>, %arg7: memref<128x128xf32, #tpu.memory_space<vmem>>, %arg8: memref<10000x128xf32, #tpu.memory_space<vmem>>, %arg9: memref<10008x128xf32, #tpu.memory_space<vmem>>) attributes {dimension_semantics = [], scalar_prefetch = 0 : i64, scratch_operands = 0 : i64, tpu.core_type = #tpu.core_type<tc>} {
    %get3A = arith.constant 0 : index
    %get3A_0 = arith.constant 0 : index
    %get3A_1 = vector.load %arg3[%get3A, %get3A_0] : memref<10000x1xf32, #tpu.memory_space<vmem>>, vector<10000x1xf32>
    %get3A_2 = arith.constant 0 : index
    %get3A_3 = arith.constant 0 : index
    %get3A_4 = vector.load %arg0[%get3A_2, %get3A_3] : memref<10000x128xf32, #tpu.memory_space<vmem>>, vector<10000x128xf32>
    %get3A_5 = arith.constant 0 : index
    %get3A_6 = arith.constant 0 : index
    %get3A_7 = vector.load %arg1[%get3A_5, %get3A_6] : memref<10000x128xf32, #tpu.memory_space<vmem>>, vector<10000x128xf32>
    %add3A = arith.addf %get3A_4, %get3A_7 : vector<10000x128xf32>
    %get3A_8 = arith.constant 0 : index
    %get3A_9 = arith.constant 0 : index
    %get3A_10 = vector.load %arg2[%get3A_8, %get3A_9] : memref<10008x128xf32, #tpu.memory_space<vmem>>, vector<10000x128xf32>
    %add3A_11 = arith.addf %add3A, %get3A_10 : vector<10000x128xf32>
    %mul3A = vector.broadcast %get3A_1 : vector<10000x1xf32> to vector<10000x128xf32>
    %mul3A_12 = arith.mulf %mul3A, %add3A_11 : vector<10000x128xf32>
    %get3A_13 = arith.constant 0 : index
    %get3A_14 = arith.constant 0 : index
    %get3A_15 = vector.load %arg4[%get3A_13, %get3A_14] : memref<1x128xf32, #tpu.memory_space<vmem>>, vector<1x128xf32>
    %add3A_16 = vector.broadcast %get3A_15 : vector<1x128xf32> to vector<10000x128xf32>
    %add3A_17 = arith.addf %mul3A_12, %add3A_16 : vector<10000x128xf32>
    %reduce_sum3A = arith.constant dense<0.000000e+00> : vector<128xf32>
    %reduce_sum3A_18 = vector.multi_reduction <add>, %add3A_17, %reduce_sum3A [0] : vector<10000x128xf32> to vector<128xf32>
    %broadcast_in_dim3A = vector.shape_cast %reduce_sum3A_18 : vector<128xf32> to vector<1x128xf32>
    %div3A = arith.constant 1.000000e+04 : f32
    %div3A_19 = vector.broadcast %div3A : f32 to vector<1x128xf32>
    %div3A_20 = arith.divf %broadcast_in_dim3A, %div3A_19 : vector<1x128xf32>
    %sub3A = vector.broadcast %div3A_20 : vector<1x128xf32> to vector<10000x128xf32>
    %sub3A_21 = arith.subf %add3A_17, %sub3A : vector<10000x128xf32>
    %integer_pow3A = arith.mulf %sub3A_21, %sub3A_21 : vector<10000x128xf32>
    %reduce_sum3A_22 = arith.constant dense<0.000000e+00> : vector<128xf32>
    %reduce_sum3A_23 = vector.multi_reduction <add>, %integer_pow3A, %reduce_sum3A_22 [0] : vector<10000x128xf32> to vector<128xf32>
    %broadcast_in_dim3A_24 = vector.shape_cast %reduce_sum3A_23 : vector<128xf32> to vector<1x128xf32>
    %div3A_25 = arith.constant 1.000000e+04 : f32
    %div3A_26 = vector.broadcast %div3A_25 : f32 to vector<1x128xf32>
    %div3A_27 = arith.divf %broadcast_in_dim3A_24, %div3A_26 : vector<1x128xf32>
    %sub3A_28 = vector.broadcast %div3A_20 : vector<1x128xf32> to vector<10000x128xf32>
    %sub3A_29 = arith.subf %add3A_17, %sub3A_28 : vector<10000x128xf32>
    %add3A_30 = arith.constant 9.99999974E-6 : f32
    %add3A_31 = vector.broadcast %add3A_30 : f32 to vector<1x128xf32>
    %add3A_32 = arith.addf %div3A_27, %add3A_31 : vector<1x128xf32>
    %rsqrt3A = math.rsqrt %add3A_32 : vector<1x128xf32>
    %mul3A_33 = vector.broadcast %rsqrt3A : vector<1x128xf32> to vector<10000x128xf32>
    %mul3A_34 = arith.mulf %sub3A_29, %mul3A_33 : vector<10000x128xf32>
    %get3A_35 = arith.constant 0 : index
    %get3A_36 = arith.constant 0 : index
    %get3A_37 = vector.load %arg5[%get3A_35, %get3A_36] : memref<1x128xf32, #tpu.memory_space<vmem>>, vector<1x128xf32>
    %mul3A_38 = vector.broadcast %get3A_37 : vector<1x128xf32> to vector<10000x128xf32>
    %mul3A_39 = arith.mulf %mul3A_34, %mul3A_38 : vector<10000x128xf32>
    %get3A_40 = arith.constant 0 : index
    %get3A_41 = arith.constant 0 : index
    %get3A_42 = vector.load %arg6[%get3A_40, %get3A_41] : memref<1x128xf32, #tpu.memory_space<vmem>>, vector<1x128xf32>
    %add3A_43 = vector.broadcast %get3A_42 : vector<1x128xf32> to vector<10000x128xf32>
    %add3A_44 = arith.addf %mul3A_39, %add3A_43 : vector<10000x128xf32>
    %max3A = arith.constant 0.000000e+00 : f32
    %max3A_45 = vector.broadcast %max3A : f32 to vector<10000x128xf32>
    %max3A_46 = arith.maximumf %add3A_44, %max3A_45 : vector<10000x128xf32>
    %swap3A = arith.constant 0 : index
    %swap3A_47 = arith.constant 0 : index
    %swap3A_48 = vector.load %arg8[%swap3A, %swap3A_47] : memref<10000x128xf32, #tpu.memory_space<vmem>>, vector<10000x128xf32>
    tpu.vector_store %arg8[%swap3A, %swap3A_47], %max3A_46 {strides = array<i32>} : memref<10000x128xf32, #tpu.memory_space<vmem>>, vector<10000x128xf32>,
    %get3A_49 = arith.constant 0 : index
    %get3A_50 = arith.constant 0 : index
    %get3A_51 = vector.load %arg7[%get3A_49, %get3A_50] : memref<128x128xf32, #tpu.memory_space<vmem>>, vector<128x128xf32>
    %dot_general3A = arith.constant dense<0.000000e+00> : vector<10000x128xf32>
    %dot_general3A_52 = tpu.matmul %max3A_46, %get3A_51, %dot_general3A {dimension_numbers = #tpu.dot_dimension_numbers<[1], [0], [0], [1], [0, 0, 1, 1], [], []>, transpose_lhs_hint = false} : vector<10000x128xf32>, vector<128x128xf32>, vector<10000x128xf32> -> vector<10000x128xf32>
    %mul3A_53 = vector.broadcast %get3A_1 : vector<10000x1xf32> to vector<10000x128xf32>
    %mul3A_54 = arith.mulf %dot_general3A_52, %mul3A_53 : vector<10000x128xf32>
    %swap3A_55 = arith.constant 0 : index
    %swap3A_56 = arith.constant 0 : index
    %swap3A_57 = vector.load %arg9[%swap3A_55, %swap3A_56] : memref<10008x128xf32, #tpu.memory_space<vmem>>, vector<10000x128xf32>
    tpu.vector_store %arg9[%swap3A_55, %swap3A_56], %mul3A_54 {strides = array<i32>} : memref<10008x128xf32, #tpu.memory_space<vmem>>, vector<10000x128xf32>,
    %broadcast_in_dim3A_58 = arith.constant 0.000000e+00 : f32
    %broadcast_in_dim3A_59 = vector.broadcast %broadcast_in_dim3A_58 : f32 to vector<8x128xf32>
    %swap3A_60 = arith.constant 10000 : index
    %swap3A_61 = arith.constant 0 : index
    %swap3A_62 = vector.load %arg9[%swap3A_60, %swap3A_61] : memref<10008x128xf32, #tpu.memory_space<vmem>>, vector<8x128xf32>
    tpu.vector_store %arg9[%swap3A_60, %swap3A_61], %broadcast_in_dim3A_59 {strides = array<i32>} : memref<10008x128xf32, #tpu.memory_space<vmem>>, vector<8x128xf32>,
    return
  }
}

module attributes {stable_mosaic.version = 14 : i64} {
  func.func @_tc_mid_body(%arg0: memref<10000x128xf32, #tpu.memory_space<vmem>>, %arg1: memref<10000x128xf32, #tpu.memory_space<vmem>>, %arg2: memref<10008x128xf32, #tpu.memory_space<vmem>>, %arg3: memref<10000x1xf32, #tpu.memory_space<vmem>>, %arg4: memref<1x128xf32, #tpu.memory_space<vmem>>, %arg5: memref<1x128xf32, #tpu.memory_space<vmem>>, %arg6: memref<1x128xf32, #tpu.memory_space<vmem>>, %arg7: memref<128x128xf32, #tpu.memory_space<vmem>>, %arg8: memref<10000x128xf32, #tpu.memory_space<vmem>>, %arg9: memref<10008x128xf32, #tpu.memory_space<vmem>>) attributes {dimension_semantics = [], scalar_prefetch = 0 : i64, scratch_operands = 0 : i64, tpu.core_type = #tpu.core_type<tc>} {
    %get3A = arith.constant 0 : index
    %get3A_0 = arith.constant 0 : index
    %get3A_1 = vector.load %arg3[%get3A, %get3A_0] : memref<10000x1xf32, #tpu.memory_space<vmem>>, vector<10000x1xf32>
    %get3A_2 = arith.constant 0 : index
    %get3A_3 = arith.constant 0 : index
    %get3A_4 = vector.load %arg0[%get3A_2, %get3A_3] : memref<10000x128xf32, #tpu.memory_space<vmem>>, vector<10000x128xf32>
    %get3A_5 = arith.constant 0 : index
    %get3A_6 = arith.constant 0 : index
    %get3A_7 = vector.load %arg1[%get3A_5, %get3A_6] : memref<10000x128xf32, #tpu.memory_space<vmem>>, vector<10000x128xf32>
    %add3A = arith.addf %get3A_4, %get3A_7 : vector<10000x128xf32>
    %get3A_8 = arith.constant 0 : index
    %get3A_9 = arith.constant 0 : index
    %get3A_10 = vector.load %arg2[%get3A_8, %get3A_9] : memref<10008x128xf32, #tpu.memory_space<vmem>>, vector<10000x128xf32>
    %add3A_11 = arith.addf %add3A, %get3A_10 : vector<10000x128xf32>
    %mul3A = vector.broadcast %get3A_1 : vector<10000x1xf32> to vector<10000x128xf32>
    %mul3A_12 = arith.mulf %mul3A, %add3A_11 : vector<10000x128xf32>
    %get3A_13 = arith.constant 0 : index
    %get3A_14 = arith.constant 0 : index
    %get3A_15 = vector.load %arg4[%get3A_13, %get3A_14] : memref<1x128xf32, #tpu.memory_space<vmem>>, vector<1x128xf32>
    %add3A_16 = vector.broadcast %get3A_15 : vector<1x128xf32> to vector<10000x128xf32>
    %add3A_17 = arith.addf %mul3A_12, %add3A_16 : vector<10000x128xf32>
    %reduce_sum3A = arith.constant dense<0.000000e+00> : vector<128xf32>
    %reduce_sum3A_18 = vector.multi_reduction <add>, %add3A_17, %reduce_sum3A [0] : vector<10000x128xf32> to vector<128xf32>
    %broadcast_in_dim3A = vector.shape_cast %reduce_sum3A_18 : vector<128xf32> to vector<1x128xf32>
    %div3A = arith.constant 1.000000e+04 : f32
    %div3A_19 = vector.broadcast %div3A : f32 to vector<1x128xf32>
    %div3A_20 = arith.divf %broadcast_in_dim3A, %div3A_19 : vector<1x128xf32>
    %sub3A = vector.broadcast %div3A_20 : vector<1x128xf32> to vector<10000x128xf32>
    %sub3A_21 = arith.subf %add3A_17, %sub3A : vector<10000x128xf32>
    %integer_pow3A = arith.mulf %sub3A_21, %sub3A_21 : vector<10000x128xf32>
    %reduce_sum3A_22 = arith.constant dense<0.000000e+00> : vector<128xf32>
    %reduce_sum3A_23 = vector.multi_reduction <add>, %integer_pow3A, %reduce_sum3A_22 [0] : vector<10000x128xf32> to vector<128xf32>
    %broadcast_in_dim3A_24 = vector.shape_cast %reduce_sum3A_23 : vector<128xf32> to vector<1x128xf32>
    %div3A_25 = arith.constant 1.000000e+04 : f32
    %div3A_26 = vector.broadcast %div3A_25 : f32 to vector<1x128xf32>
    %div3A_27 = arith.divf %broadcast_in_dim3A_24, %div3A_26 : vector<1x128xf32>
    %sub3A_28 = vector.broadcast %div3A_20 : vector<1x128xf32> to vector<10000x128xf32>
    %sub3A_29 = arith.subf %add3A_17, %sub3A_28 : vector<10000x128xf32>
    %add3A_30 = arith.constant 9.99999974E-6 : f32
    %add3A_31 = vector.broadcast %add3A_30 : f32 to vector<1x128xf32>
    %add3A_32 = arith.addf %div3A_27, %add3A_31 : vector<1x128xf32>
    %rsqrt3A = math.rsqrt %add3A_32 : vector<1x128xf32>
    %mul3A_33 = vector.broadcast %rsqrt3A : vector<1x128xf32> to vector<10000x128xf32>
    %mul3A_34 = arith.mulf %sub3A_29, %mul3A_33 : vector<10000x128xf32>
    %get3A_35 = arith.constant 0 : index
    %get3A_36 = arith.constant 0 : index
    %get3A_37 = vector.load %arg5[%get3A_35, %get3A_36] : memref<1x128xf32, #tpu.memory_space<vmem>>, vector<1x128xf32>
    %mul3A_38 = vector.broadcast %get3A_37 : vector<1x128xf32> to vector<10000x128xf32>
    %mul3A_39 = arith.mulf %mul3A_34, %mul3A_38 : vector<10000x128xf32>
    %get3A_40 = arith.constant 0 : index
    %get3A_41 = arith.constant 0 : index
    %get3A_42 = vector.load %arg6[%get3A_40, %get3A_41] : memref<1x128xf32, #tpu.memory_space<vmem>>, vector<1x128xf32>
    %add3A_43 = vector.broadcast %get3A_42 : vector<1x128xf32> to vector<10000x128xf32>
    %add3A_44 = arith.addf %mul3A_39, %add3A_43 : vector<10000x128xf32>
    %max3A = arith.constant 0.000000e+00 : f32
    %max3A_45 = vector.broadcast %max3A : f32 to vector<10000x128xf32>
    %max3A_46 = arith.maximumf %add3A_44, %max3A_45 : vector<10000x128xf32>
    %swap3A = arith.constant 0 : index
    %swap3A_47 = arith.constant 0 : index
    %swap3A_48 = vector.load %arg8[%swap3A, %swap3A_47] : memref<10000x128xf32, #tpu.memory_space<vmem>>, vector<10000x128xf32>
    tpu.vector_store %arg8[%swap3A, %swap3A_47], %max3A_46 {strides = array<i32>} : memref<10000x128xf32, #tpu.memory_space<vmem>>, vector<10000x128xf32>,
    %get3A_49 = arith.constant 0 : index
    %get3A_50 = arith.constant 0 : index
    %get3A_51 = vector.load %arg7[%get3A_49, %get3A_50] : memref<128x128xf32, #tpu.memory_space<vmem>>, vector<128x128xf32>
    %dot_general3A = arith.constant dense<0.000000e+00> : vector<10000x128xf32>
    %dot_general3A_52 = tpu.matmul %max3A_46, %get3A_51, %dot_general3A {dimension_numbers = #tpu.dot_dimension_numbers<[1], [0], [0], [1], [0, 0, 1, 1], [], []>, transpose_lhs_hint = false} : vector<10000x128xf32>, vector<128x128xf32>, vector<10000x128xf32> -> vector<10000x128xf32>
    %mul3A_53 = vector.broadcast %get3A_1 : vector<10000x1xf32> to vector<10000x128xf32>
    %mul3A_54 = arith.mulf %dot_general3A_52, %mul3A_53 : vector<10000x128xf32>
    %swap3A_55 = arith.constant 0 : index
    %swap3A_56 = arith.constant 0 : index
    %swap3A_57 = vector.load %arg9[%swap3A_55, %swap3A_56] : memref<10008x128xf32, #tpu.memory_space<vmem>>, vector<10000x128xf32>
    tpu.vector_store %arg9[%swap3A_55, %swap3A_56], %mul3A_54 {strides = array<i32>} : memref<10008x128xf32, #tpu.memory_space<vmem>>, vector<10000x128xf32>,
    %broadcast_in_dim3A_58 = arith.constant 0.000000e+00 : f32
    %broadcast_in_dim3A_59 = vector.broadcast %broadcast_in_dim3A_58 : f32 to vector<8x128xf32>
    %swap3A_60 = arith.constant 10000 : index
    %swap3A_61 = arith.constant 0 : index
    %swap3A_62 = vector.load %arg9[%swap3A_60, %swap3A_61] : memref<10008x128xf32, #tpu.memory_space<vmem>>, vector<8x128xf32>
    tpu.vector_store %arg9[%swap3A_60, %swap3A_61], %broadcast_in_dim3A_59 {strides = array<i32>} : memref<10008x128xf32, #tpu.memory_space<vmem>>, vector<8x128xf32>,
    return
  }
}

module attributes {stable_mosaic.version = 14 : i64} {
  func.func @_tc_final_body(%arg0: memref<10000x128xf32, #tpu.memory_space<vmem>>, %arg1: memref<10000x128xf32, #tpu.memory_space<vmem>>, %arg2: memref<10008x128xf32, #tpu.memory_space<vmem>>, %arg3: memref<10000x1xf32, #tpu.memory_space<vmem>>, %arg4: memref<1x128xf32, #tpu.memory_space<vmem>>, %arg5: memref<1x128xf32, #tpu.memory_space<vmem>>, %arg6: memref<1x128xf32, #tpu.memory_space<vmem>>, %arg7: memref<10000x128xf32, #tpu.memory_space<vmem>>, %arg8: memref<128x1xf32, #tpu.memory_space<vmem>>, %arg9: memref<1x1xf32, #tpu.memory_space<vmem>>, %arg10: memref<10000x1xf32, #tpu.memory_space<vmem>>) attributes {dimension_semantics = [], scalar_prefetch = 0 : i64, scratch_operands = 0 : i64, tpu.core_type = #tpu.core_type<tc>} {
    %get3A = arith.constant 0 : index
    %get3A_0 = arith.constant 0 : index
    %get3A_1 = vector.load %arg3[%get3A, %get3A_0] : memref<10000x1xf32, #tpu.memory_space<vmem>>, vector<10000x1xf32>
    %get3A_2 = arith.constant 0 : index
    %get3A_3 = arith.constant 0 : index
    %get3A_4 = vector.load %arg0[%get3A_2, %get3A_3] : memref<10000x128xf32, #tpu.memory_space<vmem>>, vector<10000x128xf32>
    %get3A_5 = arith.constant 0 : index
    %get3A_6 = arith.constant 0 : index
    %get3A_7 = vector.load %arg1[%get3A_5, %get3A_6] : memref<10000x128xf32, #tpu.memory_space<vmem>>, vector<10000x128xf32>
    %add3A = arith.addf %get3A_4, %get3A_7 : vector<10000x128xf32>
    %get3A_8 = arith.constant 0 : index
    %get3A_9 = arith.constant 0 : index
    %get3A_10 = vector.load %arg2[%get3A_8, %get3A_9] : memref<10008x128xf32, #tpu.memory_space<vmem>>, vector<10000x128xf32>
    %add3A_11 = arith.addf %add3A, %get3A_10 : vector<10000x128xf32>
    %mul3A = vector.broadcast %get3A_1 : vector<10000x1xf32> to vector<10000x128xf32>
    %mul3A_12 = arith.mulf %mul3A, %add3A_11 : vector<10000x128xf32>
    %get3A_13 = arith.constant 0 : index
    %get3A_14 = arith.constant 0 : index
    %get3A_15 = vector.load %arg4[%get3A_13, %get3A_14] : memref<1x128xf32, #tpu.memory_space<vmem>>, vector<1x128xf32>
    %add3A_16 = vector.broadcast %get3A_15 : vector<1x128xf32> to vector<10000x128xf32>
    %add3A_17 = arith.addf %mul3A_12, %add3A_16 : vector<10000x128xf32>
    %reduce_sum3A = arith.constant dense<0.000000e+00> : vector<128xf32>
    %reduce_sum3A_18 = vector.multi_reduction <add>, %add3A_17, %reduce_sum3A [0] : vector<10000x128xf32> to vector<128xf32>
    %broadcast_in_dim3A = vector.shape_cast %reduce_sum3A_18 : vector<128xf32> to vector<1x128xf32>
    %div3A = arith.constant 1.000000e+04 : f32
    %div3A_19 = vector.broadcast %div3A : f32 to vector<1x128xf32>
    %div3A_20 = arith.divf %broadcast_in_dim3A, %div3A_19 : vector<1x128xf32>
    %sub3A = vector.broadcast %div3A_20 : vector<1x128xf32> to vector<10000x128xf32>
    %sub3A_21 = arith.subf %add3A_17, %sub3A : vector<10000x128xf32>
    %integer_pow3A = arith.mulf %sub3A_21, %sub3A_21 : vector<10000x128xf32>
    %reduce_sum3A_22 = arith.constant dense<0.000000e+00> : vector<128xf32>
    %reduce_sum3A_23 = vector.multi_reduction <add>, %integer_pow3A, %reduce_sum3A_22 [0] : vector<10000x128xf32> to vector<128xf32>
    %broadcast_in_dim3A_24 = vector.shape_cast %reduce_sum3A_23 : vector<128xf32> to vector<1x128xf32>
    %div3A_25 = arith.constant 1.000000e+04 : f32
    %div3A_26 = vector.broadcast %div3A_25 : f32 to vector<1x128xf32>
    %div3A_27 = arith.divf %broadcast_in_dim3A_24, %div3A_26 : vector<1x128xf32>
    %sub3A_28 = vector.broadcast %div3A_20 : vector<1x128xf32> to vector<10000x128xf32>
    %sub3A_29 = arith.subf %add3A_17, %sub3A_28 : vector<10000x128xf32>
    %add3A_30 = arith.constant 9.99999974E-6 : f32
    %add3A_31 = vector.broadcast %add3A_30 : f32 to vector<1x128xf32>
    %add3A_32 = arith.addf %div3A_27, %add3A_31 : vector<1x128xf32>
    %rsqrt3A = math.rsqrt %add3A_32 : vector<1x128xf32>
    %mul3A_33 = vector.broadcast %rsqrt3A : vector<1x128xf32> to vector<10000x128xf32>
    %mul3A_34 = arith.mulf %sub3A_29, %mul3A_33 : vector<10000x128xf32>
    %get3A_35 = arith.constant 0 : index
    %get3A_36 = arith.constant 0 : index
    %get3A_37 = vector.load %arg5[%get3A_35, %get3A_36] : memref<1x128xf32, #tpu.memory_space<vmem>>, vector<1x128xf32>
    %mul3A_38 = vector.broadcast %get3A_37 : vector<1x128xf32> to vector<10000x128xf32>
    %mul3A_39 = arith.mulf %mul3A_34, %mul3A_38 : vector<10000x128xf32>
    %get3A_40 = arith.constant 0 : index
    %get3A_41 = arith.constant 0 : index
    %get3A_42 = vector.load %arg6[%get3A_40, %get3A_41] : memref<1x128xf32, #tpu.memory_space<vmem>>, vector<1x128xf32>
    %add3A_43 = vector.broadcast %get3A_42 : vector<1x128xf32> to vector<10000x128xf32>
    %add3A_44 = arith.addf %mul3A_39, %add3A_43 : vector<10000x128xf32>
    %max3A = arith.constant 0.000000e+00 : f32
    %max3A_45 = vector.broadcast %max3A : f32 to vector<10000x128xf32>
    %max3A_46 = arith.maximumf %add3A_44, %max3A_45 : vector<10000x128xf32>
    %get3A_47 = arith.constant 0 : index
    %get3A_48 = arith.constant 0 : index
    %get3A_49 = vector.load %arg7[%get3A_47, %get3A_48] : memref<10000x128xf32, #tpu.memory_space<vmem>>, vector<10000x128xf32>
    %add3A_50 = arith.addf %max3A_46, %get3A_49 : vector<10000x128xf32>
    %get3A_51 = arith.constant 0 : index
    %get3A_52 = arith.constant 0 : index
    %get3A_53 = vector.load %arg8[%get3A_51, %get3A_52] : memref<128x1xf32, #tpu.memory_space<vmem>>, vector<128x1xf32>
    %dot_general3A = arith.constant dense<0.000000e+00> : vector<10000x1xf32>
    %dot_general3A_54 = tpu.matmul %add3A_50, %get3A_53, %dot_general3A {dimension_numbers = #tpu.dot_dimension_numbers<[1], [0], [0], [1], [0, 0, 1, 1], [], []>, transpose_lhs_hint = false} : vector<10000x128xf32>, vector<128x1xf32>, vector<10000x1xf32> -> vector<10000x1xf32>
    %get3A_55 = arith.constant 0 : index
    %get3A_56 = arith.constant 0 : index
    %get3A_57 = vector.load %arg9[%get3A_55, %get3A_56] : memref<1x1xf32, #tpu.memory_space<vmem>>, vector<1x1xf32>
    %add3A_58 = vector.broadcast %get3A_57 : vector<1x1xf32> to vector<10000x1xf32>
    %add3A_59 = arith.addf %dot_general3A_54, %add3A_58 : vector<10000x1xf32>
    %logistic3A = arith.negf %add3A_59 : vector<10000x1xf32>
    %logistic3A_60 = math.exp %logistic3A : vector<10000x1xf32>
    %logistic3A_61 = arith.constant 1.000000e+00 : f32
    %logistic3A_62 = vector.broadcast %logistic3A_61 : f32 to vector<10000x1xf32>
    %logistic3A_63 = arith.addf %logistic3A_62, %logistic3A_60 : vector<10000x1xf32>
    %logistic3A_64 = arith.divf %logistic3A_62, %logistic3A_63 : vector<10000x1xf32>
    %mul3A_65 = arith.constant 1.000000e+01 : f32
    %mul3A_66 = vector.broadcast %mul3A_65 : f32 to vector<10000x1xf32>
    %mul3A_67 = arith.mulf %logistic3A_64, %mul3A_66 : vector<10000x1xf32>
    %swap3A = arith.constant 0 : index
    %swap3A_68 = arith.constant 0 : index
    %swap3A_69 = vector.load %arg10[%swap3A, %swap3A_68] : memref<10000x1xf32, #tpu.memory_space<vmem>>, vector<10000x1xf32>
    tpu.vector_store %arg10[%swap3A, %swap3A_68], %mul3A_67 {strides = array<i32>} : memref<10000x1xf32, #tpu.memory_space<vmem>>, vector<10000x1xf32>,
    return
  }
}

</mosaic_0001>

<sc_bundles>
// kernel: kernel.10.cloned.1.call-start
scs
__scs_entry_jumppad:
0x0: {  	(pc) =	sbr.rel $0x88, $3  }
0x1: {  	(tag) =	ssettag $0x0;
	lr =	simm.s32 $0x1  }
0x2: {  	[smem:$0x3F91] =	sst lr;
	_ =	strace $0xD0000000  }
0x3: {  	_ = 	snop  }
0x4: {  	_ = 	snop  }
0x5: {  	_ = 	snop  }
0x6: {  	_ = 	snop  }
0x7: {  	_ = 	snop  }
__scs_overlays_trampoline_lowered:
0x8: {  	[smem:$0x3FA0] =	sst s0  }
0x9: {  	[smem:$0x3FA1] =	sst s1  }
0xa: {  	[smem:$0x3FA2] =	sst s2  }
0xb: {  	[smem:$0x3FA3] =	sst s3  }
0xc: {  	[smem:$0x3FA4] =	sst s4  }
0xd: {  	[smem:$0x3FA5] =	sst s5  }
0xe: {  	[smem:$0x3FA6] =	sst s6  }
0xf: {  	[smem:$0x3FA7] =	sst s7  }
0x10: {  	[smem:$0x3FA8] =	sst s8  }
0x11: {  	[smem:$0x3FA9] =	sst s9;
	s0 =	simm.s32 @!p0 $0x0  }
0x12: {  	s1 =	sld [smem:$0x3F8F];
	s0 =	simm.s32 @p0 $0x1  }
0x13: {  	[smem:$0x3FAA] =	sst s0;
	s0 =	simm.s32 @!p1 $0x0  }
0x14: {  	s2 =	sld [smem:$0x3F8E];
	s0 =	simm.s32 @p1 $0x1  }
0x15: {  	[smem:$0x3FAB] =	sst s0;
	s0 =	simm.s32 @!p2 $0x0  }
0x16: {  	s3 =	sld [smem:$0x3FDB];
	s0 =	simm.s32 @p2 $0x1  }
0x17: {  	s4 =	simm.s32 $0x1BF5;
	[smem:$0x3FAD] =	sst s0  }
0x18: {  	s0 =	sld [smem:$0x3F90];
	_ =	swait.ge [sflag:s4], $0x0  }
0x19: {  	s7 =	sld [smem:$0x3F91]  }
0x1a: {  	s8 =	sadd.s32 $0xFFFFE003, lr  }
0x1b: {  	s9 =	sadd.s32 $0xFFFFFEF7, lr;
	s5 =	simm.s32 $0xFFFFFFFF;
	p2 =	slt.u32 s8, $0xFFFFF086  }
0x1c: {  	p1 =	slt.u32 s9, $0xF7A;
	s5 =	simm.s32 @!p2 $0x0  }
0x1d: {  	s5 =	simm.s32 @p1 $0x1;
	p0 =	seq.s32 s7, s2  }
0x1e: {  	s7 =	smul.u32 @!p0 $0xF7A, s2;
	p2 =	seq.s32 @!p0 s5, $0x0  }
0x1f: {  	s9 =	smul.u32 $0xF7A, s1;
	s8 =	simm.s32 @!p0 $0x1BF5;
	p2 =	por !p2, p0  }
0x20: {  	[sflag:s8] =	ssyncset.s32 @!p0 $0xFFFFF086;
	s6 =	sadd.s32 @!p0 s3, s7;
	s7 =	simm.s32 @!p0 $0x108  }
0x21: {  	s3 =	sadd.s32 s3, s9;
	s6 =	sadd.s32 @!p0 $0x88, s6;
	s7 =	simm.s32 @p2 $0x1082  }
0x22: {  	[simem:s7], [sflag:s8] =	dma.local @!p0 [hbm:s6], $0xF7A  }
0x23: {  	s9 =	sor.u32 $0xD0000000, s2;
	s6 =	simm.s32 $0x108;
	_ =	swait.ge @!p0 [sflag:s8], $0x0  }
0x24: {  	s3 =	sadd.s32 $0x88, s3;
	s6 =	simm.s32 @!p1 $0x1082;
	[sflag:s4] =	ssyncset.s32 $0xFFFFF086  }
0x25: {  	[simem:s6], [sflag:s4] =	dma.local [hbm:s3], $0xF7A  }
0x26: {  	[smem:$0x3F91] =	sst s1;
	(tag) =	ssettag s2;
	_ =	strace s9  }
0x27: {  	s1 =	sld [smem:$0x3FA1]  }
0x28: {  	s2 =	sld [smem:$0x3FA2]  }
0x29: {  	s4 =	sld [smem:$0x3FA4]  }
0x2a: {  	p0 =	seq.s32 s5, $0x0;
	s5 =	sld [smem:$0x3FA5]  }
0x2b: {  	s6 =	sld [smem:$0x3FA6]  }
0x2c: {  	s7 =	sld [smem:$0x3FA7]  }
0x2d: {  	s3 =	simm.s32 $0x108;
	s8 =	sld [smem:$0x3FA8]  }
0x2e: {  	s3 =	simm.s32 @!p0 $0x1082;
	s9 =	sld [smem:$0x3FA9]  }
0x2f: {  	lr =	sadd.s32 s0, s3;
	s0 =	sld [smem:$0x3FA0]  }
0x30: {  	s3 =	sld [smem:$0x3FA3]  }
0x31: {  	[smem:$0x3FAC] =	sst s10  }
0x32: {  	s10 =	sld [smem:$0x3FAA];
	_ =	sdelay $0x3  }
0x33: {  	p0 =	seq.s32 s10, $0x1;
	s10 =	sld [smem:$0x3FAC];
	_ =	sdelay $0x3  }
0x34: {  	[smem:$0x3FAC] =	sst s10  }
0x35: {  	s10 =	sld [smem:$0x3FAB];
	_ =	sdelay $0x3  }
0x36: {  	p1 =	seq.s32 s10, $0x1;
	s10 =	sld [smem:$0x3FAC];
	_ =	sdelay $0x3  }
0x37: {  	[smem:$0x3FAC] =	sst s10  }
0x38: {  	s10 =	sld [smem:$0x3FAD]  }
0x39: {  	_ = 	snop;
	(pc) =	sbr.ind lr, $3  }
0x3a: {  	_ = 	snop  }
0x3b: {  	_ = 	snop  }
0x3c: {  	p2 =	seq.s32 s10, $0x1;
	s10 =	sld [smem:$0x3FAC]  }
0x3d: {  	_ =	shalt  }
0x3e: {  	_ =	shalt  }
0x3f: {  	_ =	shalt  }
0x40: {  	_ =	shalt  }
0x41: {  	_ =	shalt  }
0x42: {  	_ =	shalt  }
0x43: {  	_ =	shalt  }
0x44: {  	_ =	shalt  }
0x45: {  	_ =	shalt  }
0x46: {  	_ =	shalt  }
0x47: {  	_ =	shalt  }
0x48: {  	_ =	shalt  }
0x49: {  	_ =	shalt  }
0x4a: {  	_ =	shalt  }
0x4b: {  	_ =	shalt  }
0x4c: {  	_ =	shalt  }
0x4d: {  	_ =	shalt  }
0x4e: {  	_ =	shalt  }
0x4f: {  	_ =	shalt  }
0x50: {  	_ =	shalt  }
0x51: {  	_ =	shalt  }
0x52: {  	_ =	shalt  }
0x53: {  	_ =	shalt  }
0x54: {  	_ =	shalt  }
0x55: {  	_ =	shalt  }
0x56: {  	_ =	shalt  }
0x57: {  	_ =	shalt  }
0x58: {  	_ =	shalt  }
0x59: {  	_ =	shalt  }
0x5a: {  	_ =	shalt  }
0x5b: {  	_ =	shalt  }
0x5c: {  	_ =	shalt  }
0x5d: {  	_ =	shalt  }
0x5e: {  	_ =	shalt  }
0x5f: {  	_ =	shalt  }
0x60: {  	_ =	shalt  }
0x61: {  	_ =	shalt  }
0x62: {  	_ =	shalt  }
0x63: {  	_ =	shalt  }
0x64: {  	_ =	shalt  }
0x65: {  	_ =	shalt  }
0x66: {  	_ =	shalt  }
0x67: {  	_ =	shalt  }
0x68: {  	_ =	shalt  }
0x69: {  	_ =	shalt  }
0x6a: {  	_ =	shalt  }
0x6b: {  	_ =	shalt  }
0x6c: {  	_ =	shalt  }
0x6d: {  	_ =	shalt  }
0x6e: {  	_ =	shalt  }
0x6f: {  	_ =	shalt  }
0x70: {  	_ =	shalt  }
0x71: {  	_ =	shalt  }
0x72: {  	_ =	shalt  }
0x73: {  	_ =	shalt  }
0x74: {  	_ =	shalt  }
0x75: {  	_ =	shalt  }
0x76: {  	_ =	shalt  }
0x77: {  	_ =	shalt  }
0x78: {  	_ =	shalt  }
0x79: {  	_ =	shalt  }
0x7a: {  	_ =	shalt  }
0x7b: {  	_ =	shalt  }
0x7c: {  	_ =	shalt  }
0x7d: {  	_ =	shalt  }
0x7e: {  	_ =	shalt  }
0x7f: {  	_ =	shalt  }
0x80: {  	_ =	shalt  }
0x81: {  	_ =	shalt  }
0x82: {  	_ =	shalt  }
0x83: {  	_ =	shalt  }
0x84: {  	_ =	shalt  }
0x85: {  	_ =	shalt  }
0x86: {  	_ =	shalt  }
0x87: {  	_ =	shalt  }
.Lfunc_end0:
.L_simem_size_0:
called_computation_lowered:
.L_overlay_start_0:
0x88: {  	s2 =	sld [smem:$0x3FD9]  }
0x89: {  	s3 =	sld [smem:$0x3FFE];
	_ =	sdelay $0x1  }
0x8a: {  	s1 =	srdreg.scid  }
0x8b: {  	s0 =	sand.u32 $0x1, s1  }
0x8c: {  	s17 =	sshll.u32 s0, $0xA;
	s2 =	sadd.s32 s3, s2  }
0x8d: {  	s2 =	sadd.s32 s2, s17  }
0x8e: {  	[smem:$0x3FB8] =	sst s2  }
0x8f: {  	_ = 	snop  }
0x90: {  	s2 =	sld [smem:$0x3FD0];
	(tm) =	ssettm $0x1  }
0x91: {  	s18 =	sld [smem:$0x3FFB];
	_ =	sdelay $0x3  }
0x92: {  	_ =	strace s18  }
0x93: {  	s3 =	sld [smem:$0x3FFC];
	_ =	sdelay $0x3  }
0x94: {  	_ =	strace s3  }
0x95: {  	s3 =	sld [smem:$0x3FFD];
	_ =	sdelay $0x3  }
0x96: {  	_ =	strace s3  }
0x97: {  	_ =	strace $0x8FFFFFFF  }
0x98: {  	s19 =	sld [smem:$0x3FDB];
	_ =	sdelay $0x1  }
0x99: {  	s4 =	simm.s32 $_scs_section_size  }
0x9a: {  	s5 =	simm.s32 $_size__tile_overlayer_lowered;
	s6 =	simm.s32 $_tile_overlayer_lowered  }
0x9b: {  	s22 =	simm.s32 $0x1BFF;
	s21 =	sshll.u32 s6, $0x1;
	s3 =	sadd.s32 s4, s19  }
0x9c: {  	s7 =	simm.s32 $0x0;
	s20 =	sshll.u32 s5, $0x1;
	s5 =	sadd.s32 s21, s3  }
0x9d: {  	[timem:s7], [sflag:s22] =	dma.local [hbm:s5], s20  }
0x9e: {  	_ =	swait.ge [sflag:s22], s20  }
0x9f: {  	s4 =	ssub.s32 $0x0, s20;
	[sflag:s22] =	ssyncset.done $0x0  }
0xa0: {  	[sflag:s22] =	ssyncadd.s32 s4;
	_ =	sdelay $0x1  }
0xa1: {  	s23 =	simm.s32 $0x1B8B  }
0xa2: {  	_ =	swait.ge [sflag:s23], $0x1  }
0xa3: {  	[sflag:s23] =	ssyncset.done $0x0  }
0xa4: {  	s25 =	simm.s32 $0x1B8E;
	s24 =	sld [smem:$0x3FFE];
	[sflag:s23] =	ssyncadd.s32 $0xFFFFFFFF  }
0xa5: {  	s26 =	simm.s32 $execute0_lowered;
	[smem:$0x3FD2] =	sst s25  }
0xa6: {  	s5 =	sshll.u32 s26, $0x1;
	_ =	strace $0x80000046;
	[dreg:$0x1] =	wrdreg $0xFFFFFFFF  }
0xa7: {  	s28 =	simm.s32 $_size_execute0_lowered;
	s3 =	sadd.s32 s3, s5;
	[dreg:$0x0] =	wrdreg $0x0  }
0xa8: {  	s5 =	sshll.u32 s28, $0x1;
	[dreg:$0x2] =	wrdreg s3  }
0xa9: {  	[dreg:$0x3] =	wrdreg s5  }
0xaa: {  	[dreg:$0x4] =	wrdreg $0xC0  }
0xab: {  	_ =	task [dreg:s7], $0x5FFFF  }
0xac: {  	[dreg:$0x1] =	wrdreg $0xFFFFFFFF  }
0xad: {  	[dreg:$0x0] =	wrdreg $0x60  }
0xae: {  	[dreg:$0x2] =	wrdreg s2  }
0xaf: {  	[dreg:$0x3] =	wrdreg s24  }
0xb0: {  	[dreg:$0x4] =	wrdreg $0x17800  }
0xb1: {  	[dreg:$0x5] =	wrdreg $0x9  }
0xb2: {  	_ =	task.clear_ibuf [dreg:s7], $0x6FFFF;
	_ =	strace $0x90000046  }
0xb3: {  	s29 =	simm.s32 $0x9;
	_ =	strace $0x80000048  }
0xb4: {  	_ =	swait.ge [sflag:s29], $0x1  }
0xb5: {  	[sflag:s29] =	ssyncadd.s32 $0xFFFFFFFF  }
0xb6: {  	_ =	strace $0x90000048  }
0xb7: {  	_ =	sfence  }
0xb8: {  	s30 =	sld [smem:$0x0];
	_ =	sdelay $0x2  }
0xb9: {  	s31 =	sshll.u32 s1, $0xD;
	s1 =	sshrl.u32 s1, $0x2  }
0xba: {  	s3 =	sand.u32 $0x4000, s31;
	s1 =	sadd.s32 s1, s30  }
0xbb: {  	s0 =	sor.u32 s3, s0;
	s1 =	sshll.u32 s1, $0x11  }
0xbc: {  	s0 =	sor.u32 s1, s0  }
0xbd: {  	s0 =	sadd.s32 $0x8F2B, s0  }
0xbe: {  	[sflag:s0] =	ssyncadd.remote.s32 $0x1  }
0xbf: {  	_ =	sfence.sel $0xFFFF  }
0xc0: {  	[dreg:$0x0] =	wrdreg $0xFFFFFFFF;
	(pc) =	sbr.abs _section_cstart, $3  }
0xc1: {  	[dreg:$0x1] =	wrdreg $0xFFFFFFFF  }
0xc2: {  	_ =	task.clear_ibuf [dreg:s7], $0x2FFFF;
	_ =	strace $0x9FFFFFFF  }
0xc3: {  	(tm) =	ssettm $0x7FFFFFFF  }
tec
execute0_lowered:
.L_overlay_start_1:
0x0: {  	(tag) =	ssettag $0x1  }
0x1: {  	s1 =	rddreg [dreg:$0x0]  }
0x2: {  	s6 =	rddreg [dreg:$0x1]  }
0x3: {  	s3 =	rddreg [dreg:$0x2]  }
0x4: {  	s0 =	rddreg [dreg:$0x3]  }
0x5: {  	s4 =	simm.s32 $0x0;
	s5 =	srdreg.scid;
	s2 =	stileid.u32  }
0x6: {  	s16 =	simm.s32 $0x80;
	s17 =	simm.s32 $0x1;
	s18 =	simm.s32 $0x2  }
0x7: {  	s19 =	simm.s32 $0x0;
	[smem:$0x7FF] =	sst s4;
	s7 =	sand.u32 $0x1, s5  }
0x8: {  	s28 =	sshll.u32 s2, $0x1;
	s9 =	smul.u32 $0x270, s2;
	s10 =	sadd.s32 $0x4000, s6  }
0x9: {  	s5 =	sadd.s32 $0x22000, s6;
	s15 =	sadd.s32 $0x22600, s6;
	p0 =	sne.s32 s2, $0xF  }
0xa: {  	_ =	strace $0x80000047;
	s8 =	sor.u32 s7, s28;
	s29 =	smul.u32 $0x2710, s7  }
0xb: {  	s11 =	ssub.s32 $0x2, s7;
	s7 =	sadd.s32 $0x2700, s3;
	s12 =	smul.u32 $0x500, s8  }
0xc: {  	s13 =	sshrl.u32 s11, $0x1;
	s14 =	smul.u32 $0x2800, s8;
	s6 =	sadd.s32 s9, s3  }
0xd: {  	s13 =	ssub.s32 s11, s13;
	s9 =	sadd.s32 s9, s29;
	s11 =	sshrl.u32 s29, $0x3  }
0xe: {  	s8 =	sadd.s32 s10, s12;
	s30 =	sshrl.u32 s14, $0x3;
	s31 =	sshrl.u32 s9, $0x3  }
0xf: {  	s11 =	sadd.s32 s15, s11;
	s12 =	smax.u32 s13, $0x1;
	s13 =	simm.s32 $0x1480  }
0x10: {  	s14 =	simm.s32 $0x3;
	s10 =	sadd.s32 s10, s30;
	s11 =	sadd.s32 $0x4E0, s11  }
0x11: {  	s9 =	sadd.s32 $0x280, s10;
	s10 =	sadd.s32 s15, s31;
	s15 =	simm.s32 $0x1400  }
.LBB2_1:
0x12: {  	[tilespmem:s13], [sflag:$0x3] =	stream.linear.gather [hbm4b:s5+s4], $0x288, $0x38;
	[tilespmem:$0x19F8] =	vst v63  }
0x13: {  	_ =	swait.ge [sflag:s14], $0x288  }
0x14: {  	[sflag:s14] =	ssyncset.done $0x0  }
0x15: {  	[sflag:s14] =	ssyncadd.s32 $0xFFFFFD78  }
0x16: {  	[spmem:s6] =	stream.linear.scatter [tilespmem:s13], [sflag:$0x3], $0x270, $0x38;
	[tilespmem:$0x19F8] =	vst v63  }
0x17: {  	_ =	swait.ge [sflag:s14], $0x270  }
0x18: {  	[sflag:s14] =	ssyncset.done $0x0  }
0x19: {  	s20 =	simm.s32 @!p0 $0x16F0;
	[sflag:s14] =	ssyncadd.s32 $0xFFFFFD90  }
0x1a: {  	[spmem:s7] =	stream.linear.scatter @!p0 [tilespmem:s20], [sflag:$0x3], $0x18, $0x38;
	[tilespmem:$0x19F8] =	vst v63  }
0x1b: {  	s20 =	simm.s32 @!p0 $0x3  }
0x1c: {  	_ =	swait.ge @!p0 [sflag:s20], $0x18  }
0x1d: {  	[sflag:s20] =	ssyncset.done @!p0 $0x0  }
0x1e: {  	[sflag:s20] =	ssyncadd.s32 @!p0 $0xFFFFFFE8  }
0x1f: {  	[tilespmem:s15], [sflag:$0x3] =	stream.linear.gather [hbm4b:s1+s4], $0x80, $0x38;
	[tilespmem:$0x19F8] =	vst v63  }
0x20: {  	_ =	swait.ge [sflag:s14], $0x80  }
0x21: {  	[sflag:s14] =	ssyncset.done $0x0  }
0x22: {  	[sflag:s14] =	ssyncadd.s32 $0xFFFFFF80  }
0x23: {  	[bflag:$0x0] =	sbarrier.arrive $0xFFFF  }
0x24: {  	[tilespmem:s4], [sflag:$0x3] =	stream.linear.gather [hbm4b:s8+s4], $0x1400, $0x38;
	[tilespmem:$0x19F8] =	vst v63  }
0x25: {  	_ =	swait.ge [sflag:s14], $0x1400  }
0x26: {  	[sflag:s14] =	ssyncset.done $0x0  }
0x27: {  	[sflag:s14] =	ssyncadd.s32 $0xFFFFEC00  }
0x28: {  	[spmem:s3] =	stream.indirect.scatter.add.f32 [tilespmem:s15], [sflag:$0x1], $0x1, s4, s16, $0xb8;
	[tilespmem:$0x19F8] =	vst v63  }
0x29: {  	_ = 	snop  }
0x2a: {  	[spmem:s3] =	stream.indirect.scatter.add.f32 [tilespmem:s15], [sflag:$0x2], $0x1, s16, s16, $0xb8;
	[tilespmem:$0x19F8] =	vst v63  }
0x2b: {  	_ =	swait.ge [sflag:s17], $0x80  }
0x2c: {  	[sflag:s17] =	ssyncset.done $0x0  }
0x2d: {  	s31 =	simm.s32 $0x100;
	[sflag:s17] =	ssyncadd.s32 $0xFFFFFF80  }
0x2e: {  	[spmem:s3] =	stream.indirect.scatter.add.f32 [tilespmem:s15], [sflag:$0x1], $0x1, s31, s16, $0xb8;
	[tilespmem:$0x19F8] =	vst v63  }
0x2f: {  	_ =	swait.ge [sflag:s18], $0x80  }
0x30: {  	[sflag:s18] =	ssyncset.done $0x0  }
0x31: {  	s21 =	simm.s32 $0x180;
	s20 =	simm.s32 $0xFFFFB800;
	[sflag:s18] =	ssyncadd.s32 $0xFFFFFF80  }
.LBB2_2:
0x32: {  	[spmem:s3] =	stream.indirect.scatter.add.f32 [tilespmem:s15], [sflag:$0x2], $0x1, s21, s16, $0xb8;
	[tilespmem:$0x19F8] =	vst v63  }
0x33: {  	s21 =	smov.u32 s20  }
0x34: {  	p1 =	sne.s32 s20, $0xFFFFFC00;
	s20 =	sadd.s32 $0x400, s20;
	_ =	swait.ge [sflag:s17], $0x80  }
0x35: {  	s21 =	sshra.s32 s21, $0x2;
	[sflag:s17] =	ssyncset.done $0x0  }
.Ltmp0:
0x36: {  	s22 =	sadd.s32 $0x1400, s21;
	[sflag:s17] =	ssyncadd.s32 $0xFFFFFF80;
	(pc) =	sbr.rel @p1 .LBB2_2-.Ltmp0, $4  }
0x37: {  	[spmem:s3] =	stream.indirect.scatter.add.f32 [tilespmem:s15], [sflag:$0x1], $0x1, s22, s16, $0xb8;
	[tilespmem:$0x19F8] =	vst v63  }
0x38: {  	_ =	swait.ge [sflag:s18], $0x80  }
0x39: {  	[sflag:s18] =	ssyncset.done $0x0  }
0x3a: {  	s21 =	sadd.s32 $0x1480, s21;
	[sflag:s18] =	ssyncadd.s32 $0xFFFFFF80  }
0x3b: {  	[spmem:s3] =	stream.indirect.scatter.add.f32 [tilespmem:s15], [sflag:$0x2], $0x1, s21, s16, $0xb8;
	[tilespmem:$0x19F8] =	vst v63  }
0x3c: {  	_ =	swait.ge [sflag:s17], $0x80  }
0x3d: {  	[sflag:s17] =	ssyncset.done $0x0  }
0x3e: {  	[sflag:s17] =	ssyncadd.s32 $0xFFFFFF80  }
0x3f: {  	_ =	swait.ge [sflag:s18], $0x80  }
0x40: {  	[sflag:s18] =	ssyncset.done $0x0  }
0x41: {  	[sflag:s18] =	ssyncadd.s32 $0xFFFFFF80  }
0x42: {  	[tilespmem:s4], [sflag:$0x3] =	stream.linear.gather [hbm4b:s9+s4], $0x1400, $0x38;
	[tilespmem:$0x19F8] =	vst v63  }
0x43: {  	_ =	swait.ge [sflag:s14], $0x1400  }
0x44: {  	[sflag:s14] =	ssyncset.done $0x0  }
0x45: {  	[sflag:s14] =	ssyncadd.s32 $0xFFFFEC00  }
0x46: {  	[spmem:s3] =	stream.indirect.scatter.add.f32 [tilespmem:s15], [sflag:$0x1], $0x1, s4, s16, $0xb8;
	[tilespmem:$0x19F8] =	vst v63  }
0x47: {  	_ = 	snop  }
0x48: {  	[spmem:s3] =	stream.indirect.scatter.add.f32 [tilespmem:s15], [sflag:$0x2], $0x1, s16, s16, $0xb8;
	[tilespmem:$0x19F8] =	vst v63  }
0x49: {  	_ =	swait.ge [sflag:s17], $0x80  }
0x4a: {  	[sflag:s17] =	ssyncset.done $0x0  }
0x4b: {  	s20 =	simm.s32 $0x100;
	[sflag:s17] =	ssyncadd.s32 $0xFFFFFF80  }
0x4c: {  	[spmem:s3] =	stream.indirect.scatter.add.f32 [tilespmem:s15], [sflag:$0x1], $0x1, s20, s16, $0xb8;
	[tilespmem:$0x19F8] =	vst v63  }
0x4d: {  	_ =	swait.ge [sflag:s18], $0x80  }
0x4e: {  	[sflag:s18] =	ssyncset.done $0x0  }
0x4f: {  	s21 =	simm.s32 $0x180;
	s20 =	simm.s32 $0xFFFFB800;
	[sflag:s18] =	ssyncadd.s32 $0xFFFFFF80  }
.LBB2_4:
0x50: {  	[spmem:s3] =	stream.indirect.scatter.add.f32 [tilespmem:s15], [sflag:$0x2], $0x1, s21, s16, $0xb8;
	[tilespmem:$0x19F8] =	vst v63  }
0x51: {  	s21 =	smov.u32 s20  }
0x52: {  	p1 =	sne.s32 s20, $0xFFFFFC00;
	s20 =	sadd.s32 $0x400, s20;
	_ =	swait.ge [sflag:s17], $0x80  }
0x53: {  	s21 =	sshra.s32 s21, $0x2;
	[sflag:s17] =	ssyncset.done $0x0  }
.Ltmp1:
0x54: {  	s22 =	sadd.s32 $0x1400, s21;
	[sflag:s17] =	ssyncadd.s32 $0xFFFFFF80;
	(pc) =	sbr.rel @p1 .LBB2_4-.Ltmp1, $4  }
0x55: {  	[spmem:s3] =	stream.indirect.scatter.add.f32 [tilespmem:s15], [sflag:$0x1], $0x1, s22, s16, $0xb8;
	[tilespmem:$0x19F8] =	vst v63  }
0x56: {  	_ =	swait.ge [sflag:s18], $0x80  }
0x57: {  	[sflag:s18] =	ssyncset.done $0x0  }
0x58: {  	s21 =	sadd.s32 $0x1480, s21;
	[sflag:s18] =	ssyncadd.s32 $0xFFFFFF80  }
0x59: {  	[spmem:s3] =	stream.indirect.scatter.add.f32 [tilespmem:s15], [sflag:$0x2], $0x1, s21, s16, $0xb8;
	[tilespmem:$0x19F8] =	vst v63  }
0x5a: {  	_ =	swait.ge [sflag:s17], $0x80  }
0x5b: {  	[sflag:s17] =	ssyncset.done $0x0  }
0x5c: {  	[sflag:s17] =	ssyncadd.s32 $0xFFFFFF80  }
0x5d: {  	_ =	swait.ge [sflag:s18], $0x80  }
0x5e: {  	[sflag:s18] =	ssyncset.done $0x0  }
0x5f: {  	[sflag:s18] =	ssyncadd.s32 $0xFFFFFF80  }
0x60: {  	[bflag:$0x0] =	sbarrier.arrive $0xFFFF  }
0x61: {  	[tilespmem:s13], [sflag:$0x3] =	stream.linear.gather [spmem:s6], $0x270, $0x38;
	[tilespmem:$0x19F8] =	vst v63  }
0x62: {  	_ =	swait.ge [sflag:s14], $0x270  }
0x63: {  	[sflag:s14] =	ssyncset.done $0x0  }
0x64: {  	[sflag:s14] =	ssyncadd.s32 $0xFFFFFD90  }
0x65: {  	[hbm4b:s10+s4] =	stream.linear.scatter [tilespmem:s13], [sflag:$0x3], $0x270, $0x38;
	[tilespmem:$0x19F8] =	vst v63  }
0x66: {  	_ =	swait.ge [sflag:s14], $0x270  }
0x67: {  	[sflag:s14] =	ssyncset.done $0x0  }
0x68: {  	s20 =	simm.s32 @!p0 $0x1480;
	s21 =	simm.s32 @!p0 $0x3;
	[sflag:s14] =	ssyncadd.s32 $0xFFFFFD90  }
0x69: {  	[tilespmem:s20], [sflag:$0x3] =	stream.linear.gather @!p0 [spmem:s7], $0x10, $0x38;
	[tilespmem:$0x19F8] =	vst v63  }
0x6a: {  	s19 =	sadd.s32 $0x1, s19;
	_ =	swait.ge @!p0 [sflag:s21], $0x10  }
0x6b: {  	p1 =	sne.s32 s19, s12;
	[sflag:s21] =	ssyncset.done @!p0 $0x0  }
.Ltmp2:
0x6c: {  	s22 =	simm.s32 @!p0 $0x0;
	[sflag:s21] =	ssyncadd.s32 @!p0 $0xFFFFFFF0;
	(pc) =	sbr.rel @p1 .LBB2_1-.Ltmp2, $4  }
0x6d: {  	[hbm4b:s11+s22] =	stream.linear.scatter @!p0 [tilespmem:s20], [sflag:$0x3], $0x10, $0x38;
	[tilespmem:$0x19F8] =	vst v63  }
0x6e: {  	_ =	swait.ge @!p0 [sflag:s21], $0x10  }
0x6f: {  	[sflag:s21] =	ssyncset.done @!p0 $0x0  }
0x70: {  	[sflag:s21] =	ssyncadd.s32 @!p0 $0xFFFFFFF0  }
0x71: {  	_ =	sfence.sel $0x180000  }
0x72: {  	[bflag:$0x0] =	sbarrier.arrive $0xFFFF  }
0x73: {  	p0 =	sne.s32 s2, $0x0;
	_ =	strace $0x90000047  }
0x74: {  	s0 =	sadd.s32 @!p0 $0x100000, s0;
	[bflag:$0x2] =	sbarrier.arrive $0xFFFF  }
0x75: {  	[sflag:s0] =	ssyncadd.tile.s32 @!p0 $0x1;
	_ =	shalt  }
.Lfunc_end2:
_tile_overlayer_lowered:
.L_overlay_start_2:
0x76: {  	(tag) =	ssettag $0x2  }
0x77: {  	s0 =	rddreg [dreg:$0x0];
	s2 =	stileid.u32  }
0x78: {  	s1 =	rddreg [dreg:$0x1];
	p0 =	sne.s32 s2, $0x0  }
0x79: {  	s3 =	rddreg [dreg:$0x2];
	[bflag:$0x3] =	sbarrier.arrive $0xFFFF;
	s2 =	simm.s32 @!p0 $0x1C03  }
0x7a: {  	[timem:s3], [sflag:s2] =	dma.local @!p0 [hbm:s0], s1  }
0x7b: {  	s0 =	simm.s32 @!p0 $0x3  }
0x7c: {  	_ =	swait.ge @!p0 [sflag:s0], s1  }
0x7d: {  	s1 =	ssub.s32 @!p0 $0x0, s1;
	[sflag:s0] =	ssyncset.done @!p0 $0x0  }
0x7e: {  	[sflag:s0] =	ssyncadd.s32 @!p0 s1  }
0x7f: {  	[bflag:$0x3] =	sbarrier.arrive $0xFFFF  }
0x80: {  	_ =	shalt  }

// kernel: kernel.13.cloned.1.call-start
scs
__scs_entry_jumppad:
0x0: {  	(pc) =	sbr.rel $0x88, $3  }
0x1: {  	(tag) =	ssettag $0x0;
	lr =	simm.s32 $0x1  }
0x2: {  	[smem:$0x3F91] =	sst lr;
	_ =	strace $0xD0000000  }
0x3: {  	_ = 	snop  }
0x4: {  	_ = 	snop  }
0x5: {  	_ = 	snop  }
0x6: {  	_ = 	snop  }
0x7: {  	_ = 	snop  }
__scs_overlays_trampoline_lowered:
0x8: {  	[smem:$0x3FA0] =	sst s0  }
0x9: {  	[smem:$0x3FA1] =	sst s1  }
0xa: {  	[smem:$0x3FA2] =	sst s2  }
0xb: {  	[smem:$0x3FA3] =	sst s3  }
0xc: {  	[smem:$0x3FA4] =	sst s4  }
0xd: {  	[smem:$0x3FA5] =	sst s5  }
0xe: {  	[smem:$0x3FA6] =	sst s6  }
0xf: {  	[smem:$0x3FA7] =	sst s7  }
0x10: {  	[smem:$0x3FA8] =	sst s8  }
0x11: {  	[smem:$0x3FA9] =	sst s9;
	s0 =	simm.s32 @!p0 $0x0  }
0x12: {  	s1 =	sld [smem:$0x3F8F];
	s0 =	simm.s32 @p0 $0x1  }
0x13: {  	[smem:$0x3FAA] =	sst s0;
	s0 =	simm.s32 @!p1 $0x0  }
0x14: {  	s2 =	sld [smem:$0x3F8E];
	s0 =	simm.s32 @p1 $0x1  }
0x15: {  	[smem:$0x3FAB] =	sst s0;
	s0 =	simm.s32 @!p2 $0x0  }
0x16: {  	s3 =	sld [smem:$0x3FDB];
	s0 =	simm.s32 @p2 $0x1  }
0x17: {  	s4 =	simm.s32 $0x1BF5;
	[smem:$0x3FAD] =	sst s0  }
0x18: {  	s0 =	sld [smem:$0x3F90];
	_ =	swait.ge [sflag:s4], $0x0  }
0x19: {  	s7 =	sld [smem:$0x3F91]  }
0x1a: {  	s8 =	sadd.s32 $0xFFFFE003, lr  }
0x1b: {  	s9 =	sadd.s32 $0xFFFFFEF7, lr;
	s5 =	simm.s32 $0xFFFFFFFF;
	p2 =	slt.u32 s8, $0xFFFFF086  }
0x1c: {  	p1 =	slt.u32 s9, $0xF7A;
	s5 =	simm.s32 @!p2 $0x0  }
0x1d: {  	s5 =	simm.s32 @p1 $0x1;
	p0 =	seq.s32 s7, s2  }
0x1e: {  	s7 =	smul.u32 @!p0 $0xF7A, s2;
	p2 =	seq.s32 @!p0 s5, $0x0  }
0x1f: {  	s9 =	smul.u32 $0xF7A, s1;
	s8 =	simm.s32 @!p0 $0x1BF5;
	p2 =	por !p2, p0  }
0x20: {  	[sflag:s8] =	ssyncset.s32 @!p0 $0xFFFFF086;
	s6 =	sadd.s32 @!p0 s3, s7;
	s7 =	simm.s32 @!p0 $0x108  }
0x21: {  	s3 =	sadd.s32 s3, s9;
	s6 =	sadd.s32 @!p0 $0x88, s6;
	s7 =	simm.s32 @p2 $0x1082  }
0x22: {  	[simem:s7], [sflag:s8] =	dma.local @!p0 [hbm:s6], $0xF7A  }
0x23: {  	s9 =	sor.u32 $0xD0000000, s2;
	s6 =	simm.s32 $0x108;
	_ =	swait.ge @!p0 [sflag:s8], $0x0  }
0x24: {  	s3 =	sadd.s32 $0x88, s3;
	s6 =	simm.s32 @!p1 $0x1082;
	[sflag:s4] =	ssyncset.s32 $0xFFFFF086  }
0x25: {  	[simem:s6], [sflag:s4] =	dma.local [hbm:s3], $0xF7A  }
0x26: {  	[smem:$0x3F91] =	sst s1;
	(tag) =	ssettag s2;
	_ =	strace s9  }
0x27: {  	s1 =	sld [smem:$0x3FA1]  }
0x28: {  	s2 =	sld [smem:$0x3FA2]  }
0x29: {  	s4 =	sld [smem:$0x3FA4]  }
0x2a: {  	p0 =	seq.s32 s5, $0x0;
	s5 =	sld [smem:$0x3FA5]  }
0x2b: {  	s6 =	sld [smem:$0x3FA6]  }
0x2c: {  	s7 =	sld [smem:$0x3FA7]  }
0x2d: {  	s3 =	simm.s32 $0x108;
	s8 =	sld [smem:$0x3FA8]  }
0x2e: {  	s3 =	simm.s32 @!p0 $0x1082;
	s9 =	sld [smem:$0x3FA9]  }
0x2f: {  	lr =	sadd.s32 s0, s3;
	s0 =	sld [smem:$0x3FA0]  }
0x30: {  	s3 =	sld [smem:$0x3FA3]  }
0x31: {  	[smem:$0x3FAC] =	sst s10  }
0x32: {  	s10 =	sld [smem:$0x3FAA];
	_ =	sdelay $0x3  }
0x33: {  	p0 =	seq.s32 s10, $0x1;
	s10 =	sld [smem:$0x3FAC];
	_ =	sdelay $0x3  }
0x34: {  	[smem:$0x3FAC] =	sst s10  }
0x35: {  	s10 =	sld [smem:$0x3FAB];
	_ =	sdelay $0x3  }
0x36: {  	p1 =	seq.s32 s10, $0x1;
	s10 =	sld [smem:$0x3FAC];
	_ =	sdelay $0x3  }
0x37: {  	[smem:$0x3FAC] =	sst s10  }
0x38: {  	s10 =	sld [smem:$0x3FAD]  }
0x39: {  	_ = 	snop;
	(pc) =	sbr.ind lr, $3  }
0x3a: {  	_ = 	snop  }
0x3b: {  	_ = 	snop  }
0x3c: {  	p2 =	seq.s32 s10, $0x1;
	s10 =	sld [smem:$0x3FAC]  }
0x3d: {  	_ =	shalt  }
0x3e: {  	_ =	shalt  }
0x3f: {  	_ =	shalt  }
0x40: {  	_ =	shalt  }
0x41: {  	_ =	shalt  }
0x42: {  	_ =	shalt  }
0x43: {  	_ =	shalt  }
0x44: {  	_ =	shalt  }
0x45: {  	_ =	shalt  }
0x46: {  	_ =	shalt  }
0x47: {  	_ =	shalt  }
0x48: {  	_ =	shalt  }
0x49: {  	_ =	shalt  }
0x4a: {  	_ =	shalt  }
0x4b: {  	_ =	shalt  }
0x4c: {  	_ =	shalt  }
0x4d: {  	_ =	shalt  }
0x4e: {  	_ =	shalt  }
0x4f: {  	_ =	shalt  }
0x50: {  	_ =	shalt  }
0x51: {  	_ =	shalt  }
0x52: {  	_ =	shalt  }
0x53: {  	_ =	shalt  }
0x54: {  	_ =	shalt  }
0x55: {  	_ =	shalt  }
0x56: {  	_ =	shalt  }
0x57: {  	_ =	shalt  }
0x58: {  	_ =	shalt  }
0x59: {  	_ =	shalt  }
0x5a: {  	_ =	shalt  }
0x5b: {  	_ =	shalt  }
0x5c: {  	_ =	shalt  }
0x5d: {  	_ =	shalt  }
0x5e: {  	_ =	shalt  }
0x5f: {  	_ =	shalt  }
0x60: {  	_ =	shalt  }
0x61: {  	_ =	shalt  }
0x62: {  	_ =	shalt  }
0x63: {  	_ =	shalt  }
0x64: {  	_ =	shalt  }
0x65: {  	_ =	shalt  }
0x66: {  	_ =	shalt  }
0x67: {  	_ =	shalt  }
0x68: {  	_ =	shalt  }
0x69: {  	_ =	shalt  }
0x6a: {  	_ =	shalt  }
0x6b: {  	_ =	shalt  }
0x6c: {  	_ =	shalt  }
0x6d: {  	_ =	shalt  }
0x6e: {  	_ =	shalt  }
0x6f: {  	_ =	shalt  }
0x70: {  	_ =	shalt  }
0x71: {  	_ =	shalt  }
0x72: {  	_ =	shalt  }
0x73: {  	_ =	shalt  }
0x74: {  	_ =	shalt  }
0x75: {  	_ =	shalt  }
0x76: {  	_ =	shalt  }
0x77: {  	_ =	shalt  }
0x78: {  	_ =	shalt  }
0x79: {  	_ =	shalt  }
0x7a: {  	_ =	shalt  }
0x7b: {  	_ =	shalt  }
0x7c: {  	_ =	shalt  }
0x7d: {  	_ =	shalt  }
0x7e: {  	_ =	shalt  }
0x7f: {  	_ =	shalt  }
0x80: {  	_ =	shalt  }
0x81: {  	_ =	shalt  }
0x82: {  	_ =	shalt  }
0x83: {  	_ =	shalt  }
0x84: {  	_ =	shalt  }
0x85: {  	_ =	shalt  }
0x86: {  	_ =	shalt  }
0x87: {  	_ =	shalt  }
.Lfunc_end0:
.L_simem_size_0:
called_computation.1_lowered:
.L_overlay_start_0:
0x88: {  	s2 =	sld [smem:$0x3FD9]  }
0x89: {  	s3 =	sld [smem:$0x3FFE];
	_ =	sdelay $0x1  }
0x8a: {  	s1 =	srdreg.scid  }
0x8b: {  	s0 =	sand.u32 $0x1, s1  }
0x8c: {  	s16 =	sshll.u32 s0, $0xA;
	s2 =	sadd.s32 s3, s2  }
0x8d: {  	s2 =	sadd.s32 s2, s16  }
0x8e: {  	[smem:$0x3FB8] =	sst s2  }
0x8f: {  	_ = 	snop  }
0x90: {  	(tm) =	ssettm $0x1  }
0x91: {  	s17 =	sld [smem:$0x3FFB];
	_ =	sdelay $0x3  }
0x92: {  	_ =	strace s17  }
0x93: {  	s2 =	sld [smem:$0x3FFC];
	_ =	sdelay $0x3  }
0x94: {  	_ =	strace s2  }
0x95: {  	s2 =	sld [smem:$0x3FFD];
	_ =	sdelay $0x3  }
0x96: {  	_ =	strace s2  }
0x97: {  	_ =	strace $0x8FFFFFFF  }
0x98: {  	s18 =	sld [smem:$0x3FDB];
	_ =	sdelay $0x1  }
0x99: {  	s19 =	simm.s32 $_scs_section_size  }
0x9a: {  	s4 =	simm.s32 $_size__tile_overlayer_lowered;
	s5 =	simm.s32 $_tile_overlayer_lowered  }
0x9b: {  	s22 =	simm.s32 $0x1BFF;
	s21 =	sshll.u32 s5, $0x1;
	s2 =	sadd.s32 s19, s18  }
0x9c: {  	s6 =	simm.s32 $0x0;
	s20 =	sshll.u32 s4, $0x1;
	s4 =	sadd.s32 s21, s2  }
0x9d: {  	[timem:s6], [sflag:s22] =	dma.local [hbm:s4], s20  }
0x9e: {  	_ =	swait.ge [sflag:s22], s20  }
0x9f: {  	s3 =	ssub.s32 $0x0, s20;
	[sflag:s22] =	ssyncset.done $0x0  }
0xa0: {  	[sflag:s22] =	ssyncadd.s32 s3;
	_ =	sdelay $0x1  }
0xa1: {  	s23 =	simm.s32 $0x1B8B  }
0xa2: {  	_ =	swait.ge [sflag:s23], $0x1  }
0xa3: {  	[sflag:s23] =	ssyncset.done $0x0  }
0xa4: {  	s25 =	simm.s32 $0x1B8E;
	s24 =	sld [smem:$0x3FFE];
	[sflag:s23] =	ssyncadd.s32 $0xFFFFFFFF  }
0xa5: {  	s26 =	simm.s32 $execute0_lowered;
	[smem:$0x3FD2] =	sst s25  }
0xa6: {  	s4 =	sshll.u32 s26, $0x1;
	_ =	strace $0x80000049;
	[dreg:$0x1] =	wrdreg $0xFFFFFFFF  }
0xa7: {  	s28 =	simm.s32 $_size_execute0_lowered;
	s2 =	sadd.s32 s2, s4;
	[dreg:$0x0] =	wrdreg $0x0  }
0xa8: {  	s4 =	sshll.u32 s28, $0x1;
	[dreg:$0x2] =	wrdreg s2  }
0xa9: {  	[dreg:$0x3] =	wrdreg s4  }
0xaa: {  	[dreg:$0x4] =	wrdreg $0xC0  }
0xab: {  	_ =	task [dreg:s6], $0x5FFFF  }
0xac: {  	[dreg:$0x1] =	wrdreg $0xFFFFFFFF  }
0xad: {  	[dreg:$0x0] =	wrdreg $0x60  }
0xae: {  	[dreg:$0x2] =	wrdreg s24  }
0xaf: {  	[dreg:$0x3] =	wrdreg $0xB0000  }
0xb0: {  	[dreg:$0x4] =	wrdreg $0x9  }
0xb1: {  	_ =	task.clear_ibuf [dreg:s6], $0x5FFFF;
	_ =	strace $0x90000049  }
0xb2: {  	s29 =	simm.s32 $0x9;
	_ =	strace $0x8000004B  }
0xb3: {  	_ =	swait.ge [sflag:s29], $0x1  }
0xb4: {  	[sflag:s29] =	ssyncadd.s32 $0xFFFFFFFF  }
0xb5: {  	_ =	strace $0x9000004B  }
0xb6: {  	_ =	sfence  }
0xb7: {  	s30 =	sld [smem:$0x0];
	_ =	sdelay $0x2  }
0xb8: {  	s31 =	sshll.u32 s1, $0xD;
	s1 =	sshrl.u32 s1, $0x2  }
0xb9: {  	s3 =	sand.u32 $0x4000, s31;
	s1 =	sadd.s32 s1, s30  }
0xba: {  	s0 =	sor.u32 s3, s0;
	s1 =	sshll.u32 s1, $0x11  }
0xbb: {  	s0 =	sor.u32 s1, s0  }
0xbc: {  	s0 =	sadd.s32 $0x8F2B, s0  }
0xbd: {  	[sflag:s0] =	ssyncadd.remote.s32 $0x1  }
0xbe: {  	_ =	sfence.sel $0xFFFF  }
0xbf: {  	[dreg:$0x0] =	wrdreg $0xFFFFFFFF;
	(pc) =	sbr.abs _section_cstart, $3  }
0xc0: {  	[dreg:$0x1] =	wrdreg $0xFFFFFFFF  }
0xc1: {  	_ =	task.clear_ibuf [dreg:s6], $0x2FFFF;
	_ =	strace $0x9FFFFFFF  }
0xc2: {  	(tm) =	ssettm $0x7FFFFFFF  }
0xc3: {  	_ =	shalt  }
tec
execute0_lowered:
.L_overlay_start_1:
0x0: {  	(tag) =	ssettag $0x1  }
0x1: {  	s0 =	rddreg [dreg:$0x0]  }
0x2: {  	s2 =	rddreg [dreg:$0x1];
	s3 =	simm.s32 $0x0;
	s21 =	stileid.u32  }
0x3: {  	s5 =	srdreg.scid;
	s28 =	simm.s32 $0x2;
	s29 =	simm.s32 $0x3  }
0x4: {  	s30 =	simm.s32 $0x4;
	[smem:$0x7FF] =	sst s3;
	s1 =	smul.u32 $0x13800, s21  }
0x5: {  	s4 =	sadd.s32 $0x22000, s0;
	s10 =	sadd.s32 $0x18000, s0;
	s11 =	sand.u32 $0x1, s5  }
0x6: {  	s16 =	sadd.s32 $0xE000, s0;
	s8 =	smul.u32 $0x4E000, s21;
	s18 =	sadd.s32 $0x70400, s0  }
0x7: {  	s22 =	sshll.u32 s21, $0x6;
	s9 =	smul.u32 $0x5000, s21;
	p0 =	sne.s32 s21, $0xF  }
0x8: {  	_ =	strace $0x8000004A;
	s6 =	ssub.s32 $0x2, s11;
	p1 =	sne.s32 s11, $0x0  }
0x9: {  	s15 =	sshrl.u32 s1, $0x3;
	s17 =	sshrl.u32 s6, $0x1;
	s19 =	sshrl.u32 s8, $0x2  }
0xa: {  	s8 =	sadd.s32 $0x138000, s2;
	s7 =	sadd.s32 s15, s0;
	s20 =	ssub.s32 s6, s17  }
0xb: {  	s15 =	smul.u32 $0xA00, s21;
	s5 =	sadd.s32 s19, s2;
	s17 =	sshrl.u32 s9, $0x3  }
0xc: {  	s9 =	sadd.s32 $0x70200, s0;
	s19 =	smul.u32 $0x138800, s11;
	s21 =	simm.s32 $0x5  }
0xd: {  	s6 =	sadd.s32 $0x49200, s7;
	s7 =	sor.u32 $0x1C05, s22;
	s24 =	sadd.s32 $0x800, s17  }
0xe: {  	s26 =	sadd.s32 $0x300, s17;
	s20 =	smax.u32 s20, $0x1;
	s22 =	simm.s32 $0x1800  }
0xf: {  	s12 =	sadd.s32 $0x580, s15;
	s25 =	sadd.s32 s16, s24;
	s13 =	sadd.s32 s10, s24  }
0x10: {  	s14 =	sadd.s32 s16, s15;
	s15 =	sadd.s32 s10, s15;
	s1 =	sadd.s32 s1, s19  }
0x11: {  	s31 =	sshrl.u32 s19, $0x3;
	s17 =	sadd.s32 s10, s26;
	s24 =	simm.s32 $0x3000  }
.Ltmp0:
0x12: {  	s23 =	sadd.s32 s16, s12;
	s12 =	sadd.s32 s10, s12;
	(pc) =	sbr.rel .LBB2_1-.Ltmp0, $4  }
0x13: {  	[dreg:$0x5] =	wrdreg s25;
	s16 =	sadd.s32 s16, s26;
	s1 =	sshrl.u32 s1, $0x3  }
0x14: {  	s19 =	sadd.s32 s18, s31;
	s25 =	simm.s32 $0x1;
	[dreg:$0x3] =	wrdreg s23  }
0x15: {  	s26 =	simm.s32 $0x7000;
	[dreg:$0x4] =	wrdreg s12;
	s18 =	sadd.s32 s18, s1  }
0x16: {  	s19 =	sadd.s32 $0x27000, s19;
	s23 =	simm.s32 $0x80;
	s1 =	simm.s32 $0x0  }
.LBB2_6:
0x17: {  	[tilespmem:s26], [sflag:$0x2] =	stream.indirect.gather [hbm4b:s4+s23], $0x80, s11, s23, $0xb8;
	[tilespmem:$0x1E8C0] =	vst v63  }
0x18: {  	s10 =	simm.s32 $0x2B80  }
.LBB2_12:
0x19: {  	_ =	swait.ge [sflag:s28], $0x4000  }
0x1a: {  	[sflag:s28] =	ssyncset.done $0x0  }
0x1b: {  	[sflag:s28] =	ssyncadd.s32 $0xFFFFC000  }
0x1c: {  	[spmem:s2] =	stream.indirect.scatter.add.f32 [tilespmem:s26], [sflag:$0x4], $0x80, s10, s23, $0xb8;
	[tilespmem:$0x1E8C0] =	vst v63  }
0x1d: {  	_ =	swait.ge [sflag:s29], $0x4000  }
0x1e: {  	[sflag:s29] =	ssyncset.done $0x0  }
0x1f: {  	[sflag:s29] =	ssyncadd.s32 $0xFFFFC000  }
0x20: {  	_ =	swait.ge [sflag:s30], $0x4000  }
0x21: {  	[sflag:s30] =	ssyncset.done $0x0  }
0x22: {  	[sflag:s30] =	ssyncadd.s32 $0xFFFFC000  }
0x23: {  	[bflag:$0x0] =	sbarrier.arrive $0xFFFF  }
0x24: {  	[hbm:s18], [sflag:s7] =	dma.local [spmem:s31], $0x2700  }
0x25: {  	_ =	swait.ge [sflag:s21], $0x2700  }
0x26: {  	s1 =	sadd.s32 $0x1, s1;
	[sflag:s21] =	ssyncset.done $0x0  }
0x27: {  	p2 =	sne.s32 s1, s20;
	[sflag:s21] =	ssyncadd.s32 $0xFFFFD900  }
0x28: {  	[hbm:s19], [sflag:s7] =	dma.local @!p0 [spmem:s0], $0x100  }
.Ltmp1:
0x29: {  	_ = 	snop;
	(pc) =	sbr.rel @!p2 .LBB2_13-.Ltmp1, $4  }
0x2a: {  	s0 =	simm.s32 @!p0 $0x5  }
0x2b: {  	_ =	swait.ge @!p0 [sflag:s0], $0x100  }
0x2c: {  	[sflag:s0] =	ssyncset.done @!p0 $0x0  }
0x2d: {  	[sflag:s0] =	ssyncadd.s32 @!p0 $0xFFFFFF00  }
.LBB2_1:
0x2e: {  	s31 =	sshrl.u32 s5, $0x3  }
0x2f: {  	[spmem:s31], [sflag:s7] =	dma.local [hbm:s6], $0x2700  }
0x30: {  	_ =	swait.ge [sflag:s21], $0x2700  }
0x31: {  	[sflag:s21] =	ssyncset.done $0x0  }
0x32: {  	s0 =	sshrl.u32 @!p0 s8, $0x3;
	s10 =	simm.s32 @!p0 $0x5;
	[sflag:s21] =	ssyncadd.s32 $0xFFFFD900  }
0x33: {  	[spmem:s0], [sflag:s7] =	dma.local @!p0 [hbm:s9], $0x100  }
.Ltmp2:
0x34: {  	_ =	swait.ge @!p0 [sflag:s10], $0x100;
	(pc) =	sbr.rel @p1 .LBB2_7-.Ltmp2, $3  }
0x35: {  	[sflag:s10] =	ssyncset.done @!p0 $0x0  }
0x36: {  	[sflag:s10] =	ssyncadd.s32 @!p0 $0xFFFFFF00  }
0x37: {  	[bflag:$0x0] =	sbarrier.arrive $0xFFFF;
	_ =	sdelay $0x1  }
0x38: {  	[tilespmem:s22], [sflag:$0x5] =	stream.linear.gather [hbm4b:s14+s3], $0x1800, $0x38;
	[tilespmem:$0x1E8C0] =	vst v63  }
0x39: {  	_ =	swait.ge [sflag:s21], $0x1800  }
0x3a: {  	[sflag:s21] =	ssyncset.done $0x0  }
0x3b: {  	[sflag:s21] =	ssyncadd.s32 $0xFFFFE800  }
0x3c: {  	[tilespmem:s3], [sflag:$0x5] =	stream.linear.gather [hbm4b:s15+s3], $0x1800, $0x38;
	[tilespmem:$0x1E8C0] =	vst v63  }
0x3d: {  	_ =	swait.ge [sflag:s21], $0x1800  }
0x3e: {  	[sflag:s21] =	ssyncset.done $0x0  }
0x3f: {  	[sflag:s21] =	ssyncadd.s32 $0xFFFFE800  }
0x40: {  	[tilespmem:s24], [sflag:$0x1] =	stream.indirect.gather [hbm4b:s4+s23], $0x80, s3, s23, $0xb8;
	[tilespmem:$0x1E8C0] =	vst v63  }
0x41: {  	_ =	swait.ge [sflag:s25], $0x4000  }
0x42: {  	[sflag:s25] =	ssyncset.done $0x0  }
0x43: {  	[sflag:s25] =	ssyncadd.s32 $0xFFFFC000  }
0x44: {  	[spmem:s2] =	stream.indirect.scatter.add.f32 [tilespmem:s24], [sflag:$0x3], $0x80, s22, s23, $0xb8;
	[tilespmem:$0x1E8C0] =	vst v63  }
0x45: {  	_ = 	snop  }
0x46: {  	[tilespmem:s26], [sflag:$0x2] =	stream.indirect.gather [hbm4b:s4+s23], $0x80, s23, s23, $0xb8;
	[tilespmem:$0x1E8C0] =	vst v63  }
0x47: {  	_ =	swait.ge [sflag:s28], $0x4000  }
0x48: {  	[sflag:s28] =	ssyncset.done $0x0  }
0x49: {  	s10 =	simm.s32 $0x1880;
	[sflag:s28] =	ssyncadd.s32 $0xFFFFC000  }
0x4a: {  	[spmem:s2] =	stream.indirect.scatter.add.f32 [tilespmem:s26], [sflag:$0x4], $0x80, s10, s23, $0xb8;
	[tilespmem:$0x1E8C0] =	vst v63  }
0x4b: {  	_ =	swait.ge [sflag:s29], $0x4000  }
0x4c: {  	[sflag:s29] =	ssyncset.done $0x0  }
0x4d: {  	s11 =	simm.s32 $0x100;
	[sflag:s29] =	ssyncadd.s32 $0xFFFFC000  }
0x4e: {  	[tilespmem:s24], [sflag:$0x1] =	stream.indirect.gather [hbm4b:s4+s23], $0x80, s11, s23, $0xb8;
	[tilespmem:$0x1E8C0] =	vst v63  }
0x4f: {  	_ =	swait.ge [sflag:s25], $0x4000  }
0x50: {  	[sflag:s25] =	ssyncset.done $0x0  }
0x51: {  	s12 =	simm.s32 $0x1900;
	[sflag:s25] =	ssyncadd.s32 $0xFFFFC000  }
0x52: {  	[spmem:s2] =	stream.indirect.scatter.add.f32 [tilespmem:s24], [sflag:$0x3], $0x80, s12, s23, $0xb8;
	[tilespmem:$0x1E8C0] =	vst v63  }
0x53: {  	_ =	swait.ge [sflag:s30], $0x4000  }
0x54: {  	[sflag:s30] =	ssyncset.done $0x0  }
0x55: {  	s10 =	simm.s32 $0xFFFFA800;
	s11 =	simm.s32 $0x180;
	[sflag:s30] =	ssyncadd.s32 $0xFFFFC000  }
.LBB2_3:
0x56: {  	[tilespmem:s26], [sflag:$0x2] =	stream.indirect.gather [hbm4b:s4+s23], $0x80, s11, s23, $0xb8;
	[tilespmem:$0x1E8C0] =	vst v63  }
0x57: {  	s11 =	smov.u32 s10  }
0x58: {  	p2 =	sne.s32 s10, $0xFFFFFC00;
	s10 =	sadd.s32 $0x400, s10;
	_ =	swait.ge [sflag:s28], $0x4000  }
0x59: {  	s11 =	sshra.s32 s11, $0x2;
	[sflag:s28] =	ssyncset.done $0x0  }
0x5a: {  	s12 =	sadd.s32 $0x2F80, s11;
	[sflag:s28] =	ssyncadd.s32 $0xFFFFC000  }
0x5b: {  	[spmem:s2] =	stream.indirect.scatter.add.f32 [tilespmem:s26], [sflag:$0x4], $0x80, s12, s23, $0xb8;
	[tilespmem:$0x1E8C0] =	vst v63  }
0x5c: {  	_ =	swait.ge [sflag:s29], $0x4000  }
0x5d: {  	[sflag:s29] =	ssyncset.done $0x0  }
0x5e: {  	s12 =	sadd.s32 $0x1800, s11;
	[sflag:s29] =	ssyncadd.s32 $0xFFFFC000  }
0x5f: {  	[tilespmem:s24], [sflag:$0x1] =	stream.indirect.gather [hbm4b:s4+s23], $0x80, s12, s23, $0xb8;
	[tilespmem:$0x1E8C0] =	vst v63  }
0x60: {  	_ =	swait.ge [sflag:s25], $0x4000  }
0x61: {  	[sflag:s25] =	ssyncset.done $0x0  }
.Ltmp3:
0x62: {  	s12 =	sadd.s32 $0x3000, s11;
	[sflag:s25] =	ssyncadd.s32 $0xFFFFC000;
	(pc) =	sbr.rel @p2 .LBB2_3-.Ltmp3, $4  }
0x63: {  	[spmem:s2] =	stream.indirect.scatter.add.f32 [tilespmem:s24], [sflag:$0x3], $0x80, s12, s23, $0xb8;
	[tilespmem:$0x1E8C0] =	vst v63  }
0x64: {  	_ =	swait.ge [sflag:s30], $0x4000  }
0x65: {  	[sflag:s30] =	ssyncset.done $0x0  }
0x66: {  	s11 =	sadd.s32 $0x1880, s11;
	[sflag:s30] =	ssyncadd.s32 $0xFFFFC000  }
0x67: {  	[tilespmem:s26], [sflag:$0x2] =	stream.indirect.gather [hbm4b:s4+s23], $0x80, s11, s23, $0xb8;
	[tilespmem:$0x1E8C0] =	vst v63  }
0x68: {  	_ =	swait.ge [sflag:s28], $0x4000  }
0x69: {  	[sflag:s28] =	ssyncset.done $0x0  }
0x6a: {  	s10 =	simm.s32 $0x2F80;
	[sflag:s28] =	ssyncadd.s32 $0xFFFFC000  }
0x6b: {  	[spmem:s2] =	stream.indirect.scatter.add.f32 [tilespmem:s26], [sflag:$0x4], $0x80, s10, s23, $0xb8;
	[tilespmem:$0x1E8C0] =	vst v63  }
0x6c: {  	_ =	swait.ge [sflag:s29], $0x4000  }
0x6d: {  	[sflag:s29] =	ssyncset.done $0x0  }
0x6e: {  	[sflag:s29] =	ssyncadd.s32 $0xFFFFC000  }
0x6f: {  	_ =	swait.ge [sflag:s30], $0x4000  }
0x70: {  	[sflag:s30] =	ssyncset.done $0x0  }
0x71: {  	[sflag:s30] =	ssyncadd.s32 $0xFFFFC000  }
0x72: {  	[tilespmem:s22], [sflag:$0x5] =	stream.linear.gather [hbm4b:s16+s3], $0x1400, $0x38;
	[tilespmem:$0x1E8C0] =	vst v63  }
0x73: {  	_ =	swait.ge [sflag:s21], $0x1400  }
0x74: {  	[sflag:s21] =	ssyncset.done $0x0  }
0x75: {  	[sflag:s21] =	ssyncadd.s32 $0xFFFFEC00  }
0x76: {  	[tilespmem:s3], [sflag:$0x5] =	stream.linear.gather [hbm4b:s17+s3], $0x1400, $0x38;
	[tilespmem:$0x1E8C0] =	vst v63  }
0x77: {  	_ =	swait.ge [sflag:s21], $0x1400  }
0x78: {  	[sflag:s21] =	ssyncset.done $0x0  }
0x79: {  	[sflag:s21] =	ssyncadd.s32 $0xFFFFEC00  }
0x7a: {  	[tilespmem:s24], [sflag:$0x1] =	stream.indirect.gather [hbm4b:s4+s23], $0x80, s3, s23, $0xb8;
	[tilespmem:$0x1E8C0] =	vst v63  }
0x7b: {  	_ =	swait.ge [sflag:s25], $0x4000  }
0x7c: {  	[sflag:s25] =	ssyncset.done $0x0  }
0x7d: {  	[sflag:s25] =	ssyncadd.s32 $0xFFFFC000  }
0x7e: {  	[spmem:s2] =	stream.indirect.scatter.add.f32 [tilespmem:s24], [sflag:$0x3], $0x80, s22, s23, $0xb8;
	[tilespmem:$0x1E8C0] =	vst v63  }
0x7f: {  	_ = 	snop  }
0x80: {  	[tilespmem:s26], [sflag:$0x2] =	stream.indirect.gather [hbm4b:s4+s23], $0x80, s23, s23, $0xb8;
	[tilespmem:$0x1E8C0] =	vst v63  }
0x81: {  	_ =	swait.ge [sflag:s28], $0x4000  }
0x82: {  	[sflag:s28] =	ssyncset.done $0x0  }
0x83: {  	s12 =	simm.s32 $0x1880;
	[sflag:s28] =	ssyncadd.s32 $0xFFFFC000  }
0x84: {  	[spmem:s2] =	stream.indirect.scatter.add.f32 [tilespmem:s26], [sflag:$0x4], $0x80, s12, s23, $0xb8;
	[tilespmem:$0x1E8C0] =	vst v63  }
0x85: {  	_ =	swait.ge [sflag:s29], $0x4000  }
0x86: {  	[sflag:s29] =	ssyncset.done $0x0  }
0x87: {  	s11 =	simm.s32 $0x100;
	[sflag:s29] =	ssyncadd.s32 $0xFFFFC000  }
0x88: {  	[tilespmem:s24], [sflag:$0x1] =	stream.indirect.gather [hbm4b:s4+s23], $0x80, s11, s23, $0xb8;
	[tilespmem:$0x1E8C0] =	vst v63  }
0x89: {  	_ =	swait.ge [sflag:s25], $0x4000  }
0x8a: {  	p2 =	por $0x0, $0x0;
	[sflag:s25] =	ssyncset.done $0x0  }
.Ltmp4:
0x8b: {  	s12 =	simm.s32 $0x1900;
	[sflag:s25] =	ssyncadd.s32 $0xFFFFC000;
	(pc) =	sbr.rel @p2 .LBB2_6-.Ltmp4, $4  }
0x8c: {  	[spmem:s2] =	stream.indirect.scatter.add.f32 [tilespmem:s24], [sflag:$0x3], $0x80, s12, s23, $0xb8;
	[tilespmem:$0x1E8C0] =	vst v63  }
0x8d: {  	_ =	swait.ge [sflag:s30], $0x4000  }
0x8e: {  	[sflag:s30] =	ssyncset.done $0x0  }
0x8f: {  	s10 =	simm.s32 $0xFFFFB800;
	s11 =	simm.s32 $0x180;
	[sflag:s30] =	ssyncadd.s32 $0xFFFFC000  }
.LBB2_5:
0x90: {  	[tilespmem:s26], [sflag:$0x2] =	stream.indirect.gather [hbm4b:s4+s23], $0x80, s11, s23, $0xb8;
	[tilespmem:$0x1E8C0] =	vst v63  }
0x91: {  	s11 =	smov.u32 s10  }
0x92: {  	p2 =	seq.s32 s10, $0xFFFFFC00;
	s10 =	sadd.s32 $0x400, s10;
	_ =	swait.ge [sflag:s28], $0x4000  }
0x93: {  	s11 =	sshra.s32 s11, $0x2;
	[sflag:s28] =	ssyncset.done $0x0  }
0x94: {  	s12 =	sadd.s32 $0x2B80, s11;
	[sflag:s28] =	ssyncadd.s32 $0xFFFFC000  }
0x95: {  	[spmem:s2] =	stream.indirect.scatter.add.f32 [tilespmem:s26], [sflag:$0x4], $0x80, s12, s23, $0xb8;
	[tilespmem:$0x1E8C0] =	vst v63  }
0x96: {  	_ =	swait.ge [sflag:s29], $0x4000  }
0x97: {  	[sflag:s29] =	ssyncset.done $0x0  }
0x98: {  	s12 =	sadd.s32 $0x1400, s11;
	[sflag:s29] =	ssyncadd.s32 $0xFFFFC000  }
0x99: {  	[tilespmem:s24], [sflag:$0x1] =	stream.indirect.gather [hbm4b:s4+s23], $0x80, s12, s23, $0xb8;
	[tilespmem:$0x1E8C0] =	vst v63  }
0x9a: {  	_ =	swait.ge [sflag:s25], $0x4000  }
0x9b: {  	[sflag:s25] =	ssyncset.done $0x0  }
.Ltmp5:
0x9c: {  	s12 =	sadd.s32 $0x2C00, s11;
	[sflag:s25] =	ssyncadd.s32 $0xFFFFC000;
	(pc) =	sbr.rel @!p2 .LBB2_5-.Ltmp5, $4  }
0x9d: {  	[spmem:s2] =	stream.indirect.scatter.add.f32 [tilespmem:s24], [sflag:$0x3], $0x80, s12, s23, $0xb8;
	[tilespmem:$0x1E8C0] =	vst v63  }
0x9e: {  	_ =	swait.ge [sflag:s30], $0x4000  }
0x9f: {  	[sflag:s30] =	ssyncset.done $0x0  }
0xa0: {  	s11 =	sadd.s32 $0x1480, s11;
	[sflag:s30] =	ssyncadd.s32 $0xFFFFC000  }
.Ltmp6:
0xa1: {  	_ = 	snop;
	(pc) =	sbr.rel .LBB2_6-.Ltmp6, $1  }
0xa2: {  	_ =	sdelay $0x3  }
.LBB2_7:
0xa3: {  	s10 =	rddreg [dreg:$0x3]  }
0xa4: {  	[tilespmem:s22], [sflag:$0x5] =	stream.linear.gather [hbm4b:s10+s3], $0x1400, $0x38;
	[tilespmem:$0x1E8C0] =	vst v63  }
0xa5: {  	_ =	swait.ge [sflag:s21], $0x1400  }
0xa6: {  	[sflag:s21] =	ssyncset.done $0x0  }
0xa7: {  	s11 =	rddreg [dreg:$0x4];
	[sflag:s21] =	ssyncadd.s32 $0xFFFFEC00  }
0xa8: {  	[tilespmem:s3], [sflag:$0x5] =	stream.linear.gather [hbm4b:s11+s3], $0x1400, $0x38;
	[tilespmem:$0x1E8C0] =	vst v63  }
0xa9: {  	_ =	swait.ge [sflag:s21], $0x1400  }
0xaa: {  	[sflag:s21] =	ssyncset.done $0x0  }
0xab: {  	[sflag:s21] =	ssyncadd.s32 $0xFFFFEC00  }
0xac: {  	[tilespmem:s24], [sflag:$0x1] =	stream.indirect.gather [hbm4b:s4+s23], $0x80, s3, s23, $0xb8;
	[tilespmem:$0x1E8C0] =	vst v63  }
0xad: {  	_ =	swait.ge [sflag:s25], $0x4000  }
0xae: {  	[sflag:s25] =	ssyncset.done $0x0  }
0xaf: {  	[sflag:s25] =	ssyncadd.s32 $0xFFFFC000  }
0xb0: {  	[spmem:s2] =	stream.indirect.scatter.add.f32 [tilespmem:s24], [sflag:$0x3], $0x80, s22, s23, $0xb8;
	[tilespmem:$0x1E8C0] =	vst v63  }
0xb1: {  	_ = 	snop  }
0xb2: {  	[tilespmem:s26], [sflag:$0x2] =	stream.indirect.gather [hbm4b:s4+s23], $0x80, s23, s23, $0xb8;
	[tilespmem:$0x1E8C0] =	vst v63  }
0xb3: {  	_ =	swait.ge [sflag:s28], $0x4000  }
0xb4: {  	[sflag:s28] =	ssyncset.done $0x0  }
0xb5: {  	s12 =	simm.s32 $0x1880;
	[sflag:s28] =	ssyncadd.s32 $0xFFFFC000  }
0xb6: {  	[spmem:s2] =	stream.indirect.scatter.add.f32 [tilespmem:s26], [sflag:$0x4], $0x80, s12, s23, $0xb8;
	[tilespmem:$0x1E8C0] =	vst v63  }
0xb7: {  	_ =	swait.ge [sflag:s29], $0x4000  }
0xb8: {  	[sflag:s29] =	ssyncset.done $0x0  }
0xb9: {  	s11 =	simm.s32 $0x100;
	[sflag:s29] =	ssyncadd.s32 $0xFFFFC000  }
0xba: {  	[tilespmem:s24], [sflag:$0x1] =	stream.indirect.gather [hbm4b:s4+s23], $0x80, s11, s23, $0xb8;
	[tilespmem:$0x1E8C0] =	vst v63  }
0xbb: {  	_ =	swait.ge [sflag:s25], $0x4000  }
0xbc: {  	[sflag:s25] =	ssyncset.done $0x0  }
0xbd: {  	s12 =	simm.s32 $0x1900;
	[sflag:s25] =	ssyncadd.s32 $0xFFFFC000  }
0xbe: {  	[spmem:s2] =	stream.indirect.scatter.add.f32 [tilespmem:s24], [sflag:$0x3], $0x80, s12, s23, $0xb8;
	[tilespmem:$0x1E8C0] =	vst v63  }
0xbf: {  	_ =	swait.ge [sflag:s30], $0x4000  }
0xc0: {  	[sflag:s30] =	ssyncset.done $0x0  }
0xc1: {  	s10 =	simm.s32 $0xFFFFB800;
	s11 =	simm.s32 $0x180;
	[sflag:s30] =	ssyncadd.s32 $0xFFFFC000  }
.LBB2_8:
0xc2: {  	[tilespmem:s26], [sflag:$0x2] =	stream.indirect.gather [hbm4b:s4+s23], $0x80, s11, s23, $0xb8;
	[tilespmem:$0x1E8C0] =	vst v63  }
0xc3: {  	s11 =	smov.u32 s10  }
0xc4: {  	p2 =	sne.s32 s10, $0xFFFFFC00;
	s10 =	sadd.s32 $0x400, s10;
	_ =	swait.ge [sflag:s28], $0x4000  }
0xc5: {  	s11 =	sshra.s32 s11, $0x2;
	[sflag:s28] =	ssyncset.done $0x0  }
0xc6: {  	s12 =	sadd.s32 $0x2B80, s11;
	[sflag:s28] =	ssyncadd.s32 $0xFFFFC000  }
0xc7: {  	[spmem:s2] =	stream.indirect.scatter.add.f32 [tilespmem:s26], [sflag:$0x4], $0x80, s12, s23, $0xb8;
	[tilespmem:$0x1E8C0] =	vst v63  }
0xc8: {  	_ =	swait.ge [sflag:s29], $0x4000  }
0xc9: {  	[sflag:s29] =	ssyncset.done $0x0  }
0xca: {  	s12 =	sadd.s32 $0x1400, s11;
	[sflag:s29] =	ssyncadd.s32 $0xFFFFC000  }
0xcb: {  	[tilespmem:s24], [sflag:$0x1] =	stream.indirect.gather [hbm4b:s4+s23], $0x80, s12, s23, $0xb8;
	[tilespmem:$0x1E8C0] =	vst v63  }
0xcc: {  	_ =	swait.ge [sflag:s25], $0x4000  }
0xcd: {  	[sflag:s25] =	ssyncset.done $0x0  }
.Ltmp7:
0xce: {  	s12 =	sadd.s32 $0x2C00, s11;
	[sflag:s25] =	ssyncadd.s32 $0xFFFFC000;
	(pc) =	sbr.rel @p2 .LBB2_8-.Ltmp7, $4  }
0xcf: {  	[spmem:s2] =	stream.indirect.scatter.add.f32 [tilespmem:s24], [sflag:$0x3], $0x80, s12, s23, $0xb8;
	[tilespmem:$0x1E8C0] =	vst v63  }
0xd0: {  	_ =	swait.ge [sflag:s30], $0x4000  }
0xd1: {  	[sflag:s30] =	ssyncset.done $0x0  }
0xd2: {  	s11 =	sadd.s32 $0x1480, s11;
	[sflag:s30] =	ssyncadd.s32 $0xFFFFC000  }
0xd3: {  	[tilespmem:s26], [sflag:$0x2] =	stream.indirect.gather [hbm4b:s4+s23], $0x80, s11, s23, $0xb8;
	[tilespmem:$0x1E8C0] =	vst v63  }
0xd4: {  	_ =	swait.ge [sflag:s28], $0x4000  }
0xd5: {  	[sflag:s28] =	ssyncset.done $0x0  }
0xd6: {  	s10 =	simm.s32 $0x2B80;
	[sflag:s28] =	ssyncadd.s32 $0xFFFFC000  }
0xd7: {  	[spmem:s2] =	stream.indirect.scatter.add.f32 [tilespmem:s26], [sflag:$0x4], $0x80, s10, s23, $0xb8;
	[tilespmem:$0x1E8C0] =	vst v63  }
0xd8: {  	_ =	swait.ge [sflag:s29], $0x4000  }
0xd9: {  	[sflag:s29] =	ssyncset.done $0x0  }
0xda: {  	[sflag:s29] =	ssyncadd.s32 $0xFFFFC000  }
0xdb: {  	_ =	swait.ge [sflag:s30], $0x4000  }
0xdc: {  	[sflag:s30] =	ssyncset.done $0x0  }
0xdd: {  	s11 =	rddreg [dreg:$0x5];
	[sflag:s30] =	ssyncadd.s32 $0xFFFFC000  }
0xde: {  	[tilespmem:s22], [sflag:$0x5] =	stream.linear.gather [hbm4b:s11+s3], $0x1000, $0x38;
	[tilespmem:$0x1E8C0] =	vst v63  }
0xdf: {  	_ =	swait.ge [sflag:s21], $0x1000  }
0xe0: {  	[sflag:s21] =	ssyncset.done $0x0  }
0xe1: {  	[sflag:s21] =	ssyncadd.s32 $0xFFFFF000  }
0xe2: {  	[tilespmem:s3], [sflag:$0x5] =	stream.linear.gather [hbm4b:s13+s3], $0x1000, $0x38;
	[tilespmem:$0x1E8C0] =	vst v63  }
0xe3: {  	_ =	swait.ge [sflag:s21], $0x1000  }
0xe4: {  	[sflag:s21] =	ssyncset.done $0x0  }
0xe5: {  	[sflag:s21] =	ssyncadd.s32 $0xFFFFF000  }
0xe6: {  	[tilespmem:s24], [sflag:$0x1] =	stream.indirect.gather [hbm4b:s4+s23], $0x80, s3, s23, $0xb8;
	[tilespmem:$0x1E8C0] =	vst v63  }
0xe7: {  	_ =	swait.ge [sflag:s25], $0x4000  }
0xe8: {  	[sflag:s25] =	ssyncset.done $0x0  }
0xe9: {  	[sflag:s25] =	ssyncadd.s32 $0xFFFFC000  }
0xea: {  	[spmem:s2] =	stream.indirect.scatter.add.f32 [tilespmem:s24], [sflag:$0x3], $0x80, s22, s23, $0xb8;
	[tilespmem:$0x1E8C0] =	vst v63  }
0xeb: {  	_ = 	snop  }
0xec: {  	[tilespmem:s26], [sflag:$0x2] =	stream.indirect.gather [hbm4b:s4+s23], $0x80, s23, s23, $0xb8;
	[tilespmem:$0x1E8C0] =	vst v63  }
0xed: {  	_ =	swait.ge [sflag:s28], $0x4000  }
0xee: {  	[sflag:s28] =	ssyncset.done $0x0  }
0xef: {  	s12 =	simm.s32 $0x1880;
	[sflag:s28] =	ssyncadd.s32 $0xFFFFC000  }
0xf0: {  	[spmem:s2] =	stream.indirect.scatter.add.f32 [tilespmem:s26], [sflag:$0x4], $0x80, s12, s23, $0xb8;
	[tilespmem:$0x1E8C0] =	vst v63  }
0xf1: {  	_ =	swait.ge [sflag:s29], $0x4000  }
0xf2: {  	[sflag:s29] =	ssyncset.done $0x0  }
0xf3: {  	s11 =	simm.s32 $0x100;
	[sflag:s29] =	ssyncadd.s32 $0xFFFFC000  }
0xf4: {  	[tilespmem:s24], [sflag:$0x1] =	stream.indirect.gather [hbm4b:s4+s23], $0x80, s11, s23, $0xb8;
	[tilespmem:$0x1E8C0] =	vst v63  }
0xf5: {  	_ =	swait.ge [sflag:s25], $0x4000  }
0xf6: {  	[sflag:s25] =	ssyncset.done $0x0  }
0xf7: {  	s12 =	simm.s32 $0x1900;
	[sflag:s25] =	ssyncadd.s32 $0xFFFFC000  }
0xf8: {  	[spmem:s2] =	stream.indirect.scatter.add.f32 [tilespmem:s24], [sflag:$0x3], $0x80, s12, s23, $0xb8;
	[tilespmem:$0x1E8C0] =	vst v63  }
0xf9: {  	_ =	swait.ge [sflag:s30], $0x4000  }
0xfa: {  	[sflag:s30] =	ssyncset.done $0x0  }
0xfb: {  	s10 =	simm.s32 $0xFFFFC800;
	s11 =	simm.s32 $0x180;
	[sflag:s30] =	ssyncadd.s32 $0xFFFFC000  }
.LBB2_10:
0xfc: {  	[tilespmem:s26], [sflag:$0x2] =	stream.indirect.gather [hbm4b:s4+s23], $0x80, s11, s23, $0xb8;
	[tilespmem:$0x1E8C0] =	vst v63  }
0xfd: {  	s11 =	smov.u32 s10  }
0xfe: {  	p2 =	sne.s32 s10, $0xFFFFFC00;
	s10 =	sadd.s32 $0x400, s10;
	_ =	swait.ge [sflag:s28], $0x4000  }
0xff: {  	s11 =	sshra.s32 s11, $0x2;
	[sflag:s28] =	ssyncset.done $0x0  }
0x100: {  	s12 =	sadd.s32 $0x2780, s11;
	[sflag:s28] =	ssyncadd.s32 $0xFFFFC000  }
0x101: {  	[spmem:s2] =	stream.indirect.scatter.add.f32 [tilespmem:s26], [sflag:$0x4], $0x80, s12, s23, $0xb8;
	[tilespmem:$0x1E8C0] =	vst v63  }
0x102: {  	_ =	swait.ge [sflag:s29], $0x4000  }
0x103: {  	[sflag:s29] =	ssyncset.done $0x0  }
0x104: {  	s12 =	sadd.s32 $0x1000, s11;
	[sflag:s29] =	ssyncadd.s32 $0xFFFFC000  }
0x105: {  	[tilespmem:s24], [sflag:$0x1] =	stream.indirect.gather [hbm4b:s4+s23], $0x80, s12, s23, $0xb8;
	[tilespmem:$0x1E8C0] =	vst v63  }
0x106: {  	_ =	swait.ge [sflag:s25], $0x4000  }
0x107: {  	[sflag:s25] =	ssyncset.done $0x0  }
.Ltmp8:
0x108: {  	s12 =	sadd.s32 $0x2800, s11;
	[sflag:s25] =	ssyncadd.s32 $0xFFFFC000;
	(pc) =	sbr.rel @p2 .LBB2_10-.Ltmp8, $4  }
0x109: {  	[spmem:s2] =	stream.indirect.scatter.add.f32 [tilespmem:s24], [sflag:$0x3], $0x80, s12, s23, $0xb8;
	[tilespmem:$0x1E8C0] =	vst v63  }
0x10a: {  	_ =	swait.ge [sflag:s30], $0x4000  }
0x10b: {  	[sflag:s30] =	ssyncset.done $0x0  }
0x10c: {  	s11 =	sadd.s32 $0x1080, s11;
	[sflag:s30] =	ssyncadd.s32 $0xFFFFC000  }
.Ltmp9:
0x10d: {  	(pc) =	sbr.rel .LBB2_12-.Ltmp9, $3  }
0x10e: {  	_ =	sdelay $0x1  }
0x10f: {  	[tilespmem:s26], [sflag:$0x2] =	stream.indirect.gather [hbm4b:s4+s23], $0x80, s11, s23, $0xb8;
	[tilespmem:$0x1E8C0] =	vst v63  }
0x110: {  	s10 =	simm.s32 $0x2780  }
.LBB2_13:
0x111: {  	_ =	sfence.sel $0x180000  }
0x112: {  	[bflag:$0x0] =	sbarrier.arrive $0xFFFF  }
0x113: {  	_ =	strace $0x9000004A  }
0x114: {  	s0 =	stileid.u32;
	[bflag:$0x2] =	sbarrier.arrive $0xFFFF  }
0x115: {  	p0 =	sne.s32 s0, $0x0;
	s0 =	rddreg [dreg:$0x2]  }
0x116: {  	s0 =	sadd.s32 @!p0 $0x100000, s0  }
0x117: {  	[sflag:s0] =	ssyncadd.tile.s32 @!p0 $0x1;
	_ =	shalt  }
.Lfunc_end2:
_tile_overlayer_lowered:
.L_overlay_start_2:
0x118: {  	(tag) =	ssettag $0x2  }
0x119: {  	s0 =	rddreg [dreg:$0x0];
	s2 =	stileid.u32  }
0x11a: {  	s1 =	rddreg [dreg:$0x1];
	p0 =	sne.s32 s2, $0x0  }
0x11b: {  	s3 =	rddreg [dreg:$0x2];
	[bflag:$0x3] =	sbarrier.arrive $0xFFFF;
	s2 =	simm.s32 @!p0 $0x1C05  }
0x11c: {  	[timem:s3], [sflag:s2] =	dma.local @!p0 [hbm:s0], s1  }
0x11d: {  	s0 =	simm.s32 @!p0 $0x5  }
0x11e: {  	_ =	swait.ge @!p0 [sflag:s0], s1  }
0x11f: {  	s1 =	ssub.s32 @!p0 $0x0, s1;
	[sflag:s0] =	ssyncset.done @!p0 $0x0  }
0x120: {  	[sflag:s0] =	ssyncadd.s32 @!p0 s1  }
0x121: {  	[bflag:$0x3] =	sbarrier.arrive $0xFFFF  }
0x122: {  	_ =	shalt  }

// kernel: kernel.16.cloned.1.call-start
scs
__scs_entry_jumppad:
0x0: {  	(pc) =	sbr.rel $0x88, $3  }
0x1: {  	(tag) =	ssettag $0x0;
	lr =	simm.s32 $0x1  }
0x2: {  	[smem:$0x3F91] =	sst lr;
	_ =	strace $0xD0000000  }
0x3: {  	_ = 	snop  }
0x4: {  	_ = 	snop  }
0x5: {  	_ = 	snop  }
0x6: {  	_ = 	snop  }
0x7: {  	_ = 	snop  }
__scs_overlays_trampoline_lowered:
0x8: {  	[smem:$0x3FA0] =	sst s0  }
0x9: {  	[smem:$0x3FA1] =	sst s1  }
0xa: {  	[smem:$0x3FA2] =	sst s2  }
0xb: {  	[smem:$0x3FA3] =	sst s3  }
0xc: {  	[smem:$0x3FA4] =	sst s4  }
0xd: {  	[smem:$0x3FA5] =	sst s5  }
0xe: {  	[smem:$0x3FA6] =	sst s6  }
0xf: {  	[smem:$0x3FA7] =	sst s7  }
0x10: {  	[smem:$0x3FA8] =	sst s8  }
0x11: {  	[smem:$0x3FA9] =	sst s9;
	s0 =	simm.s32 @!p0 $0x0  }
0x12: {  	s1 =	sld [smem:$0x3F8F];
	s0 =	simm.s32 @p0 $0x1  }
0x13: {  	[smem:$0x3FAA] =	sst s0;
	s0 =	simm.s32 @!p1 $0x0  }
0x14: {  	s2 =	sld [smem:$0x3F8E];
	s0 =	simm.s32 @p1 $0x1  }
0x15: {  	[smem:$0x3FAB] =	sst s0;
	s0 =	simm.s32 @!p2 $0x0  }
0x16: {  	s3 =	sld [smem:$0x3FDB];
	s0 =	simm.s32 @p2 $0x1  }
0x17: {  	s4 =	simm.s32 $0x1BF5;
	[smem:$0x3FAD] =	sst s0  }
0x18: {  	s0 =	sld [smem:$0x3F90];
	_ =	swait.ge [sflag:s4], $0x0  }
0x19: {  	s7 =	sld [smem:$0x3F91]  }
0x1a: {  	s8 =	sadd.s32 $0xFFFFE003, lr  }
0x1b: {  	s9 =	sadd.s32 $0xFFFFFEF7, lr;
	s5 =	simm.s32 $0xFFFFFFFF;
	p2 =	slt.u32 s8, $0xFFFFF086  }
0x1c: {  	p1 =	slt.u32 s9, $0xF7A;
	s5 =	simm.s32 @!p2 $0x0  }
0x1d: {  	s5 =	simm.s32 @p1 $0x1;
	p0 =	seq.s32 s7, s2  }
0x1e: {  	s7 =	smul.u32 @!p0 $0xF7A, s2;
	p2 =	seq.s32 @!p0 s5, $0x0  }
0x1f: {  	s9 =	smul.u32 $0xF7A, s1;
	s8 =	simm.s32 @!p0 $0x1BF5;
	p2 =	por !p2, p0  }
0x20: {  	[sflag:s8] =	ssyncset.s32 @!p0 $0xFFFFF086;
	s6 =	sadd.s32 @!p0 s3, s7;
	s7 =	simm.s32 @!p0 $0x108  }
0x21: {  	s3 =	sadd.s32 s3, s9;
	s6 =	sadd.s32 @!p0 $0x88, s6;
	s7 =	simm.s32 @p2 $0x1082  }
0x22: {  	[simem:s7], [sflag:s8] =	dma.local @!p0 [hbm:s6], $0xF7A  }
0x23: {  	s9 =	sor.u32 $0xD0000000, s2;
	s6 =	simm.s32 $0x108;
	_ =	swait.ge @!p0 [sflag:s8], $0x0  }
0x24: {  	s3 =	sadd.s32 $0x88, s3;
	s6 =	simm.s32 @!p1 $0x1082;
	[sflag:s4] =	ssyncset.s32 $0xFFFFF086  }
0x25: {  	[simem:s6], [sflag:s4] =	dma.local [hbm:s3], $0xF7A  }
0x26: {  	[smem:$0x3F91] =	sst s1;
	(tag) =	ssettag s2;
	_ =	strace s9  }
0x27: {  	s1 =	sld [smem:$0x3FA1]  }
0x28: {  	s2 =	sld [smem:$0x3FA2]  }
0x29: {  	s4 =	sld [smem:$0x3FA4]  }
0x2a: {  	p0 =	seq.s32 s5, $0x0;
	s5 =	sld [smem:$0x3FA5]  }
0x2b: {  	s6 =	sld [smem:$0x3FA6]  }
0x2c: {  	s7 =	sld [smem:$0x3FA7]  }
0x2d: {  	s3 =	simm.s32 $0x108;
	s8 =	sld [smem:$0x3FA8]  }
0x2e: {  	s3 =	simm.s32 @!p0 $0x1082;
	s9 =	sld [smem:$0x3FA9]  }
0x2f: {  	lr =	sadd.s32 s0, s3;
	s0 =	sld [smem:$0x3FA0]  }
0x30: {  	s3 =	sld [smem:$0x3FA3]  }
0x31: {  	[smem:$0x3FAC] =	sst s10  }
0x32: {  	s10 =	sld [smem:$0x3FAA];
	_ =	sdelay $0x3  }
0x33: {  	p0 =	seq.s32 s10, $0x1;
	s10 =	sld [smem:$0x3FAC];
	_ =	sdelay $0x3  }
0x34: {  	[smem:$0x3FAC] =	sst s10  }
0x35: {  	s10 =	sld [smem:$0x3FAB];
	_ =	sdelay $0x3  }
0x36: {  	p1 =	seq.s32 s10, $0x1;
	s10 =	sld [smem:$0x3FAC];
	_ =	sdelay $0x3  }
0x37: {  	[smem:$0x3FAC] =	sst s10  }
0x38: {  	s10 =	sld [smem:$0x3FAD]  }
0x39: {  	_ = 	snop;
	(pc) =	sbr.ind lr, $3  }
0x3a: {  	_ = 	snop  }
0x3b: {  	_ = 	snop  }
0x3c: {  	p2 =	seq.s32 s10, $0x1;
	s10 =	sld [smem:$0x3FAC]  }
0x3d: {  	_ =	shalt  }
0x3e: {  	_ =	shalt  }
0x3f: {  	_ =	shalt  }
0x40: {  	_ =	shalt  }
0x41: {  	_ =	shalt  }
0x42: {  	_ =	shalt  }
0x43: {  	_ =	shalt  }
0x44: {  	_ =	shalt  }
0x45: {  	_ =	shalt  }
0x46: {  	_ =	shalt  }
0x47: {  	_ =	shalt  }
0x48: {  	_ =	shalt  }
0x49: {  	_ =	shalt  }
0x4a: {  	_ =	shalt  }
0x4b: {  	_ =	shalt  }
0x4c: {  	_ =	shalt  }
0x4d: {  	_ =	shalt  }
0x4e: {  	_ =	shalt  }
0x4f: {  	_ =	shalt  }
0x50: {  	_ =	shalt  }
0x51: {  	_ =	shalt  }
0x52: {  	_ =	shalt  }
0x53: {  	_ =	shalt  }
0x54: {  	_ =	shalt  }
0x55: {  	_ =	shalt  }
0x56: {  	_ =	shalt  }
0x57: {  	_ =	shalt  }
0x58: {  	_ =	shalt  }
0x59: {  	_ =	shalt  }
0x5a: {  	_ =	shalt  }
0x5b: {  	_ =	shalt  }
0x5c: {  	_ =	shalt  }
0x5d: {  	_ =	shalt  }
0x5e: {  	_ =	shalt  }
0x5f: {  	_ =	shalt  }
0x60: {  	_ =	shalt  }
0x61: {  	_ =	shalt  }
0x62: {  	_ =	shalt  }
0x63: {  	_ =	shalt  }
0x64: {  	_ =	shalt  }
0x65: {  	_ =	shalt  }
0x66: {  	_ =	shalt  }
0x67: {  	_ =	shalt  }
0x68: {  	_ =	shalt  }
0x69: {  	_ =	shalt  }
0x6a: {  	_ =	shalt  }
0x6b: {  	_ =	shalt  }
0x6c: {  	_ =	shalt  }
0x6d: {  	_ =	shalt  }
0x6e: {  	_ =	shalt  }
0x6f: {  	_ =	shalt  }
0x70: {  	_ =	shalt  }
0x71: {  	_ =	shalt  }
0x72: {  	_ =	shalt  }
0x73: {  	_ =	shalt  }
0x74: {  	_ =	shalt  }
0x75: {  	_ =	shalt  }
0x76: {  	_ =	shalt  }
0x77: {  	_ =	shalt  }
0x78: {  	_ =	shalt  }
0x79: {  	_ =	shalt  }
0x7a: {  	_ =	shalt  }
0x7b: {  	_ =	shalt  }
0x7c: {  	_ =	shalt  }
0x7d: {  	_ =	shalt  }
0x7e: {  	_ =	shalt  }
0x7f: {  	_ =	shalt  }
0x80: {  	_ =	shalt  }
0x81: {  	_ =	shalt  }
0x82: {  	_ =	shalt  }
0x83: {  	_ =	shalt  }
0x84: {  	_ =	shalt  }
0x85: {  	_ =	shalt  }
0x86: {  	_ =	shalt  }
0x87: {  	_ =	shalt  }
.Lfunc_end0:
.L_simem_size_0:
called_computation.2_lowered:
.L_overlay_start_0:
0x88: {  	s2 =	sld [smem:$0x3FD9]  }
0x89: {  	s3 =	sld [smem:$0x3FFE];
	_ =	sdelay $0x1  }
0x8a: {  	s1 =	srdreg.scid  }
0x8b: {  	s0 =	sand.u32 $0x1, s1  }
0x8c: {  	s16 =	sshll.u32 s0, $0xA;
	s2 =	sadd.s32 s3, s2  }
0x8d: {  	s2 =	sadd.s32 s2, s16  }
0x8e: {  	[smem:$0x3FB8] =	sst s2  }
0x8f: {  	_ = 	snop  }
0x90: {  	(tm) =	ssettm $0x1  }
0x91: {  	s17 =	sld [smem:$0x3FFB];
	_ =	sdelay $0x3  }
0x92: {  	_ =	strace s17  }
0x93: {  	s2 =	sld [smem:$0x3FFC];
	_ =	sdelay $0x3  }
0x94: {  	_ =	strace s2  }
0x95: {  	s2 =	sld [smem:$0x3FFD];
	_ =	sdelay $0x3  }
0x96: {  	_ =	strace s2  }
0x97: {  	_ =	strace $0x8FFFFFFF  }
0x98: {  	s18 =	sld [smem:$0x3FDB];
	_ =	sdelay $0x1  }
0x99: {  	s19 =	simm.s32 $_scs_section_size  }
0x9a: {  	s4 =	simm.s32 $_size__tile_overlayer_lowered;
	s5 =	simm.s32 $_tile_overlayer_lowered  }
0x9b: {  	s22 =	simm.s32 $0x1BFF;
	s21 =	sshll.u32 s5, $0x1;
	s2 =	sadd.s32 s19, s18  }
0x9c: {  	s6 =	simm.s32 $0x0;
	s20 =	sshll.u32 s4, $0x1;
	s4 =	sadd.s32 s21, s2  }
0x9d: {  	[timem:s6], [sflag:s22] =	dma.local [hbm:s4], s20  }
0x9e: {  	_ =	swait.ge [sflag:s22], s20  }
0x9f: {  	s3 =	ssub.s32 $0x0, s20;
	[sflag:s22] =	ssyncset.done $0x0  }
0xa0: {  	[sflag:s22] =	ssyncadd.s32 s3;
	_ =	sdelay $0x1  }
0xa1: {  	s23 =	simm.s32 $0x1B8B  }
0xa2: {  	_ =	swait.ge [sflag:s23], $0x1  }
0xa3: {  	[sflag:s23] =	ssyncset.done $0x0  }
0xa4: {  	s25 =	simm.s32 $0x1B8E;
	s24 =	sld [smem:$0x3FFE];
	[sflag:s23] =	ssyncadd.s32 $0xFFFFFFFF  }
0xa5: {  	s26 =	simm.s32 $execute0_lowered;
	[smem:$0x3FD2] =	sst s25  }
0xa6: {  	s4 =	sshll.u32 s26, $0x1;
	_ =	strace $0x8000004C;
	[dreg:$0x1] =	wrdreg $0xFFFFFFFF  }
0xa7: {  	s28 =	simm.s32 $_size_execute0_lowered;
	s2 =	sadd.s32 s2, s4;
	[dreg:$0x0] =	wrdreg $0x0  }
0xa8: {  	s4 =	sshll.u32 s28, $0x1;
	[dreg:$0x2] =	wrdreg s2  }
0xa9: {  	[dreg:$0x3] =	wrdreg s4  }
0xaa: {  	[dreg:$0x4] =	wrdreg $0xC0  }
0xab: {  	_ =	task [dreg:s6], $0x5FFFF  }
0xac: {  	[dreg:$0x1] =	wrdreg $0xFFFFFFFF  }
0xad: {  	[dreg:$0x0] =	wrdreg $0x60  }
0xae: {  	[dreg:$0x2] =	wrdreg s24  }
0xaf: {  	[dreg:$0x3] =	wrdreg $0xB0000  }
0xb0: {  	[dreg:$0x4] =	wrdreg $0x9  }
0xb1: {  	_ =	task.clear_ibuf [dreg:s6], $0x5FFFF;
	_ =	strace $0x9000004C  }
0xb2: {  	s29 =	simm.s32 $0x9;
	_ =	strace $0x8000004E  }
0xb3: {  	_ =	swait.ge [sflag:s29], $0x1  }
0xb4: {  	[sflag:s29] =	ssyncadd.s32 $0xFFFFFFFF  }
0xb5: {  	_ =	strace $0x9000004E  }
0xb6: {  	_ =	sfence  }
0xb7: {  	s30 =	sld [smem:$0x0];
	_ =	sdelay $0x2  }
0xb8: {  	s31 =	sshll.u32 s1, $0xD;
	s1 =	sshrl.u32 s1, $0x2  }
0xb9: {  	s3 =	sand.u32 $0x4000, s31;
	s1 =	sadd.s32 s1, s30  }
0xba: {  	s0 =	sor.u32 s3, s0;
	s1 =	sshll.u32 s1, $0x11  }
0xbb: {  	s0 =	sor.u32 s1, s0  }
0xbc: {  	s0 =	sadd.s32 $0x8F2B, s0  }
0xbd: {  	[sflag:s0] =	ssyncadd.remote.s32 $0x1  }
0xbe: {  	_ =	sfence.sel $0xFFFF  }
0xbf: {  	[dreg:$0x0] =	wrdreg $0xFFFFFFFF;
	(pc) =	sbr.abs _section_cstart, $3  }
0xc0: {  	[dreg:$0x1] =	wrdreg $0xFFFFFFFF  }
0xc1: {  	_ =	task.clear_ibuf [dreg:s6], $0x2FFFF;
	_ =	strace $0x9FFFFFFF  }
0xc2: {  	(tm) =	ssettm $0x7FFFFFFF  }
0xc3: {  	_ =	shalt  }
tec
execute0_lowered:
.L_overlay_start_1:
0x0: {  	(tag) =	ssettag $0x1  }
0x1: {  	s0 =	rddreg [dreg:$0x0]  }
0x2: {  	s2 =	rddreg [dreg:$0x1];
	s3 =	simm.s32 $0x0;
	s21 =	stileid.u32  }
0x3: {  	s5 =	srdreg.scid;
	s28 =	simm.s32 $0x2;
	s29 =	simm.s32 $0x3  }
0x4: {  	s30 =	simm.s32 $0x4;
	[smem:$0x7FF] =	sst s3;
	s1 =	smul.u32 $0x13800, s21  }
0x5: {  	s4 =	sadd.s32 $0x70400, s0;
	s10 =	sadd.s32 $0x18000, s0;
	s11 =	sand.u32 $0x1, s5  }
0x6: {  	s16 =	sadd.s32 $0xE000, s0;
	s8 =	smul.u32 $0x4E000, s21;
	s18 =	sadd.s32 $0x97600, s0  }
0x7: {  	s22 =	sshll.u32 s21, $0x6;
	s9 =	smul.u32 $0x5000, s21;
	p0 =	sne.s32 s21, $0xF  }
0x8: {  	_ =	strace $0x8000004D;
	s6 =	ssub.s32 $0x2, s11;
	p1 =	sne.s32 s11, $0x0  }
0x9: {  	s15 =	sshrl.u32 s1, $0x3;
	s17 =	sshrl.u32 s6, $0x1;
	s19 =	sshrl.u32 s8, $0x2  }
0xa: {  	s8 =	sadd.s32 $0x138000, s2;
	s7 =	sadd.s32 s15, s0;
	s20 =	ssub.s32 s6, s17  }
0xb: {  	s15 =	smul.u32 $0xA00, s21;
	s5 =	sadd.s32 s19, s2;
	s17 =	sshrl.u32 s9, $0x3  }
0xc: {  	s9 =	sadd.s32 $0x70200, s0;
	s19 =	smul.u32 $0x138800, s11;
	s21 =	simm.s32 $0x5  }
0xd: {  	s6 =	sadd.s32 $0x49200, s7;
	s7 =	sor.u32 $0x1C05, s22;
	s24 =	sadd.s32 $0x800, s17  }
0xe: {  	s26 =	sadd.s32 $0x300, s17;
	s20 =	smax.u32 s20, $0x1;
	s22 =	simm.s32 $0x1800  }
0xf: {  	s12 =	sadd.s32 $0x580, s15;
	s25 =	sadd.s32 s16, s24;
	s13 =	sadd.s32 s10, s24  }
0x10: {  	s14 =	sadd.s32 s16, s15;
	s15 =	sadd.s32 s10, s15;
	s1 =	sadd.s32 s1, s19  }
0x11: {  	s31 =	sshrl.u32 s19, $0x3;
	s17 =	sadd.s32 s10, s26;
	s24 =	simm.s32 $0x3000  }
.Ltmp0:
0x12: {  	s23 =	sadd.s32 s16, s12;
	s12 =	sadd.s32 s10, s12;
	(pc) =	sbr.rel .LBB2_1-.Ltmp0, $4  }
0x13: {  	[dreg:$0x5] =	wrdreg s25;
	s16 =	sadd.s32 s16, s26;
	s1 =	sshrl.u32 s1, $0x3  }
0x14: {  	s19 =	sadd.s32 s18, s31;
	s25 =	simm.s32 $0x1;
	[dreg:$0x3] =	wrdreg s23  }
0x15: {  	s26 =	simm.s32 $0x7000;
	[dreg:$0x4] =	wrdreg s12;
	s18 =	sadd.s32 s18, s1  }
0x16: {  	s19 =	sadd.s32 $0x27000, s19;
	s23 =	simm.s32 $0x80;
	s1 =	simm.s32 $0x0  }
.LBB2_6:
0x17: {  	[tilespmem:s26], [sflag:$0x2] =	stream.indirect.gather [hbm4b:s4+s23], $0x80, s11, s23, $0xb8;
	[tilespmem:$0x1E8C0] =	vst v63  }
0x18: {  	s10 =	simm.s32 $0x2B80  }
.LBB2_12:
0x19: {  	_ =	swait.ge [sflag:s28], $0x4000  }
0x1a: {  	[sflag:s28] =	ssyncset.done $0x0  }
0x1b: {  	[sflag:s28] =	ssyncadd.s32 $0xFFFFC000  }
0x1c: {  	[spmem:s2] =	stream.indirect.scatter.add.f32 [tilespmem:s26], [sflag:$0x4], $0x80, s10, s23, $0xb8;
	[tilespmem:$0x1E8C0] =	vst v63  }
0x1d: {  	_ =	swait.ge [sflag:s29], $0x4000  }
0x1e: {  	[sflag:s29] =	ssyncset.done $0x0  }
0x1f: {  	[sflag:s29] =	ssyncadd.s32 $0xFFFFC000  }
0x20: {  	_ =	swait.ge [sflag:s30], $0x4000  }
0x21: {  	[sflag:s30] =	ssyncset.done $0x0  }
0x22: {  	[sflag:s30] =	ssyncadd.s32 $0xFFFFC000  }
0x23: {  	[bflag:$0x0] =	sbarrier.arrive $0xFFFF  }
0x24: {  	[hbm:s18], [sflag:s7] =	dma.local [spmem:s31], $0x2700  }
0x25: {  	_ =	swait.ge [sflag:s21], $0x2700  }
0x26: {  	s1 =	sadd.s32 $0x1, s1;
	[sflag:s21] =	ssyncset.done $0x0  }
0x27: {  	p2 =	sne.s32 s1, s20;
	[sflag:s21] =	ssyncadd.s32 $0xFFFFD900  }
0x28: {  	[hbm:s19], [sflag:s7] =	dma.local @!p0 [spmem:s0], $0x100  }
.Ltmp1:
0x29: {  	_ = 	snop;
	(pc) =	sbr.rel @!p2 .LBB2_13-.Ltmp1, $4  }
0x2a: {  	s0 =	simm.s32 @!p0 $0x5  }
0x2b: {  	_ =	swait.ge @!p0 [sflag:s0], $0x100  }
0x2c: {  	[sflag:s0] =	ssyncset.done @!p0 $0x0  }
0x2d: {  	[sflag:s0] =	ssyncadd.s32 @!p0 $0xFFFFFF00  }
.LBB2_1:
0x2e: {  	s31 =	sshrl.u32 s5, $0x3  }
0x2f: {  	[spmem:s31], [sflag:s7] =	dma.local [hbm:s6], $0x2700  }
0x30: {  	_ =	swait.ge [sflag:s21], $0x2700  }
0x31: {  	[sflag:s21] =	ssyncset.done $0x0  }
0x32: {  	s0 =	sshrl.u32 @!p0 s8, $0x3;
	s10 =	simm.s32 @!p0 $0x5;
	[sflag:s21] =	ssyncadd.s32 $0xFFFFD900  }
0x33: {  	[spmem:s0], [sflag:s7] =	dma.local @!p0 [hbm:s9], $0x100  }
.Ltmp2:
0x34: {  	_ =	swait.ge @!p0 [sflag:s10], $0x100;
	(pc) =	sbr.rel @p1 .LBB2_7-.Ltmp2, $3  }
0x35: {  	[sflag:s10] =	ssyncset.done @!p0 $0x0  }
0x36: {  	[sflag:s10] =	ssyncadd.s32 @!p0 $0xFFFFFF00  }
0x37: {  	[bflag:$0x0] =	sbarrier.arrive $0xFFFF;
	_ =	sdelay $0x1  }
0x38: {  	[tilespmem:s22], [sflag:$0x5] =	stream.linear.gather [hbm4b:s14+s3], $0x1800, $0x38;
	[tilespmem:$0x1E8C0] =	vst v63  }
0x39: {  	_ =	swait.ge [sflag:s21], $0x1800  }
0x3a: {  	[sflag:s21] =	ssyncset.done $0x0  }
0x3b: {  	[sflag:s21] =	ssyncadd.s32 $0xFFFFE800  }
0x3c: {  	[tilespmem:s3], [sflag:$0x5] =	stream.linear.gather [hbm4b:s15+s3], $0x1800, $0x38;
	[tilespmem:$0x1E8C0] =	vst v63  }
0x3d: {  	_ =	swait.ge [sflag:s21], $0x1800  }
0x3e: {  	[sflag:s21] =	ssyncset.done $0x0  }
0x3f: {  	[sflag:s21] =	ssyncadd.s32 $0xFFFFE800  }
0x40: {  	[tilespmem:s24], [sflag:$0x1] =	stream.indirect.gather [hbm4b:s4+s23], $0x80, s3, s23, $0xb8;
	[tilespmem:$0x1E8C0] =	vst v63  }
0x41: {  	_ =	swait.ge [sflag:s25], $0x4000  }
0x42: {  	[sflag:s25] =	ssyncset.done $0x0  }
0x43: {  	[sflag:s25] =	ssyncadd.s32 $0xFFFFC000  }
0x44: {  	[spmem:s2] =	stream.indirect.scatter.add.f32 [tilespmem:s24], [sflag:$0x3], $0x80, s22, s23, $0xb8;
	[tilespmem:$0x1E8C0] =	vst v63  }
0x45: {  	_ = 	snop  }
0x46: {  	[tilespmem:s26], [sflag:$0x2] =	stream.indirect.gather [hbm4b:s4+s23], $0x80, s23, s23, $0xb8;
	[tilespmem:$0x1E8C0] =	vst v63  }
0x47: {  	_ =	swait.ge [sflag:s28], $0x4000  }
0x48: {  	[sflag:s28] =	ssyncset.done $0x0  }
0x49: {  	s10 =	simm.s32 $0x1880;
	[sflag:s28] =	ssyncadd.s32 $0xFFFFC000  }
0x4a: {  	[spmem:s2] =	stream.indirect.scatter.add.f32 [tilespmem:s26], [sflag:$0x4], $0x80, s10, s23, $0xb8;
	[tilespmem:$0x1E8C0] =	vst v63  }
0x4b: {  	_ =	swait.ge [sflag:s29], $0x4000  }
0x4c: {  	[sflag:s29] =	ssyncset.done $0x0  }
0x4d: {  	s11 =	simm.s32 $0x100;
	[sflag:s29] =	ssyncadd.s32 $0xFFFFC000  }
0x4e: {  	[tilespmem:s24], [sflag:$0x1] =	stream.indirect.gather [hbm4b:s4+s23], $0x80, s11, s23, $0xb8;
	[tilespmem:$0x1E8C0] =	vst v63  }
0x4f: {  	_ =	swait.ge [sflag:s25], $0x4000  }
0x50: {  	[sflag:s25] =	ssyncset.done $0x0  }
0x51: {  	s12 =	simm.s32 $0x1900;
	[sflag:s25] =	ssyncadd.s32 $0xFFFFC000  }
0x52: {  	[spmem:s2] =	stream.indirect.scatter.add.f32 [tilespmem:s24], [sflag:$0x3], $0x80, s12, s23, $0xb8;
	[tilespmem:$0x1E8C0] =	vst v63  }
0x53: {  	_ =	swait.ge [sflag:s30], $0x4000  }
0x54: {  	[sflag:s30] =	ssyncset.done $0x0  }
0x55: {  	s10 =	simm.s32 $0xFFFFA800;
	s11 =	simm.s32 $0x180;
	[sflag:s30] =	ssyncadd.s32 $0xFFFFC000  }
.LBB2_3:
0x56: {  	[tilespmem:s26], [sflag:$0x2] =	stream.indirect.gather [hbm4b:s4+s23], $0x80, s11, s23, $0xb8;
	[tilespmem:$0x1E8C0] =	vst v63  }
0x57: {  	s11 =	smov.u32 s10  }
0x58: {  	p2 =	sne.s32 s10, $0xFFFFFC00;
	s10 =	sadd.s32 $0x400, s10;
	_ =	swait.ge [sflag:s28], $0x4000  }
0x59: {  	s11 =	sshra.s32 s11, $0x2;
	[sflag:s28] =	ssyncset.done $0x0  }
0x5a: {  	s12 =	sadd.s32 $0x2F80, s11;
	[sflag:s28] =	ssyncadd.s32 $0xFFFFC000  }
0x5b: {  	[spmem:s2] =	stream.indirect.scatter.add.f32 [tilespmem:s26], [sflag:$0x4], $0x80, s12, s23, $0xb8;
	[tilespmem:$0x1E8C0] =	vst v63  }
0x5c: {  	_ =	swait.ge [sflag:s29], $0x4000  }
0x5d: {  	[sflag:s29] =	ssyncset.done $0x0  }
0x5e: {  	s12 =	sadd.s32 $0x1800, s11;
	[sflag:s29] =	ssyncadd.s32 $0xFFFFC000  }
0x5f: {  	[tilespmem:s24], [sflag:$0x1] =	stream.indirect.gather [hbm4b:s4+s23], $0x80, s12, s23, $0xb8;
	[tilespmem:$0x1E8C0] =	vst v63  }
0x60: {  	_ =	swait.ge [sflag:s25], $0x4000  }
0x61: {  	[sflag:s25] =	ssyncset.done $0x0  }
.Ltmp3:
0x62: {  	s12 =	sadd.s32 $0x3000, s11;
	[sflag:s25] =	ssyncadd.s32 $0xFFFFC000;
	(pc) =	sbr.rel @p2 .LBB2_3-.Ltmp3, $4  }
0x63: {  	[spmem:s2] =	stream.indirect.scatter.add.f32 [tilespmem:s24], [sflag:$0x3], $0x80, s12, s23, $0xb8;
	[tilespmem:$0x1E8C0] =	vst v63  }
0x64: {  	_ =	swait.ge [sflag:s30], $0x4000  }
0x65: {  	[sflag:s30] =	ssyncset.done $0x0  }
0x66: {  	s11 =	sadd.s32 $0x1880, s11;
	[sflag:s30] =	ssyncadd.s32 $0xFFFFC000  }
0x67: {  	[tilespmem:s26], [sflag:$0x2] =	stream.indirect.gather [hbm4b:s4+s23], $0x80, s11, s23, $0xb8;
	[tilespmem:$0x1E8C0] =	vst v63  }
0x68: {  	_ =	swait.ge [sflag:s28], $0x4000  }
0x69: {  	[sflag:s28] =	ssyncset.done $0x0  }
0x6a: {  	s10 =	simm.s32 $0x2F80;
	[sflag:s28] =	ssyncadd.s32 $0xFFFFC000  }
0x6b: {  	[spmem:s2] =	stream.indirect.scatter.add.f32 [tilespmem:s26], [sflag:$0x4], $0x80, s10, s23, $0xb8;
	[tilespmem:$0x1E8C0] =	vst v63  }
0x6c: {  	_ =	swait.ge [sflag:s29], $0x4000  }
0x6d: {  	[sflag:s29] =	ssyncset.done $0x0  }
0x6e: {  	[sflag:s29] =	ssyncadd.s32 $0xFFFFC000  }
0x6f: {  	_ =	swait.ge [sflag:s30], $0x4000  }
0x70: {  	[sflag:s30] =	ssyncset.done $0x0  }
0x71: {  	[sflag:s30] =	ssyncadd.s32 $0xFFFFC000  }
0x72: {  	[tilespmem:s22], [sflag:$0x5] =	stream.linear.gather [hbm4b:s16+s3], $0x1400, $0x38;
	[tilespmem:$0x1E8C0] =	vst v63  }
0x73: {  	_ =	swait.ge [sflag:s21], $0x1400  }
0x74: {  	[sflag:s21] =	ssyncset.done $0x0  }
0x75: {  	[sflag:s21] =	ssyncadd.s32 $0xFFFFEC00  }
0x76: {  	[tilespmem:s3], [sflag:$0x5] =	stream.linear.gather [hbm4b:s17+s3], $0x1400, $0x38;
	[tilespmem:$0x1E8C0] =	vst v63  }
0x77: {  	_ =	swait.ge [sflag:s21], $0x1400  }
0x78: {  	[sflag:s21] =	ssyncset.done $0x0  }
0x79: {  	[sflag:s21] =	ssyncadd.s32 $0xFFFFEC00  }
0x7a: {  	[tilespmem:s24], [sflag:$0x1] =	stream.indirect.gather [hbm4b:s4+s23], $0x80, s3, s23, $0xb8;
	[tilespmem:$0x1E8C0] =	vst v63  }
0x7b: {  	_ =	swait.ge [sflag:s25], $0x4000  }
0x7c: {  	[sflag:s25] =	ssyncset.done $0x0  }
0x7d: {  	[sflag:s25] =	ssyncadd.s32 $0xFFFFC000  }
0x7e: {  	[spmem:s2] =	stream.indirect.scatter.add.f32 [tilespmem:s24], [sflag:$0x3], $0x80, s22, s23, $0xb8;
	[tilespmem:$0x1E8C0] =	vst v63  }
0x7f: {  	_ = 	snop  }
0x80: {  	[tilespmem:s26], [sflag:$0x2] =	stream.indirect.gather [hbm4b:s4+s23], $0x80, s23, s23, $0xb8;
	[tilespmem:$0x1E8C0] =	vst v63  }
0x81: {  	_ =	swait.ge [sflag:s28], $0x4000  }
0x82: {  	[sflag:s28] =	ssyncset.done $0x0  }
0x83: {  	s12 =	simm.s32 $0x1880;
	[sflag:s28] =	ssyncadd.s32 $0xFFFFC000  }
0x84: {  	[spmem:s2] =	stream.indirect.scatter.add.f32 [tilespmem:s26], [sflag:$0x4], $0x80, s12, s23, $0xb8;
	[tilespmem:$0x1E8C0] =	vst v63  }
0x85: {  	_ =	swait.ge [sflag:s29], $0x4000  }
0x86: {  	[sflag:s29] =	ssyncset.done $0x0  }
0x87: {  	s11 =	simm.s32 $0x100;
	[sflag:s29] =	ssyncadd.s32 $0xFFFFC000  }
0x88: {  	[tilespmem:s24], [sflag:$0x1] =	stream.indirect.gather [hbm4b:s4+s23], $0x80, s11, s23, $0xb8;
	[tilespmem:$0x1E8C0] =	vst v63  }
0x89: {  	_ =	swait.ge [sflag:s25], $0x4000  }
0x8a: {  	p2 =	por $0x0, $0x0;
	[sflag:s25] =	ssyncset.done $0x0  }
.Ltmp4:
0x8b: {  	s12 =	simm.s32 $0x1900;
	[sflag:s25] =	ssyncadd.s32 $0xFFFFC000;
	(pc) =	sbr.rel @p2 .LBB2_6-.Ltmp4, $4  }
0x8c: {  	[spmem:s2] =	stream.indirect.scatter.add.f32 [tilespmem:s24], [sflag:$0x3], $0x80, s12, s23, $0xb8;
	[tilespmem:$0x1E8C0] =	vst v63  }
0x8d: {  	_ =	swait.ge [sflag:s30], $0x4000  }
0x8e: {  	[sflag:s30] =	ssyncset.done $0x0  }
0x8f: {  	s10 =	simm.s32 $0xFFFFB800;
	s11 =	simm.s32 $0x180;
	[sflag:s30] =	ssyncadd.s32 $0xFFFFC000  }
.LBB2_5:
0x90: {  	[tilespmem:s26], [sflag:$0x2] =	stream.indirect.gather [hbm4b:s4+s23], $0x80, s11, s23, $0xb8;
	[tilespmem:$0x1E8C0] =	vst v63  }
0x91: {  	s11 =	smov.u32 s10  }
0x92: {  	p2 =	seq.s32 s10, $0xFFFFFC00;
	s10 =	sadd.s32 $0x400, s10;
	_ =	swait.ge [sflag:s28], $0x4000  }
0x93: {  	s11 =	sshra.s32 s11, $0x2;
	[sflag:s28] =	ssyncset.done $0x0  }
0x94: {  	s12 =	sadd.s32 $0x2B80, s11;
	[sflag:s28] =	ssyncadd.s32 $0xFFFFC000  }
0x95: {  	[spmem:s2] =	stream.indirect.scatter.add.f32 [tilespmem:s26], [sflag:$0x4], $0x80, s12, s23, $0xb8;
	[tilespmem:$0x1E8C0] =	vst v63  }
0x96: {  	_ =	swait.ge [sflag:s29], $0x4000  }
0x97: {  	[sflag:s29] =	ssyncset.done $0x0  }
0x98: {  	s12 =	sadd.s32 $0x1400, s11;
	[sflag:s29] =	ssyncadd.s32 $0xFFFFC000  }
0x99: {  	[tilespmem:s24], [sflag:$0x1] =	stream.indirect.gather [hbm4b:s4+s23], $0x80, s12, s23, $0xb8;
	[tilespmem:$0x1E8C0] =	vst v63  }
0x9a: {  	_ =	swait.ge [sflag:s25], $0x4000  }
0x9b: {  	[sflag:s25] =	ssyncset.done $0x0  }
.Ltmp5:
0x9c: {  	s12 =	sadd.s32 $0x2C00, s11;
	[sflag:s25] =	ssyncadd.s32 $0xFFFFC000;
	(pc) =	sbr.rel @!p2 .LBB2_5-.Ltmp5, $4  }
0x9d: {  	[spmem:s2] =	stream.indirect.scatter.add.f32 [tilespmem:s24], [sflag:$0x3], $0x80, s12, s23, $0xb8;
	[tilespmem:$0x1E8C0] =	vst v63  }
0x9e: {  	_ =	swait.ge [sflag:s30], $0x4000  }
0x9f: {  	[sflag:s30] =	ssyncset.done $0x0  }
0xa0: {  	s11 =	sadd.s32 $0x1480, s11;
	[sflag:s30] =	ssyncadd.s32 $0xFFFFC000  }
.Ltmp6:
0xa1: {  	_ = 	snop;
	(pc) =	sbr.rel .LBB2_6-.Ltmp6, $1  }
0xa2: {  	_ =	sdelay $0x3  }
.LBB2_7:
0xa3: {  	s10 =	rddreg [dreg:$0x3]  }
0xa4: {  	[tilespmem:s22], [sflag:$0x5] =	stream.linear.gather [hbm4b:s10+s3], $0x1400, $0x38;
	[tilespmem:$0x1E8C0] =	vst v63  }
0xa5: {  	_ =	swait.ge [sflag:s21], $0x1400  }
0xa6: {  	[sflag:s21] =	ssyncset.done $0x0  }
0xa7: {  	s11 =	rddreg [dreg:$0x4];
	[sflag:s21] =	ssyncadd.s32 $0xFFFFEC00  }
0xa8: {  	[tilespmem:s3], [sflag:$0x5] =	stream.linear.gather [hbm4b:s11+s3], $0x1400, $0x38;
	[tilespmem:$0x1E8C0] =	vst v63  }
0xa9: {  	_ =	swait.ge [sflag:s21], $0x1400  }
0xaa: {  	[sflag:s21] =	ssyncset.done $0x0  }
0xab: {  	[sflag:s21] =	ssyncadd.s32 $0xFFFFEC00  }
0xac: {  	[tilespmem:s24], [sflag:$0x1] =	stream.indirect.gather [hbm4b:s4+s23], $0x80, s3, s23, $0xb8;
	[tilespmem:$0x1E8C0] =	vst v63  }
0xad: {  	_ =	swait.ge [sflag:s25], $0x4000  }
0xae: {  	[sflag:s25] =	ssyncset.done $0x0  }
0xaf: {  	[sflag:s25] =	ssyncadd.s32 $0xFFFFC000  }
0xb0: {  	[spmem:s2] =	stream.indirect.scatter.add.f32 [tilespmem:s24], [sflag:$0x3], $0x80, s22, s23, $0xb8;
	[tilespmem:$0x1E8C0] =	vst v63  }
0xb1: {  	_ = 	snop  }
0xb2: {  	[tilespmem:s26], [sflag:$0x2] =	stream.indirect.gather [hbm4b:s4+s23], $0x80, s23, s23, $0xb8;
	[tilespmem:$0x1E8C0] =	vst v63  }
0xb3: {  	_ =	swait.ge [sflag:s28], $0x4000  }
0xb4: {  	[sflag:s28] =	ssyncset.done $0x0  }
0xb5: {  	s12 =	simm.s32 $0x1880;
	[sflag:s28] =	ssyncadd.s32 $0xFFFFC000  }
0xb6: {  	[spmem:s2] =	stream.indirect.scatter.add.f32 [tilespmem:s26], [sflag:$0x4], $0x80, s12, s23, $0xb8;
	[tilespmem:$0x1E8C0] =	vst v63  }
0xb7: {  	_ =	swait.ge [sflag:s29], $0x4000  }
0xb8: {  	[sflag:s29] =	ssyncset.done $0x0  }
0xb9: {  	s11 =	simm.s32 $0x100;
	[sflag:s29] =	ssyncadd.s32 $0xFFFFC000  }
0xba: {  	[tilespmem:s24], [sflag:$0x1] =	stream.indirect.gather [hbm4b:s4+s23], $0x80, s11, s23, $0xb8;
	[tilespmem:$0x1E8C0] =	vst v63  }
0xbb: {  	_ =	swait.ge [sflag:s25], $0x4000  }
0xbc: {  	[sflag:s25] =	ssyncset.done $0x0  }
0xbd: {  	s12 =	simm.s32 $0x1900;
	[sflag:s25] =	ssyncadd.s32 $0xFFFFC000  }
0xbe: {  	[spmem:s2] =	stream.indirect.scatter.add.f32 [tilespmem:s24], [sflag:$0x3], $0x80, s12, s23, $0xb8;
	[tilespmem:$0x1E8C0] =	vst v63  }
0xbf: {  	_ =	swait.ge [sflag:s30], $0x4000  }
0xc0: {  	[sflag:s30] =	ssyncset.done $0x0  }
0xc1: {  	s10 =	simm.s32 $0xFFFFB800;
	s11 =	simm.s32 $0x180;
	[sflag:s30] =	ssyncadd.s32 $0xFFFFC000  }
.LBB2_8:
0xc2: {  	[tilespmem:s26], [sflag:$0x2] =	stream.indirect.gather [hbm4b:s4+s23], $0x80, s11, s23, $0xb8;
	[tilespmem:$0x1E8C0] =	vst v63  }
0xc3: {  	s11 =	smov.u32 s10  }
0xc4: {  	p2 =	sne.s32 s10, $0xFFFFFC00;
	s10 =	sadd.s32 $0x400, s10;
	_ =	swait.ge [sflag:s28], $0x4000  }
0xc5: {  	s11 =	sshra.s32 s11, $0x2;
	[sflag:s28] =	ssyncset.done $0x0  }
0xc6: {  	s12 =	sadd.s32 $0x2B80, s11;
	[sflag:s28] =	ssyncadd.s32 $0xFFFFC000  }
0xc7: {  	[spmem:s2] =	stream.indirect.scatter.add.f32 [tilespmem:s26], [sflag:$0x4], $0x80, s12, s23, $0xb8;
	[tilespmem:$0x1E8C0] =	vst v63  }
0xc8: {  	_ =	swait.ge [sflag:s29], $0x4000  }
0xc9: {  	[sflag:s29] =	ssyncset.done $0x0  }
0xca: {  	s12 =	sadd.s32 $0x1400, s11;
	[sflag:s29] =	ssyncadd.s32 $0xFFFFC000  }
0xcb: {  	[tilespmem:s24], [sflag:$0x1] =	stream.indirect.gather [hbm4b:s4+s23], $0x80, s12, s23, $0xb8;
	[tilespmem:$0x1E8C0] =	vst v63  }
0xcc: {  	_ =	swait.ge [sflag:s25], $0x4000  }
0xcd: {  	[sflag:s25] =	ssyncset.done $0x0  }
.Ltmp7:
0xce: {  	s12 =	sadd.s32 $0x2C00, s11;
	[sflag:s25] =	ssyncadd.s32 $0xFFFFC000;
	(pc) =	sbr.rel @p2 .LBB2_8-.Ltmp7, $4  }
0xcf: {  	[spmem:s2] =	stream.indirect.scatter.add.f32 [tilespmem:s24], [sflag:$0x3], $0x80, s12, s23, $0xb8;
	[tilespmem:$0x1E8C0] =	vst v63  }
0xd0: {  	_ =	swait.ge [sflag:s30], $0x4000  }
0xd1: {  	[sflag:s30] =	ssyncset.done $0x0  }
0xd2: {  	s11 =	sadd.s32 $0x1480, s11;
	[sflag:s30] =	ssyncadd.s32 $0xFFFFC000  }
0xd3: {  	[tilespmem:s26], [sflag:$0x2] =	stream.indirect.gather [hbm4b:s4+s23], $0x80, s11, s23, $0xb8;
	[tilespmem:$0x1E8C0] =	vst v63  }
0xd4: {  	_ =	swait.ge [sflag:s28], $0x4000  }
0xd5: {  	[sflag:s28] =	ssyncset.done $0x0  }
0xd6: {  	s10 =	simm.s32 $0x2B80;
	[sflag:s28] =	ssyncadd.s32 $0xFFFFC000  }
0xd7: {  	[spmem:s2] =	stream.indirect.scatter.add.f32 [tilespmem:s26], [sflag:$0x4], $0x80, s10, s23, $0xb8;
	[tilespmem:$0x1E8C0] =	vst v63  }
0xd8: {  	_ =	swait.ge [sflag:s29], $0x4000  }
0xd9: {  	[sflag:s29] =	ssyncset.done $0x0  }
0xda: {  	[sflag:s29] =	ssyncadd.s32 $0xFFFFC000  }
0xdb: {  	_ =	swait.ge [sflag:s30], $0x4000  }
0xdc: {  	[sflag:s30] =	ssyncset.done $0x0  }
0xdd: {  	s11 =	rddreg [dreg:$0x5];
	[sflag:s30] =	ssyncadd.s32 $0xFFFFC000  }
0xde: {  	[tilespmem:s22], [sflag:$0x5] =	stream.linear.gather [hbm4b:s11+s3], $0x1000, $0x38;
	[tilespmem:$0x1E8C0] =	vst v63  }
0xdf: {  	_ =	swait.ge [sflag:s21], $0x1000  }
0xe0: {  	[sflag:s21] =	ssyncset.done $0x0  }
0xe1: {  	[sflag:s21] =	ssyncadd.s32 $0xFFFFF000  }
0xe2: {  	[tilespmem:s3], [sflag:$0x5] =	stream.linear.gather [hbm4b:s13+s3], $0x1000, $0x38;
	[tilespmem:$0x1E8C0] =	vst v63  }
0xe3: {  	_ =	swait.ge [sflag:s21], $0x1000  }
0xe4: {  	[sflag:s21] =	ssyncset.done $0x0  }
0xe5: {  	[sflag:s21] =	ssyncadd.s32 $0xFFFFF000  }
0xe6: {  	[tilespmem:s24], [sflag:$0x1] =	stream.indirect.gather [hbm4b:s4+s23], $0x80, s3, s23, $0xb8;
	[tilespmem:$0x1E8C0] =	vst v63  }
0xe7: {  	_ =	swait.ge [sflag:s25], $0x4000  }
0xe8: {  	[sflag:s25] =	ssyncset.done $0x0  }
0xe9: {  	[sflag:s25] =	ssyncadd.s32 $0xFFFFC000  }
0xea: {  	[spmem:s2] =	stream.indirect.scatter.add.f32 [tilespmem:s24], [sflag:$0x3], $0x80, s22, s23, $0xb8;
	[tilespmem:$0x1E8C0] =	vst v63  }
0xeb: {  	_ = 	snop  }
0xec: {  	[tilespmem:s26], [sflag:$0x2] =	stream.indirect.gather [hbm4b:s4+s23], $0x80, s23, s23, $0xb8;
	[tilespmem:$0x1E8C0] =	vst v63  }
0xed: {  	_ =	swait.ge [sflag:s28], $0x4000  }
0xee: {  	[sflag:s28] =	ssyncset.done $0x0  }
0xef: {  	s12 =	simm.s32 $0x1880;
	[sflag:s28] =	ssyncadd.s32 $0xFFFFC000  }
0xf0: {  	[spmem:s2] =	stream.indirect.scatter.add.f32 [tilespmem:s26], [sflag:$0x4], $0x80, s12, s23, $0xb8;
	[tilespmem:$0x1E8C0] =	vst v63  }
0xf1: {  	_ =	swait.ge [sflag:s29], $0x4000  }
0xf2: {  	[sflag:s29] =	ssyncset.done $0x0  }
0xf3: {  	s11 =	simm.s32 $0x100;
	[sflag:s29] =	ssyncadd.s32 $0xFFFFC000  }
0xf4: {  	[tilespmem:s24], [sflag:$0x1] =	stream.indirect.gather [hbm4b:s4+s23], $0x80, s11, s23, $0xb8;
	[tilespmem:$0x1E8C0] =	vst v63  }
0xf5: {  	_ =	swait.ge [sflag:s25], $0x4000  }
0xf6: {  	[sflag:s25] =	ssyncset.done $0x0  }
0xf7: {  	s12 =	simm.s32 $0x1900;
	[sflag:s25] =	ssyncadd.s32 $0xFFFFC000  }
0xf8: {  	[spmem:s2] =	stream.indirect.scatter.add.f32 [tilespmem:s24], [sflag:$0x3], $0x80, s12, s23, $0xb8;
	[tilespmem:$0x1E8C0] =	vst v63  }
0xf9: {  	_ =	swait.ge [sflag:s30], $0x4000  }
0xfa: {  	[sflag:s30] =	ssyncset.done $0x0  }
0xfb: {  	s10 =	simm.s32 $0xFFFFC800;
	s11 =	simm.s32 $0x180;
	[sflag:s30] =	ssyncadd.s32 $0xFFFFC000  }
.LBB2_10:
0xfc: {  	[tilespmem:s26], [sflag:$0x2] =	stream.indirect.gather [hbm4b:s4+s23], $0x80, s11, s23, $0xb8;
	[tilespmem:$0x1E8C0] =	vst v63  }
0xfd: {  	s11 =	smov.u32 s10  }
0xfe: {  	p2 =	sne.s32 s10, $0xFFFFFC00;
	s10 =	sadd.s32 $0x400, s10;
	_ =	swait.ge [sflag:s28], $0x4000  }
0xff: {  	s11 =	sshra.s32 s11, $0x2;
	[sflag:s28] =	ssyncset.done $0x0  }
0x100: {  	s12 =	sadd.s32 $0x2780, s11;
	[sflag:s28] =	ssyncadd.s32 $0xFFFFC000  }
0x101: {  	[spmem:s2] =	stream.indirect.scatter.add.f32 [tilespmem:s26], [sflag:$0x4], $0x80, s12, s23, $0xb8;
	[tilespmem:$0x1E8C0] =	vst v63  }
0x102: {  	_ =	swait.ge [sflag:s29], $0x4000  }
0x103: {  	[sflag:s29] =	ssyncset.done $0x0  }
0x104: {  	s12 =	sadd.s32 $0x1000, s11;
	[sflag:s29] =	ssyncadd.s32 $0xFFFFC000  }
0x105: {  	[tilespmem:s24], [sflag:$0x1] =	stream.indirect.gather [hbm4b:s4+s23], $0x80, s12, s23, $0xb8;
	[tilespmem:$0x1E8C0] =	vst v63  }
0x106: {  	_ =	swait.ge [sflag:s25], $0x4000  }
0x107: {  	[sflag:s25] =	ssyncset.done $0x0  }
.Ltmp8:
0x108: {  	s12 =	sadd.s32 $0x2800, s11;
	[sflag:s25] =	ssyncadd.s32 $0xFFFFC000;
	(pc) =	sbr.rel @p2 .LBB2_10-.Ltmp8, $4  }
0x109: {  	[spmem:s2] =	stream.indirect.scatter.add.f32 [tilespmem:s24], [sflag:$0x3], $0x80, s12, s23, $0xb8;
	[tilespmem:$0x1E8C0] =	vst v63  }
0x10a: {  	_ =	swait.ge [sflag:s30], $0x4000  }
0x10b: {  	[sflag:s30] =	ssyncset.done $0x0  }
0x10c: {  	s11 =	sadd.s32 $0x1080, s11;
	[sflag:s30] =	ssyncadd.s32 $0xFFFFC000  }
.Ltmp9:
0x10d: {  	(pc) =	sbr.rel .LBB2_12-.Ltmp9, $3  }
0x10e: {  	_ =	sdelay $0x1  }
0x10f: {  	[tilespmem:s26], [sflag:$0x2] =	stream.indirect.gather [hbm4b:s4+s23], $0x80, s11, s23, $0xb8;
	[tilespmem:$0x1E8C0] =	vst v63  }
0x110: {  	s10 =	simm.s32 $0x2780  }
.LBB2_13:
0x111: {  	_ =	sfence.sel $0x180000  }
0x112: {  	[bflag:$0x0] =	sbarrier.arrive $0xFFFF  }
0x113: {  	_ =	strace $0x9000004D  }
0x114: {  	s0 =	stileid.u32;
	[bflag:$0x2] =	sbarrier.arrive $0xFFFF  }
0x115: {  	p0 =	sne.s32 s0, $0x0;
	s0 =	rddreg [dreg:$0x2]  }
0x116: {  	s0 =	sadd.s32 @!p0 $0x100000, s0  }
0x117: {  	[sflag:s0] =	ssyncadd.tile.s32 @!p0 $0x1;
	_ =	shalt  }
.Lfunc_end2:
_tile_overlayer_lowered:
.L_overlay_start_2:
0x118: {  	(tag) =	ssettag $0x2  }
0x119: {  	s0 =	rddreg [dreg:$0x0];
	s2 =	stileid.u32  }
0x11a: {  	s1 =	rddreg [dreg:$0x1];
	p0 =	sne.s32 s2, $0x0  }
0x11b: {  	s3 =	rddreg [dreg:$0x2];
	[bflag:$0x3] =	sbarrier.arrive $0xFFFF;
	s2 =	simm.s32 @!p0 $0x1C05  }
0x11c: {  	[timem:s3], [sflag:s2] =	dma.local @!p0 [hbm:s0], s1  }
0x11d: {  	s0 =	simm.s32 @!p0 $0x5  }
0x11e: {  	_ =	swait.ge @!p0 [sflag:s0], s1  }
0x11f: {  	s1 =	ssub.s32 @!p0 $0x0, s1;
	[sflag:s0] =	ssyncset.done @!p0 $0x0  }
0x120: {  	[sflag:s0] =	ssyncadd.s32 @!p0 s1  }
0x121: {  	[bflag:$0x3] =	sbarrier.arrive $0xFFFF  }
0x122: {  	_ =	shalt  }

// kernel: kernel.19.cloned.1.call-start
scs
__scs_entry_jumppad:
0x0: {  	(pc) =	sbr.rel $0x88, $3  }
0x1: {  	(tag) =	ssettag $0x0;
	lr =	simm.s32 $0x1  }
0x2: {  	[smem:$0x3F91] =	sst lr;
	_ =	strace $0xD0000000  }
0x3: {  	_ = 	snop  }
0x4: {  	_ = 	snop  }
0x5: {  	_ = 	snop  }
0x6: {  	_ = 	snop  }
0x7: {  	_ = 	snop  }
__scs_overlays_trampoline_lowered:
0x8: {  	[smem:$0x3FA0] =	sst s0  }
0x9: {  	[smem:$0x3FA1] =	sst s1  }
0xa: {  	[smem:$0x3FA2] =	sst s2  }
0xb: {  	[smem:$0x3FA3] =	sst s3  }
0xc: {  	[smem:$0x3FA4] =	sst s4  }
0xd: {  	[smem:$0x3FA5] =	sst s5  }
0xe: {  	[smem:$0x3FA6] =	sst s6  }
0xf: {  	[smem:$0x3FA7] =	sst s7  }
0x10: {  	[smem:$0x3FA8] =	sst s8  }
0x11: {  	[smem:$0x3FA9] =	sst s9;
	s0 =	simm.s32 @!p0 $0x0  }
0x12: {  	s1 =	sld [smem:$0x3F8F];
	s0 =	simm.s32 @p0 $0x1  }
0x13: {  	[smem:$0x3FAA] =	sst s0;
	s0 =	simm.s32 @!p1 $0x0  }
0x14: {  	s2 =	sld [smem:$0x3F8E];
	s0 =	simm.s32 @p1 $0x1  }
0x15: {  	[smem:$0x3FAB] =	sst s0;
	s0 =	simm.s32 @!p2 $0x0  }
0x16: {  	s3 =	sld [smem:$0x3FDB];
	s0 =	simm.s32 @p2 $0x1  }
0x17: {  	s4 =	simm.s32 $0x1BF5;
	[smem:$0x3FAD] =	sst s0  }
0x18: {  	s0 =	sld [smem:$0x3F90];
	_ =	swait.ge [sflag:s4], $0x0  }
0x19: {  	s7 =	sld [smem:$0x3F91]  }
0x1a: {  	s8 =	sadd.s32 $0xFFFFE003, lr  }
0x1b: {  	s9 =	sadd.s32 $0xFFFFFEF7, lr;
	s5 =	simm.s32 $0xFFFFFFFF;
	p2 =	slt.u32 s8, $0xFFFFF086  }
0x1c: {  	p1 =	slt.u32 s9, $0xF7A;
	s5 =	simm.s32 @!p2 $0x0  }
0x1d: {  	s5 =	simm.s32 @p1 $0x1;
	p0 =	seq.s32 s7, s2  }
0x1e: {  	s7 =	smul.u32 @!p0 $0xF7A, s2;
	p2 =	seq.s32 @!p0 s5, $0x0  }
0x1f: {  	s9 =	smul.u32 $0xF7A, s1;
	s8 =	simm.s32 @!p0 $0x1BF5;
	p2 =	por !p2, p0  }
0x20: {  	[sflag:s8] =	ssyncset.s32 @!p0 $0xFFFFF086;
	s6 =	sadd.s32 @!p0 s3, s7;
	s7 =	simm.s32 @!p0 $0x108  }
0x21: {  	s3 =	sadd.s32 s3, s9;
	s6 =	sadd.s32 @!p0 $0x88, s6;
	s7 =	simm.s32 @p2 $0x1082  }
0x22: {  	[simem:s7], [sflag:s8] =	dma.local @!p0 [hbm:s6], $0xF7A  }
0x23: {  	s9 =	sor.u32 $0xD0000000, s2;
	s6 =	simm.s32 $0x108;
	_ =	swait.ge @!p0 [sflag:s8], $0x0  }
0x24: {  	s3 =	sadd.s32 $0x88, s3;
	s6 =	simm.s32 @!p1 $0x1082;
	[sflag:s4] =	ssyncset.s32 $0xFFFFF086  }
0x25: {  	[simem:s6], [sflag:s4] =	dma.local [hbm:s3], $0xF7A  }
0x26: {  	[smem:$0x3F91] =	sst s1;
	(tag) =	ssettag s2;
	_ =	strace s9  }
0x27: {  	s1 =	sld [smem:$0x3FA1]  }
0x28: {  	s2 =	sld [smem:$0x3FA2]  }
0x29: {  	s4 =	sld [smem:$0x3FA4]  }
0x2a: {  	p0 =	seq.s32 s5, $0x0;
	s5 =	sld [smem:$0x3FA5]  }
0x2b: {  	s6 =	sld [smem:$0x3FA6]  }
0x2c: {  	s7 =	sld [smem:$0x3FA7]  }
0x2d: {  	s3 =	simm.s32 $0x108;
	s8 =	sld [smem:$0x3FA8]  }
0x2e: {  	s3 =	simm.s32 @!p0 $0x1082;
	s9 =	sld [smem:$0x3FA9]  }
0x2f: {  	lr =	sadd.s32 s0, s3;
	s0 =	sld [smem:$0x3FA0]  }
0x30: {  	s3 =	sld [smem:$0x3FA3]  }
0x31: {  	[smem:$0x3FAC] =	sst s10  }
0x32: {  	s10 =	sld [smem:$0x3FAA];
	_ =	sdelay $0x3  }
0x33: {  	p0 =	seq.s32 s10, $0x1;
	s10 =	sld [smem:$0x3FAC];
	_ =	sdelay $0x3  }
0x34: {  	[smem:$0x3FAC] =	sst s10  }
0x35: {  	s10 =	sld [smem:$0x3FAB];
	_ =	sdelay $0x3  }
0x36: {  	p1 =	seq.s32 s10, $0x1;
	s10 =	sld [smem:$0x3FAC];
	_ =	sdelay $0x3  }
0x37: {  	[smem:$0x3FAC] =	sst s10  }
0x38: {  	s10 =	sld [smem:$0x3FAD]  }
0x39: {  	_ = 	snop;
	(pc) =	sbr.ind lr, $3  }
0x3a: {  	_ = 	snop  }
0x3b: {  	_ = 	snop  }
0x3c: {  	p2 =	seq.s32 s10, $0x1;
	s10 =	sld [smem:$0x3FAC]  }
0x3d: {  	_ =	shalt  }
0x3e: {  	_ =	shalt  }
0x3f: {  	_ =	shalt  }
0x40: {  	_ =	shalt  }
0x41: {  	_ =	shalt  }
0x42: {  	_ =	shalt  }
0x43: {  	_ =	shalt  }
0x44: {  	_ =	shalt  }
0x45: {  	_ =	shalt  }
0x46: {  	_ =	shalt  }
0x47: {  	_ =	shalt  }
0x48: {  	_ =	shalt  }
0x49: {  	_ =	shalt  }
0x4a: {  	_ =	shalt  }
0x4b: {  	_ =	shalt  }
0x4c: {  	_ =	shalt  }
0x4d: {  	_ =	shalt  }
0x4e: {  	_ =	shalt  }
0x4f: {  	_ =	shalt  }
0x50: {  	_ =	shalt  }
0x51: {  	_ =	shalt  }
0x52: {  	_ =	shalt  }
0x53: {  	_ =	shalt  }
0x54: {  	_ =	shalt  }
0x55: {  	_ =	shalt  }
0x56: {  	_ =	shalt  }
0x57: {  	_ =	shalt  }
0x58: {  	_ =	shalt  }
0x59: {  	_ =	shalt  }
0x5a: {  	_ =	shalt  }
0x5b: {  	_ =	shalt  }
0x5c: {  	_ =	shalt  }
0x5d: {  	_ =	shalt  }
0x5e: {  	_ =	shalt  }
0x5f: {  	_ =	shalt  }
0x60: {  	_ =	shalt  }
0x61: {  	_ =	shalt  }
0x62: {  	_ =	shalt  }
0x63: {  	_ =	shalt  }
0x64: {  	_ =	shalt  }
0x65: {  	_ =	shalt  }
0x66: {  	_ =	shalt  }
0x67: {  	_ =	shalt  }
0x68: {  	_ =	shalt  }
0x69: {  	_ =	shalt  }
0x6a: {  	_ =	shalt  }
0x6b: {  	_ =	shalt  }
0x6c: {  	_ =	shalt  }
0x6d: {  	_ =	shalt  }
0x6e: {  	_ =	shalt  }
0x6f: {  	_ =	shalt  }
0x70: {  	_ =	shalt  }
0x71: {  	_ =	shalt  }
0x72: {  	_ =	shalt  }
0x73: {  	_ =	shalt  }
0x74: {  	_ =	shalt  }
0x75: {  	_ =	shalt  }
0x76: {  	_ =	shalt  }
0x77: {  	_ =	shalt  }
0x78: {  	_ =	shalt  }
0x79: {  	_ =	shalt  }
0x7a: {  	_ =	shalt  }
0x7b: {  	_ =	shalt  }
0x7c: {  	_ =	shalt  }
0x7d: {  	_ =	shalt  }
0x7e: {  	_ =	shalt  }
0x7f: {  	_ =	shalt  }
0x80: {  	_ =	shalt  }
0x81: {  	_ =	shalt  }
0x82: {  	_ =	shalt  }
0x83: {  	_ =	shalt  }
0x84: {  	_ =	shalt  }
0x85: {  	_ =	shalt  }
0x86: {  	_ =	shalt  }
0x87: {  	_ =	shalt  }
.Lfunc_end0:
.L_simem_size_0:
called_computation.3_lowered:
.L_overlay_start_0:
0x88: {  	s2 =	sld [smem:$0x3FD9]  }
0x89: {  	s3 =	sld [smem:$0x3FFE];
	_ =	sdelay $0x1  }
0x8a: {  	s1 =	srdreg.scid  }
0x8b: {  	s0 =	sand.u32 $0x1, s1  }
0x8c: {  	s16 =	sshll.u32 s0, $0xA;
	s2 =	sadd.s32 s3, s2  }
0x8d: {  	s2 =	sadd.s32 s2, s16  }
0x8e: {  	[smem:$0x3FB8] =	sst s2  }
0x8f: {  	_ = 	snop  }
0x90: {  	(tm) =	ssettm $0x1  }
0x91: {  	s17 =	sld [smem:$0x3FFB];
	_ =	sdelay $0x3  }
0x92: {  	_ =	strace s17  }
0x93: {  	s2 =	sld [smem:$0x3FFC];
	_ =	sdelay $0x3  }
0x94: {  	_ =	strace s2  }
0x95: {  	s2 =	sld [smem:$0x3FFD];
	_ =	sdelay $0x3  }
0x96: {  	_ =	strace s2  }
0x97: {  	_ =	strace $0x8FFFFFFF  }
0x98: {  	s18 =	sld [smem:$0x3FDB];
	_ =	sdelay $0x1  }
0x99: {  	s19 =	simm.s32 $_scs_section_size  }
0x9a: {  	s4 =	simm.s32 $_size__tile_overlayer_lowered;
	s5 =	simm.s32 $_tile_overlayer_lowered  }
0x9b: {  	s22 =	simm.s32 $0x1BFF;
	s21 =	sshll.u32 s5, $0x1;
	s2 =	sadd.s32 s19, s18  }
0x9c: {  	s6 =	simm.s32 $0x0;
	s20 =	sshll.u32 s4, $0x1;
	s4 =	sadd.s32 s21, s2  }
0x9d: {  	[timem:s6], [sflag:s22] =	dma.local [hbm:s4], s20  }
0x9e: {  	_ =	swait.ge [sflag:s22], s20  }
0x9f: {  	s3 =	ssub.s32 $0x0, s20;
	[sflag:s22] =	ssyncset.done $0x0  }
0xa0: {  	[sflag:s22] =	ssyncadd.s32 s3;
	_ =	sdelay $0x1  }
0xa1: {  	s23 =	simm.s32 $0x1B8B  }
0xa2: {  	_ =	swait.ge [sflag:s23], $0x1  }
0xa3: {  	[sflag:s23] =	ssyncset.done $0x0  }
0xa4: {  	s25 =	simm.s32 $0x1B8E;
	s24 =	sld [smem:$0x3FFE];
	[sflag:s23] =	ssyncadd.s32 $0xFFFFFFFF  }
0xa5: {  	s26 =	simm.s32 $execute0_lowered;
	[smem:$0x3FD2] =	sst s25  }
0xa6: {  	s4 =	sshll.u32 s26, $0x1;
	_ =	strace $0x8000004F;
	[dreg:$0x1] =	wrdreg $0xFFFFFFFF  }
0xa7: {  	s28 =	simm.s32 $_size_execute0_lowered;
	s2 =	sadd.s32 s2, s4;
	[dreg:$0x0] =	wrdreg $0x0  }
0xa8: {  	s4 =	sshll.u32 s28, $0x1;
	[dreg:$0x2] =	wrdreg s2  }
0xa9: {  	[dreg:$0x3] =	wrdreg s4  }
0xaa: {  	[dreg:$0x4] =	wrdreg $0xC0  }
0xab: {  	_ =	task [dreg:s6], $0x5FFFF  }
0xac: {  	[dreg:$0x1] =	wrdreg $0xFFFFFFFF  }
0xad: {  	[dreg:$0x0] =	wrdreg $0x60  }
0xae: {  	[dreg:$0x2] =	wrdreg s24  }
0xaf: {  	[dreg:$0x3] =	wrdreg $0xB0000  }
0xb0: {  	[dreg:$0x4] =	wrdreg $0x9  }
0xb1: {  	_ =	task.clear_ibuf [dreg:s6], $0x5FFFF;
	_ =	strace $0x9000004F  }
0xb2: {  	s29 =	simm.s32 $0x9;
	_ =	strace $0x80000051  }
0xb3: {  	_ =	swait.ge [sflag:s29], $0x1  }
0xb4: {  	[sflag:s29] =	ssyncadd.s32 $0xFFFFFFFF  }
0xb5: {  	_ =	strace $0x90000051  }
0xb6: {  	_ =	sfence  }
0xb7: {  	s30 =	sld [smem:$0x0];
	_ =	sdelay $0x2  }
0xb8: {  	s31 =	sshll.u32 s1, $0xD;
	s1 =	sshrl.u32 s1, $0x2  }
0xb9: {  	s3 =	sand.u32 $0x4000, s31;
	s1 =	sadd.s32 s1, s30  }
0xba: {  	s0 =	sor.u32 s3, s0;
	s1 =	sshll.u32 s1, $0x11  }
0xbb: {  	s0 =	sor.u32 s1, s0  }
0xbc: {  	s0 =	sadd.s32 $0x8F2B, s0  }
0xbd: {  	[sflag:s0] =	ssyncadd.remote.s32 $0x1  }
0xbe: {  	_ =	sfence.sel $0xFFFF  }
0xbf: {  	[dreg:$0x0] =	wrdreg $0xFFFFFFFF;
	(pc) =	sbr.abs _section_cstart, $3  }
0xc0: {  	[dreg:$0x1] =	wrdreg $0xFFFFFFFF  }
0xc1: {  	_ =	task.clear_ibuf [dreg:s6], $0x2FFFF;
	_ =	strace $0x9FFFFFFF  }
0xc2: {  	(tm) =	ssettm $0x7FFFFFFF  }
0xc3: {  	_ =	shalt  }
tec
execute0_lowered:
.L_overlay_start_1:
0x0: {  	(tag) =	ssettag $0x1  }
0x1: {  	s0 =	rddreg [dreg:$0x0]  }
0x2: {  	s2 =	rddreg [dreg:$0x1];
	s3 =	simm.s32 $0x0;
	s21 =	stileid.u32  }
0x3: {  	s5 =	srdreg.scid;
	s28 =	simm.s32 $0x2;
	s29 =	simm.s32 $0x3  }
0x4: {  	s30 =	simm.s32 $0x4;
	[smem:$0x7FF] =	sst s3;
	s1 =	smul.u32 $0x13800, s21  }
0x5: {  	s4 =	sadd.s32 $0xBE800, s0;
	s10 =	sadd.s32 $0x18000, s0;
	s11 =	sand.u32 $0x1, s5  }
0x6: {  	s16 =	sadd.s32 $0xE000, s0;
	s8 =	smul.u32 $0x4E000, s21;
	s18 =	sadd.s32 $0x70400, s0  }
0x7: {  	s22 =	sshll.u32 s21, $0x6;
	s9 =	smul.u32 $0x5000, s21;
	p0 =	sne.s32 s21, $0xF  }
0x8: {  	_ =	strace $0x80000050;
	s6 =	ssub.s32 $0x2, s11;
	p1 =	sne.s32 s11, $0x0  }
0x9: {  	s15 =	sshrl.u32 s1, $0x3;
	s17 =	sshrl.u32 s6, $0x1;
	s19 =	sshrl.u32 s8, $0x2  }
0xa: {  	s8 =	sadd.s32 $0x138000, s2;
	s7 =	sadd.s32 s15, s0;
	s20 =	ssub.s32 s6, s17  }
0xb: {  	s15 =	smul.u32 $0xA00, s21;
	s5 =	sadd.s32 s19, s2;
	s17 =	sshrl.u32 s9, $0x3  }
0xc: {  	s9 =	sadd.s32 $0x70200, s0;
	s19 =	smul.u32 $0x138800, s11;
	s21 =	simm.s32 $0x5  }
0xd: {  	s6 =	sadd.s32 $0x49200, s7;
	s7 =	sor.u32 $0x1C05, s22;
	s24 =	sadd.s32 $0x800, s17  }
0xe: {  	s26 =	sadd.s32 $0x300, s17;
	s20 =	smax.u32 s20, $0x1;
	s22 =	simm.s32 $0x1800  }
0xf: {  	s12 =	sadd.s32 $0x580, s15;
	s25 =	sadd.s32 s16, s24;
	s13 =	sadd.s32 s10, s24  }
0x10: {  	s14 =	sadd.s32 s16, s15;
	s15 =	sadd.s32 s10, s15;
	s1 =	sadd.s32 s1, s19  }
0x11: {  	s31 =	sshrl.u32 s19, $0x3;
	s17 =	sadd.s32 s10, s26;
	s24 =	simm.s32 $0x3000  }
.Ltmp0:
0x12: {  	s23 =	sadd.s32 s16, s12;
	s12 =	sadd.s32 s10, s12;
	(pc) =	sbr.rel .LBB2_1-.Ltmp0, $4  }
0x13: {  	[dreg:$0x5] =	wrdreg s25;
	s16 =	sadd.s32 s16, s26;
	s1 =	sshrl.u32 s1, $0x3  }
0x14: {  	s19 =	sadd.s32 s18, s31;
	s25 =	simm.s32 $0x1;
	[dreg:$0x3] =	wrdreg s23  }
0x15: {  	s26 =	simm.s32 $0x7000;
	[dreg:$0x4] =	wrdreg s12;
	s18 =	sadd.s32 s18, s1  }
0x16: {  	s19 =	sadd.s32 $0x27000, s19;
	s23 =	simm.s32 $0x80;
	s1 =	simm.s32 $0x0  }
.LBB2_6:
0x17: {  	[tilespmem:s26], [sflag:$0x2] =	stream.indirect.gather [hbm4b:s4+s23], $0x80, s11, s23, $0xb8;
	[tilespmem:$0x1E8C0] =	vst v63  }
0x18: {  	s10 =	simm.s32 $0x2B80  }
.LBB2_12:
0x19: {  	_ =	swait.ge [sflag:s28], $0x4000  }
0x1a: {  	[sflag:s28] =	ssyncset.done $0x0  }
0x1b: {  	[sflag:s28] =	ssyncadd.s32 $0xFFFFC000  }
0x1c: {  	[spmem:s2] =	stream.indirect.scatter.add.f32 [tilespmem:s26], [sflag:$0x4], $0x80, s10, s23, $0xb8;
	[tilespmem:$0x1E8C0] =	vst v63  }
0x1d: {  	_ =	swait.ge [sflag:s29], $0x4000  }
0x1e: {  	[sflag:s29] =	ssyncset.done $0x0  }
0x1f: {  	[sflag:s29] =	ssyncadd.s32 $0xFFFFC000  }
0x20: {  	_ =	swait.ge [sflag:s30], $0x4000  }
0x21: {  	[sflag:s30] =	ssyncset.done $0x0  }
0x22: {  	[sflag:s30] =	ssyncadd.s32 $0xFFFFC000  }
0x23: {  	[bflag:$0x0] =	sbarrier.arrive $0xFFFF  }
0x24: {  	[hbm:s18], [sflag:s7] =	dma.local [spmem:s31], $0x2700  }
0x25: {  	_ =	swait.ge [sflag:s21], $0x2700  }
0x26: {  	s1 =	sadd.s32 $0x1, s1;
	[sflag:s21] =	ssyncset.done $0x0  }
0x27: {  	p2 =	sne.s32 s1, s20;
	[sflag:s21] =	ssyncadd.s32 $0xFFFFD900  }
0x28: {  	[hbm:s19], [sflag:s7] =	dma.local @!p0 [spmem:s0], $0x100  }
.Ltmp1:
0x29: {  	_ = 	snop;
	(pc) =	sbr.rel @!p2 .LBB2_13-.Ltmp1, $4  }
0x2a: {  	s0 =	simm.s32 @!p0 $0x5  }
0x2b: {  	_ =	swait.ge @!p0 [sflag:s0], $0x100  }
0x2c: {  	[sflag:s0] =	ssyncset.done @!p0 $0x0  }
0x2d: {  	[sflag:s0] =	ssyncadd.s32 @!p0 $0xFFFFFF00  }
.LBB2_1:
0x2e: {  	s31 =	sshrl.u32 s5, $0x3  }
0x2f: {  	[spmem:s31], [sflag:s7] =	dma.local [hbm:s6], $0x2700  }
0x30: {  	_ =	swait.ge [sflag:s21], $0x2700  }
0x31: {  	[sflag:s21] =	ssyncset.done $0x0  }
0x32: {  	s0 =	sshrl.u32 @!p0 s8, $0x3;
	s10 =	simm.s32 @!p0 $0x5;
	[sflag:s21] =	ssyncadd.s32 $0xFFFFD900  }
0x33: {  	[spmem:s0], [sflag:s7] =	dma.local @!p0 [hbm:s9], $0x100  }
.Ltmp2:
0x34: {  	_ =	swait.ge @!p0 [sflag:s10], $0x100;
	(pc) =	sbr.rel @p1 .LBB2_7-.Ltmp2, $3  }
0x35: {  	[sflag:s10] =	ssyncset.done @!p0 $0x0  }
0x36: {  	[sflag:s10] =	ssyncadd.s32 @!p0 $0xFFFFFF00  }
0x37: {  	[bflag:$0x0] =	sbarrier.arrive $0xFFFF;
	_ =	sdelay $0x1  }
0x38: {  	[tilespmem:s22], [sflag:$0x5] =	stream.linear.gather [hbm4b:s14+s3], $0x1800, $0x38;
	[tilespmem:$0x1E8C0] =	vst v63  }
0x39: {  	_ =	swait.ge [sflag:s21], $0x1800  }
0x3a: {  	[sflag:s21] =	ssyncset.done $0x0  }
0x3b: {  	[sflag:s21] =	ssyncadd.s32 $0xFFFFE800  }
0x3c: {  	[tilespmem:s3], [sflag:$0x5] =	stream.linear.gather [hbm4b:s15+s3], $0x1800, $0x38;
	[tilespmem:$0x1E8C0] =	vst v63  }
0x3d: {  	_ =	swait.ge [sflag:s21], $0x1800  }
0x3e: {  	[sflag:s21] =	ssyncset.done $0x0  }
0x3f: {  	[sflag:s21] =	ssyncadd.s32 $0xFFFFE800  }
0x40: {  	[tilespmem:s24], [sflag:$0x1] =	stream.indirect.gather [hbm4b:s4+s23], $0x80, s3, s23, $0xb8;
	[tilespmem:$0x1E8C0] =	vst v63  }
0x41: {  	_ =	swait.ge [sflag:s25], $0x4000  }
0x42: {  	[sflag:s25] =	ssyncset.done $0x0  }
0x43: {  	[sflag:s25] =	ssyncadd.s32 $0xFFFFC000  }
0x44: {  	[spmem:s2] =	stream.indirect.scatter.add.f32 [tilespmem:s24], [sflag:$0x3], $0x80, s22, s23, $0xb8;
	[tilespmem:$0x1E8C0] =	vst v63  }
0x45: {  	_ = 	snop  }
0x46: {  	[tilespmem:s26], [sflag:$0x2] =	stream.indirect.gather [hbm4b:s4+s23], $0x80, s23, s23, $0xb8;
	[tilespmem:$0x1E8C0] =	vst v63  }
0x47: {  	_ =	swait.ge [sflag:s28], $0x4000  }
0x48: {  	[sflag:s28] =	ssyncset.done $0x0  }
0x49: {  	s10 =	simm.s32 $0x1880;
	[sflag:s28] =	ssyncadd.s32 $0xFFFFC000  }
0x4a: {  	[spmem:s2] =	stream.indirect.scatter.add.f32 [tilespmem:s26], [sflag:$0x4], $0x80, s10, s23, $0xb8;
	[tilespmem:$0x1E8C0] =	vst v63  }
0x4b: {  	_ =	swait.ge [sflag:s29], $0x4000  }
0x4c: {  	[sflag:s29] =	ssyncset.done $0x0  }
0x4d: {  	s11 =	simm.s32 $0x100;
	[sflag:s29] =	ssyncadd.s32 $0xFFFFC000  }
0x4e: {  	[tilespmem:s24], [sflag:$0x1] =	stream.indirect.gather [hbm4b:s4+s23], $0x80, s11, s23, $0xb8;
	[tilespmem:$0x1E8C0] =	vst v63  }
0x4f: {  	_ =	swait.ge [sflag:s25], $0x4000  }
0x50: {  	[sflag:s25] =	ssyncset.done $0x0  }
0x51: {  	s12 =	simm.s32 $0x1900;
	[sflag:s25] =	ssyncadd.s32 $0xFFFFC000  }
0x52: {  	[spmem:s2] =	stream.indirect.scatter.add.f32 [tilespmem:s24], [sflag:$0x3], $0x80, s12, s23, $0xb8;
	[tilespmem:$0x1E8C0] =	vst v63  }
0x53: {  	_ =	swait.ge [sflag:s30], $0x4000  }
0x54: {  	[sflag:s30] =	ssyncset.done $0x0  }
0x55: {  	s10 =	simm.s32 $0xFFFFA800;
	s11 =	simm.s32 $0x180;
	[sflag:s30] =	ssyncadd.s32 $0xFFFFC000  }
.LBB2_3:
0x56: {  	[tilespmem:s26], [sflag:$0x2] =	stream.indirect.gather [hbm4b:s4+s23], $0x80, s11, s23, $0xb8;
	[tilespmem:$0x1E8C0] =	vst v63  }
0x57: {  	s11 =	smov.u32 s10  }
0x58: {  	p2 =	sne.s32 s10, $0xFFFFFC00;
	s10 =	sadd.s32 $0x400, s10;
	_ =	swait.ge [sflag:s28], $0x4000  }
0x59: {  	s11 =	sshra.s32 s11, $0x2;
	[sflag:s28] =	ssyncset.done $0x0  }
0x5a: {  	s12 =	sadd.s32 $0x2F80, s11;
	[sflag:s28] =	ssyncadd.s32 $0xFFFFC000  }
0x5b: {  	[spmem:s2] =	stream.indirect.scatter.add.f32 [tilespmem:s26], [sflag:$0x4], $0x80, s12, s23, $0xb8;
	[tilespmem:$0x1E8C0] =	vst v63  }
0x5c: {  	_ =	swait.ge [sflag:s29], $0x4000  }
0x5d: {  	[sflag:s29] =	ssyncset.done $0x0  }
0x5e: {  	s12 =	sadd.s32 $0x1800, s11;
	[sflag:s29] =	ssyncadd.s32 $0xFFFFC000  }
0x5f: {  	[tilespmem:s24], [sflag:$0x1] =	stream.indirect.gather [hbm4b:s4+s23], $0x80, s12, s23, $0xb8;
	[tilespmem:$0x1E8C0] =	vst v63  }
0x60: {  	_ =	swait.ge [sflag:s25], $0x4000  }
0x61: {  	[sflag:s25] =	ssyncset.done $0x0  }
.Ltmp3:
0x62: {  	s12 =	sadd.s32 $0x3000, s11;
	[sflag:s25] =	ssyncadd.s32 $0xFFFFC000;
	(pc) =	sbr.rel @p2 .LBB2_3-.Ltmp3, $4  }
0x63: {  	[spmem:s2] =	stream.indirect.scatter.add.f32 [tilespmem:s24], [sflag:$0x3], $0x80, s12, s23, $0xb8;
	[tilespmem:$0x1E8C0] =	vst v63  }
0x64: {  	_ =	swait.ge [sflag:s30], $0x4000  }
0x65: {  	[sflag:s30] =	ssyncset.done $0x0  }
0x66: {  	s11 =	sadd.s32 $0x1880, s11;
	[sflag:s30] =	ssyncadd.s32 $0xFFFFC000  }
0x67: {  	[tilespmem:s26], [sflag:$0x2] =	stream.indirect.gather [hbm4b:s4+s23], $0x80, s11, s23, $0xb8;
	[tilespmem:$0x1E8C0] =	vst v63  }
0x68: {  	_ =	swait.ge [sflag:s28], $0x4000  }
0x69: {  	[sflag:s28] =	ssyncset.done $0x0  }
0x6a: {  	s10 =	simm.s32 $0x2F80;
	[sflag:s28] =	ssyncadd.s32 $0xFFFFC000  }
0x6b: {  	[spmem:s2] =	stream.indirect.scatter.add.f32 [tilespmem:s26], [sflag:$0x4], $0x80, s10, s23, $0xb8;
	[tilespmem:$0x1E8C0] =	vst v63  }
0x6c: {  	_ =	swait.ge [sflag:s29], $0x4000  }
0x6d: {  	[sflag:s29] =	ssyncset.done $0x0  }
0x6e: {  	[sflag:s29] =	ssyncadd.s32 $0xFFFFC000  }
0x6f: {  	_ =	swait.ge [sflag:s30], $0x4000  }
0x70: {  	[sflag:s30] =	ssyncset.done $0x0  }
0x71: {  	[sflag:s30] =	ssyncadd.s32 $0xFFFFC000  }
0x72: {  	[tilespmem:s22], [sflag:$0x5] =	stream.linear.gather [hbm4b:s16+s3], $0x1400, $0x38;
	[tilespmem:$0x1E8C0] =	vst v63  }
0x73: {  	_ =	swait.ge [sflag:s21], $0x1400  }
0x74: {  	[sflag:s21] =	ssyncset.done $0x0  }
0x75: {  	[sflag:s21] =	ssyncadd.s32 $0xFFFFEC00  }
0x76: {  	[tilespmem:s3], [sflag:$0x5] =	stream.linear.gather [hbm4b:s17+s3], $0x1400, $0x38;
	[tilespmem:$0x1E8C0] =	vst v63  }
0x77: {  	_ =	swait.ge [sflag:s21], $0x1400  }
0x78: {  	[sflag:s21] =	ssyncset.done $0x0  }
0x79: {  	[sflag:s21] =	ssyncadd.s32 $0xFFFFEC00  }
0x7a: {  	[tilespmem:s24], [sflag:$0x1] =	stream.indirect.gather [hbm4b:s4+s23], $0x80, s3, s23, $0xb8;
	[tilespmem:$0x1E8C0] =	vst v63  }
0x7b: {  	_ =	swait.ge [sflag:s25], $0x4000  }
0x7c: {  	[sflag:s25] =	ssyncset.done $0x0  }
0x7d: {  	[sflag:s25] =	ssyncadd.s32 $0xFFFFC000  }
0x7e: {  	[spmem:s2] =	stream.indirect.scatter.add.f32 [tilespmem:s24], [sflag:$0x3], $0x80, s22, s23, $0xb8;
	[tilespmem:$0x1E8C0] =	vst v63  }
0x7f: {  	_ = 	snop  }
0x80: {  	[tilespmem:s26], [sflag:$0x2] =	stream.indirect.gather [hbm4b:s4+s23], $0x80, s23, s23, $0xb8;
	[tilespmem:$0x1E8C0] =	vst v63  }
0x81: {  	_ =	swait.ge [sflag:s28], $0x4000  }
0x82: {  	[sflag:s28] =	ssyncset.done $0x0  }
0x83: {  	s12 =	simm.s32 $0x1880;
	[sflag:s28] =	ssyncadd.s32 $0xFFFFC000  }
0x84: {  	[spmem:s2] =	stream.indirect.scatter.add.f32 [tilespmem:s26], [sflag:$0x4], $0x80, s12, s23, $0xb8;
	[tilespmem:$0x1E8C0] =	vst v63  }
0x85: {  	_ =	swait.ge [sflag:s29], $0x4000  }
0x86: {  	[sflag:s29] =	ssyncset.done $0x0  }
0x87: {  	s11 =	simm.s32 $0x100;
	[sflag:s29] =	ssyncadd.s32 $0xFFFFC000  }
0x88: {  	[tilespmem:s24], [sflag:$0x1] =	stream.indirect.gather [hbm4b:s4+s23], $0x80, s11, s23, $0xb8;
	[tilespmem:$0x1E8C0] =	vst v63  }
0x89: {  	_ =	swait.ge [sflag:s25], $0x4000  }
0x8a: {  	p2 =	por $0x0, $0x0;
	[sflag:s25] =	ssyncset.done $0x0  }
.Ltmp4:
0x8b: {  	s12 =	simm.s32 $0x1900;
	[sflag:s25] =	ssyncadd.s32 $0xFFFFC000;
	(pc) =	sbr.rel @p2 .LBB2_6-.Ltmp4, $4  }
0x8c: {  	[spmem:s2] =	stream.indirect.scatter.add.f32 [tilespmem:s24], [sflag:$0x3], $0x80, s12, s23, $0xb8;
	[tilespmem:$0x1E8C0] =	vst v63  }
0x8d: {  	_ =	swait.ge [sflag:s30], $0x4000  }
0x8e: {  	[sflag:s30] =	ssyncset.done $0x0  }
0x8f: {  	s10 =	simm.s32 $0xFFFFB800;
	s11 =	simm.s32 $0x180;
	[sflag:s30] =	ssyncadd.s32 $0xFFFFC000  }
.LBB2_5:
0x90: {  	[tilespmem:s26], [sflag:$0x2] =	stream.indirect.gather [hbm4b:s4+s23], $0x80, s11, s23, $0xb8;
	[tilespmem:$0x1E8C0] =	vst v63  }
0x91: {  	s11 =	smov.u32 s10  }
0x92: {  	p2 =	seq.s32 s10, $0xFFFFFC00;
	s10 =	sadd.s32 $0x400, s10;
	_ =	swait.ge [sflag:s28], $0x4000  }
0x93: {  	s11 =	sshra.s32 s11, $0x2;
	[sflag:s28] =	ssyncset.done $0x0  }
0x94: {  	s12 =	sadd.s32 $0x2B80, s11;
	[sflag:s28] =	ssyncadd.s32 $0xFFFFC000  }
0x95: {  	[spmem:s2] =	stream.indirect.scatter.add.f32 [tilespmem:s26], [sflag:$0x4], $0x80, s12, s23, $0xb8;
	[tilespmem:$0x1E8C0] =	vst v63  }
0x96: {  	_ =	swait.ge [sflag:s29], $0x4000  }
0x97: {  	[sflag:s29] =	ssyncset.done $0x0  }
0x98: {  	s12 =	sadd.s32 $0x1400, s11;
	[sflag:s29] =	ssyncadd.s32 $0xFFFFC000  }
0x99: {  	[tilespmem:s24], [sflag:$0x1] =	stream.indirect.gather [hbm4b:s4+s23], $0x80, s12, s23, $0xb8;
	[tilespmem:$0x1E8C0] =	vst v63  }
0x9a: {  	_ =	swait.ge [sflag:s25], $0x4000  }
0x9b: {  	[sflag:s25] =	ssyncset.done $0x0  }
.Ltmp5:
0x9c: {  	s12 =	sadd.s32 $0x2C00, s11;
	[sflag:s25] =	ssyncadd.s32 $0xFFFFC000;
	(pc) =	sbr.rel @!p2 .LBB2_5-.Ltmp5, $4  }
0x9d: {  	[spmem:s2] =	stream.indirect.scatter.add.f32 [tilespmem:s24], [sflag:$0x3], $0x80, s12, s23, $0xb8;
	[tilespmem:$0x1E8C0] =	vst v63  }
0x9e: {  	_ =	swait.ge [sflag:s30], $0x4000  }
0x9f: {  	[sflag:s30] =	ssyncset.done $0x0  }
0xa0: {  	s11 =	sadd.s32 $0x1480, s11;
	[sflag:s30] =	ssyncadd.s32 $0xFFFFC000  }
.Ltmp6:
0xa1: {  	_ = 	snop;
	(pc) =	sbr.rel .LBB2_6-.Ltmp6, $1  }
0xa2: {  	_ =	sdelay $0x3  }
.LBB2_7:
0xa3: {  	s10 =	rddreg [dreg:$0x3]  }
0xa4: {  	[tilespmem:s22], [sflag:$0x5] =	stream.linear.gather [hbm4b:s10+s3], $0x1400, $0x38;
	[tilespmem:$0x1E8C0] =	vst v63  }
0xa5: {  	_ =	swait.ge [sflag:s21], $0x1400  }
0xa6: {  	[sflag:s21] =	ssyncset.done $0x0  }
0xa7: {  	s11 =	rddreg [dreg:$0x4];
	[sflag:s21] =	ssyncadd.s32 $0xFFFFEC00  }
0xa8: {  	[tilespmem:s3], [sflag:$0x5] =	stream.linear.gather [hbm4b:s11+s3], $0x1400, $0x38;
	[tilespmem:$0x1E8C0] =	vst v63  }
0xa9: {  	_ =	swait.ge [sflag:s21], $0x1400  }
0xaa: {  	[sflag:s21] =	ssyncset.done $0x0  }
0xab: {  	[sflag:s21] =	ssyncadd.s32 $0xFFFFEC00  }
0xac: {  	[tilespmem:s24], [sflag:$0x1] =	stream.indirect.gather [hbm4b:s4+s23], $0x80, s3, s23, $0xb8;
	[tilespmem:$0x1E8C0] =	vst v63  }
0xad: {  	_ =	swait.ge [sflag:s25], $0x4000  }
0xae: {  	[sflag:s25] =	ssyncset.done $0x0  }
0xaf: {  	[sflag:s25] =	ssyncadd.s32 $0xFFFFC000  }
0xb0: {  	[spmem:s2] =	stream.indirect.scatter.add.f32 [tilespmem:s24], [sflag:$0x3], $0x80, s22, s23, $0xb8;
	[tilespmem:$0x1E8C0] =	vst v63  }
0xb1: {  	_ = 	snop  }
0xb2: {  	[tilespmem:s26], [sflag:$0x2] =	stream.indirect.gather [hbm4b:s4+s23], $0x80, s23, s23, $0xb8;
	[tilespmem:$0x1E8C0] =	vst v63  }
0xb3: {  	_ =	swait.ge [sflag:s28], $0x4000  }
0xb4: {  	[sflag:s28] =	ssyncset.done $0x0  }
0xb5: {  	s12 =	simm.s32 $0x1880;
	[sflag:s28] =	ssyncadd.s32 $0xFFFFC000  }
0xb6: {  	[spmem:s2] =	stream.indirect.scatter.add.f32 [tilespmem:s26], [sflag:$0x4], $0x80, s12, s23, $0xb8;
	[tilespmem:$0x1E8C0] =	vst v63  }
0xb7: {  	_ =	swait.ge [sflag:s29], $0x4000  }
0xb8: {  	[sflag:s29] =	ssyncset.done $0x0  }
0xb9: {  	s11 =	simm.s32 $0x100;
	[sflag:s29] =	ssyncadd.s32 $0xFFFFC000  }
0xba: {  	[tilespmem:s24], [sflag:$0x1] =	stream.indirect.gather [hbm4b:s4+s23], $0x80, s11, s23, $0xb8;
	[tilespmem:$0x1E8C0] =	vst v63  }
0xbb: {  	_ =	swait.ge [sflag:s25], $0x4000  }
0xbc: {  	[sflag:s25] =	ssyncset.done $0x0  }
0xbd: {  	s12 =	simm.s32 $0x1900;
	[sflag:s25] =	ssyncadd.s32 $0xFFFFC000  }
0xbe: {  	[spmem:s2] =	stream.indirect.scatter.add.f32 [tilespmem:s24], [sflag:$0x3], $0x80, s12, s23, $0xb8;
	[tilespmem:$0x1E8C0] =	vst v63  }
0xbf: {  	_ =	swait.ge [sflag:s30], $0x4000  }
0xc0: {  	[sflag:s30] =	ssyncset.done $0x0  }
0xc1: {  	s10 =	simm.s32 $0xFFFFB800;
	s11 =	simm.s32 $0x180;
	[sflag:s30] =	ssyncadd.s32 $0xFFFFC000  }
.LBB2_8:
0xc2: {  	[tilespmem:s26], [sflag:$0x2] =	stream.indirect.gather [hbm4b:s4+s23], $0x80, s11, s23, $0xb8;
	[tilespmem:$0x1E8C0] =	vst v63  }
0xc3: {  	s11 =	smov.u32 s10  }
0xc4: {  	p2 =	sne.s32 s10, $0xFFFFFC00;
	s10 =	sadd.s32 $0x400, s10;
	_ =	swait.ge [sflag:s28], $0x4000  }
0xc5: {  	s11 =	sshra.s32 s11, $0x2;
	[sflag:s28] =	ssyncset.done $0x0  }
0xc6: {  	s12 =	sadd.s32 $0x2B80, s11;
	[sflag:s28] =	ssyncadd.s32 $0xFFFFC000  }
0xc7: {  	[spmem:s2] =	stream.indirect.scatter.add.f32 [tilespmem:s26], [sflag:$0x4], $0x80, s12, s23, $0xb8;
	[tilespmem:$0x1E8C0] =	vst v63  }
0xc8: {  	_ =	swait.ge [sflag:s29], $0x4000  }
0xc9: {  	[sflag:s29] =	ssyncset.done $0x0  }
0xca: {  	s12 =	sadd.s32 $0x1400, s11;
	[sflag:s29] =	ssyncadd.s32 $0xFFFFC000  }
0xcb: {  	[tilespmem:s24], [sflag:$0x1] =	stream.indirect.gather [hbm4b:s4+s23], $0x80, s12, s23, $0xb8;
	[tilespmem:$0x1E8C0] =	vst v63  }
0xcc: {  	_ =	swait.ge [sflag:s25], $0x4000  }
0xcd: {  	[sflag:s25] =	ssyncset.done $0x0  }
.Ltmp7:
0xce: {  	s12 =	sadd.s32 $0x2C00, s11;
	[sflag:s25] =	ssyncadd.s32 $0xFFFFC000;
	(pc) =	sbr.rel @p2 .LBB2_8-.Ltmp7, $4  }
0xcf: {  	[spmem:s2] =	stream.indirect.scatter.add.f32 [tilespmem:s24], [sflag:$0x3], $0x80, s12, s23, $0xb8;
	[tilespmem:$0x1E8C0] =	vst v63  }
0xd0: {  	_ =	swait.ge [sflag:s30], $0x4000  }
0xd1: {  	[sflag:s30] =	ssyncset.done $0x0  }
0xd2: {  	s11 =	sadd.s32 $0x1480, s11;
	[sflag:s30] =	ssyncadd.s32 $0xFFFFC000  }
0xd3: {  	[tilespmem:s26], [sflag:$0x2] =	stream.indirect.gather [hbm4b:s4+s23], $0x80, s11, s23, $0xb8;
	[tilespmem:$0x1E8C0] =	vst v63  }
0xd4: {  	_ =	swait.ge [sflag:s28], $0x4000  }
0xd5: {  	[sflag:s28] =	ssyncset.done $0x0  }
0xd6: {  	s10 =	simm.s32 $0x2B80;
	[sflag:s28] =	ssyncadd.s32 $0xFFFFC000  }
0xd7: {  	[spmem:s2] =	stream.indirect.scatter.add.f32 [tilespmem:s26], [sflag:$0x4], $0x80, s10, s23, $0xb8;
	[tilespmem:$0x1E8C0] =	vst v63  }
0xd8: {  	_ =	swait.ge [sflag:s29], $0x4000  }
0xd9: {  	[sflag:s29] =	ssyncset.done $0x0  }
0xda: {  	[sflag:s29] =	ssyncadd.s32 $0xFFFFC000  }
0xdb: {  	_ =	swait.ge [sflag:s30], $0x4000  }
0xdc: {  	[sflag:s30] =	ssyncset.done $0x0  }
0xdd: {  	s11 =	rddreg [dreg:$0x5];
	[sflag:s30] =	ssyncadd.s32 $0xFFFFC000  }
0xde: {  	[tilespmem:s22], [sflag:$0x5] =	stream.linear.gather [hbm4b:s11+s3], $0x1000, $0x38;
	[tilespmem:$0x1E8C0] =	vst v63  }
0xdf: {  	_ =	swait.ge [sflag:s21], $0x1000  }
0xe0: {  	[sflag:s21] =	ssyncset.done $0x0  }
0xe1: {  	[sflag:s21] =	ssyncadd.s32 $0xFFFFF000  }
0xe2: {  	[tilespmem:s3], [sflag:$0x5] =	stream.linear.gather [hbm4b:s13+s3], $0x1000, $0x38;
	[tilespmem:$0x1E8C0] =	vst v63  }
0xe3: {  	_ =	swait.ge [sflag:s21], $0x1000  }
0xe4: {  	[sflag:s21] =	ssyncset.done $0x0  }
0xe5: {  	[sflag:s21] =	ssyncadd.s32 $0xFFFFF000  }
0xe6: {  	[tilespmem:s24], [sflag:$0x1] =	stream.indirect.gather [hbm4b:s4+s23], $0x80, s3, s23, $0xb8;
	[tilespmem:$0x1E8C0] =	vst v63  }
0xe7: {  	_ =	swait.ge [sflag:s25], $0x4000  }
0xe8: {  	[sflag:s25] =	ssyncset.done $0x0  }
0xe9: {  	[sflag:s25] =	ssyncadd.s32 $0xFFFFC000  }
0xea: {  	[spmem:s2] =	stream.indirect.scatter.add.f32 [tilespmem:s24], [sflag:$0x3], $0x80, s22, s23, $0xb8;
	[tilespmem:$0x1E8C0] =	vst v63  }
0xeb: {  	_ = 	snop  }
0xec: {  	[tilespmem:s26], [sflag:$0x2] =	stream.indirect.gather [hbm4b:s4+s23], $0x80, s23, s23, $0xb8;
	[tilespmem:$0x1E8C0] =	vst v63  }
0xed: {  	_ =	swait.ge [sflag:s28], $0x4000  }
0xee: {  	[sflag:s28] =	ssyncset.done $0x0  }
0xef: {  	s12 =	simm.s32 $0x1880;
	[sflag:s28] =	ssyncadd.s32 $0xFFFFC000  }
0xf0: {  	[spmem:s2] =	stream.indirect.scatter.add.f32 [tilespmem:s26], [sflag:$0x4], $0x80, s12, s23, $0xb8;
	[tilespmem:$0x1E8C0] =	vst v63  }
0xf1: {  	_ =	swait.ge [sflag:s29], $0x4000  }
0xf2: {  	[sflag:s29] =	ssyncset.done $0x0  }
0xf3: {  	s11 =	simm.s32 $0x100;
	[sflag:s29] =	ssyncadd.s32 $0xFFFFC000  }
0xf4: {  	[tilespmem:s24], [sflag:$0x1] =	stream.indirect.gather [hbm4b:s4+s23], $0x80, s11, s23, $0xb8;
	[tilespmem:$0x1E8C0] =	vst v63  }
0xf5: {  	_ =	swait.ge [sflag:s25], $0x4000  }
0xf6: {  	[sflag:s25] =	ssyncset.done $0x0  }
0xf7: {  	s12 =	simm.s32 $0x1900;
	[sflag:s25] =	ssyncadd.s32 $0xFFFFC000  }
0xf8: {  	[spmem:s2] =	stream.indirect.scatter.add.f32 [tilespmem:s24], [sflag:$0x3], $0x80, s12, s23, $0xb8;
	[tilespmem:$0x1E8C0] =	vst v63  }
0xf9: {  	_ =	swait.ge [sflag:s30], $0x4000  }
0xfa: {  	[sflag:s30] =	ssyncset.done $0x0  }
0xfb: {  	s10 =	simm.s32 $0xFFFFC800;
	s11 =	simm.s32 $0x180;
	[sflag:s30] =	ssyncadd.s32 $0xFFFFC000  }
.LBB2_10:
0xfc: {  	[tilespmem:s26], [sflag:$0x2] =	stream.indirect.gather [hbm4b:s4+s23], $0x80, s11, s23, $0xb8;
	[tilespmem:$0x1E8C0] =	vst v63  }
0xfd: {  	s11 =	smov.u32 s10  }
0xfe: {  	p2 =	sne.s32 s10, $0xFFFFFC00;
	s10 =	sadd.s32 $0x400, s10;
	_ =	swait.ge [sflag:s28], $0x4000  }
0xff: {  	s11 =	sshra.s32 s11, $0x2;
	[sflag:s28] =	ssyncset.done $0x0  }
0x100: {  	s12 =	sadd.s32 $0x2780, s11;
	[sflag:s28] =	ssyncadd.s32 $0xFFFFC000  }
0x101: {  	[spmem:s2] =	stream.indirect.scatter.add.f32 [tilespmem:s26], [sflag:$0x4], $0x80, s12, s23, $0xb8;
	[tilespmem:$0x1E8C0] =	vst v63  }
0x102: {  	_ =	swait.ge [sflag:s29], $0x4000  }
0x103: {  	[sflag:s29] =	ssyncset.done $0x0  }
0x104: {  	s12 =	sadd.s32 $0x1000, s11;
	[sflag:s29] =	ssyncadd.s32 $0xFFFFC000  }
0x105: {  	[tilespmem:s24], [sflag:$0x1] =	stream.indirect.gather [hbm4b:s4+s23], $0x80, s12, s23, $0xb8;
	[tilespmem:$0x1E8C0] =	vst v63  }
0x106: {  	_ =	swait.ge [sflag:s25], $0x4000  }
0x107: {  	[sflag:s25] =	ssyncset.done $0x0  }
.Ltmp8:
0x108: {  	s12 =	sadd.s32 $0x2800, s11;
	[sflag:s25] =	ssyncadd.s32 $0xFFFFC000;
	(pc) =	sbr.rel @p2 .LBB2_10-.Ltmp8, $4  }
0x109: {  	[spmem:s2] =	stream.indirect.scatter.add.f32 [tilespmem:s24], [sflag:$0x3], $0x80, s12, s23, $0xb8;
	[tilespmem:$0x1E8C0] =	vst v63  }
0x10a: {  	_ =	swait.ge [sflag:s30], $0x4000  }
0x10b: {  	[sflag:s30] =	ssyncset.done $0x0  }
0x10c: {  	s11 =	sadd.s32 $0x1080, s11;
	[sflag:s30] =	ssyncadd.s32 $0xFFFFC000  }
.Ltmp9:
0x10d: {  	(pc) =	sbr.rel .LBB2_12-.Ltmp9, $3  }
0x10e: {  	_ =	sdelay $0x1  }
0x10f: {  	[tilespmem:s26], [sflag:$0x2] =	stream.indirect.gather [hbm4b:s4+s23], $0x80, s11, s23, $0xb8;
	[tilespmem:$0x1E8C0] =	vst v63  }
0x110: {  	s10 =	simm.s32 $0x2780  }
.LBB2_13:
0x111: {  	_ =	sfence.sel $0x180000  }
0x112: {  	[bflag:$0x0] =	sbarrier.arrive $0xFFFF  }
0x113: {  	_ =	strace $0x90000050  }
0x114: {  	s0 =	stileid.u32;
	[bflag:$0x2] =	sbarrier.arrive $0xFFFF  }
0x115: {  	p0 =	sne.s32 s0, $0x0;
	s0 =	rddreg [dreg:$0x2]  }
0x116: {  	s0 =	sadd.s32 @!p0 $0x100000, s0  }
0x117: {  	[sflag:s0] =	ssyncadd.tile.s32 @!p0 $0x1;
	_ =	shalt  }
.Lfunc_end2:
_tile_overlayer_lowered:
.L_overlay_start_2:
0x118: {  	(tag) =	ssettag $0x2  }
0x119: {  	s0 =	rddreg [dreg:$0x0];
	s2 =	stileid.u32  }
0x11a: {  	s1 =	rddreg [dreg:$0x1];
	p0 =	sne.s32 s2, $0x0  }
0x11b: {  	s3 =	rddreg [dreg:$0x2];
	[bflag:$0x3] =	sbarrier.arrive $0xFFFF;
	s2 =	simm.s32 @!p0 $0x1C05  }
0x11c: {  	[timem:s3], [sflag:s2] =	dma.local @!p0 [hbm:s0], s1  }
0x11d: {  	s0 =	simm.s32 @!p0 $0x5  }
0x11e: {  	_ =	swait.ge @!p0 [sflag:s0], s1  }
0x11f: {  	s1 =	ssub.s32 @!p0 $0x0, s1;
	[sflag:s0] =	ssyncset.done @!p0 $0x0  }
0x120: {  	[sflag:s0] =	ssyncadd.s32 @!p0 s1  }
0x121: {  	[bflag:$0x3] =	sbarrier.arrive $0xFFFF  }
0x122: {  	_ =	shalt  }

</sc_bundles>
